<compile_context>
chip_gen: v7x
topology: tpu7x:2x2x1
jax: 0.10.2.dev20260603
libtpu: 0.0.44.dev20260713+nightly
codegen_flags: <defaults>
</compile_context>

<pallas_src>
import functools

import jax
import jax.numpy as jnp
from jax import lax
from jax.experimental import pallas as pl
from jax.experimental.pallas import tpu as pltpu
from jax.experimental.pallas import tpu_sc as plsc

B, S, D = 1, 2048, 1024
E, TOPK, DFF = 8, 2, 768
T = B * S
P = T * TOPK

BT2 = 576
NTILES = P // BT2 + E
CAP = NTILES * BT2

NW = 32
TPW = T // NW


def _router_body(hs_ref, gw_ref, logits_ref, slot0_ref, slot1_ref,
                 w0row_ref, w1row_ref, te_ref, nu_ref):
    x = hs_ref[...]
    logits = lax.dot_general(x, gw_ref[...], (((1,), (1,)), ((), ())),
                             preferred_element_type=jnp.float32)
    logits_ref[...] = logits

    iota = lax.broadcasted_iota(jnp.int32, (T, E), 1)
    m1 = jnp.max(logits, axis=1, keepdims=True)
    idx1 = jnp.min(jnp.where(logits == m1, iota, E), axis=1, keepdims=True)
    oh1 = iota == idx1
    l2 = jnp.where(oh1, -jnp.inf, logits)
    m2 = jnp.max(l2, axis=1, keepdims=True)
    idx2 = jnp.min(jnp.where(l2 == m2, iota, E), axis=1, keepdims=True)
    oh2 = iota == idx2
    p2 = jnp.exp(m2 - m1)
    denom = 1.0 + p2
    w0 = 1.0 / denom
    w1 = p2 / denom
    w0row_ref[...] = jnp.broadcast_to(w0, (T, 128))
    w1row_ref[...] = jnp.broadcast_to(w1, (T, 128))

    cnt = oh1.astype(jnp.int32) + oh2.astype(jnp.int32)
    inc = cnt
    s = 1
    while s < T:
        inc = inc + jnp.concatenate(
            [jnp.zeros((s, E), jnp.int32), inc[:T - s, :]], axis=0)
        s *= 2
    excl = inc - cnt
    counts = inc[T - 1:T, :]

    tiles = (counts + (BT2 - 1)) // BT2
    tinc = tiles
    s = 1
    while s < E:
        tinc = tinc + jnp.concatenate(
            [jnp.zeros((1, s), jnp.int32), tinc[:, :E - s]], axis=1)
        s *= 2
    starts = tinc - tiles
    pad_off = starts * BT2

    jt = lax.broadcasted_iota(jnp.int32, (NTILES, E), 0)
    ge = (jt >= jnp.broadcast_to(starts, (NTILES, E))).astype(jnp.int32)
    te = jnp.sum(ge, axis=1) - 1
    te_ref[...] = jnp.clip(te, 0, E - 1).reshape(1, NTILES)
    nu_ref[...] = jnp.sum(tiles, axis=1, keepdims=True)

    dest = excl + jnp.broadcast_to(pad_off, (T, E))
    slot0 = jnp.sum(jnp.where(oh1, dest, 0), axis=1)
    slot1 = jnp.sum(jnp.where(oh2, dest, 0), axis=1)
    slot0_ref[...] = slot0.reshape(T // 128, 128)
    slot1_ref[...] = slot1.reshape(T // 128, 128)


def _run_router(hs, gate_w):
    return pl.pallas_call(
        _router_body,
        out_shape=[
            jax.ShapeDtypeStruct((T, E), jnp.float32),
            jax.ShapeDtypeStruct((T // 128, 128), jnp.int32),
            jax.ShapeDtypeStruct((T // 128, 128), jnp.int32),
            jax.ShapeDtypeStruct((T, 128), jnp.float32),
            jax.ShapeDtypeStruct((T, 128), jnp.float32),
            jax.ShapeDtypeStruct((1, NTILES), jnp.int32),
            jax.ShapeDtypeStruct((1, 1), jnp.int32),
        ],
    )(hs, gate_w)


def _make_dispatch():
    mesh = plsc.VectorSubcoreMesh(core_axis_name="c", subcore_axis_name="s")

    @functools.partial(
        pl.kernel, mesh=mesh,
        out_type=[
            jax.ShapeDtypeStruct((CAP, D), jnp.float32),
            jax.ShapeDtypeStruct((CAP, 128), jnp.float32),
        ],
        scratch_types=[
            pltpu.VMEM((TPW, D), jnp.float32),
            pltpu.VMEM((TPW,), jnp.int32),
            pltpu.VMEM((TPW,), jnp.int32),
            pltpu.VMEM((TPW, 128), jnp.float32),
            pltpu.VMEM((TPW, 128), jnp.float32),
            pltpu.SemaphoreType.DMA,
        ],
    )
    def dispatch(hs_hbm, slot0_hbm, slot1_hbm, w0row_hbm, w1row_hbm,
                 xs_hbm, ws_hbm, rows_v, idx0_v, idx1_v, wr0_v, wr1_v, sem):
        wid = lax.axis_index("s") * 2 + lax.axis_index("c")
        base = wid * TPW
        cr = pltpu.async_copy(hs_hbm.at[pl.ds(base, TPW), :], rows_v, sem)
        pltpu.sync_copy(slot0_hbm.at[pl.ds(base, TPW)], idx0_v)
        pltpu.sync_copy(slot1_hbm.at[pl.ds(base, TPW)], idx1_v)
        pltpu.sync_copy(w0row_hbm.at[pl.ds(base, TPW), :], wr0_v)
        pltpu.sync_copy(w1row_hbm.at[pl.ds(base, TPW), :], wr1_v)
        cr.wait()
        c0 = pltpu.async_copy(rows_v, xs_hbm.at[idx0_v], sem)
        c1 = pltpu.async_copy(rows_v, xs_hbm.at[idx1_v], sem)
        c2 = pltpu.async_copy(wr0_v, ws_hbm.at[idx0_v], sem)
        c3 = pltpu.async_copy(wr1_v, ws_hbm.at[idx1_v], sem)
        c0.wait()
        c1.wait()
        c2.wait()
        c3.wait()

    return dispatch


def _ffn_body(te_ref, nu_ref, xs_ref, guw_ref, dw_ref, ws_ref, ys_ref):
    j = pl.program_id(0)

    @pl.when(j < nu_ref[0])
    def _():
        x = xs_ref[...]
        gu = lax.dot_general(x, guw_ref[0], (((1,), (1,)), ((), ())),
                             preferred_element_type=jnp.float32)
        g = gu[:, :DFF]
        u = gu[:, DFF:] * ws_ref[:, 0:1]
        act = g * lax.logistic(g) * u
        ys_ref[...] = lax.dot_general(act, dw_ref[0], (((1,), (1,)), ((), ())),
                                      preferred_element_type=jnp.float32)


def _run_ffn(te, nu, x_sorted, gate_up_w, down_w, wslot):
    grid_spec = pltpu.PrefetchScalarGridSpec(
        num_scalar_prefetch=2,
        grid=(NTILES,),
        in_specs=[
            pl.BlockSpec((BT2, D),
                         lambda j, te, nu: (jnp.minimum(j, nu[0] - 1), 0)),
            pl.BlockSpec((1, 2 * DFF, D),
                         lambda j, te, nu: (te[jnp.minimum(j, nu[0] - 1)],
                                            0, 0)),
            pl.BlockSpec((1, D, DFF),
                         lambda j, te, nu: (te[jnp.minimum(j, nu[0] - 1)],
                                            0, 0)),
            pl.BlockSpec((BT2, 128),
                         lambda j, te, nu: (jnp.minimum(j, nu[0] - 1), 0)),
        ],
        out_specs=pl.BlockSpec(
            (BT2, D), lambda j, te, nu: (jnp.minimum(j, nu[0] - 1), 0)),
    )
    return pl.pallas_call(
        _ffn_body,
        grid_spec=grid_spec,
        out_shape=jax.ShapeDtypeStruct((CAP, D), jnp.float32),
    )(te, nu, x_sorted, gate_up_w, down_w, wslot)


CH = 16
NCH = TPW // CH


def _make_combine():
    mesh = plsc.VectorSubcoreMesh(core_axis_name="c", subcore_axis_name="s")

    @functools.partial(
        pl.kernel, mesh=mesh,
        out_type=jax.ShapeDtypeStruct((T, D), jnp.float32),
        scratch_types=[
            pltpu.VMEM((CH, D), jnp.float32),
            pltpu.VMEM((CH, D), jnp.float32),
            pltpu.VMEM((CH, D), jnp.float32),
            pltpu.VMEM((CH, D), jnp.float32),
            pltpu.VMEM((TPW,), jnp.int32),
            pltpu.VMEM((TPW,), jnp.int32),
            pltpu.SemaphoreType.DMA,
            pltpu.SemaphoreType.DMA,
        ],
    )
    def combine(ys_hbm, slot0_hbm, slot1_hbm, out_hbm,
                a0_v, b0_v, a1_v, b1_v, idx0_v, idx1_v, sem0, sem1):
        wid = lax.axis_index("s") * 2 + lax.axis_index("c")
        base = wid * TPW
        pltpu.sync_copy(slot0_hbm.at[pl.ds(base, TPW)], idx0_v)
        pltpu.sync_copy(slot1_hbm.at[pl.ds(base, TPW)], idx1_v)
        bufs = [(a0_v, b0_v, sem0), (a1_v, b1_v, sem1)]

        def fire(ch):
            a, b, sem = bufs[ch % 2]
            ca = pltpu.async_copy(ys_hbm.at[idx0_v.at[pl.ds(ch * CH, CH)]],
                                  a, sem)
            cb = pltpu.async_copy(ys_hbm.at[idx1_v.at[pl.ds(ch * CH, CH)]],
                                  b, sem)
            return ca, cb

        pend = fire(0)
        for ch in range(NCH):
            ca, cb = pend
            if ch + 1 < NCH:
                nxt = fire(ch + 1)
            ca.wait()
            cb.wait()
            a, b, _ = bufs[ch % 2]

            def row(j, _, a=a, b=b):
                for q in range(D // 16):
                    sl = pl.ds(q * 16, 16)
                    a[j, sl] = a[j, sl] + b[j, sl]
                return 0

            lax.fori_loop(0, CH, row, 0)
            pltpu.sync_copy(a, out_hbm.at[pl.ds(base + ch * CH, CH), :])
            if ch + 1 < NCH:
                pend = nxt

    return combine


def kernel(hidden_states, gate_w, gate_up_w, down_w):
    hs = hidden_states.reshape(T, D)
    logits, slot0, slot1, w0row, w1row, te, nu = _run_router(hs, gate_w)

    slot0_f = slot0.reshape(T)
    slot1_f = slot1.reshape(T)
    x_sorted, wslot = _make_dispatch()(hs, slot0_f, slot1_f, w0row, w1row)
    y_sorted = _run_ffn(te.reshape(NTILES), nu.reshape(1), x_sorted,
                        gate_up_w, down_w, wslot)
    out = _make_combine()(y_sorted, slot0_f, slot1_f)
    return out.reshape(B, S, D), logits

# --- scband reference (transcript-rebuilt; emitter-appended) ---
"""Pipeline reference for scband-qwen3-vlsequential-moe-text-sparse-moe-block-22522808500779 (READ-ONLY COPY).

The authoritative reference and input builder live on the scoring server;
editing this copy changes nothing except your own understanding.
"""

import jax, jax.numpy as jnp
import numpy as np

B, S, D = 1, 2048, 1024
E, TOPK, DFF = 8, 2, 768


def setup_inputs(seed: int = 0) -> dict:
    key = jax.random.key(seed)
    k1, k2, k3, k4 = jax.random.split(key, 4)
    hidden_states = jax.random.normal(k1, (B, S, D), dtype=jnp.float32)
    # gate: nn.Linear(D, E, bias=False) -> weight [E, D]
    gate_w = jax.random.normal(k2, (E, D), dtype=jnp.float32) * 0.02
    # per-expert gate_up_proj: nn.Linear(D, 2*DFF, bias=False) -> weight [2*DFF, D], stacked over E
    gate_up_w = jax.random.normal(k3, (E, 2 * DFF, D), dtype=jnp.float32) * 0.02
    # per-expert down_proj: nn.Linear(DFF, D, bias=False) -> weight [D, DFF], stacked over E
    down_w = jax.random.normal(k4, (E, D, DFF), dtype=jnp.float32) * 0.02
    return {"hidden_states": hidden_states, "gate_w": gate_w, "gate_up_w": gate_up_w, "down_w": down_w}


def reference(hidden_states, gate_w, gate_up_w, down_w):
    bsz = hidden_states.shape[0]
    hs = hidden_states.reshape(-1, D)
    T = hs.shape[0]
    # router
    router_logits = hs @ gate_w.T  # [T, E]
    routing_weights = jax.nn.softmax(router_logits.astype(jnp.float32), axis=-1)
    top_vals, top_idx = jax.lax.top_k(routing_weights, TOPK)
    top_vals = top_vals / jnp.sum(top_vals, axis=-1, keepdims=True)
    top_vals = top_vals.astype(hs.dtype)
    # scatter normalized top-k weights back into dense [T, E] routing matrix
    router_weights = jnp.zeros((T, E), dtype=hs.dtype).at[
        jnp.arange(T)[:, None], top_idx
    ].set(top_vals)
    # run every expert on every token (sequential/dense MoE variant)
    gu = jnp.einsum('td,efd->etf', hs, gate_up_w)  # [E, T, 2*DFF]
    gate = gu[:, :, :DFF]
    up = gu[:, :, DFF:]
    act = jax.nn.silu(gate) * up  # [E, T, DFF]
    expert_outputs = jnp.einsum('etf,edf->etd', act, down_w)  # [E, T, D]
    weighted = expert_outputs * router_weights.T[:, :, None]  # [E, T, D]
    next_states = jnp.sum(weighted, axis=0).astype(hs.dtype)  # [T, D]
    routed_out = next_states.reshape(bsz, -1, D)
    return (routed_out, router_logits)

if __name__ == "__main__":
    import jax
    _d = setup_inputs()
    print(jax.jit(kernel)(*tuple(_d.values())))

</pallas_src>

<mosaic_0001>
#map = affine_map<(d0, d1) -> (0, 0)>
#map1 = affine_map<(d0, d1) -> (0)>
module attributes {stable_mosaic.version = 14 : i64} {
  func.func @combine(%arg0: i32, %arg1: i32, %arg2: memref<8640x1024xf32, #tpu.memory_space<hbm>>, %arg3: memref<2048xi32, #tpu.memory_space<hbm>>, %arg4: memref<2048xi32, #tpu.memory_space<hbm>>, %arg5: memref<2048x1024xf32, #tpu.memory_space<hbm>>, %arg6: memref<16x1024xf32, #tpu.memory_space<vmem>>, %arg7: memref<16x1024xf32, #tpu.memory_space<vmem>>, %arg8: memref<16x1024xf32, #tpu.memory_space<vmem>>, %arg9: memref<16x1024xf32, #tpu.memory_space<vmem>>, %arg10: memref<64xi32, #tpu.memory_space<vmem>>, %arg11: memref<64xi32, #tpu.memory_space<vmem>>, %arg12: memref<!tpu.dma_semaphore, #tpu.memory_space<semaphore_mem>>, %arg13: memref<!tpu.dma_semaphore, #tpu.memory_space<semaphore_mem>>) attributes {dimension_semantics = [#tpu.dimension_semantics<core_parallel>, #tpu.dimension_semantics<subcore_parallel>], iteration_bounds = array<i64: 2, 16>, scalar_prefetch = 0 : i64, scratch_operands = 8 : i64, tpu.core_type = #tpu.core_type<sc_vector_subcore>, window_params = [{transform_indices = #map}, {transform_indices = #map1}, {transform_indices = #map1}, {transform_indices = #map}]} {
    %mul3A = arith.constant 2 : i32
    %mul3A_0 = arith.muli %arg1, %mul3A : i32
    %add3A = arith.addi %mul3A_0, %arg0 : i32
    %mul3A_1 = arith.constant 64 : i32
    %mul3A_2 = arith.muli %add3A, %mul3A_1 : i32
    "tpu.region"() ({
      %run_scoped3A = tpu.sem_alloc : memref<!tpu.dma_semaphore, #tpu.memory_space<semaphore_mem>>
      %dma_start3A_116 = tpu.memref_slice %arg3[%mul3A_2] : memref<2048xi32, #tpu.memory_space<hbm>> -> memref<64xi32, #tpu.memory_space<hbm>>
      %dma_start3A_117 = tpu.memref_slice %arg3[%mul3A_2] : memref<2048xi32, #tpu.memory_space<hbm>> -> memref<64xi32, #tpu.memory_space<hbm>>
      tpu.enqueue_dma source(%dma_start3A_117 : memref<64xi32, #tpu.memory_space<hbm>>) target(%arg10 : memref<64xi32, #tpu.memory_space<vmem>>) target_semaphore(%run_scoped3A : memref<!tpu.dma_semaphore, #tpu.memory_space<semaphore_mem>>)
      %dma_wait3A_118 = tpu.memref_slice %arg3[%mul3A_2] : memref<2048xi32, #tpu.memory_space<hbm>> -> memref<64xi32, #tpu.memory_space<hbm>>
      %dma_wait3A_119 = tpu.memref_slice %arg3[%mul3A_2] : memref<2048xi32, #tpu.memory_space<hbm>> -> memref<64xi32, #tpu.memory_space<hbm>>
      tpu.wait_dma2 semaphore(%run_scoped3A : memref<!tpu.dma_semaphore, #tpu.memory_space<semaphore_mem>>) src(%dma_wait3A_119 : memref<64xi32, #tpu.memory_space<hbm>>) dst(%arg10 : memref<64xi32, #tpu.memory_space<vmem>>)
      tpu.yield
    }) : () -> ()
    "tpu.region"() ({
      %run_scoped3A = tpu.sem_alloc : memref<!tpu.dma_semaphore, #tpu.memory_space<semaphore_mem>>
      %dma_start3A_116 = tpu.memref_slice %arg4[%mul3A_2] : memref<2048xi32, #tpu.memory_space<hbm>> -> memref<64xi32, #tpu.memory_space<hbm>>
      %dma_start3A_117 = tpu.memref_slice %arg4[%mul3A_2] : memref<2048xi32, #tpu.memory_space<hbm>> -> memref<64xi32, #tpu.memory_space<hbm>>
      tpu.enqueue_dma source(%dma_start3A_117 : memref<64xi32, #tpu.memory_space<hbm>>) target(%arg11 : memref<64xi32, #tpu.memory_space<vmem>>) target_semaphore(%run_scoped3A : memref<!tpu.dma_semaphore, #tpu.memory_space<semaphore_mem>>)
      %dma_wait3A_118 = tpu.memref_slice %arg4[%mul3A_2] : memref<2048xi32, #tpu.memory_space<hbm>> -> memref<64xi32, #tpu.memory_space<hbm>>
      %dma_wait3A_119 = tpu.memref_slice %arg4[%mul3A_2] : memref<2048xi32, #tpu.memory_space<hbm>> -> memref<64xi32, #tpu.memory_space<hbm>>
      tpu.wait_dma2 semaphore(%run_scoped3A : memref<!tpu.dma_semaphore, #tpu.memory_space<semaphore_mem>>) src(%dma_wait3A_119 : memref<64xi32, #tpu.memory_space<hbm>>) dst(%arg11 : memref<64xi32, #tpu.memory_space<vmem>>)
      tpu.yield
    }) : () -> ()
    %dma_start3A = arith.constant 0 : i32
    %dma_start3A_3 = tpu.memref_slice %arg10[%dma_start3A] : memref<64xi32, #tpu.memory_space<vmem>> -> memref<16xi32, #tpu.memory_space<vmem>>
    %dma_start3A_4 = arith.constant 0 : i32
    %dma_start3A_5 = arith.constant 0 : i32
    %dma_start3A_6 = tpu.memref_slice %arg2[%dma_start3A_4, %dma_start3A_5] : memref<8640x1024xf32, #tpu.memory_space<hbm>> -> memref<8640x1024xf32, #tpu.memory_space<hbm>>
    tpu.enqueue_indirect_dma source(%dma_start3A_6 : memref<8640x1024xf32, #tpu.memory_space<hbm>>) target(%arg6 : memref<16x1024xf32, #tpu.memory_space<vmem>>) offsets(%dma_start3A_3 : memref<16xi32, #tpu.memory_space<vmem>>) semaphore(%arg12 : memref<!tpu.dma_semaphore, #tpu.memory_space<semaphore_mem>>)
    %dma_start3A_7 = arith.constant 0 : i32
    %dma_start3A_8 = tpu.memref_slice %arg11[%dma_start3A_7] : memref<64xi32, #tpu.memory_space<vmem>> -> memref<16xi32, #tpu.memory_space<vmem>>
    %dma_start3A_9 = arith.constant 0 : i32
    %dma_start3A_10 = arith.constant 0 : i32
    %dma_start3A_11 = tpu.memref_slice %arg2[%dma_start3A_9, %dma_start3A_10] : memref<8640x1024xf32, #tpu.memory_space<hbm>> -> memref<8640x1024xf32, #tpu.memory_space<hbm>>
    tpu.enqueue_indirect_dma source(%dma_start3A_11 : memref<8640x1024xf32, #tpu.memory_space<hbm>>) target(%arg7 : memref<16x1024xf32, #tpu.memory_space<vmem>>) offsets(%dma_start3A_8 : memref<16xi32, #tpu.memory_space<vmem>>) semaphore(%arg12 : memref<!tpu.dma_semaphore, #tpu.memory_space<semaphore_mem>>)
    %dma_start3A_12 = arith.constant 16 : i32
    %dma_start3A_13 = tpu.memref_slice %arg10[%dma_start3A_12] : memref<64xi32, #tpu.memory_space<vmem>> -> memref<16xi32, #tpu.memory_space<vmem>>
    %dma_start3A_14 = arith.constant 0 : i32
    %dma_start3A_15 = arith.constant 0 : i32
    %dma_start3A_16 = tpu.memref_slice %arg2[%dma_start3A_14, %dma_start3A_15] : memref<8640x1024xf32, #tpu.memory_space<hbm>> -> memref<8640x1024xf32, #tpu.memory_space<hbm>>
    tpu.enqueue_indirect_dma source(%dma_start3A_16 : memref<8640x1024xf32, #tpu.memory_space<hbm>>) target(%arg8 : memref<16x1024xf32, #tpu.memory_space<vmem>>) offsets(%dma_start3A_13 : memref<16xi32, #tpu.memory_space<vmem>>) semaphore(%arg13 : memref<!tpu.dma_semaphore, #tpu.memory_space<semaphore_mem>>)
    %dma_start3A_17 = arith.constant 16 : i32
    %dma_start3A_18 = tpu.memref_slice %arg11[%dma_start3A_17] : memref<64xi32, #tpu.memory_space<vmem>> -> memref<16xi32, #tpu.memory_space<vmem>>
    %dma_start3A_19 = arith.constant 0 : i32
    %dma_start3A_20 = arith.constant 0 : i32
    %dma_start3A_21 = tpu.memref_slice %arg2[%dma_start3A_19, %dma_start3A_20] : memref<8640x1024xf32, #tpu.memory_space<hbm>> -> memref<8640x1024xf32, #tpu.memory_space<hbm>>
    tpu.enqueue_indirect_dma source(%dma_start3A_21 : memref<8640x1024xf32, #tpu.memory_space<hbm>>) target(%arg9 : memref<16x1024xf32, #tpu.memory_space<vmem>>) offsets(%dma_start3A_18 : memref<16xi32, #tpu.memory_space<vmem>>) semaphore(%arg13 : memref<!tpu.dma_semaphore, #tpu.memory_space<semaphore_mem>>)
    %dma_wait3A = arith.constant 0 : i32
    %dma_wait3A_22 = tpu.memref_slice %arg10[%dma_wait3A] : memref<64xi32, #tpu.memory_space<vmem>> -> memref<16xi32, #tpu.memory_space<vmem>>
    %dma_wait3A_23 = arith.constant 0 : i32
    %dma_wait3A_24 = arith.constant 0 : i32
    %dma_wait3A_25 = tpu.memref_slice %arg2[%dma_wait3A_23, %dma_wait3A_24] : memref<8640x1024xf32, #tpu.memory_space<hbm>> -> memref<8640x1024xf32, #tpu.memory_space<hbm>>
    tpu.wait_indirect_dma semaphore(%arg12 : memref<!tpu.dma_semaphore, #tpu.memory_space<semaphore_mem>>) src(%dma_wait3A_25 : memref<8640x1024xf32, #tpu.memory_space<hbm>>) dst(%arg6 : memref<16x1024xf32, #tpu.memory_space<vmem>>)
    %dma_wait3A_26 = arith.constant 0 : i32
    %dma_wait3A_27 = tpu.memref_slice %arg11[%dma_wait3A_26] : memref<64xi32, #tpu.memory_space<vmem>> -> memref<16xi32, #tpu.memory_space<vmem>>
    %dma_wait3A_28 = arith.constant 0 : i32
    %dma_wait3A_29 = arith.constant 0 : i32
    %dma_wait3A_30 = tpu.memref_slice %arg2[%dma_wait3A_28, %dma_wait3A_29] : memref<8640x1024xf32, #tpu.memory_space<hbm>> -> memref<8640x1024xf32, #tpu.memory_space<hbm>>
    tpu.wait_indirect_dma semaphore(%arg12 : memref<!tpu.dma_semaphore, #tpu.memory_space<semaphore_mem>>) src(%dma_wait3A_30 : memref<8640x1024xf32, #tpu.memory_space<hbm>>) dst(%arg7 : memref<16x1024xf32, #tpu.memory_space<vmem>>)
    %scan3A = arith.constant 0 : i32
    %scan3A_31 = arith.constant 0 : i32
    %scan3A_32 = arith.constant 16 : i32
    %scan3A_33 = arith.addi %scan3A_31, %scan3A_32 : i32
    %scan3A_34 = arith.constant 1 : i32
    %scan3A_35 = scf.for %scan3A_116 = %scan3A_31 to %scan3A_33 step %scan3A_34 iter_args(%scan3A_117 = %scan3A) -> (i32)  : i32 {
      %get3A = arith.index_cast %scan3A_116 : i32 to index
      %get3A_118 = arith.constant 0 : index
      %get3A_119 = tpu.vector_load %arg6[%get3A, %get3A_118] {strides = array<i32>} : memref<16x1024xf32, #tpu.memory_space<vmem>>, vector<1x16xf32>,
      %get3A_120 = vector.shape_cast %get3A_119 : vector<1x16xf32> to vector<16xf32>
      %get3A_121 = arith.index_cast %scan3A_116 : i32 to index
      %get3A_122 = arith.constant 0 : index
      %get3A_123 = tpu.vector_load %arg7[%get3A_121, %get3A_122] {strides = array<i32>} : memref<16x1024xf32, #tpu.memory_space<vmem>>, vector<1x16xf32>,
      %get3A_124 = vector.shape_cast %get3A_123 : vector<1x16xf32> to vector<16xf32>
      %add3A_125 = arith.addf %get3A_120, %get3A_124 : vector<16xf32>
      %swap3A = arith.index_cast %scan3A_116 : i32 to index
      %swap3A_126 = arith.constant 0 : index
      %swap3A_127 = tpu.vector_load %arg6[%swap3A, %swap3A_126] {strides = array<i32>} : memref<16x1024xf32, #tpu.memory_space<vmem>>, vector<1x16xf32>,
      %swap3A_128 = vector.shape_cast %swap3A_127 : vector<1x16xf32> to vector<16xf32>
      %swap3A_129 = vector.shape_cast %add3A_125 : vector<16xf32> to vector<1x16xf32>
      tpu.vector_store %arg6[%swap3A, %swap3A_126], %swap3A_129 {strides = array<i32>} : memref<16x1024xf32, #tpu.memory_space<vmem>>, vector<1x16xf32>,
      %get3A_130 = arith.index_cast %scan3A_116 : i32 to index
      %get3A_131 = arith.constant 16 : index
      %get3A_132 = tpu.vector_load %arg6[%get3A_130, %get3A_131] {strides = array<i32>} : memref<16x1024xf32, #tpu.memory_space<vmem>>, vector<1x16xf32>,
      %get3A_133 = vector.shape_cast %get3A_132 : vector<1x16xf32> to vector<16xf32>
      %get3A_134 = arith.index_cast %scan3A_116 : i32 to index
      %get3A_135 = arith.constant 16 : index
      %get3A_136 = tpu.vector_load %arg7[%get3A_134, %get3A_135] {strides = array<i32>} : memref<16x1024xf32, #tpu.memory_space<vmem>>, vector<1x16xf32>,
      %get3A_137 = vector.shape_cast %get3A_136 : vector<1x16xf32> to vector<16xf32>
      %add3A_138 = arith.addf %get3A_133, %get3A_137 : vector<16xf32>
      %swap3A_139 = arith.index_cast %scan3A_116 : i32 to index
      %swap3A_140 = arith.constant 16 : index
      %swap3A_141 = tpu.vector_load %arg6[%swap3A_139, %swap3A_140] {strides = array<i32>} : memref<16x1024xf32, #tpu.memory_space<vmem>>, vector<1x16xf32>,
      %swap3A_142 = vector.shape_cast %swap3A_141 : vector<1x16xf32> to vector<16xf32>
      %swap3A_143 = vector.shape_cast %add3A_138 : vector<16xf32> to vector<1x16xf32>
      tpu.vector_store %arg6[%swap3A_139, %swap3A_140], %swap3A_143 {strides = array<i32>} : memref<16x1024xf32, #tpu.memory_space<vmem>>, vector<1x16xf32>,
      %get3A_144 = arith.index_cast %scan3A_116 : i32 to index
      %get3A_145 = arith.constant 32 : index
      %get3A_146 = tpu.vector_load %arg6[%get3A_144, %get3A_145] {strides = array<i32>} : memref<16x1024xf32, #tpu.memory_space<vmem>>, vector<1x16xf32>,
      %get3A_147 = vector.shape_cast %get3A_146 : vector<1x16xf32> to vector<16xf32>
      %get3A_148 = arith.index_cast %scan3A_116 : i32 to index
      %get3A_149 = arith.constant 32 : index
      %get3A_150 = tpu.vector_load %arg7[%get3A_148, %get3A_149] {strides = array<i32>} : memref<16x1024xf32, #tpu.memory_space<vmem>>, vector<1x16xf32>,
      %get3A_151 = vector.shape_cast %get3A_150 : vector<1x16xf32> to vector<16xf32>
      %add3A_152 = arith.addf %get3A_147, %get3A_151 : vector<16xf32>
      %swap3A_153 = arith.index_cast %scan3A_116 : i32 to index
      %swap3A_154 = arith.constant 32 : index
      %swap3A_155 = tpu.vector_load %arg6[%swap3A_153, %swap3A_154] {strides = array<i32>} : memref<16x1024xf32, #tpu.memory_space<vmem>>, vector<1x16xf32>,
      %swap3A_156 = vector.shape_cast %swap3A_155 : vector<1x16xf32> to vector<16xf32>
      %swap3A_157 = vector.shape_cast %add3A_152 : vector<16xf32> to vector<1x16xf32>
      tpu.vector_store %arg6[%swap3A_153, %swap3A_154], %swap3A_157 {strides = array<i32>} : memref<16x1024xf32, #tpu.memory_space<vmem>>, vector<1x16xf32>,
      %get3A_158 = arith.index_cast %scan3A_116 : i32 to index
      %get3A_159 = arith.constant 48 : index
      %get3A_160 = tpu.vector_load %arg6[%get3A_158, %get3A_159] {strides = array<i32>} : memref<16x1024xf32, #tpu.memory_space<vmem>>, vector<1x16xf32>,
      %get3A_161 = vector.shape_cast %get3A_160 : vector<1x16xf32> to vector<16xf32>
      %get3A_162 = arith.index_cast %scan3A_116 : i32 to index
      %get3A_163 = arith.constant 48 : index
      %get3A_164 = tpu.vector_load %arg7[%get3A_162, %get3A_163] {strides = array<i32>} : memref<16x1024xf32, #tpu.memory_space<vmem>>, vector<1x16xf32>,
      %get3A_165 = vector.shape_cast %get3A_164 : vector<1x16xf32> to vector<16xf32>
      %add3A_166 = arith.addf %get3A_161, %get3A_165 : vector<16xf32>
      %swap3A_167 = arith.index_cast %scan3A_116 : i32 to index
      %swap3A_168 = arith.constant 48 : index
      %swap3A_169 = tpu.vector_load %arg6[%swap3A_167, %swap3A_168] {strides = array<i32>} : memref<16x1024xf32, #tpu.memory_space<vmem>>, vector<1x16xf32>,
      %swap3A_170 = vector.shape_cast %swap3A_169 : vector<1x16xf32> to vector<16xf32>
      %swap3A_171 = vector.shape_cast %add3A_166 : vector<16xf32> to vector<1x16xf32>
      tpu.vector_store %arg6[%swap3A_167, %swap3A_168], %swap3A_171 {strides = array<i32>} : memref<16x1024xf32, #tpu.memory_space<vmem>>, vector<1x16xf32>,
      %get3A_172 = arith.index_cast %scan3A_116 : i32 to index
      %get3A_173 = arith.constant 64 : index
      %get3A_174 = tpu.vector_load %arg6[%get3A_172, %get3A_173] {strides = array<i32>} : memref<16x1024xf32, #tpu.memory_space<vmem>>, vector<1x16xf32>,
      %get3A_175 = vector.shape_cast %get3A_174 : vector<1x16xf32> to vector<16xf32>
      %get3A_176 = arith.index_cast %scan3A_116 : i32 to index
      %get3A_177 = arith.constant 64 : index
      %get3A_178 = tpu.vector_load %arg7[%get3A_176, %get3A_177] {strides = array<i32>} : memref<16x1024xf32, #tpu.memory_space<vmem>>, vector<1x16xf32>,
      %get3A_179 = vector.shape_cast %get3A_178 : vector<1x16xf32> to vector<16xf32>
      %add3A_180 = arith.addf %get3A_175, %get3A_179 : vector<16xf32>
      %swap3A_181 = arith.index_cast %scan3A_116 : i32 to index
      %swap3A_182 = arith.constant 64 : index
      %swap3A_183 = tpu.vector_load %arg6[%swap3A_181, %swap3A_182] {strides = array<i32>} : memref<16x1024xf32, #tpu.memory_space<vmem>>, vector<1x16xf32>,
      %swap3A_184 = vector.shape_cast %swap3A_183 : vector<1x16xf32> to vector<16xf32>
      %swap3A_185 = vector.shape_cast %add3A_180 : vector<16xf32> to vector<1x16xf32>
      tpu.vector_store %arg6[%swap3A_181, %swap3A_182], %swap3A_185 {strides = array<i32>} : memref<16x1024xf32, #tpu.memory_space<vmem>>, vector<1x16xf32>,
      %get3A_186 = arith.index_cast %scan3A_116 : i32 to index
      %get3A_187 = arith.constant 80 : index
      %get3A_188 = tpu.vector_load %arg6[%get3A_186, %get3A_187] {strides = array<i32>} : memref<16x1024xf32, #tpu.memory_space<vmem>>, vector<1x16xf32>,
      %get3A_189 = vector.shape_cast %get3A_188 : vector<1x16xf32> to vector<16xf32>
      %get3A_190 = arith.index_cast %scan3A_116 : i32 to index
      %get3A_191 = arith.constant 80 : index
      %get3A_192 = tpu.vector_load %arg7[%get3A_190, %get3A_191] {strides = array<i32>} : memref<16x1024xf32, #tpu.memory_space<vmem>>, vector<1x16xf32>,
      %get3A_193 = vector.shape_cast %get3A_192 : vector<1x16xf32> to vector<16xf32>
      %add3A_194 = arith.addf %get3A_189, %get3A_193 : vector<16xf32>
      %swap3A_195 = arith.index_cast %scan3A_116 : i32 to index
      %swap3A_196 = arith.constant 80 : index
      %swap3A_197 = tpu.vector_load %arg6[%swap3A_195, %swap3A_196] {strides = array<i32>} : memref<16x1024xf32, #tpu.memory_space<vmem>>, vector<1x16xf32>,
      %swap3A_198 = vector.shape_cast %swap3A_197 : vector<1x16xf32> to vector<16xf32>
      %swap3A_199 = vector.shape_cast %add3A_194 : vector<16xf32> to vector<1x16xf32>
      tpu.vector_store %arg6[%swap3A_195, %swap3A_196], %swap3A_199 {strides = array<i32>} : memref<16x1024xf32, #tpu.memory_space<vmem>>, vector<1x16xf32>,
      %get3A_200 = arith.index_cast %scan3A_116 : i32 to index
      %get3A_201 = arith.constant 96 : index
      %get3A_202 = tpu.vector_load %arg6[%get3A_200, %get3A_201] {strides = array<i32>} : memref<16x1024xf32, #tpu.memory_space<vmem>>, vector<1x16xf32>,
      %get3A_203 = vector.shape_cast %get3A_202 : vector<1x16xf32> to vector<16xf32>
      %get3A_204 = arith.index_cast %scan3A_116 : i32 to index
      %get3A_205 = arith.constant 96 : index
      %get3A_206 = tpu.vector_load %arg7[%get3A_204, %get3A_205] {strides = array<i32>} : memref<16x1024xf32, #tpu.memory_space<vmem>>, vector<1x16xf32>,
      %get3A_207 = vector.shape_cast %get3A_206 : vector<1x16xf32> to vector<16xf32>
      %add3A_208 = arith.addf %get3A_203, %get3A_207 : vector<16xf32>
      %swap3A_209 = arith.index_cast %scan3A_116 : i32 to index
      %swap3A_210 = arith.constant 96 : index
      %swap3A_211 = tpu.vector_load %arg6[%swap3A_209, %swap3A_210] {strides = array<i32>} : memref<16x1024xf32, #tpu.memory_space<vmem>>, vector<1x16xf32>,
      %swap3A_212 = vector.shape_cast %swap3A_211 : vector<1x16xf32> to vector<16xf32>
      %swap3A_213 = vector.shape_cast %add3A_208 : vector<16xf32> to vector<1x16xf32>
      tpu.vector_store %arg6[%swap3A_209, %swap3A_210], %swap3A_213 {strides = array<i32>} : memref<16x1024xf32, #tpu.memory_space<vmem>>, vector<1x16xf32>,
      %get3A_214 = arith.index_cast %scan3A_116 : i32 to index
      %get3A_215 = arith.constant 112 : index
      %get3A_216 = tpu.vector_load %arg6[%get3A_214, %get3A_215] {strides = array<i32>} : memref<16x1024xf32, #tpu.memory_space<vmem>>, vector<1x16xf32>,
      %get3A_217 = vector.shape_cast %get3A_216 : vector<1x16xf32> to vector<16xf32>
      %get3A_218 = arith.index_cast %scan3A_116 : i32 to index
      %get3A_219 = arith.constant 112 : index
      %get3A_220 = tpu.vector_load %arg7[%get3A_218, %get3A_219] {strides = array<i32>} : memref<16x1024xf32, #tpu.memory_space<vmem>>, vector<1x16xf32>,
      %get3A_221 = vector.shape_cast %get3A_220 : vector<1x16xf32> to vector<16xf32>
      %add3A_222 = arith.addf %get3A_217, %get3A_221 : vector<16xf32>
      %swap3A_223 = arith.index_cast %scan3A_116 : i32 to index
      %swap3A_224 = arith.constant 112 : index
      %swap3A_225 = tpu.vector_load %arg6[%swap3A_223, %swap3A_224] {strides = array<i32>} : memref<16x1024xf32, #tpu.memory_space<vmem>>, vector<1x16xf32>,
      %swap3A_226 = vector.shape_cast %swap3A_225 : vector<1x16xf32> to vector<16xf32>
      %swap3A_227 = vector.shape_cast %add3A_222 : vector<16xf32> to vector<1x16xf32>
      tpu.vector_store %arg6[%swap3A_223, %swap3A_224], %swap3A_227 {strides = array<i32>} : memref<16x1024xf32, #tpu.memory_space<vmem>>, vector<1x16xf32>,
      %get3A_228 = arith.index_cast %scan3A_116 : i32 to index
      %get3A_229 = arith.constant 128 : index
      %get3A_230 = tpu.vector_load %arg6[%get3A_228, %get3A_229] {strides = array<i32>} : memref<16x1024xf32, #tpu.memory_space<vmem>>, vector<1x16xf32>,
      %get3A_231 = vector.shape_cast %get3A_230 : vector<1x16xf32> to vector<16xf32>
      %get3A_232 = arith.index_cast %scan3A_116 : i32 to index
      %get3A_233 = arith.constant 128 : index
      %get3A_234 = tpu.vector_load %arg7[%get3A_232, %get3A_233] {strides = array<i32>} : memref<16x1024xf32, #tpu.memory_space<vmem>>, vector<1x16xf32>,
      %get3A_235 = vector.shape_cast %get3A_234 : vector<1x16xf32> to vector<16xf32>
      %add3A_236 = arith.addf %get3A_231, %get3A_235 : vector<16xf32>
      %swap3A_237 = arith.index_cast %scan3A_116 : i32 to index
      %swap3A_238 = arith.constant 128 : index
      %swap3A_239 = tpu.vector_load %arg6[%swap3A_237, %swap3A_238] {strides = array<i32>} : memref<16x1024xf32, #tpu.memory_space<vmem>>, vector<1x16xf32>,
      %swap3A_240 = vector.shape_cast %swap3A_239 : vector<1x16xf32> to vector<16xf32>
      %swap3A_241 = vector.shape_cast %add3A_236 : vector<16xf32> to vector<1x16xf32>
      tpu.vector_store %arg6[%swap3A_237, %swap3A_238], %swap3A_241 {strides = array<i32>} : memref<16x1024xf32, #tpu.memory_space<vmem>>, vector<1x16xf32>,
      %get3A_242 = arith.index_cast %scan3A_116 : i32 to index
      %get3A_243 = arith.constant 144 : index
      %get3A_244 = tpu.vector_load %arg6[%get3A_242, %get3A_243] {strides = array<i32>} : memref<16x1024xf32, #tpu.memory_space<vmem>>, vector<1x16xf32>,
      %get3A_245 = vector.shape_cast %get3A_244 : vector<1x16xf32> to vector<16xf32>
      %get3A_246 = arith.index_cast %scan3A_116 : i32 to index
      %get3A_247 = arith.constant 144 : index
      %get3A_248 = tpu.vector_load %arg7[%get3A_246, %get3A_247] {strides = array<i32>} : memref<16x1024xf32, #tpu.memory_space<vmem>>, vector<1x16xf32>,
      %get3A_249 = vector.shape_cast %get3A_248 : vector<1x16xf32> to vector<16xf32>
      %add3A_250 = arith.addf %get3A_245, %get3A_249 : vector<16xf32>
      %swap3A_251 = arith.index_cast %scan3A_116 : i32 to index
      %swap3A_252 = arith.constant 144 : index
      %swap3A_253 = tpu.vector_load %arg6[%swap3A_251, %swap3A_252] {strides = array<i32>} : memref<16x1024xf32, #tpu.memory_space<vmem>>, vector<1x16xf32>,
      %swap3A_254 = vector.shape_cast %swap3A_253 : vector<1x16xf32> to vector<16xf32>
      %swap3A_255 = vector.shape_cast %add3A_250 : vector<16xf32> to vector<1x16xf32>
      tpu.vector_store %arg6[%swap3A_251, %swap3A_252], %swap3A_255 {strides = array<i32>} : memref<16x1024xf32, #tpu.memory_space<vmem>>, vector<1x16xf32>,
      %get3A_256 = arith.index_cast %scan3A_116 : i32 to index
      %get3A_257 = arith.constant 160 : index
      %get3A_258 = tpu.vector_load %arg6[%get3A_256, %get3A_257] {strides = array<i32>} : memref<16x1024xf32, #tpu.memory_space<vmem>>, vector<1x16xf32>,
      %get3A_259 = vector.shape_cast %get3A_258 : vector<1x16xf32> to vector<16xf32>
      %get3A_260 = arith.index_cast %scan3A_116 : i32 to index
      %get3A_261 = arith.constant 160 : index
      %get3A_262 = tpu.vector_load %arg7[%get3A_260, %get3A_261] {strides = array<i32>} : memref<16x1024xf32, #tpu.memory_space<vmem>>, vector<1x16xf32>,
      %get3A_263 = vector.shape_cast %get3A_262 : vector<1x16xf32> to vector<16xf32>
      %add3A_264 = arith.addf %get3A_259, %get3A_263 : vector<16xf32>
      %swap3A_265 = arith.index_cast %scan3A_116 : i32 to index
      %swap3A_266 = arith.constant 160 : index
      %swap3A_267 = tpu.vector_load %arg6[%swap3A_265, %swap3A_266] {strides = array<i32>} : memref<16x1024xf32, #tpu.memory_space<vmem>>, vector<1x16xf32>,
      %swap3A_268 = vector.shape_cast %swap3A_267 : vector<1x16xf32> to vector<16xf32>
      %swap3A_269 = vector.shape_cast %add3A_264 : vector<16xf32> to vector<1x16xf32>
      tpu.vector_store %arg6[%swap3A_265, %swap3A_266], %swap3A_269 {strides = array<i32>} : memref<16x1024xf32, #tpu.memory_space<vmem>>, vector<1x16xf32>,
      %get3A_270 = arith.index_cast %scan3A_116 : i32 to index
      %get3A_271 = arith.constant 176 : index
      %get3A_272 = tpu.vector_load %arg6[%get3A_270, %get3A_271] {strides = array<i32>} : memref<16x1024xf32, #tpu.memory_space<vmem>>, vector<1x16xf32>,
      %get3A_273 = vector.shape_cast %get3A_272 : vector<1x16xf32> to vector<16xf32>
      %get3A_274 = arith.index_cast %scan3A_116 : i32 to index
      %get3A_275 = arith.constant 176 : index
      %get3A_276 = tpu.vector_load %arg7[%get3A_274, %get3A_275] {strides = array<i32>} : memref<16x1024xf32, #tpu.memory_space<vmem>>, vector<1x16xf32>,
      %get3A_277 = vector.shape_cast %get3A_276 : vector<1x16xf32> to vector<16xf32>
      %add3A_278 = arith.addf %get3A_273, %get3A_277 : vector<16xf32>
      %swap3A_279 = arith.index_cast %scan3A_116 : i32 to index
      %swap3A_280 = arith.constant 176 : index
      %swap3A_281 = tpu.vector_load %arg6[%swap3A_279, %swap3A_280] {strides = array<i32>} : memref<16x1024xf32, #tpu.memory_space<vmem>>, vector<1x16xf32>,
      %swap3A_282 = vector.shape_cast %swap3A_281 : vector<1x16xf32> to vector<16xf32>
      %swap3A_283 = vector.shape_cast %add3A_278 : vector<16xf32> to vector<1x16xf32>
      tpu.vector_store %arg6[%swap3A_279, %swap3A_280], %swap3A_283 {strides = array<i32>} : memref<16x1024xf32, #tpu.memory_space<vmem>>, vector<1x16xf32>,
      %get3A_284 = arith.index_cast %scan3A_116 : i32 to index
      %get3A_285 = arith.constant 192 : index
      %get3A_286 = tpu.vector_load %arg6[%get3A_284, %get3A_285] {strides = array<i32>} : memref<16x1024xf32, #tpu.memory_space<vmem>>, vector<1x16xf32>,
      %get3A_287 = vector.shape_cast %get3A_286 : vector<1x16xf32> to vector<16xf32>
      %get3A_288 = arith.index_cast %scan3A_116 : i32 to index
      %get3A_289 = arith.constant 192 : index
      %get3A_290 = tpu.vector_load %arg7[%get3A_288, %get3A_289] {strides = array<i32>} : memref<16x1024xf32, #tpu.memory_space<vmem>>, vector<1x16xf32>,
      %get3A_291 = vector.shape_cast %get3A_290 : vector<1x16xf32> to vector<16xf32>
      %add3A_292 = arith.addf %get3A_287, %get3A_291 : vector<16xf32>
      %swap3A_293 = arith.index_cast %scan3A_116 : i32 to index
      %swap3A_294 = arith.constant 192 : index
      %swap3A_295 = tpu.vector_load %arg6[%swap3A_293, %swap3A_294] {strides = array<i32>} : memref<16x1024xf32, #tpu.memory_space<vmem>>, vector<1x16xf32>,
      %swap3A_296 = vector.shape_cast %swap3A_295 : vector<1x16xf32> to vector<16xf32>
      %swap3A_297 = vector.shape_cast %add3A_292 : vector<16xf32> to vector<1x16xf32>
      tpu.vector_store %arg6[%swap3A_293, %swap3A_294], %swap3A_297 {strides = array<i32>} : memref<16x1024xf32, #tpu.memory_space<vmem>>, vector<1x16xf32>,
      %get3A_298 = arith.index_cast %scan3A_116 : i32 to index
      %get3A_299 = arith.constant 208 : index
      %get3A_300 = tpu.vector_load %arg6[%get3A_298, %get3A_299] {strides = array<i32>} : memref<16x1024xf32, #tpu.memory_space<vmem>>, vector<1x16xf32>,
      %get3A_301 = vector.shape_cast %get3A_300 : vector<1x16xf32> to vector<16xf32>
      %get3A_302 = arith.index_cast %scan3A_116 : i32 to index
      %get3A_303 = arith.constant 208 : index
      %get3A_304 = tpu.vector_load %arg7[%get3A_302, %get3A_303] {strides = array<i32>} : memref<16x1024xf32, #tpu.memory_space<vmem>>, vector<1x16xf32>,
      %get3A_305 = vector.shape_cast %get3A_304 : vector<1x16xf32> to vector<16xf32>
      %add3A_306 = arith.addf %get3A_301, %get3A_305 : vector<16xf32>
      %swap3A_307 = arith.index_cast %scan3A_116 : i32 to index
      %swap3A_308 = arith.constant 208 : index
      %swap3A_309 = tpu.vector_load %arg6[%swap3A_307, %swap3A_308] {strides = array<i32>} : memref<16x1024xf32, #tpu.memory_space<vmem>>, vector<1x16xf32>,
      %swap3A_310 = vector.shape_cast %swap3A_309 : vector<1x16xf32> to vector<16xf32>
      %swap3A_311 = vector.shape_cast %add3A_306 : vector<16xf32> to vector<1x16xf32>
      tpu.vector_store %arg6[%swap3A_307, %swap3A_308], %swap3A_311 {strides = array<i32>} : memref<16x1024xf32, #tpu.memory_space<vmem>>, vector<1x16xf32>,
      %get3A_312 = arith.index_cast %scan3A_116 : i32 to index
      %get3A_313 = arith.constant 224 : index
      %get3A_314 = tpu.vector_load %arg6[%get3A_312, %get3A_313] {strides = array<i32>} : memref<16x1024xf32, #tpu.memory_space<vmem>>, vector<1x16xf32>,
      %get3A_315 = vector.shape_cast %get3A_314 : vector<1x16xf32> to vector<16xf32>
      %get3A_316 = arith.index_cast %scan3A_116 : i32 to index
      %get3A_317 = arith.constant 224 : index
      %get3A_318 = tpu.vector_load %arg7[%get3A_316, %get3A_317] {strides = array<i32>} : memref<16x1024xf32, #tpu.memory_space<vmem>>, vector<1x16xf32>,
      %get3A_319 = vector.shape_cast %get3A_318 : vector<1x16xf32> to vector<16xf32>
      %add3A_320 = arith.addf %get3A_315, %get3A_319 : vector<16xf32>
      %swap3A_321 = arith.index_cast %scan3A_116 : i32 to index
      %swap3A_322 = arith.constant 224 : index
      %swap3A_323 = tpu.vector_load %arg6[%swap3A_321, %swap3A_322] {strides = array<i32>} : memref<16x1024xf32, #tpu.memory_space<vmem>>, vector<1x16xf32>,
      %swap3A_324 = vector.shape_cast %swap3A_323 : vector<1x16xf32> to vector<16xf32>
      %swap3A_325 = vector.shape_cast %add3A_320 : vector<16xf32> to vector<1x16xf32>
      tpu.vector_store %arg6[%swap3A_321, %swap3A_322], %swap3A_325 {strides = array<i32>} : memref<16x1024xf32, #tpu.memory_space<vmem>>, vector<1x16xf32>,
      %get3A_326 = arith.index_cast %scan3A_116 : i32 to index
      %get3A_327 = arith.constant 240 : index
      %get3A_328 = tpu.vector_load %arg6[%get3A_326, %get3A_327] {strides = array<i32>} : memref<16x1024xf32, #tpu.memory_space<vmem>>, vector<1x16xf32>,
      %get3A_329 = vector.shape_cast %get3A_328 : vector<1x16xf32> to vector<16xf32>
      %get3A_330 = arith.index_cast %scan3A_116 : i32 to index
      %get3A_331 = arith.constant 240 : index
      %get3A_332 = tpu.vector_load %arg7[%get3A_330, %get3A_331] {strides = array<i32>} : memref<16x1024xf32, #tpu.memory_space<vmem>>, vector<1x16xf32>,
      %get3A_333 = vector.shape_cast %get3A_332 : vector<1x16xf32> to vector<16xf32>
      %add3A_334 = arith.addf %get3A_329, %get3A_333 : vector<16xf32>
      %swap3A_335 = arith.index_cast %scan3A_116 : i32 to index
      %swap3A_336 = arith.constant 240 : index
      %swap3A_337 = tpu.vector_load %arg6[%swap3A_335, %swap3A_336] {strides = array<i32>} : memref<16x1024xf32, #tpu.memory_space<vmem>>, vector<1x16xf32>,
      %swap3A_338 = vector.shape_cast %swap3A_337 : vector<1x16xf32> to vector<16xf32>
      %swap3A_339 = vector.shape_cast %add3A_334 : vector<16xf32> to vector<1x16xf32>
      tpu.vector_store %arg6[%swap3A_335, %swap3A_336], %swap3A_339 {strides = array<i32>} : memref<16x1024xf32, #tpu.memory_space<vmem>>, vector<1x16xf32>,
      %get3A_340 = arith.index_cast %scan3A_116 : i32 to index
      %get3A_341 = arith.constant 256 : index
      %get3A_342 = tpu.vector_load %arg6[%get3A_340, %get3A_341] {strides = array<i32>} : memref<16x1024xf32, #tpu.memory_space<vmem>>, vector<1x16xf32>,
      %get3A_343 = vector.shape_cast %get3A_342 : vector<1x16xf32> to vector<16xf32>
      %get3A_344 = arith.index_cast %scan3A_116 : i32 to index
      %get3A_345 = arith.constant 256 : index
      %get3A_346 = tpu.vector_load %arg7[%get3A_344, %get3A_345] {strides = array<i32>} : memref<16x1024xf32, #tpu.memory_space<vmem>>, vector<1x16xf32>,
      %get3A_347 = vector.shape_cast %get3A_346 : vector<1x16xf32> to vector<16xf32>
      %add3A_348 = arith.addf %get3A_343, %get3A_347 : vector<16xf32>
      %swap3A_349 = arith.index_cast %scan3A_116 : i32 to index
      %swap3A_350 = arith.constant 256 : index
      %swap3A_351 = tpu.vector_load %arg6[%swap3A_349, %swap3A_350] {strides = array<i32>} : memref<16x1024xf32, #tpu.memory_space<vmem>>, vector<1x16xf32>,
      %swap3A_352 = vector.shape_cast %swap3A_351 : vector<1x16xf32> to vector<16xf32>
      %swap3A_353 = vector.shape_cast %add3A_348 : vector<16xf32> to vector<1x16xf32>
      tpu.vector_store %arg6[%swap3A_349, %swap3A_350], %swap3A_353 {strides = array<i32>} : memref<16x1024xf32, #tpu.memory_space<vmem>>, vector<1x16xf32>,
      %get3A_354 = arith.index_cast %scan3A_116 : i32 to index
      %get3A_355 = arith.constant 272 : index
      %get3A_356 = tpu.vector_load %arg6[%get3A_354, %get3A_355] {strides = array<i32>} : memref<16x1024xf32, #tpu.memory_space<vmem>>, vector<1x16xf32>,
      %get3A_357 = vector.shape_cast %get3A_356 : vector<1x16xf32> to vector<16xf32>
      %get3A_358 = arith.index_cast %scan3A_116 : i32 to index
      %get3A_359 = arith.constant 272 : index
      %get3A_360 = tpu.vector_load %arg7[%get3A_358, %get3A_359] {strides = array<i32>} : memref<16x1024xf32, #tpu.memory_space<vmem>>, vector<1x16xf32>,
      %get3A_361 = vector.shape_cast %get3A_360 : vector<1x16xf32> to vector<16xf32>
      %add3A_362 = arith.addf %get3A_357, %get3A_361 : vector<16xf32>
      %swap3A_363 = arith.index_cast %scan3A_116 : i32 to index
      %swap3A_364 = arith.constant 272 : index
      %swap3A_365 = tpu.vector_load %arg6[%swap3A_363, %swap3A_364] {strides = array<i32>} : memref<16x1024xf32, #tpu.memory_space<vmem>>, vector<1x16xf32>,
      %swap3A_366 = vector.shape_cast %swap3A_365 : vector<1x16xf32> to vector<16xf32>
      %swap3A_367 = vector.shape_cast %add3A_362 : vector<16xf32> to vector<1x16xf32>
      tpu.vector_store %arg6[%swap3A_363, %swap3A_364], %swap3A_367 {strides = array<i32>} : memref<16x1024xf32, #tpu.memory_space<vmem>>, vector<1x16xf32>,
      %get3A_368 = arith.index_cast %scan3A_116 : i32 to index
      %get3A_369 = arith.constant 288 : index
      %get3A_370 = tpu.vector_load %arg6[%get3A_368, %get3A_369] {strides = array<i32>} : memref<16x1024xf32, #tpu.memory_space<vmem>>, vector<1x16xf32>,
      %get3A_371 = vector.shape_cast %get3A_370 : vector<1x16xf32> to vector<16xf32>
      %get3A_372 = arith.index_cast %scan3A_116 : i32 to index
      %get3A_373 = arith.constant 288 : index
      %get3A_374 = tpu.vector_load %arg7[%get3A_372, %get3A_373] {strides = array<i32>} : memref<16x1024xf32, #tpu.memory_space<vmem>>, vector<1x16xf32>,
      %get3A_375 = vector.shape_cast %get3A_374 : vector<1x16xf32> to vector<16xf32>
      %add3A_376 = arith.addf %get3A_371, %get3A_375 : vector<16xf32>
      %swap3A_377 = arith.index_cast %scan3A_116 : i32 to index
      %swap3A_378 = arith.constant 288 : index
      %swap3A_379 = tpu.vector_load %arg6[%swap3A_377, %swap3A_378] {strides = array<i32>} : memref<16x1024xf32, #tpu.memory_space<vmem>>, vector<1x16xf32>,
      %swap3A_380 = vector.shape_cast %swap3A_379 : vector<1x16xf32> to vector<16xf32>
      %swap3A_381 = vector.shape_cast %add3A_376 : vector<16xf32> to vector<1x16xf32>
      tpu.vector_store %arg6[%swap3A_377, %swap3A_378], %swap3A_381 {strides = array<i32>} : memref<16x1024xf32, #tpu.memory_space<vmem>>, vector<1x16xf32>,
      %get3A_382 = arith.index_cast %scan3A_116 : i32 to index
      %get3A_383 = arith.constant 304 : index
      %get3A_384 = tpu.vector_load %arg6[%get3A_382, %get3A_383] {strides = array<i32>} : memref<16x1024xf32, #tpu.memory_space<vmem>>, vector<1x16xf32>,
      %get3A_385 = vector.shape_cast %get3A_384 : vector<1x16xf32> to vector<16xf32>
      %get3A_386 = arith.index_cast %scan3A_116 : i32 to index
      %get3A_387 = arith.constant 304 : index
      %get3A_388 = tpu.vector_load %arg7[%get3A_386, %get3A_387] {strides = array<i32>} : memref<16x1024xf32, #tpu.memory_space<vmem>>, vector<1x16xf32>,
      %get3A_389 = vector.shape_cast %get3A_388 : vector<1x16xf32> to vector<16xf32>
      %add3A_390 = arith.addf %get3A_385, %get3A_389 : vector<16xf32>
      %swap3A_391 = arith.index_cast %scan3A_116 : i32 to index
      %swap3A_392 = arith.constant 304 : index
      %swap3A_393 = tpu.vector_load %arg6[%swap3A_391, %swap3A_392] {strides = array<i32>} : memref<16x1024xf32, #tpu.memory_space<vmem>>, vector<1x16xf32>,
      %swap3A_394 = vector.shape_cast %swap3A_393 : vector<1x16xf32> to vector<16xf32>
      %swap3A_395 = vector.shape_cast %add3A_390 : vector<16xf32> to vector<1x16xf32>
      tpu.vector_store %arg6[%swap3A_391, %swap3A_392], %swap3A_395 {strides = array<i32>} : memref<16x1024xf32, #tpu.memory_space<vmem>>, vector<1x16xf32>,
      %get3A_396 = arith.index_cast %scan3A_116 : i32 to index
      %get3A_397 = arith.constant 320 : index
      %get3A_398 = tpu.vector_load %arg6[%get3A_396, %get3A_397] {strides = array<i32>} : memref<16x1024xf32, #tpu.memory_space<vmem>>, vector<1x16xf32>,
      %get3A_399 = vector.shape_cast %get3A_398 : vector<1x16xf32> to vector<16xf32>
      %get3A_400 = arith.index_cast %scan3A_116 : i32 to index
      %get3A_401 = arith.constant 320 : index
      %get3A_402 = tpu.vector_load %arg7[%get3A_400, %get3A_401] {strides = array<i32>} : memref<16x1024xf32, #tpu.memory_space<vmem>>, vector<1x16xf32>,
      %get3A_403 = vector.shape_cast %get3A_402 : vector<1x16xf32> to vector<16xf32>
      %add3A_404 = arith.addf %get3A_399, %get3A_403 : vector<16xf32>
      %swap3A_405 = arith.index_cast %scan3A_116 : i32 to index
      %swap3A_406 = arith.constant 320 : index
      %swap3A_407 = tpu.vector_load %arg6[%swap3A_405, %swap3A_406] {strides = array<i32>} : memref<16x1024xf32, #tpu.memory_space<vmem>>, vector<1x16xf32>,
      %swap3A_408 = vector.shape_cast %swap3A_407 : vector<1x16xf32> to vector<16xf32>
      %swap3A_409 = vector.shape_cast %add3A_404 : vector<16xf32> to vector<1x16xf32>
      tpu.vector_store %arg6[%swap3A_405, %swap3A_406], %swap3A_409 {strides = array<i32>} : memref<16x1024xf32, #tpu.memory_space<vmem>>, vector<1x16xf32>,
      %get3A_410 = arith.index_cast %scan3A_116 : i32 to index
      %get3A_411 = arith.constant 336 : index
      %get3A_412 = tpu.vector_load %arg6[%get3A_410, %get3A_411] {strides = array<i32>} : memref<16x1024xf32, #tpu.memory_space<vmem>>, vector<1x16xf32>,
      %get3A_413 = vector.shape_cast %get3A_412 : vector<1x16xf32> to vector<16xf32>
      %get3A_414 = arith.index_cast %scan3A_116 : i32 to index
      %get3A_415 = arith.constant 336 : index
      %get3A_416 = tpu.vector_load %arg7[%get3A_414, %get3A_415] {strides = array<i32>} : memref<16x1024xf32, #tpu.memory_space<vmem>>, vector<1x16xf32>,
      %get3A_417 = vector.shape_cast %get3A_416 : vector<1x16xf32> to vector<16xf32>
      %add3A_418 = arith.addf %get3A_413, %get3A_417 : vector<16xf32>
      %swap3A_419 = arith.index_cast %scan3A_116 : i32 to index
      %swap3A_420 = arith.constant 336 : index
      %swap3A_421 = tpu.vector_load %arg6[%swap3A_419, %swap3A_420] {strides = array<i32>} : memref<16x1024xf32, #tpu.memory_space<vmem>>, vector<1x16xf32>,
      %swap3A_422 = vector.shape_cast %swap3A_421 : vector<1x16xf32> to vector<16xf32>
      %swap3A_423 = vector.shape_cast %add3A_418 : vector<16xf32> to vector<1x16xf32>
      tpu.vector_store %arg6[%swap3A_419, %swap3A_420], %swap3A_423 {strides = array<i32>} : memref<16x1024xf32, #tpu.memory_space<vmem>>, vector<1x16xf32>,
      %get3A_424 = arith.index_cast %scan3A_116 : i32 to index
      %get3A_425 = arith.constant 352 : index
      %get3A_426 = tpu.vector_load %arg6[%get3A_424, %get3A_425] {strides = array<i32>} : memref<16x1024xf32, #tpu.memory_space<vmem>>, vector<1x16xf32>,
      %get3A_427 = vector.shape_cast %get3A_426 : vector<1x16xf32> to vector<16xf32>
      %get3A_428 = arith.index_cast %scan3A_116 : i32 to index
      %get3A_429 = arith.constant 352 : index
      %get3A_430 = tpu.vector_load %arg7[%get3A_428, %get3A_429] {strides = array<i32>} : memref<16x1024xf32, #tpu.memory_space<vmem>>, vector<1x16xf32>,
      %get3A_431 = vector.shape_cast %get3A_430 : vector<1x16xf32> to vector<16xf32>
      %add3A_432 = arith.addf %get3A_427, %get3A_431 : vector<16xf32>
      %swap3A_433 = arith.index_cast %scan3A_116 : i32 to index
      %swap3A_434 = arith.constant 352 : index
      %swap3A_435 = tpu.vector_load %arg6[%swap3A_433, %swap3A_434] {strides = array<i32>} : memref<16x1024xf32, #tpu.memory_space<vmem>>, vector<1x16xf32>,
      %swap3A_436 = vector.shape_cast %swap3A_435 : vector<1x16xf32> to vector<16xf32>
      %swap3A_437 = vector.shape_cast %add3A_432 : vector<16xf32> to vector<1x16xf32>
      tpu.vector_store %arg6[%swap3A_433, %swap3A_434], %swap3A_437 {strides = array<i32>} : memref<16x1024xf32, #tpu.memory_space<vmem>>, vector<1x16xf32>,
      %get3A_438 = arith.index_cast %scan3A_116 : i32 to index
      %get3A_439 = arith.constant 368 : index
      %get3A_440 = tpu.vector_load %arg6[%get3A_438, %get3A_439] {strides = array<i32>} : memref<16x1024xf32, #tpu.memory_space<vmem>>, vector<1x16xf32>,
      %get3A_441 = vector.shape_cast %get3A_440 : vector<1x16xf32> to vector<16xf32>
      %get3A_442 = arith.index_cast %scan3A_116 : i32 to index
      %get3A_443 = arith.constant 368 : index
      %get3A_444 = tpu.vector_load %arg7[%get3A_442, %get3A_443] {strides = array<i32>} : memref<16x1024xf32, #tpu.memory_space<vmem>>, vector<1x16xf32>,
      %get3A_445 = vector.shape_cast %get3A_444 : vector<1x16xf32> to vector<16xf32>
      %add3A_446 = arith.addf %get3A_441, %get3A_445 : vector<16xf32>
      %swap3A_447 = arith.index_cast %scan3A_116 : i32 to index
      %swap3A_448 = arith.constant 368 : index
      %swap3A_449 = tpu.vector_load %arg6[%swap3A_447, %swap3A_448] {strides = array<i32>} : memref<16x1024xf32, #tpu.memory_space<vmem>>, vector<1x16xf32>,
      %swap3A_450 = vector.shape_cast %swap3A_449 : vector<1x16xf32> to vector<16xf32>
      %swap3A_451 = vector.shape_cast %add3A_446 : vector<16xf32> to vector<1x16xf32>
      tpu.vector_store %arg6[%swap3A_447, %swap3A_448], %swap3A_451 {strides = array<i32>} : memref<16x1024xf32, #tpu.memory_space<vmem>>, vector<1x16xf32>,
      %get3A_452 = arith.index_cast %scan3A_116 : i32 to index
      %get3A_453 = arith.constant 384 : index
      %get3A_454 = tpu.vector_load %arg6[%get3A_452, %get3A_453] {strides = array<i32>} : memref<16x1024xf32, #tpu.memory_space<vmem>>, vector<1x16xf32>,
      %get3A_455 = vector.shape_cast %get3A_454 : vector<1x16xf32> to vector<16xf32>
      %get3A_456 = arith.index_cast %scan3A_116 : i32 to index
      %get3A_457 = arith.constant 384 : index
      %get3A_458 = tpu.vector_load %arg7[%get3A_456, %get3A_457] {strides = array<i32>} : memref<16x1024xf32, #tpu.memory_space<vmem>>, vector<1x16xf32>,
      %get3A_459 = vector.shape_cast %get3A_458 : vector<1x16xf32> to vector<16xf32>
      %add3A_460 = arith.addf %get3A_455, %get3A_459 : vector<16xf32>
      %swap3A_461 = arith.index_cast %scan3A_116 : i32 to index
      %swap3A_462 = arith.constant 384 : index
      %swap3A_463 = tpu.vector_load %arg6[%swap3A_461, %swap3A_462] {strides = array<i32>} : memref<16x1024xf32, #tpu.memory_space<vmem>>, vector<1x16xf32>,
      %swap3A_464 = vector.shape_cast %swap3A_463 : vector<1x16xf32> to vector<16xf32>
      %swap3A_465 = vector.shape_cast %add3A_460 : vector<16xf32> to vector<1x16xf32>
      tpu.vector_store %arg6[%swap3A_461, %swap3A_462], %swap3A_465 {strides = array<i32>} : memref<16x1024xf32, #tpu.memory_space<vmem>>, vector<1x16xf32>,
      %get3A_466 = arith.index_cast %scan3A_116 : i32 to index
      %get3A_467 = arith.constant 400 : index
      %get3A_468 = tpu.vector_load %arg6[%get3A_466, %get3A_467] {strides = array<i32>} : memref<16x1024xf32, #tpu.memory_space<vmem>>, vector<1x16xf32>,
      %get3A_469 = vector.shape_cast %get3A_468 : vector<1x16xf32> to vector<16xf32>
      %get3A_470 = arith.index_cast %scan3A_116 : i32 to index
      %get3A_471 = arith.constant 400 : index
      %get3A_472 = tpu.vector_load %arg7[%get3A_470, %get3A_471] {strides = array<i32>} : memref<16x1024xf32, #tpu.memory_space<vmem>>, vector<1x16xf32>,
      %get3A_473 = vector.shape_cast %get3A_472 : vector<1x16xf32> to vector<16xf32>
      %add3A_474 = arith.addf %get3A_469, %get3A_473 : vector<16xf32>
      %swap3A_475 = arith.index_cast %scan3A_116 : i32 to index
      %swap3A_476 = arith.constant 400 : index
      %swap3A_477 = tpu.vector_load %arg6[%swap3A_475, %swap3A_476] {strides = array<i32>} : memref<16x1024xf32, #tpu.memory_space<vmem>>, vector<1x16xf32>,
      %swap3A_478 = vector.shape_cast %swap3A_477 : vector<1x16xf32> to vector<16xf32>
      %swap3A_479 = vector.shape_cast %add3A_474 : vector<16xf32> to vector<1x16xf32>
      tpu.vector_store %arg6[%swap3A_475, %swap3A_476], %swap3A_479 {strides = array<i32>} : memref<16x1024xf32, #tpu.memory_space<vmem>>, vector<1x16xf32>,
      %get3A_480 = arith.index_cast %scan3A_116 : i32 to index
      %get3A_481 = arith.constant 416 : index
      %get3A_482 = tpu.vector_load %arg6[%get3A_480, %get3A_481] {strides = array<i32>} : memref<16x1024xf32, #tpu.memory_space<vmem>>, vector<1x16xf32>,
      %get3A_483 = vector.shape_cast %get3A_482 : vector<1x16xf32> to vector<16xf32>
      %get3A_484 = arith.index_cast %scan3A_116 : i32 to index
      %get3A_485 = arith.constant 416 : index
      %get3A_486 = tpu.vector_load %arg7[%get3A_484, %get3A_485] {strides = array<i32>} : memref<16x1024xf32, #tpu.memory_space<vmem>>, vector<1x16xf32>,
      %get3A_487 = vector.shape_cast %get3A_486 : vector<1x16xf32> to vector<16xf32>
      %add3A_488 = arith.addf %get3A_483, %get3A_487 : vector<16xf32>
      %swap3A_489 = arith.index_cast %scan3A_116 : i32 to index
      %swap3A_490 = arith.constant 416 : index
      %swap3A_491 = tpu.vector_load %arg6[%swap3A_489, %swap3A_490] {strides = array<i32>} : memref<16x1024xf32, #tpu.memory_space<vmem>>, vector<1x16xf32>,
      %swap3A_492 = vector.shape_cast %swap3A_491 : vector<1x16xf32> to vector<16xf32>
      %swap3A_493 = vector.shape_cast %add3A_488 : vector<16xf32> to vector<1x16xf32>
      tpu.vector_store %arg6[%swap3A_489, %swap3A_490], %swap3A_493 {strides = array<i32>} : memref<16x1024xf32, #tpu.memory_space<vmem>>, vector<1x16xf32>,
      %get3A_494 = arith.index_cast %scan3A_116 : i32 to index
      %get3A_495 = arith.constant 432 : index
      %get3A_496 = tpu.vector_load %arg6[%get3A_494, %get3A_495] {strides = array<i32>} : memref<16x1024xf32, #tpu.memory_space<vmem>>, vector<1x16xf32>,
      %get3A_497 = vector.shape_cast %get3A_496 : vector<1x16xf32> to vector<16xf32>
      %get3A_498 = arith.index_cast %scan3A_116 : i32 to index
      %get3A_499 = arith.constant 432 : index
      %get3A_500 = tpu.vector_load %arg7[%get3A_498, %get3A_499] {strides = array<i32>} : memref<16x1024xf32, #tpu.memory_space<vmem>>, vector<1x16xf32>,
      %get3A_501 = vector.shape_cast %get3A_500 : vector<1x16xf32> to vector<16xf32>
      %add3A_502 = arith.addf %get3A_497, %get3A_501 : vector<16xf32>
      %swap3A_503 = arith.index_cast %scan3A_116 : i32 to index
      %swap3A_504 = arith.constant 432 : index
      %swap3A_505 = tpu.vector_load %arg6[%swap3A_503, %swap3A_504] {strides = array<i32>} : memref<16x1024xf32, #tpu.memory_space<vmem>>, vector<1x16xf32>,
      %swap3A_506 = vector.shape_cast %swap3A_505 : vector<1x16xf32> to vector<16xf32>
      %swap3A_507 = vector.shape_cast %add3A_502 : vector<16xf32> to vector<1x16xf32>
      tpu.vector_store %arg6[%swap3A_503, %swap3A_504], %swap3A_507 {strides = array<i32>} : memref<16x1024xf32, #tpu.memory_space<vmem>>, vector<1x16xf32>,
      %get3A_508 = arith.index_cast %scan3A_116 : i32 to index
      %get3A_509 = arith.constant 448 : index
      %get3A_510 = tpu.vector_load %arg6[%get3A_508, %get3A_509] {strides = array<i32>} : memref<16x1024xf32, #tpu.memory_space<vmem>>, vector<1x16xf32>,
      %get3A_511 = vector.shape_cast %get3A_510 : vector<1x16xf32> to vector<16xf32>
      %get3A_512 = arith.index_cast %scan3A_116 : i32 to index
      %get3A_513 = arith.constant 448 : index
      %get3A_514 = tpu.vector_load %arg7[%get3A_512, %get3A_513] {strides = array<i32>} : memref<16x1024xf32, #tpu.memory_space<vmem>>, vector<1x16xf32>,
      %get3A_515 = vector.shape_cast %get3A_514 : vector<1x16xf32> to vector<16xf32>
      %add3A_516 = arith.addf %get3A_511, %get3A_515 : vector<16xf32>
      %swap3A_517 = arith.index_cast %scan3A_116 : i32 to index
      %swap3A_518 = arith.constant 448 : index
      %swap3A_519 = tpu.vector_load %arg6[%swap3A_517, %swap3A_518] {strides = array<i32>} : memref<16x1024xf32, #tpu.memory_space<vmem>>, vector<1x16xf32>,
      %swap3A_520 = vector.shape_cast %swap3A_519 : vector<1x16xf32> to vector<16xf32>
      %swap3A_521 = vector.shape_cast %add3A_516 : vector<16xf32> to vector<1x16xf32>
      tpu.vector_store %arg6[%swap3A_517, %swap3A_518], %swap3A_521 {strides = array<i32>} : memref<16x1024xf32, #tpu.memory_space<vmem>>, vector<1x16xf32>,
      %get3A_522 = arith.index_cast %scan3A_116 : i32 to index
      %get3A_523 = arith.constant 464 : index
      %get3A_524 = tpu.vector_load %arg6[%get3A_522, %get3A_523] {strides = array<i32>} : memref<16x1024xf32, #tpu.memory_space<vmem>>, vector<1x16xf32>,
      %get3A_525 = vector.shape_cast %get3A_524 : vector<1x16xf32> to vector<16xf32>
      %get3A_526 = arith.index_cast %scan3A_116 : i32 to index
      %get3A_527 = arith.constant 464 : index
      %get3A_528 = tpu.vector_load %arg7[%get3A_526, %get3A_527] {strides = array<i32>} : memref<16x1024xf32, #tpu.memory_space<vmem>>, vector<1x16xf32>,
      %get3A_529 = vector.shape_cast %get3A_528 : vector<1x16xf32> to vector<16xf32>
      %add3A_530 = arith.addf %get3A_525, %get3A_529 : vector<16xf32>
      %swap3A_531 = arith.index_cast %scan3A_116 : i32 to index
      %swap3A_532 = arith.constant 464 : index
      %swap3A_533 = tpu.vector_load %arg6[%swap3A_531, %swap3A_532] {strides = array<i32>} : memref<16x1024xf32, #tpu.memory_space<vmem>>, vector<1x16xf32>,
      %swap3A_534 = vector.shape_cast %swap3A_533 : vector<1x16xf32> to vector<16xf32>
      %swap3A_535 = vector.shape_cast %add3A_530 : vector<16xf32> to vector<1x16xf32>
      tpu.vector_store %arg6[%swap3A_531, %swap3A_532], %swap3A_535 {strides = array<i32>} : memref<16x1024xf32, #tpu.memory_space<vmem>>, vector<1x16xf32>,
      %get3A_536 = arith.index_cast %scan3A_116 : i32 to index
      %get3A_537 = arith.constant 480 : index
      %get3A_538 = tpu.vector_load %arg6[%get3A_536, %get3A_537] {strides = array<i32>} : memref<16x1024xf32, #tpu.memory_space<vmem>>, vector<1x16xf32>,
      %get3A_539 = vector.shape_cast %get3A_538 : vector<1x16xf32> to vector<16xf32>
      %get3A_540 = arith.index_cast %scan3A_116 : i32 to index
      %get3A_541 = arith.constant 480 : index
      %get3A_542 = tpu.vector_load %arg7[%get3A_540, %get3A_541] {strides = array<i32>} : memref<16x1024xf32, #tpu.memory_space<vmem>>, vector<1x16xf32>,
      %get3A_543 = vector.shape_cast %get3A_542 : vector<1x16xf32> to vector<16xf32>
      %add3A_544 = arith.addf %get3A_539, %get3A_543 : vector<16xf32>
      %swap3A_545 = arith.index_cast %scan3A_116 : i32 to index
      %swap3A_546 = arith.constant 480 : index
      %swap3A_547 = tpu.vector_load %arg6[%swap3A_545, %swap3A_546] {strides = array<i32>} : memref<16x1024xf32, #tpu.memory_space<vmem>>, vector<1x16xf32>,
      %swap3A_548 = vector.shape_cast %swap3A_547 : vector<1x16xf32> to vector<16xf32>
      %swap3A_549 = vector.shape_cast %add3A_544 : vector<16xf32> to vector<1x16xf32>
      tpu.vector_store %arg6[%swap3A_545, %swap3A_546], %swap3A_549 {strides = array<i32>} : memref<16x1024xf32, #tpu.memory_space<vmem>>, vector<1x16xf32>,
      %get3A_550 = arith.index_cast %scan3A_116 : i32 to index
      %get3A_551 = arith.constant 496 : index
      %get3A_552 = tpu.vector_load %arg6[%get3A_550, %get3A_551] {strides = array<i32>} : memref<16x1024xf32, #tpu.memory_space<vmem>>, vector<1x16xf32>,
      %get3A_553 = vector.shape_cast %get3A_552 : vector<1x16xf32> to vector<16xf32>
      %get3A_554 = arith.index_cast %scan3A_116 : i32 to index
      %get3A_555 = arith.constant 496 : index
      %get3A_556 = tpu.vector_load %arg7[%get3A_554, %get3A_555] {strides = array<i32>} : memref<16x1024xf32, #tpu.memory_space<vmem>>, vector<1x16xf32>,
      %get3A_557 = vector.shape_cast %get3A_556 : vector<1x16xf32> to vector<16xf32>
      %add3A_558 = arith.addf %get3A_553, %get3A_557 : vector<16xf32>
      %swap3A_559 = arith.index_cast %scan3A_116 : i32 to index
      %swap3A_560 = arith.constant 496 : index
      %swap3A_561 = tpu.vector_load %arg6[%swap3A_559, %swap3A_560] {strides = array<i32>} : memref<16x1024xf32, #tpu.memory_space<vmem>>, vector<1x16xf32>,
      %swap3A_562 = vector.shape_cast %swap3A_561 : vector<1x16xf32> to vector<16xf32>
      %swap3A_563 = vector.shape_cast %add3A_558 : vector<16xf32> to vector<1x16xf32>
      tpu.vector_store %arg6[%swap3A_559, %swap3A_560], %swap3A_563 {strides = array<i32>} : memref<16x1024xf32, #tpu.memory_space<vmem>>, vector<1x16xf32>,
      %get3A_564 = arith.index_cast %scan3A_116 : i32 to index
      %get3A_565 = arith.constant 512 : index
      %get3A_566 = tpu.vector_load %arg6[%get3A_564, %get3A_565] {strides = array<i32>} : memref<16x1024xf32, #tpu.memory_space<vmem>>, vector<1x16xf32>,
      %get3A_567 = vector.shape_cast %get3A_566 : vector<1x16xf32> to vector<16xf32>
      %get3A_568 = arith.index_cast %scan3A_116 : i32 to index
      %get3A_569 = arith.constant 512 : index
      %get3A_570 = tpu.vector_load %arg7[%get3A_568, %get3A_569] {strides = array<i32>} : memref<16x1024xf32, #tpu.memory_space<vmem>>, vector<1x16xf32>,
      %get3A_571 = vector.shape_cast %get3A_570 : vector<1x16xf32> to vector<16xf32>
      %add3A_572 = arith.addf %get3A_567, %get3A_571 : vector<16xf32>
      %swap3A_573 = arith.index_cast %scan3A_116 : i32 to index
      %swap3A_574 = arith.constant 512 : index
      %swap3A_575 = tpu.vector_load %arg6[%swap3A_573, %swap3A_574] {strides = array<i32>} : memref<16x1024xf32, #tpu.memory_space<vmem>>, vector<1x16xf32>,
      %swap3A_576 = vector.shape_cast %swap3A_575 : vector<1x16xf32> to vector<16xf32>
      %swap3A_577 = vector.shape_cast %add3A_572 : vector<16xf32> to vector<1x16xf32>
      tpu.vector_store %arg6[%swap3A_573, %swap3A_574], %swap3A_577 {strides = array<i32>} : memref<16x1024xf32, #tpu.memory_space<vmem>>, vector<1x16xf32>,
      %get3A_578 = arith.index_cast %scan3A_116 : i32 to index
      %get3A_579 = arith.constant 528 : index
      %get3A_580 = tpu.vector_load %arg6[%get3A_578, %get3A_579] {strides = array<i32>} : memref<16x1024xf32, #tpu.memory_space<vmem>>, vector<1x16xf32>,
      %get3A_581 = vector.shape_cast %get3A_580 : vector<1x16xf32> to vector<16xf32>
      %get3A_582 = arith.index_cast %scan3A_116 : i32 to index
      %get3A_583 = arith.constant 528 : index
      %get3A_584 = tpu.vector_load %arg7[%get3A_582, %get3A_583] {strides = array<i32>} : memref<16x1024xf32, #tpu.memory_space<vmem>>, vector<1x16xf32>,
      %get3A_585 = vector.shape_cast %get3A_584 : vector<1x16xf32> to vector<16xf32>
      %add3A_586 = arith.addf %get3A_581, %get3A_585 : vector<16xf32>
      %swap3A_587 = arith.index_cast %scan3A_116 : i32 to index
      %swap3A_588 = arith.constant 528 : index
      %swap3A_589 = tpu.vector_load %arg6[%swap3A_587, %swap3A_588] {strides = array<i32>} : memref<16x1024xf32, #tpu.memory_space<vmem>>, vector<1x16xf32>,
      %swap3A_590 = vector.shape_cast %swap3A_589 : vector<1x16xf32> to vector<16xf32>
      %swap3A_591 = vector.shape_cast %add3A_586 : vector<16xf32> to vector<1x16xf32>
      tpu.vector_store %arg6[%swap3A_587, %swap3A_588], %swap3A_591 {strides = array<i32>} : memref<16x1024xf32, #tpu.memory_space<vmem>>, vector<1x16xf32>,
      %get3A_592 = arith.index_cast %scan3A_116 : i32 to index
      %get3A_593 = arith.constant 544 : index
      %get3A_594 = tpu.vector_load %arg6[%get3A_592, %get3A_593] {strides = array<i32>} : memref<16x1024xf32, #tpu.memory_space<vmem>>, vector<1x16xf32>,
      %get3A_595 = vector.shape_cast %get3A_594 : vector<1x16xf32> to vector<16xf32>
      %get3A_596 = arith.index_cast %scan3A_116 : i32 to index
      %get3A_597 = arith.constant 544 : index
      %get3A_598 = tpu.vector_load %arg7[%get3A_596, %get3A_597] {strides = array<i32>} : memref<16x1024xf32, #tpu.memory_space<vmem>>, vector<1x16xf32>,
      %get3A_599 = vector.shape_cast %get3A_598 : vector<1x16xf32> to vector<16xf32>
      %add3A_600 = arith.addf %get3A_595, %get3A_599 : vector<16xf32>
      %swap3A_601 = arith.index_cast %scan3A_116 : i32 to index
      %swap3A_602 = arith.constant 544 : index
      %swap3A_603 = tpu.vector_load %arg6[%swap3A_601, %swap3A_602] {strides = array<i32>} : memref<16x1024xf32, #tpu.memory_space<vmem>>, vector<1x16xf32>,
      %swap3A_604 = vector.shape_cast %swap3A_603 : vector<1x16xf32> to vector<16xf32>
      %swap3A_605 = vector.shape_cast %add3A_600 : vector<16xf32> to vector<1x16xf32>
      tpu.vector_store %arg6[%swap3A_601, %swap3A_602], %swap3A_605 {strides = array<i32>} : memref<16x1024xf32, #tpu.memory_space<vmem>>, vector<1x16xf32>,
      %get3A_606 = arith.index_cast %scan3A_116 : i32 to index
      %get3A_607 = arith.constant 560 : index
      %get3A_608 = tpu.vector_load %arg6[%get3A_606, %get3A_607] {strides = array<i32>} : memref<16x1024xf32, #tpu.memory_space<vmem>>, vector<1x16xf32>,
      %get3A_609 = vector.shape_cast %get3A_608 : vector<1x16xf32> to vector<16xf32>
      %get3A_610 = arith.index_cast %scan3A_116 : i32 to index
      %get3A_611 = arith.constant 560 : index
      %get3A_612 = tpu.vector_load %arg7[%get3A_610, %get3A_611] {strides = array<i32>} : memref<16x1024xf32, #tpu.memory_space<vmem>>, vector<1x16xf32>,
      %get3A_613 = vector.shape_cast %get3A_612 : vector<1x16xf32> to vector<16xf32>
      %add3A_614 = arith.addf %get3A_609, %get3A_613 : vector<16xf32>
      %swap3A_615 = arith.index_cast %scan3A_116 : i32 to index
      %swap3A_616 = arith.constant 560 : index
      %swap3A_617 = tpu.vector_load %arg6[%swap3A_615, %swap3A_616] {strides = array<i32>} : memref<16x1024xf32, #tpu.memory_space<vmem>>, vector<1x16xf32>,
      %swap3A_618 = vector.shape_cast %swap3A_617 : vector<1x16xf32> to vector<16xf32>
      %swap3A_619 = vector.shape_cast %add3A_614 : vector<16xf32> to vector<1x16xf32>
      tpu.vector_store %arg6[%swap3A_615, %swap3A_616], %swap3A_619 {strides = array<i32>} : memref<16x1024xf32, #tpu.memory_space<vmem>>, vector<1x16xf32>,
      %get3A_620 = arith.index_cast %scan3A_116 : i32 to index
      %get3A_621 = arith.constant 576 : index
      %get3A_622 = tpu.vector_load %arg6[%get3A_620, %get3A_621] {strides = array<i32>} : memref<16x1024xf32, #tpu.memory_space<vmem>>, vector<1x16xf32>,
      %get3A_623 = vector.shape_cast %get3A_622 : vector<1x16xf32> to vector<16xf32>
      %get3A_624 = arith.index_cast %scan3A_116 : i32 to index
      %get3A_625 = arith.constant 576 : index
      %get3A_626 = tpu.vector_load %arg7[%get3A_624, %get3A_625] {strides = array<i32>} : memref<16x1024xf32, #tpu.memory_space<vmem>>, vector<1x16xf32>,
      %get3A_627 = vector.shape_cast %get3A_626 : vector<1x16xf32> to vector<16xf32>
      %add3A_628 = arith.addf %get3A_623, %get3A_627 : vector<16xf32>
      %swap3A_629 = arith.index_cast %scan3A_116 : i32 to index
      %swap3A_630 = arith.constant 576 : index
      %swap3A_631 = tpu.vector_load %arg6[%swap3A_629, %swap3A_630] {strides = array<i32>} : memref<16x1024xf32, #tpu.memory_space<vmem>>, vector<1x16xf32>,
      %swap3A_632 = vector.shape_cast %swap3A_631 : vector<1x16xf32> to vector<16xf32>
      %swap3A_633 = vector.shape_cast %add3A_628 : vector<16xf32> to vector<1x16xf32>
      tpu.vector_store %arg6[%swap3A_629, %swap3A_630], %swap3A_633 {strides = array<i32>} : memref<16x1024xf32, #tpu.memory_space<vmem>>, vector<1x16xf32>,
      %get3A_634 = arith.index_cast %scan3A_116 : i32 to index
      %get3A_635 = arith.constant 592 : index
      %get3A_636 = tpu.vector_load %arg6[%get3A_634, %get3A_635] {strides = array<i32>} : memref<16x1024xf32, #tpu.memory_space<vmem>>, vector<1x16xf32>,
      %get3A_637 = vector.shape_cast %get3A_636 : vector<1x16xf32> to vector<16xf32>
      %get3A_638 = arith.index_cast %scan3A_116 : i32 to index
      %get3A_639 = arith.constant 592 : index
      %get3A_640 = tpu.vector_load %arg7[%get3A_638, %get3A_639] {strides = array<i32>} : memref<16x1024xf32, #tpu.memory_space<vmem>>, vector<1x16xf32>,
      %get3A_641 = vector.shape_cast %get3A_640 : vector<1x16xf32> to vector<16xf32>
      %add3A_642 = arith.addf %get3A_637, %get3A_641 : vector<16xf32>
      %swap3A_643 = arith.index_cast %scan3A_116 : i32 to index
      %swap3A_644 = arith.constant 592 : index
      %swap3A_645 = tpu.vector_load %arg6[%swap3A_643, %swap3A_644] {strides = array<i32>} : memref<16x1024xf32, #tpu.memory_space<vmem>>, vector<1x16xf32>,
      %swap3A_646 = vector.shape_cast %swap3A_645 : vector<1x16xf32> to vector<16xf32>
      %swap3A_647 = vector.shape_cast %add3A_642 : vector<16xf32> to vector<1x16xf32>
      tpu.vector_store %arg6[%swap3A_643, %swap3A_644], %swap3A_647 {strides = array<i32>} : memref<16x1024xf32, #tpu.memory_space<vmem>>, vector<1x16xf32>,
      %get3A_648 = arith.index_cast %scan3A_116 : i32 to index
      %get3A_649 = arith.constant 608 : index
      %get3A_650 = tpu.vector_load %arg6[%get3A_648, %get3A_649] {strides = array<i32>} : memref<16x1024xf32, #tpu.memory_space<vmem>>, vector<1x16xf32>,
      %get3A_651 = vector.shape_cast %get3A_650 : vector<1x16xf32> to vector<16xf32>
      %get3A_652 = arith.index_cast %scan3A_116 : i32 to index
      %get3A_653 = arith.constant 608 : index
      %get3A_654 = tpu.vector_load %arg7[%get3A_652, %get3A_653] {strides = array<i32>} : memref<16x1024xf32, #tpu.memory_space<vmem>>, vector<1x16xf32>,
      %get3A_655 = vector.shape_cast %get3A_654 : vector<1x16xf32> to vector<16xf32>
      %add3A_656 = arith.addf %get3A_651, %get3A_655 : vector<16xf32>
      %swap3A_657 = arith.index_cast %scan3A_116 : i32 to index
      %swap3A_658 = arith.constant 608 : index
      %swap3A_659 = tpu.vector_load %arg6[%swap3A_657, %swap3A_658] {strides = array<i32>} : memref<16x1024xf32, #tpu.memory_space<vmem>>, vector<1x16xf32>,
      %swap3A_660 = vector.shape_cast %swap3A_659 : vector<1x16xf32> to vector<16xf32>
      %swap3A_661 = vector.shape_cast %add3A_656 : vector<16xf32> to vector<1x16xf32>
      tpu.vector_store %arg6[%swap3A_657, %swap3A_658], %swap3A_661 {strides = array<i32>} : memref<16x1024xf32, #tpu.memory_space<vmem>>, vector<1x16xf32>,
      %get3A_662 = arith.index_cast %scan3A_116 : i32 to index
      %get3A_663 = arith.constant 624 : index
      %get3A_664 = tpu.vector_load %arg6[%get3A_662, %get3A_663] {strides = array<i32>} : memref<16x1024xf32, #tpu.memory_space<vmem>>, vector<1x16xf32>,
      %get3A_665 = vector.shape_cast %get3A_664 : vector<1x16xf32> to vector<16xf32>
      %get3A_666 = arith.index_cast %scan3A_116 : i32 to index
      %get3A_667 = arith.constant 624 : index
      %get3A_668 = tpu.vector_load %arg7[%get3A_666, %get3A_667] {strides = array<i32>} : memref<16x1024xf32, #tpu.memory_space<vmem>>, vector<1x16xf32>,
      %get3A_669 = vector.shape_cast %get3A_668 : vector<1x16xf32> to vector<16xf32>
      %add3A_670 = arith.addf %get3A_665, %get3A_669 : vector<16xf32>
      %swap3A_671 = arith.index_cast %scan3A_116 : i32 to index
      %swap3A_672 = arith.constant 624 : index
      %swap3A_673 = tpu.vector_load %arg6[%swap3A_671, %swap3A_672] {strides = array<i32>} : memref<16x1024xf32, #tpu.memory_space<vmem>>, vector<1x16xf32>,
      %swap3A_674 = vector.shape_cast %swap3A_673 : vector<1x16xf32> to vector<16xf32>
      %swap3A_675 = vector.shape_cast %add3A_670 : vector<16xf32> to vector<1x16xf32>
      tpu.vector_store %arg6[%swap3A_671, %swap3A_672], %swap3A_675 {strides = array<i32>} : memref<16x1024xf32, #tpu.memory_space<vmem>>, vector<1x16xf32>,
      %get3A_676 = arith.index_cast %scan3A_116 : i32 to index
      %get3A_677 = arith.constant 640 : index
      %get3A_678 = tpu.vector_load %arg6[%get3A_676, %get3A_677] {strides = array<i32>} : memref<16x1024xf32, #tpu.memory_space<vmem>>, vector<1x16xf32>,
      %get3A_679 = vector.shape_cast %get3A_678 : vector<1x16xf32> to vector<16xf32>
      %get3A_680 = arith.index_cast %scan3A_116 : i32 to index
      %get3A_681 = arith.constant 640 : index
      %get3A_682 = tpu.vector_load %arg7[%get3A_680, %get3A_681] {strides = array<i32>} : memref<16x1024xf32, #tpu.memory_space<vmem>>, vector<1x16xf32>,
      %get3A_683 = vector.shape_cast %get3A_682 : vector<1x16xf32> to vector<16xf32>
      %add3A_684 = arith.addf %get3A_679, %get3A_683 : vector<16xf32>
      %swap3A_685 = arith.index_cast %scan3A_116 : i32 to index
      %swap3A_686 = arith.constant 640 : index
      %swap3A_687 = tpu.vector_load %arg6[%swap3A_685, %swap3A_686] {strides = array<i32>} : memref<16x1024xf32, #tpu.memory_space<vmem>>, vector<1x16xf32>,
      %swap3A_688 = vector.shape_cast %swap3A_687 : vector<1x16xf32> to vector<16xf32>
      %swap3A_689 = vector.shape_cast %add3A_684 : vector<16xf32> to vector<1x16xf32>
      tpu.vector_store %arg6[%swap3A_685, %swap3A_686], %swap3A_689 {strides = array<i32>} : memref<16x1024xf32, #tpu.memory_space<vmem>>, vector<1x16xf32>,
      %get3A_690 = arith.index_cast %scan3A_116 : i32 to index
      %get3A_691 = arith.constant 656 : index
      %get3A_692 = tpu.vector_load %arg6[%get3A_690, %get3A_691] {strides = array<i32>} : memref<16x1024xf32, #tpu.memory_space<vmem>>, vector<1x16xf32>,
      %get3A_693 = vector.shape_cast %get3A_692 : vector<1x16xf32> to vector<16xf32>
      %get3A_694 = arith.index_cast %scan3A_116 : i32 to index
      %get3A_695 = arith.constant 656 : index
      %get3A_696 = tpu.vector_load %arg7[%get3A_694, %get3A_695] {strides = array<i32>} : memref<16x1024xf32, #tpu.memory_space<vmem>>, vector<1x16xf32>,
      %get3A_697 = vector.shape_cast %get3A_696 : vector<1x16xf32> to vector<16xf32>
      %add3A_698 = arith.addf %get3A_693, %get3A_697 : vector<16xf32>
      %swap3A_699 = arith.index_cast %scan3A_116 : i32 to index
      %swap3A_700 = arith.constant 656 : index
      %swap3A_701 = tpu.vector_load %arg6[%swap3A_699, %swap3A_700] {strides = array<i32>} : memref<16x1024xf32, #tpu.memory_space<vmem>>, vector<1x16xf32>,
      %swap3A_702 = vector.shape_cast %swap3A_701 : vector<1x16xf32> to vector<16xf32>
      %swap3A_703 = vector.shape_cast %add3A_698 : vector<16xf32> to vector<1x16xf32>
      tpu.vector_store %arg6[%swap3A_699, %swap3A_700], %swap3A_703 {strides = array<i32>} : memref<16x1024xf32, #tpu.memory_space<vmem>>, vector<1x16xf32>,
      %get3A_704 = arith.index_cast %scan3A_116 : i32 to index
      %get3A_705 = arith.constant 672 : index
      %get3A_706 = tpu.vector_load %arg6[%get3A_704, %get3A_705] {strides = array<i32>} : memref<16x1024xf32, #tpu.memory_space<vmem>>, vector<1x16xf32>,
      %get3A_707 = vector.shape_cast %get3A_706 : vector<1x16xf32> to vector<16xf32>
      %get3A_708 = arith.index_cast %scan3A_116 : i32 to index
      %get3A_709 = arith.constant 672 : index
      %get3A_710 = tpu.vector_load %arg7[%get3A_708, %get3A_709] {strides = array<i32>} : memref<16x1024xf32, #tpu.memory_space<vmem>>, vector<1x16xf32>,
      %get3A_711 = vector.shape_cast %get3A_710 : vector<1x16xf32> to vector<16xf32>
      %add3A_712 = arith.addf %get3A_707, %get3A_711 : vector<16xf32>
      %swap3A_713 = arith.index_cast %scan3A_116 : i32 to index
      %swap3A_714 = arith.constant 672 : index
      %swap3A_715 = tpu.vector_load %arg6[%swap3A_713, %swap3A_714] {strides = array<i32>} : memref<16x1024xf32, #tpu.memory_space<vmem>>, vector<1x16xf32>,
      %swap3A_716 = vector.shape_cast %swap3A_715 : vector<1x16xf32> to vector<16xf32>
      %swap3A_717 = vector.shape_cast %add3A_712 : vector<16xf32> to vector<1x16xf32>
      tpu.vector_store %arg6[%swap3A_713, %swap3A_714], %swap3A_717 {strides = array<i32>} : memref<16x1024xf32, #tpu.memory_space<vmem>>, vector<1x16xf32>,
      %get3A_718 = arith.index_cast %scan3A_116 : i32 to index
      %get3A_719 = arith.constant 688 : index
      %get3A_720 = tpu.vector_load %arg6[%get3A_718, %get3A_719] {strides = array<i32>} : memref<16x1024xf32, #tpu.memory_space<vmem>>, vector<1x16xf32>,
      %get3A_721 = vector.shape_cast %get3A_720 : vector<1x16xf32> to vector<16xf32>
      %get3A_722 = arith.index_cast %scan3A_116 : i32 to index
      %get3A_723 = arith.constant 688 : index
      %get3A_724 = tpu.vector_load %arg7[%get3A_722, %get3A_723] {strides = array<i32>} : memref<16x1024xf32, #tpu.memory_space<vmem>>, vector<1x16xf32>,
      %get3A_725 = vector.shape_cast %get3A_724 : vector<1x16xf32> to vector<16xf32>
      %add3A_726 = arith.addf %get3A_721, %get3A_725 : vector<16xf32>
      %swap3A_727 = arith.index_cast %scan3A_116 : i32 to index
      %swap3A_728 = arith.constant 688 : index
      %swap3A_729 = tpu.vector_load %arg6[%swap3A_727, %swap3A_728] {strides = array<i32>} : memref<16x1024xf32, #tpu.memory_space<vmem>>, vector<1x16xf32>,
      %swap3A_730 = vector.shape_cast %swap3A_729 : vector<1x16xf32> to vector<16xf32>
      %swap3A_731 = vector.shape_cast %add3A_726 : vector<16xf32> to vector<1x16xf32>
      tpu.vector_store %arg6[%swap3A_727, %swap3A_728], %swap3A_731 {strides = array<i32>} : memref<16x1024xf32, #tpu.memory_space<vmem>>, vector<1x16xf32>,
      %get3A_732 = arith.index_cast %scan3A_116 : i32 to index
      %get3A_733 = arith.constant 704 : index
      %get3A_734 = tpu.vector_load %arg6[%get3A_732, %get3A_733] {strides = array<i32>} : memref<16x1024xf32, #tpu.memory_space<vmem>>, vector<1x16xf32>,
      %get3A_735 = vector.shape_cast %get3A_734 : vector<1x16xf32> to vector<16xf32>
      %get3A_736 = arith.index_cast %scan3A_116 : i32 to index
      %get3A_737 = arith.constant 704 : index
      %get3A_738 = tpu.vector_load %arg7[%get3A_736, %get3A_737] {strides = array<i32>} : memref<16x1024xf32, #tpu.memory_space<vmem>>, vector<1x16xf32>,
      %get3A_739 = vector.shape_cast %get3A_738 : vector<1x16xf32> to vector<16xf32>
      %add3A_740 = arith.addf %get3A_735, %get3A_739 : vector<16xf32>
      %swap3A_741 = arith.index_cast %scan3A_116 : i32 to index
      %swap3A_742 = arith.constant 704 : index
      %swap3A_743 = tpu.vector_load %arg6[%swap3A_741, %swap3A_742] {strides = array<i32>} : memref<16x1024xf32, #tpu.memory_space<vmem>>, vector<1x16xf32>,
      %swap3A_744 = vector.shape_cast %swap3A_743 : vector<1x16xf32> to vector<16xf32>
      %swap3A_745 = vector.shape_cast %add3A_740 : vector<16xf32> to vector<1x16xf32>
      tpu.vector_store %arg6[%swap3A_741, %swap3A_742], %swap3A_745 {strides = array<i32>} : memref<16x1024xf32, #tpu.memory_space<vmem>>, vector<1x16xf32>,
      %get3A_746 = arith.index_cast %scan3A_116 : i32 to index
      %get3A_747 = arith.constant 720 : index
      %get3A_748 = tpu.vector_load %arg6[%get3A_746, %get3A_747] {strides = array<i32>} : memref<16x1024xf32, #tpu.memory_space<vmem>>, vector<1x16xf32>,
      %get3A_749 = vector.shape_cast %get3A_748 : vector<1x16xf32> to vector<16xf32>
      %get3A_750 = arith.index_cast %scan3A_116 : i32 to index
      %get3A_751 = arith.constant 720 : index
      %get3A_752 = tpu.vector_load %arg7[%get3A_750, %get3A_751] {strides = array<i32>} : memref<16x1024xf32, #tpu.memory_space<vmem>>, vector<1x16xf32>,
      %get3A_753 = vector.shape_cast %get3A_752 : vector<1x16xf32> to vector<16xf32>
      %add3A_754 = arith.addf %get3A_749, %get3A_753 : vector<16xf32>
      %swap3A_755 = arith.index_cast %scan3A_116 : i32 to index
      %swap3A_756 = arith.constant 720 : index
      %swap3A_757 = tpu.vector_load %arg6[%swap3A_755, %swap3A_756] {strides = array<i32>} : memref<16x1024xf32, #tpu.memory_space<vmem>>, vector<1x16xf32>,
      %swap3A_758 = vector.shape_cast %swap3A_757 : vector<1x16xf32> to vector<16xf32>
      %swap3A_759 = vector.shape_cast %add3A_754 : vector<16xf32> to vector<1x16xf32>
      tpu.vector_store %arg6[%swap3A_755, %swap3A_756], %swap3A_759 {strides = array<i32>} : memref<16x1024xf32, #tpu.memory_space<vmem>>, vector<1x16xf32>,
      %get3A_760 = arith.index_cast %scan3A_116 : i32 to index
      %get3A_761 = arith.constant 736 : index
      %get3A_762 = tpu.vector_load %arg6[%get3A_760, %get3A_761] {strides = array<i32>} : memref<16x1024xf32, #tpu.memory_space<vmem>>, vector<1x16xf32>,
      %get3A_763 = vector.shape_cast %get3A_762 : vector<1x16xf32> to vector<16xf32>
      %get3A_764 = arith.index_cast %scan3A_116 : i32 to index
      %get3A_765 = arith.constant 736 : index
      %get3A_766 = tpu.vector_load %arg7[%get3A_764, %get3A_765] {strides = array<i32>} : memref<16x1024xf32, #tpu.memory_space<vmem>>, vector<1x16xf32>,
      %get3A_767 = vector.shape_cast %get3A_766 : vector<1x16xf32> to vector<16xf32>
      %add3A_768 = arith.addf %get3A_763, %get3A_767 : vector<16xf32>
      %swap3A_769 = arith.index_cast %scan3A_116 : i32 to index
      %swap3A_770 = arith.constant 736 : index
      %swap3A_771 = tpu.vector_load %arg6[%swap3A_769, %swap3A_770] {strides = array<i32>} : memref<16x1024xf32, #tpu.memory_space<vmem>>, vector<1x16xf32>,
      %swap3A_772 = vector.shape_cast %swap3A_771 : vector<1x16xf32> to vector<16xf32>
      %swap3A_773 = vector.shape_cast %add3A_768 : vector<16xf32> to vector<1x16xf32>
      tpu.vector_store %arg6[%swap3A_769, %swap3A_770], %swap3A_773 {strides = array<i32>} : memref<16x1024xf32, #tpu.memory_space<vmem>>, vector<1x16xf32>,
      %get3A_774 = arith.index_cast %scan3A_116 : i32 to index
      %get3A_775 = arith.constant 752 : index
      %get3A_776 = tpu.vector_load %arg6[%get3A_774, %get3A_775] {strides = array<i32>} : memref<16x1024xf32, #tpu.memory_space<vmem>>, vector<1x16xf32>,
      %get3A_777 = vector.shape_cast %get3A_776 : vector<1x16xf32> to vector<16xf32>
      %get3A_778 = arith.index_cast %scan3A_116 : i32 to index
      %get3A_779 = arith.constant 752 : index
      %get3A_780 = tpu.vector_load %arg7[%get3A_778, %get3A_779] {strides = array<i32>} : memref<16x1024xf32, #tpu.memory_space<vmem>>, vector<1x16xf32>,
      %get3A_781 = vector.shape_cast %get3A_780 : vector<1x16xf32> to vector<16xf32>
      %add3A_782 = arith.addf %get3A_777, %get3A_781 : vector<16xf32>
      %swap3A_783 = arith.index_cast %scan3A_116 : i32 to index
      %swap3A_784 = arith.constant 752 : index
      %swap3A_785 = tpu.vector_load %arg6[%swap3A_783, %swap3A_784] {strides = array<i32>} : memref<16x1024xf32, #tpu.memory_space<vmem>>, vector<1x16xf32>,
      %swap3A_786 = vector.shape_cast %swap3A_785 : vector<1x16xf32> to vector<16xf32>
      %swap3A_787 = vector.shape_cast %add3A_782 : vector<16xf32> to vector<1x16xf32>
      tpu.vector_store %arg6[%swap3A_783, %swap3A_784], %swap3A_787 {strides = array<i32>} : memref<16x1024xf32, #tpu.memory_space<vmem>>, vector<1x16xf32>,
      %get3A_788 = arith.index_cast %scan3A_116 : i32 to index
      %get3A_789 = arith.constant 768 : index
      %get3A_790 = tpu.vector_load %arg6[%get3A_788, %get3A_789] {strides = array<i32>} : memref<16x1024xf32, #tpu.memory_space<vmem>>, vector<1x16xf32>,
      %get3A_791 = vector.shape_cast %get3A_790 : vector<1x16xf32> to vector<16xf32>
      %get3A_792 = arith.index_cast %scan3A_116 : i32 to index
      %get3A_793 = arith.constant 768 : index
      %get3A_794 = tpu.vector_load %arg7[%get3A_792, %get3A_793] {strides = array<i32>} : memref<16x1024xf32, #tpu.memory_space<vmem>>, vector<1x16xf32>,
      %get3A_795 = vector.shape_cast %get3A_794 : vector<1x16xf32> to vector<16xf32>
      %add3A_796 = arith.addf %get3A_791, %get3A_795 : vector<16xf32>
      %swap3A_797 = arith.index_cast %scan3A_116 : i32 to index
      %swap3A_798 = arith.constant 768 : index
      %swap3A_799 = tpu.vector_load %arg6[%swap3A_797, %swap3A_798] {strides = array<i32>} : memref<16x1024xf32, #tpu.memory_space<vmem>>, vector<1x16xf32>,
      %swap3A_800 = vector.shape_cast %swap3A_799 : vector<1x16xf32> to vector<16xf32>
      %swap3A_801 = vector.shape_cast %add3A_796 : vector<16xf32> to vector<1x16xf32>
      tpu.vector_store %arg6[%swap3A_797, %swap3A_798], %swap3A_801 {strides = array<i32>} : memref<16x1024xf32, #tpu.memory_space<vmem>>, vector<1x16xf32>,
      %get3A_802 = arith.index_cast %scan3A_116 : i32 to index
      %get3A_803 = arith.constant 784 : index
      %get3A_804 = tpu.vector_load %arg6[%get3A_802, %get3A_803] {strides = array<i32>} : memref<16x1024xf32, #tpu.memory_space<vmem>>, vector<1x16xf32>,
      %get3A_805 = vector.shape_cast %get3A_804 : vector<1x16xf32> to vector<16xf32>
      %get3A_806 = arith.index_cast %scan3A_116 : i32 to index
      %get3A_807 = arith.constant 784 : index
      %get3A_808 = tpu.vector_load %arg7[%get3A_806, %get3A_807] {strides = array<i32>} : memref<16x1024xf32, #tpu.memory_space<vmem>>, vector<1x16xf32>,
      %get3A_809 = vector.shape_cast %get3A_808 : vector<1x16xf32> to vector<16xf32>
      %add3A_810 = arith.addf %get3A_805, %get3A_809 : vector<16xf32>
      %swap3A_811 = arith.index_cast %scan3A_116 : i32 to index
      %swap3A_812 = arith.constant 784 : index
      %swap3A_813 = tpu.vector_load %arg6[%swap3A_811, %swap3A_812] {strides = array<i32>} : memref<16x1024xf32, #tpu.memory_space<vmem>>, vector<1x16xf32>,
      %swap3A_814 = vector.shape_cast %swap3A_813 : vector<1x16xf32> to vector<16xf32>
      %swap3A_815 = vector.shape_cast %add3A_810 : vector<16xf32> to vector<1x16xf32>
      tpu.vector_store %arg6[%swap3A_811, %swap3A_812], %swap3A_815 {strides = array<i32>} : memref<16x1024xf32, #tpu.memory_space<vmem>>, vector<1x16xf32>,
      %get3A_816 = arith.index_cast %scan3A_116 : i32 to index
      %get3A_817 = arith.constant 800 : index
      %get3A_818 = tpu.vector_load %arg6[%get3A_816, %get3A_817] {strides = array<i32>} : memref<16x1024xf32, #tpu.memory_space<vmem>>, vector<1x16xf32>,
      %get3A_819 = vector.shape_cast %get3A_818 : vector<1x16xf32> to vector<16xf32>
      %get3A_820 = arith.index_cast %scan3A_116 : i32 to index
      %get3A_821 = arith.constant 800 : index
      %get3A_822 = tpu.vector_load %arg7[%get3A_820, %get3A_821] {strides = array<i32>} : memref<16x1024xf32, #tpu.memory_space<vmem>>, vector<1x16xf32>,
      %get3A_823 = vector.shape_cast %get3A_822 : vector<1x16xf32> to vector<16xf32>
      %add3A_824 = arith.addf %get3A_819, %get3A_823 : vector<16xf32>
      %swap3A_825 = arith.index_cast %scan3A_116 : i32 to index
      %swap3A_826 = arith.constant 800 : index
      %swap3A_827 = tpu.vector_load %arg6[%swap3A_825, %swap3A_826] {strides = array<i32>} : memref<16x1024xf32, #tpu.memory_space<vmem>>, vector<1x16xf32>,
      %swap3A_828 = vector.shape_cast %swap3A_827 : vector<1x16xf32> to vector<16xf32>
      %swap3A_829 = vector.shape_cast %add3A_824 : vector<16xf32> to vector<1x16xf32>
      tpu.vector_store %arg6[%swap3A_825, %swap3A_826], %swap3A_829 {strides = array<i32>} : memref<16x1024xf32, #tpu.memory_space<vmem>>, vector<1x16xf32>,
      %get3A_830 = arith.index_cast %scan3A_116 : i32 to index
      %get3A_831 = arith.constant 816 : index
      %get3A_832 = tpu.vector_load %arg6[%get3A_830, %get3A_831] {strides = array<i32>} : memref<16x1024xf32, #tpu.memory_space<vmem>>, vector<1x16xf32>,
      %get3A_833 = vector.shape_cast %get3A_832 : vector<1x16xf32> to vector<16xf32>
      %get3A_834 = arith.index_cast %scan3A_116 : i32 to index
      %get3A_835 = arith.constant 816 : index
      %get3A_836 = tpu.vector_load %arg7[%get3A_834, %get3A_835] {strides = array<i32>} : memref<16x1024xf32, #tpu.memory_space<vmem>>, vector<1x16xf32>,
      %get3A_837 = vector.shape_cast %get3A_836 : vector<1x16xf32> to vector<16xf32>
      %add3A_838 = arith.addf %get3A_833, %get3A_837 : vector<16xf32>
      %swap3A_839 = arith.index_cast %scan3A_116 : i32 to index
      %swap3A_840 = arith.constant 816 : index
      %swap3A_841 = tpu.vector_load %arg6[%swap3A_839, %swap3A_840] {strides = array<i32>} : memref<16x1024xf32, #tpu.memory_space<vmem>>, vector<1x16xf32>,
      %swap3A_842 = vector.shape_cast %swap3A_841 : vector<1x16xf32> to vector<16xf32>
      %swap3A_843 = vector.shape_cast %add3A_838 : vector<16xf32> to vector<1x16xf32>
      tpu.vector_store %arg6[%swap3A_839, %swap3A_840], %swap3A_843 {strides = array<i32>} : memref<16x1024xf32, #tpu.memory_space<vmem>>, vector<1x16xf32>,
      %get3A_844 = arith.index_cast %scan3A_116 : i32 to index
      %get3A_845 = arith.constant 832 : index
      %get3A_846 = tpu.vector_load %arg6[%get3A_844, %get3A_845] {strides = array<i32>} : memref<16x1024xf32, #tpu.memory_space<vmem>>, vector<1x16xf32>,
      %get3A_847 = vector.shape_cast %get3A_846 : vector<1x16xf32> to vector<16xf32>
      %get3A_848 = arith.index_cast %scan3A_116 : i32 to index
      %get3A_849 = arith.constant 832 : index
      %get3A_850 = tpu.vector_load %arg7[%get3A_848, %get3A_849] {strides = array<i32>} : memref<16x1024xf32, #tpu.memory_space<vmem>>, vector<1x16xf32>,
      %get3A_851 = vector.shape_cast %get3A_850 : vector<1x16xf32> to vector<16xf32>
      %add3A_852 = arith.addf %get3A_847, %get3A_851 : vector<16xf32>
      %swap3A_853 = arith.index_cast %scan3A_116 : i32 to index
      %swap3A_854 = arith.constant 832 : index
      %swap3A_855 = tpu.vector_load %arg6[%swap3A_853, %swap3A_854] {strides = array<i32>} : memref<16x1024xf32, #tpu.memory_space<vmem>>, vector<1x16xf32>,
      %swap3A_856 = vector.shape_cast %swap3A_855 : vector<1x16xf32> to vector<16xf32>
      %swap3A_857 = vector.shape_cast %add3A_852 : vector<16xf32> to vector<1x16xf32>
      tpu.vector_store %arg6[%swap3A_853, %swap3A_854], %swap3A_857 {strides = array<i32>} : memref<16x1024xf32, #tpu.memory_space<vmem>>, vector<1x16xf32>,
      %get3A_858 = arith.index_cast %scan3A_116 : i32 to index
      %get3A_859 = arith.constant 848 : index
      %get3A_860 = tpu.vector_load %arg6[%get3A_858, %get3A_859] {strides = array<i32>} : memref<16x1024xf32, #tpu.memory_space<vmem>>, vector<1x16xf32>,
      %get3A_861 = vector.shape_cast %get3A_860 : vector<1x16xf32> to vector<16xf32>
      %get3A_862 = arith.index_cast %scan3A_116 : i32 to index
      %get3A_863 = arith.constant 848 : index
      %get3A_864 = tpu.vector_load %arg7[%get3A_862, %get3A_863] {strides = array<i32>} : memref<16x1024xf32, #tpu.memory_space<vmem>>, vector<1x16xf32>,
      %get3A_865 = vector.shape_cast %get3A_864 : vector<1x16xf32> to vector<16xf32>
      %add3A_866 = arith.addf %get3A_861, %get3A_865 : vector<16xf32>
      %swap3A_867 = arith.index_cast %scan3A_116 : i32 to index
      %swap3A_868 = arith.constant 848 : index
      %swap3A_869 = tpu.vector_load %arg6[%swap3A_867, %swap3A_868] {strides = array<i32>} : memref<16x1024xf32, #tpu.memory_space<vmem>>, vector<1x16xf32>,
      %swap3A_870 = vector.shape_cast %swap3A_869 : vector<1x16xf32> to vector<16xf32>
      %swap3A_871 = vector.shape_cast %add3A_866 : vector<16xf32> to vector<1x16xf32>
      tpu.vector_store %arg6[%swap3A_867, %swap3A_868], %swap3A_871 {strides = array<i32>} : memref<16x1024xf32, #tpu.memory_space<vmem>>, vector<1x16xf32>,
      %get3A_872 = arith.index_cast %scan3A_116 : i32 to index
      %get3A_873 = arith.constant 864 : index
      %get3A_874 = tpu.vector_load %arg6[%get3A_872, %get3A_873] {strides = array<i32>} : memref<16x1024xf32, #tpu.memory_space<vmem>>, vector<1x16xf32>,
      %get3A_875 = vector.shape_cast %get3A_874 : vector<1x16xf32> to vector<16xf32>
      %get3A_876 = arith.index_cast %scan3A_116 : i32 to index
      %get3A_877 = arith.constant 864 : index
      %get3A_878 = tpu.vector_load %arg7[%get3A_876, %get3A_877] {strides = array<i32>} : memref<16x1024xf32, #tpu.memory_space<vmem>>, vector<1x16xf32>,
      %get3A_879 = vector.shape_cast %get3A_878 : vector<1x16xf32> to vector<16xf32>
      %add3A_880 = arith.addf %get3A_875, %get3A_879 : vector<16xf32>
      %swap3A_881 = arith.index_cast %scan3A_116 : i32 to index
      %swap3A_882 = arith.constant 864 : index
      %swap3A_883 = tpu.vector_load %arg6[%swap3A_881, %swap3A_882] {strides = array<i32>} : memref<16x1024xf32, #tpu.memory_space<vmem>>, vector<1x16xf32>,
      %swap3A_884 = vector.shape_cast %swap3A_883 : vector<1x16xf32> to vector<16xf32>
      %swap3A_885 = vector.shape_cast %add3A_880 : vector<16xf32> to vector<1x16xf32>
      tpu.vector_store %arg6[%swap3A_881, %swap3A_882], %swap3A_885 {strides = array<i32>} : memref<16x1024xf32, #tpu.memory_space<vmem>>, vector<1x16xf32>,
      %get3A_886 = arith.index_cast %scan3A_116 : i32 to index
      %get3A_887 = arith.constant 880 : index
      %get3A_888 = tpu.vector_load %arg6[%get3A_886, %get3A_887] {strides = array<i32>} : memref<16x1024xf32, #tpu.memory_space<vmem>>, vector<1x16xf32>,
      %get3A_889 = vector.shape_cast %get3A_888 : vector<1x16xf32> to vector<16xf32>
      %get3A_890 = arith.index_cast %scan3A_116 : i32 to index
      %get3A_891 = arith.constant 880 : index
      %get3A_892 = tpu.vector_load %arg7[%get3A_890, %get3A_891] {strides = array<i32>} : memref<16x1024xf32, #tpu.memory_space<vmem>>, vector<1x16xf32>,
      %get3A_893 = vector.shape_cast %get3A_892 : vector<1x16xf32> to vector<16xf32>
      %add3A_894 = arith.addf %get3A_889, %get3A_893 : vector<16xf32>
      %swap3A_895 = arith.index_cast %scan3A_116 : i32 to index
      %swap3A_896 = arith.constant 880 : index
      %swap3A_897 = tpu.vector_load %arg6[%swap3A_895, %swap3A_896] {strides = array<i32>} : memref<16x1024xf32, #tpu.memory_space<vmem>>, vector<1x16xf32>,
      %swap3A_898 = vector.shape_cast %swap3A_897 : vector<1x16xf32> to vector<16xf32>
      %swap3A_899 = vector.shape_cast %add3A_894 : vector<16xf32> to vector<1x16xf32>
      tpu.vector_store %arg6[%swap3A_895, %swap3A_896], %swap3A_899 {strides = array<i32>} : memref<16x1024xf32, #tpu.memory_space<vmem>>, vector<1x16xf32>,
      %get3A_900 = arith.index_cast %scan3A_116 : i32 to index
      %get3A_901 = arith.constant 896 : index
      %get3A_902 = tpu.vector_load %arg6[%get3A_900, %get3A_901] {strides = array<i32>} : memref<16x1024xf32, #tpu.memory_space<vmem>>, vector<1x16xf32>,
      %get3A_903 = vector.shape_cast %get3A_902 : vector<1x16xf32> to vector<16xf32>
      %get3A_904 = arith.index_cast %scan3A_116 : i32 to index
      %get3A_905 = arith.constant 896 : index
      %get3A_906 = tpu.vector_load %arg7[%get3A_904, %get3A_905] {strides = array<i32>} : memref<16x1024xf32, #tpu.memory_space<vmem>>, vector<1x16xf32>,
      %get3A_907 = vector.shape_cast %get3A_906 : vector<1x16xf32> to vector<16xf32>
      %add3A_908 = arith.addf %get3A_903, %get3A_907 : vector<16xf32>
      %swap3A_909 = arith.index_cast %scan3A_116 : i32 to index
      %swap3A_910 = arith.constant 896 : index
      %swap3A_911 = tpu.vector_load %arg6[%swap3A_909, %swap3A_910] {strides = array<i32>} : memref<16x1024xf32, #tpu.memory_space<vmem>>, vector<1x16xf32>,
      %swap3A_912 = vector.shape_cast %swap3A_911 : vector<1x16xf32> to vector<16xf32>
      %swap3A_913 = vector.shape_cast %add3A_908 : vector<16xf32> to vector<1x16xf32>
      tpu.vector_store %arg6[%swap3A_909, %swap3A_910], %swap3A_913 {strides = array<i32>} : memref<16x1024xf32, #tpu.memory_space<vmem>>, vector<1x16xf32>,
      %get3A_914 = arith.index_cast %scan3A_116 : i32 to index
      %get3A_915 = arith.constant 912 : index
      %get3A_916 = tpu.vector_load %arg6[%get3A_914, %get3A_915] {strides = array<i32>} : memref<16x1024xf32, #tpu.memory_space<vmem>>, vector<1x16xf32>,
      %get3A_917 = vector.shape_cast %get3A_916 : vector<1x16xf32> to vector<16xf32>
      %get3A_918 = arith.index_cast %scan3A_116 : i32 to index
      %get3A_919 = arith.constant 912 : index
      %get3A_920 = tpu.vector_load %arg7[%get3A_918, %get3A_919] {strides = array<i32>} : memref<16x1024xf32, #tpu.memory_space<vmem>>, vector<1x16xf32>,
      %get3A_921 = vector.shape_cast %get3A_920 : vector<1x16xf32> to vector<16xf32>
      %add3A_922 = arith.addf %get3A_917, %get3A_921 : vector<16xf32>
      %swap3A_923 = arith.index_cast %scan3A_116 : i32 to index
      %swap3A_924 = arith.constant 912 : index
      %swap3A_925 = tpu.vector_load %arg6[%swap3A_923, %swap3A_924] {strides = array<i32>} : memref<16x1024xf32, #tpu.memory_space<vmem>>, vector<1x16xf32>,
      %swap3A_926 = vector.shape_cast %swap3A_925 : vector<1x16xf32> to vector<16xf32>
      %swap3A_927 = vector.shape_cast %add3A_922 : vector<16xf32> to vector<1x16xf32>
      tpu.vector_store %arg6[%swap3A_923, %swap3A_924], %swap3A_927 {strides = array<i32>} : memref<16x1024xf32, #tpu.memory_space<vmem>>, vector<1x16xf32>,
      %get3A_928 = arith.index_cast %scan3A_116 : i32 to index
      %get3A_929 = arith.constant 928 : index
      %get3A_930 = tpu.vector_load %arg6[%get3A_928, %get3A_929] {strides = array<i32>} : memref<16x1024xf32, #tpu.memory_space<vmem>>, vector<1x16xf32>,
      %get3A_931 = vector.shape_cast %get3A_930 : vector<1x16xf32> to vector<16xf32>
      %get3A_932 = arith.index_cast %scan3A_116 : i32 to index
      %get3A_933 = arith.constant 928 : index
      %get3A_934 = tpu.vector_load %arg7[%get3A_932, %get3A_933] {strides = array<i32>} : memref<16x1024xf32, #tpu.memory_space<vmem>>, vector<1x16xf32>,
      %get3A_935 = vector.shape_cast %get3A_934 : vector<1x16xf32> to vector<16xf32>
      %add3A_936 = arith.addf %get3A_931, %get3A_935 : vector<16xf32>
      %swap3A_937 = arith.index_cast %scan3A_116 : i32 to index
      %swap3A_938 = arith.constant 928 : index
      %swap3A_939 = tpu.vector_load %arg6[%swap3A_937, %swap3A_938] {strides = array<i32>} : memref<16x1024xf32, #tpu.memory_space<vmem>>, vector<1x16xf32>,
      %swap3A_940 = vector.shape_cast %swap3A_939 : vector<1x16xf32> to vector<16xf32>
      %swap3A_941 = vector.shape_cast %add3A_936 : vector<16xf32> to vector<1x16xf32>
      tpu.vector_store %arg6[%swap3A_937, %swap3A_938], %swap3A_941 {strides = array<i32>} : memref<16x1024xf32, #tpu.memory_space<vmem>>, vector<1x16xf32>,
      %get3A_942 = arith.index_cast %scan3A_116 : i32 to index
      %get3A_943 = arith.constant 944 : index
      %get3A_944 = tpu.vector_load %arg6[%get3A_942, %get3A_943] {strides = array<i32>} : memref<16x1024xf32, #tpu.memory_space<vmem>>, vector<1x16xf32>,
      %get3A_945 = vector.shape_cast %get3A_944 : vector<1x16xf32> to vector<16xf32>
      %get3A_946 = arith.index_cast %scan3A_116 : i32 to index
      %get3A_947 = arith.constant 944 : index
      %get3A_948 = tpu.vector_load %arg7[%get3A_946, %get3A_947] {strides = array<i32>} : memref<16x1024xf32, #tpu.memory_space<vmem>>, vector<1x16xf32>,
      %get3A_949 = vector.shape_cast %get3A_948 : vector<1x16xf32> to vector<16xf32>
      %add3A_950 = arith.addf %get3A_945, %get3A_949 : vector<16xf32>
      %swap3A_951 = arith.index_cast %scan3A_116 : i32 to index
      %swap3A_952 = arith.constant 944 : index
      %swap3A_953 = tpu.vector_load %arg6[%swap3A_951, %swap3A_952] {strides = array<i32>} : memref<16x1024xf32, #tpu.memory_space<vmem>>, vector<1x16xf32>,
      %swap3A_954 = vector.shape_cast %swap3A_953 : vector<1x16xf32> to vector<16xf32>
      %swap3A_955 = vector.shape_cast %add3A_950 : vector<16xf32> to vector<1x16xf32>
      tpu.vector_store %arg6[%swap3A_951, %swap3A_952], %swap3A_955 {strides = array<i32>} : memref<16x1024xf32, #tpu.memory_space<vmem>>, vector<1x16xf32>,
      %get3A_956 = arith.index_cast %scan3A_116 : i32 to index
      %get3A_957 = arith.constant 960 : index
      %get3A_958 = tpu.vector_load %arg6[%get3A_956, %get3A_957] {strides = array<i32>} : memref<16x1024xf32, #tpu.memory_space<vmem>>, vector<1x16xf32>,
      %get3A_959 = vector.shape_cast %get3A_958 : vector<1x16xf32> to vector<16xf32>
      %get3A_960 = arith.index_cast %scan3A_116 : i32 to index
      %get3A_961 = arith.constant 960 : index
      %get3A_962 = tpu.vector_load %arg7[%get3A_960, %get3A_961] {strides = array<i32>} : memref<16x1024xf32, #tpu.memory_space<vmem>>, vector<1x16xf32>,
      %get3A_963 = vector.shape_cast %get3A_962 : vector<1x16xf32> to vector<16xf32>
      %add3A_964 = arith.addf %get3A_959, %get3A_963 : vector<16xf32>
      %swap3A_965 = arith.index_cast %scan3A_116 : i32 to index
      %swap3A_966 = arith.constant 960 : index
      %swap3A_967 = tpu.vector_load %arg6[%swap3A_965, %swap3A_966] {strides = array<i32>} : memref<16x1024xf32, #tpu.memory_space<vmem>>, vector<1x16xf32>,
      %swap3A_968 = vector.shape_cast %swap3A_967 : vector<1x16xf32> to vector<16xf32>
      %swap3A_969 = vector.shape_cast %add3A_964 : vector<16xf32> to vector<1x16xf32>
      tpu.vector_store %arg6[%swap3A_965, %swap3A_966], %swap3A_969 {strides = array<i32>} : memref<16x1024xf32, #tpu.memory_space<vmem>>, vector<1x16xf32>,
      %get3A_970 = arith.index_cast %scan3A_116 : i32 to index
      %get3A_971 = arith.constant 976 : index
      %get3A_972 = tpu.vector_load %arg6[%get3A_970, %get3A_971] {strides = array<i32>} : memref<16x1024xf32, #tpu.memory_space<vmem>>, vector<1x16xf32>,
      %get3A_973 = vector.shape_cast %get3A_972 : vector<1x16xf32> to vector<16xf32>
      %get3A_974 = arith.index_cast %scan3A_116 : i32 to index
      %get3A_975 = arith.constant 976 : index
      %get3A_976 = tpu.vector_load %arg7[%get3A_974, %get3A_975] {strides = array<i32>} : memref<16x1024xf32, #tpu.memory_space<vmem>>, vector<1x16xf32>,
      %get3A_977 = vector.shape_cast %get3A_976 : vector<1x16xf32> to vector<16xf32>
      %add3A_978 = arith.addf %get3A_973, %get3A_977 : vector<16xf32>
      %swap3A_979 = arith.index_cast %scan3A_116 : i32 to index
      %swap3A_980 = arith.constant 976 : index
      %swap3A_981 = tpu.vector_load %arg6[%swap3A_979, %swap3A_980] {strides = array<i32>} : memref<16x1024xf32, #tpu.memory_space<vmem>>, vector<1x16xf32>,
      %swap3A_982 = vector.shape_cast %swap3A_981 : vector<1x16xf32> to vector<16xf32>
      %swap3A_983 = vector.shape_cast %add3A_978 : vector<16xf32> to vector<1x16xf32>
      tpu.vector_store %arg6[%swap3A_979, %swap3A_980], %swap3A_983 {strides = array<i32>} : memref<16x1024xf32, #tpu.memory_space<vmem>>, vector<1x16xf32>,
      %get3A_984 = arith.index_cast %scan3A_116 : i32 to index
      %get3A_985 = arith.constant 992 : index
      %get3A_986 = tpu.vector_load %arg6[%get3A_984, %get3A_985] {strides = array<i32>} : memref<16x1024xf32, #tpu.memory_space<vmem>>, vector<1x16xf32>,
      %get3A_987 = vector.shape_cast %get3A_986 : vector<1x16xf32> to vector<16xf32>
      %get3A_988 = arith.index_cast %scan3A_116 : i32 to index
      %get3A_989 = arith.constant 992 : index
      %get3A_990 = tpu.vector_load %arg7[%get3A_988, %get3A_989] {strides = array<i32>} : memref<16x1024xf32, #tpu.memory_space<vmem>>, vector<1x16xf32>,
      %get3A_991 = vector.shape_cast %get3A_990 : vector<1x16xf32> to vector<16xf32>
      %add3A_992 = arith.addf %get3A_987, %get3A_991 : vector<16xf32>
      %swap3A_993 = arith.index_cast %scan3A_116 : i32 to index
      %swap3A_994 = arith.constant 992 : index
      %swap3A_995 = tpu.vector_load %arg6[%swap3A_993, %swap3A_994] {strides = array<i32>} : memref<16x1024xf32, #tpu.memory_space<vmem>>, vector<1x16xf32>,
      %swap3A_996 = vector.shape_cast %swap3A_995 : vector<1x16xf32> to vector<16xf32>
      %swap3A_997 = vector.shape_cast %add3A_992 : vector<16xf32> to vector<1x16xf32>
      tpu.vector_store %arg6[%swap3A_993, %swap3A_994], %swap3A_997 {strides = array<i32>} : memref<16x1024xf32, #tpu.memory_space<vmem>>, vector<1x16xf32>,
      %get3A_998 = arith.index_cast %scan3A_116 : i32 to index
      %get3A_999 = arith.constant 1008 : index
      %get3A_1000 = tpu.vector_load %arg6[%get3A_998, %get3A_999] {strides = array<i32>} : memref<16x1024xf32, #tpu.memory_space<vmem>>, vector<1x16xf32>,
      %get3A_1001 = vector.shape_cast %get3A_1000 : vector<1x16xf32> to vector<16xf32>
      %get3A_1002 = arith.index_cast %scan3A_116 : i32 to index
      %get3A_1003 = arith.constant 1008 : index
      %get3A_1004 = tpu.vector_load %arg7[%get3A_1002, %get3A_1003] {strides = array<i32>} : memref<16x1024xf32, #tpu.memory_space<vmem>>, vector<1x16xf32>,
      %get3A_1005 = vector.shape_cast %get3A_1004 : vector<1x16xf32> to vector<16xf32>
      %add3A_1006 = arith.addf %get3A_1001, %get3A_1005 : vector<16xf32>
      %swap3A_1007 = arith.index_cast %scan3A_116 : i32 to index
      %swap3A_1008 = arith.constant 1008 : index
      %swap3A_1009 = tpu.vector_load %arg6[%swap3A_1007, %swap3A_1008] {strides = array<i32>} : memref<16x1024xf32, #tpu.memory_space<vmem>>, vector<1x16xf32>,
      %swap3A_1010 = vector.shape_cast %swap3A_1009 : vector<1x16xf32> to vector<16xf32>
      %swap3A_1011 = vector.shape_cast %add3A_1006 : vector<16xf32> to vector<1x16xf32>
      tpu.vector_store %arg6[%swap3A_1007, %swap3A_1008], %swap3A_1011 {strides = array<i32>} : memref<16x1024xf32, #tpu.memory_space<vmem>>, vector<1x16xf32>,
      %scan3A_1012 = arith.constant 0 : i32
      scf.yield %scan3A_1012 : i32
    }
    %scan3A_36 = arith.constant 16 : i32
    %add3A_37 = arith.constant 0 : i32
    %add3A_38 = arith.addi %mul3A_2, %add3A_37 : i32
    "tpu.region"() ({
      %run_scoped3A = tpu.sem_alloc : memref<!tpu.dma_semaphore, #tpu.memory_space<semaphore_mem>>
      %dma_start3A_116 = arith.constant 0 : i32
      %dma_start3A_117 = tpu.memref_slice %arg5[%add3A_38, %dma_start3A_116] : memref<2048x1024xf32, #tpu.memory_space<hbm>> -> memref<16x1024xf32, #tpu.memory_space<hbm>>
      %dma_start3A_118 = arith.constant 0 : i32
      %dma_start3A_119 = tpu.memref_slice %arg5[%add3A_38, %dma_start3A_118] : memref<2048x1024xf32, #tpu.memory_space<hbm>> -> memref<16x1024xf32, #tpu.memory_space<hbm>>
      tpu.enqueue_dma source(%arg6 : memref<16x1024xf32, #tpu.memory_space<vmem>>) target(%dma_start3A_119 : memref<16x1024xf32, #tpu.memory_space<hbm>>) target_semaphore(%run_scoped3A : memref<!tpu.dma_semaphore, #tpu.memory_space<semaphore_mem>>)
      %dma_wait3A_120 = arith.constant 0 : i32
      %dma_wait3A_121 = tpu.memref_slice %arg5[%add3A_38, %dma_wait3A_120] : memref<2048x1024xf32, #tpu.memory_space<hbm>> -> memref<16x1024xf32, #tpu.memory_space<hbm>>
      %dma_wait3A_122 = arith.constant 0 : i32
      %dma_wait3A_123 = tpu.memref_slice %arg5[%add3A_38, %dma_wait3A_122] : memref<2048x1024xf32, #tpu.memory_space<hbm>> -> memref<16x1024xf32, #tpu.memory_space<hbm>>
      tpu.wait_dma2 semaphore(%run_scoped3A : memref<!tpu.dma_semaphore, #tpu.memory_space<semaphore_mem>>) src(%arg6 : memref<16x1024xf32, #tpu.memory_space<vmem>>) dst(%dma_wait3A_123 : memref<16x1024xf32, #tpu.memory_space<hbm>>)
      tpu.yield
    }) : () -> ()
    %dma_start3A_39 = arith.constant 32 : i32
    %dma_start3A_40 = tpu.memref_slice %arg10[%dma_start3A_39] : memref<64xi32, #tpu.memory_space<vmem>> -> memref<16xi32, #tpu.memory_space<vmem>>
    %dma_start3A_41 = arith.constant 0 : i32
    %dma_start3A_42 = arith.constant 0 : i32
    %dma_start3A_43 = tpu.memref_slice %arg2[%dma_start3A_41, %dma_start3A_42] : memref<8640x1024xf32, #tpu.memory_space<hbm>> -> memref<8640x1024xf32, #tpu.memory_space<hbm>>
    tpu.enqueue_indirect_dma source(%dma_start3A_43 : memref<8640x1024xf32, #tpu.memory_space<hbm>>) target(%arg6 : memref<16x1024xf32, #tpu.memory_space<vmem>>) offsets(%dma_start3A_40 : memref<16xi32, #tpu.memory_space<vmem>>) semaphore(%arg12 : memref<!tpu.dma_semaphore, #tpu.memory_space<semaphore_mem>>)
    %dma_start3A_44 = arith.constant 32 : i32
    %dma_start3A_45 = tpu.memref_slice %arg11[%dma_start3A_44] : memref<64xi32, #tpu.memory_space<vmem>> -> memref<16xi32, #tpu.memory_space<vmem>>
    %dma_start3A_46 = arith.constant 0 : i32
    %dma_start3A_47 = arith.constant 0 : i32
    %dma_start3A_48 = tpu.memref_slice %arg2[%dma_start3A_46, %dma_start3A_47] : memref<8640x1024xf32, #tpu.memory_space<hbm>> -> memref<8640x1024xf32, #tpu.memory_space<hbm>>
    tpu.enqueue_indirect_dma source(%dma_start3A_48 : memref<8640x1024xf32, #tpu.memory_space<hbm>>) target(%arg7 : memref<16x1024xf32, #tpu.memory_space<vmem>>) offsets(%dma_start3A_45 : memref<16xi32, #tpu.memory_space<vmem>>) semaphore(%arg12 : memref<!tpu.dma_semaphore, #tpu.memory_space<semaphore_mem>>)
    %dma_wait3A_49 = arith.constant 16 : i32
    %dma_wait3A_50 = tpu.memref_slice %arg10[%dma_wait3A_49] : memref<64xi32, #tpu.memory_space<vmem>> -> memref<16xi32, #tpu.memory_space<vmem>>
    %dma_wait3A_51 = arith.constant 0 : i32
    %dma_wait3A_52 = arith.constant 0 : i32
    %dma_wait3A_53 = tpu.memref_slice %arg2[%dma_wait3A_51, %dma_wait3A_52] : memref<8640x1024xf32, #tpu.memory_space<hbm>> -> memref<8640x1024xf32, #tpu.memory_space<hbm>>
    tpu.wait_indirect_dma semaphore(%arg13 : memref<!tpu.dma_semaphore, #tpu.memory_space<semaphore_mem>>) src(%dma_wait3A_53 : memref<8640x1024xf32, #tpu.memory_space<hbm>>) dst(%arg8 : memref<16x1024xf32, #tpu.memory_space<vmem>>)
    %dma_wait3A_54 = arith.constant 16 : i32
    %dma_wait3A_55 = tpu.memref_slice %arg11[%dma_wait3A_54] : memref<64xi32, #tpu.memory_space<vmem>> -> memref<16xi32, #tpu.memory_space<vmem>>
    %dma_wait3A_56 = arith.constant 0 : i32
    %dma_wait3A_57 = arith.constant 0 : i32
    %dma_wait3A_58 = tpu.memref_slice %arg2[%dma_wait3A_56, %dma_wait3A_57] : memref<8640x1024xf32, #tpu.memory_space<hbm>> -> memref<8640x1024xf32, #tpu.memory_space<hbm>>
    tpu.wait_indirect_dma semaphore(%arg13 : memref<!tpu.dma_semaphore, #tpu.memory_space<semaphore_mem>>) src(%dma_wait3A_58 : memref<8640x1024xf32, #tpu.memory_space<hbm>>) dst(%arg9 : memref<16x1024xf32, #tpu.memory_space<vmem>>)
    %scan3A_59 = arith.constant 0 : i32
    %scan3A_60 = arith.constant 0 : i32
    %scan3A_61 = arith.constant 16 : i32
    %scan3A_62 = arith.addi %scan3A_60, %scan3A_61 : i32
    %scan3A_63 = arith.constant 1 : i32
    %scan3A_64 = scf.for %scan3A_116 = %scan3A_60 to %scan3A_62 step %scan3A_63 iter_args(%scan3A_117 = %scan3A_59) -> (i32)  : i32 {
      %get3A = arith.index_cast %scan3A_116 : i32 to index
      %get3A_118 = arith.constant 0 : index
      %get3A_119 = tpu.vector_load %arg8[%get3A, %get3A_118] {strides = array<i32>} : memref<16x1024xf32, #tpu.memory_space<vmem>>, vector<1x16xf32>,
      %get3A_120 = vector.shape_cast %get3A_119 : vector<1x16xf32> to vector<16xf32>
      %get3A_121 = arith.index_cast %scan3A_116 : i32 to index
      %get3A_122 = arith.constant 0 : index
      %get3A_123 = tpu.vector_load %arg9[%get3A_121, %get3A_122] {strides = array<i32>} : memref<16x1024xf32, #tpu.memory_space<vmem>>, vector<1x16xf32>,
      %get3A_124 = vector.shape_cast %get3A_123 : vector<1x16xf32> to vector<16xf32>
      %add3A_125 = arith.addf %get3A_120, %get3A_124 : vector<16xf32>
      %swap3A = arith.index_cast %scan3A_116 : i32 to index
      %swap3A_126 = arith.constant 0 : index
      %swap3A_127 = tpu.vector_load %arg8[%swap3A, %swap3A_126] {strides = array<i32>} : memref<16x1024xf32, #tpu.memory_space<vmem>>, vector<1x16xf32>,
      %swap3A_128 = vector.shape_cast %swap3A_127 : vector<1x16xf32> to vector<16xf32>
      %swap3A_129 = vector.shape_cast %add3A_125 : vector<16xf32> to vector<1x16xf32>
      tpu.vector_store %arg8[%swap3A, %swap3A_126], %swap3A_129 {strides = array<i32>} : memref<16x1024xf32, #tpu.memory_space<vmem>>, vector<1x16xf32>,
      %get3A_130 = arith.index_cast %scan3A_116 : i32 to index
      %get3A_131 = arith.constant 16 : index
      %get3A_132 = tpu.vector_load %arg8[%get3A_130, %get3A_131] {strides = array<i32>} : memref<16x1024xf32, #tpu.memory_space<vmem>>, vector<1x16xf32>,
      %get3A_133 = vector.shape_cast %get3A_132 : vector<1x16xf32> to vector<16xf32>
      %get3A_134 = arith.index_cast %scan3A_116 : i32 to index
      %get3A_135 = arith.constant 16 : index
      %get3A_136 = tpu.vector_load %arg9[%get3A_134, %get3A_135] {strides = array<i32>} : memref<16x1024xf32, #tpu.memory_space<vmem>>, vector<1x16xf32>,
      %get3A_137 = vector.shape_cast %get3A_136 : vector<1x16xf32> to vector<16xf32>
      %add3A_138 = arith.addf %get3A_133, %get3A_137 : vector<16xf32>
      %swap3A_139 = arith.index_cast %scan3A_116 : i32 to index
      %swap3A_140 = arith.constant 16 : index
      %swap3A_141 = tpu.vector_load %arg8[%swap3A_139, %swap3A_140] {strides = array<i32>} : memref<16x1024xf32, #tpu.memory_space<vmem>>, vector<1x16xf32>,
      %swap3A_142 = vector.shape_cast %swap3A_141 : vector<1x16xf32> to vector<16xf32>
      %swap3A_143 = vector.shape_cast %add3A_138 : vector<16xf32> to vector<1x16xf32>
      tpu.vector_store %arg8[%swap3A_139, %swap3A_140], %swap3A_143 {strides = array<i32>} : memref<16x1024xf32, #tpu.memory_space<vmem>>, vector<1x16xf32>,
      %get3A_144 = arith.index_cast %scan3A_116 : i32 to index
      %get3A_145 = arith.constant 32 : index
      %get3A_146 = tpu.vector_load %arg8[%get3A_144, %get3A_145] {strides = array<i32>} : memref<16x1024xf32, #tpu.memory_space<vmem>>, vector<1x16xf32>,
      %get3A_147 = vector.shape_cast %get3A_146 : vector<1x16xf32> to vector<16xf32>
      %get3A_148 = arith.index_cast %scan3A_116 : i32 to index
      %get3A_149 = arith.constant 32 : index
      %get3A_150 = tpu.vector_load %arg9[%get3A_148, %get3A_149] {strides = array<i32>} : memref<16x1024xf32, #tpu.memory_space<vmem>>, vector<1x16xf32>,
      %get3A_151 = vector.shape_cast %get3A_150 : vector<1x16xf32> to vector<16xf32>
      %add3A_152 = arith.addf %get3A_147, %get3A_151 : vector<16xf32>
      %swap3A_153 = arith.index_cast %scan3A_116 : i32 to index
      %swap3A_154 = arith.constant 32 : index
      %swap3A_155 = tpu.vector_load %arg8[%swap3A_153, %swap3A_154] {strides = array<i32>} : memref<16x1024xf32, #tpu.memory_space<vmem>>, vector<1x16xf32>,
      %swap3A_156 = vector.shape_cast %swap3A_155 : vector<1x16xf32> to vector<16xf32>
      %swap3A_157 = vector.shape_cast %add3A_152 : vector<16xf32> to vector<1x16xf32>
      tpu.vector_store %arg8[%swap3A_153, %swap3A_154], %swap3A_157 {strides = array<i32>} : memref<16x1024xf32, #tpu.memory_space<vmem>>, vector<1x16xf32>,
      %get3A_158 = arith.index_cast %scan3A_116 : i32 to index
      %get3A_159 = arith.constant 48 : index
      %get3A_160 = tpu.vector_load %arg8[%get3A_158, %get3A_159] {strides = array<i32>} : memref<16x1024xf32, #tpu.memory_space<vmem>>, vector<1x16xf32>,
      %get3A_161 = vector.shape_cast %get3A_160 : vector<1x16xf32> to vector<16xf32>
      %get3A_162 = arith.index_cast %scan3A_116 : i32 to index
      %get3A_163 = arith.constant 48 : index
      %get3A_164 = tpu.vector_load %arg9[%get3A_162, %get3A_163] {strides = array<i32>} : memref<16x1024xf32, #tpu.memory_space<vmem>>, vector<1x16xf32>,
      %get3A_165 = vector.shape_cast %get3A_164 : vector<1x16xf32> to vector<16xf32>
      %add3A_166 = arith.addf %get3A_161, %get3A_165 : vector<16xf32>
      %swap3A_167 = arith.index_cast %scan3A_116 : i32 to index
      %swap3A_168 = arith.constant 48 : index
      %swap3A_169 = tpu.vector_load %arg8[%swap3A_167, %swap3A_168] {strides = array<i32>} : memref<16x1024xf32, #tpu.memory_space<vmem>>, vector<1x16xf32>,
      %swap3A_170 = vector.shape_cast %swap3A_169 : vector<1x16xf32> to vector<16xf32>
      %swap3A_171 = vector.shape_cast %add3A_166 : vector<16xf32> to vector<1x16xf32>
      tpu.vector_store %arg8[%swap3A_167, %swap3A_168], %swap3A_171 {strides = array<i32>} : memref<16x1024xf32, #tpu.memory_space<vmem>>, vector<1x16xf32>,
      %get3A_172 = arith.index_cast %scan3A_116 : i32 to index
      %get3A_173 = arith.constant 64 : index
      %get3A_174 = tpu.vector_load %arg8[%get3A_172, %get3A_173] {strides = array<i32>} : memref<16x1024xf32, #tpu.memory_space<vmem>>, vector<1x16xf32>,
      %get3A_175 = vector.shape_cast %get3A_174 : vector<1x16xf32> to vector<16xf32>
      %get3A_176 = arith.index_cast %scan3A_116 : i32 to index
      %get3A_177 = arith.constant 64 : index
      %get3A_178 = tpu.vector_load %arg9[%get3A_176, %get3A_177] {strides = array<i32>} : memref<16x1024xf32, #tpu.memory_space<vmem>>, vector<1x16xf32>,
      %get3A_179 = vector.shape_cast %get3A_178 : vector<1x16xf32> to vector<16xf32>
      %add3A_180 = arith.addf %get3A_175, %get3A_179 : vector<16xf32>
      %swap3A_181 = arith.index_cast %scan3A_116 : i32 to index
      %swap3A_182 = arith.constant 64 : index
      %swap3A_183 = tpu.vector_load %arg8[%swap3A_181, %swap3A_182] {strides = array<i32>} : memref<16x1024xf32, #tpu.memory_space<vmem>>, vector<1x16xf32>,
      %swap3A_184 = vector.shape_cast %swap3A_183 : vector<1x16xf32> to vector<16xf32>
      %swap3A_185 = vector.shape_cast %add3A_180 : vector<16xf32> to vector<1x16xf32>
      tpu.vector_store %arg8[%swap3A_181, %swap3A_182], %swap3A_185 {strides = array<i32>} : memref<16x1024xf32, #tpu.memory_space<vmem>>, vector<1x16xf32>,
      %get3A_186 = arith.index_cast %scan3A_116 : i32 to index
      %get3A_187 = arith.constant 80 : index
      %get3A_188 = tpu.vector_load %arg8[%get3A_186, %get3A_187] {strides = array<i32>} : memref<16x1024xf32, #tpu.memory_space<vmem>>, vector<1x16xf32>,
      %get3A_189 = vector.shape_cast %get3A_188 : vector<1x16xf32> to vector<16xf32>
      %get3A_190 = arith.index_cast %scan3A_116 : i32 to index
      %get3A_191 = arith.constant 80 : index
      %get3A_192 = tpu.vector_load %arg9[%get3A_190, %get3A_191] {strides = array<i32>} : memref<16x1024xf32, #tpu.memory_space<vmem>>, vector<1x16xf32>,
      %get3A_193 = vector.shape_cast %get3A_192 : vector<1x16xf32> to vector<16xf32>
      %add3A_194 = arith.addf %get3A_189, %get3A_193 : vector<16xf32>
      %swap3A_195 = arith.index_cast %scan3A_116 : i32 to index
      %swap3A_196 = arith.constant 80 : index
      %swap3A_197 = tpu.vector_load %arg8[%swap3A_195, %swap3A_196] {strides = array<i32>} : memref<16x1024xf32, #tpu.memory_space<vmem>>, vector<1x16xf32>,
      %swap3A_198 = vector.shape_cast %swap3A_197 : vector<1x16xf32> to vector<16xf32>
      %swap3A_199 = vector.shape_cast %add3A_194 : vector<16xf32> to vector<1x16xf32>
      tpu.vector_store %arg8[%swap3A_195, %swap3A_196], %swap3A_199 {strides = array<i32>} : memref<16x1024xf32, #tpu.memory_space<vmem>>, vector<1x16xf32>,
      %get3A_200 = arith.index_cast %scan3A_116 : i32 to index
      %get3A_201 = arith.constant 96 : index
      %get3A_202 = tpu.vector_load %arg8[%get3A_200, %get3A_201] {strides = array<i32>} : memref<16x1024xf32, #tpu.memory_space<vmem>>, vector<1x16xf32>,
      %get3A_203 = vector.shape_cast %get3A_202 : vector<1x16xf32> to vector<16xf32>
      %get3A_204 = arith.index_cast %scan3A_116 : i32 to index
      %get3A_205 = arith.constant 96 : index
      %get3A_206 = tpu.vector_load %arg9[%get3A_204, %get3A_205] {strides = array<i32>} : memref<16x1024xf32, #tpu.memory_space<vmem>>, vector<1x16xf32>,
      %get3A_207 = vector.shape_cast %get3A_206 : vector<1x16xf32> to vector<16xf32>
      %add3A_208 = arith.addf %get3A_203, %get3A_207 : vector<16xf32>
      %swap3A_209 = arith.index_cast %scan3A_116 : i32 to index
      %swap3A_210 = arith.constant 96 : index
      %swap3A_211 = tpu.vector_load %arg8[%swap3A_209, %swap3A_210] {strides = array<i32>} : memref<16x1024xf32, #tpu.memory_space<vmem>>, vector<1x16xf32>,
      %swap3A_212 = vector.shape_cast %swap3A_211 : vector<1x16xf32> to vector<16xf32>
      %swap3A_213 = vector.shape_cast %add3A_208 : vector<16xf32> to vector<1x16xf32>
      tpu.vector_store %arg8[%swap3A_209, %swap3A_210], %swap3A_213 {strides = array<i32>} : memref<16x1024xf32, #tpu.memory_space<vmem>>, vector<1x16xf32>,
      %get3A_214 = arith.index_cast %scan3A_116 : i32 to index
      %get3A_215 = arith.constant 112 : index
      %get3A_216 = tpu.vector_load %arg8[%get3A_214, %get3A_215] {strides = array<i32>} : memref<16x1024xf32, #tpu.memory_space<vmem>>, vector<1x16xf32>,
      %get3A_217 = vector.shape_cast %get3A_216 : vector<1x16xf32> to vector<16xf32>
      %get3A_218 = arith.index_cast %scan3A_116 : i32 to index
      %get3A_219 = arith.constant 112 : index
      %get3A_220 = tpu.vector_load %arg9[%get3A_218, %get3A_219] {strides = array<i32>} : memref<16x1024xf32, #tpu.memory_space<vmem>>, vector<1x16xf32>,
      %get3A_221 = vector.shape_cast %get3A_220 : vector<1x16xf32> to vector<16xf32>
      %add3A_222 = arith.addf %get3A_217, %get3A_221 : vector<16xf32>
      %swap3A_223 = arith.index_cast %scan3A_116 : i32 to index
      %swap3A_224 = arith.constant 112 : index
      %swap3A_225 = tpu.vector_load %arg8[%swap3A_223, %swap3A_224] {strides = array<i32>} : memref<16x1024xf32, #tpu.memory_space<vmem>>, vector<1x16xf32>,
      %swap3A_226 = vector.shape_cast %swap3A_225 : vector<1x16xf32> to vector<16xf32>
      %swap3A_227 = vector.shape_cast %add3A_222 : vector<16xf32> to vector<1x16xf32>
      tpu.vector_store %arg8[%swap3A_223, %swap3A_224], %swap3A_227 {strides = array<i32>} : memref<16x1024xf32, #tpu.memory_space<vmem>>, vector<1x16xf32>,
      %get3A_228 = arith.index_cast %scan3A_116 : i32 to index
      %get3A_229 = arith.constant 128 : index
      %get3A_230 = tpu.vector_load %arg8[%get3A_228, %get3A_229] {strides = array<i32>} : memref<16x1024xf32, #tpu.memory_space<vmem>>, vector<1x16xf32>,
      %get3A_231 = vector.shape_cast %get3A_230 : vector<1x16xf32> to vector<16xf32>
      %get3A_232 = arith.index_cast %scan3A_116 : i32 to index
      %get3A_233 = arith.constant 128 : index
      %get3A_234 = tpu.vector_load %arg9[%get3A_232, %get3A_233] {strides = array<i32>} : memref<16x1024xf32, #tpu.memory_space<vmem>>, vector<1x16xf32>,
      %get3A_235 = vector.shape_cast %get3A_234 : vector<1x16xf32> to vector<16xf32>
      %add3A_236 = arith.addf %get3A_231, %get3A_235 : vector<16xf32>
      %swap3A_237 = arith.index_cast %scan3A_116 : i32 to index
      %swap3A_238 = arith.constant 128 : index
      %swap3A_239 = tpu.vector_load %arg8[%swap3A_237, %swap3A_238] {strides = array<i32>} : memref<16x1024xf32, #tpu.memory_space<vmem>>, vector<1x16xf32>,
      %swap3A_240 = vector.shape_cast %swap3A_239 : vector<1x16xf32> to vector<16xf32>
      %swap3A_241 = vector.shape_cast %add3A_236 : vector<16xf32> to vector<1x16xf32>
      tpu.vector_store %arg8[%swap3A_237, %swap3A_238], %swap3A_241 {strides = array<i32>} : memref<16x1024xf32, #tpu.memory_space<vmem>>, vector<1x16xf32>,
      %get3A_242 = arith.index_cast %scan3A_116 : i32 to index
      %get3A_243 = arith.constant 144 : index
      %get3A_244 = tpu.vector_load %arg8[%get3A_242, %get3A_243] {strides = array<i32>} : memref<16x1024xf32, #tpu.memory_space<vmem>>, vector<1x16xf32>,
      %get3A_245 = vector.shape_cast %get3A_244 : vector<1x16xf32> to vector<16xf32>
      %get3A_246 = arith.index_cast %scan3A_116 : i32 to index
      %get3A_247 = arith.constant 144 : index
      %get3A_248 = tpu.vector_load %arg9[%get3A_246, %get3A_247] {strides = array<i32>} : memref<16x1024xf32, #tpu.memory_space<vmem>>, vector<1x16xf32>,
      %get3A_249 = vector.shape_cast %get3A_248 : vector<1x16xf32> to vector<16xf32>
      %add3A_250 = arith.addf %get3A_245, %get3A_249 : vector<16xf32>
      %swap3A_251 = arith.index_cast %scan3A_116 : i32 to index
      %swap3A_252 = arith.constant 144 : index
      %swap3A_253 = tpu.vector_load %arg8[%swap3A_251, %swap3A_252] {strides = array<i32>} : memref<16x1024xf32, #tpu.memory_space<vmem>>, vector<1x16xf32>,
      %swap3A_254 = vector.shape_cast %swap3A_253 : vector<1x16xf32> to vector<16xf32>
      %swap3A_255 = vector.shape_cast %add3A_250 : vector<16xf32> to vector<1x16xf32>
      tpu.vector_store %arg8[%swap3A_251, %swap3A_252], %swap3A_255 {strides = array<i32>} : memref<16x1024xf32, #tpu.memory_space<vmem>>, vector<1x16xf32>,
      %get3A_256 = arith.index_cast %scan3A_116 : i32 to index
      %get3A_257 = arith.constant 160 : index
      %get3A_258 = tpu.vector_load %arg8[%get3A_256, %get3A_257] {strides = array<i32>} : memref<16x1024xf32, #tpu.memory_space<vmem>>, vector<1x16xf32>,
      %get3A_259 = vector.shape_cast %get3A_258 : vector<1x16xf32> to vector<16xf32>
      %get3A_260 = arith.index_cast %scan3A_116 : i32 to index
      %get3A_261 = arith.constant 160 : index
      %get3A_262 = tpu.vector_load %arg9[%get3A_260, %get3A_261] {strides = array<i32>} : memref<16x1024xf32, #tpu.memory_space<vmem>>, vector<1x16xf32>,
      %get3A_263 = vector.shape_cast %get3A_262 : vector<1x16xf32> to vector<16xf32>
      %add3A_264 = arith.addf %get3A_259, %get3A_263 : vector<16xf32>
      %swap3A_265 = arith.index_cast %scan3A_116 : i32 to index
      %swap3A_266 = arith.constant 160 : index
      %swap3A_267 = tpu.vector_load %arg8[%swap3A_265, %swap3A_266] {strides = array<i32>} : memref<16x1024xf32, #tpu.memory_space<vmem>>, vector<1x16xf32>,
      %swap3A_268 = vector.shape_cast %swap3A_267 : vector<1x16xf32> to vector<16xf32>
      %swap3A_269 = vector.shape_cast %add3A_264 : vector<16xf32> to vector<1x16xf32>
      tpu.vector_store %arg8[%swap3A_265, %swap3A_266], %swap3A_269 {strides = array<i32>} : memref<16x1024xf32, #tpu.memory_space<vmem>>, vector<1x16xf32>,
      %get3A_270 = arith.index_cast %scan3A_116 : i32 to index
      %get3A_271 = arith.constant 176 : index
      %get3A_272 = tpu.vector_load %arg8[%get3A_270, %get3A_271] {strides = array<i32>} : memref<16x1024xf32, #tpu.memory_space<vmem>>, vector<1x16xf32>,
      %get3A_273 = vector.shape_cast %get3A_272 : vector<1x16xf32> to vector<16xf32>
      %get3A_274 = arith.index_cast %scan3A_116 : i32 to index
      %get3A_275 = arith.constant 176 : index
      %get3A_276 = tpu.vector_load %arg9[%get3A_274, %get3A_275] {strides = array<i32>} : memref<16x1024xf32, #tpu.memory_space<vmem>>, vector<1x16xf32>,
      %get3A_277 = vector.shape_cast %get3A_276 : vector<1x16xf32> to vector<16xf32>
      %add3A_278 = arith.addf %get3A_273, %get3A_277 : vector<16xf32>
      %swap3A_279 = arith.index_cast %scan3A_116 : i32 to index
      %swap3A_280 = arith.constant 176 : index
      %swap3A_281 = tpu.vector_load %arg8[%swap3A_279, %swap3A_280] {strides = array<i32>} : memref<16x1024xf32, #tpu.memory_space<vmem>>, vector<1x16xf32>,
      %swap3A_282 = vector.shape_cast %swap3A_281 : vector<1x16xf32> to vector<16xf32>
      %swap3A_283 = vector.shape_cast %add3A_278 : vector<16xf32> to vector<1x16xf32>
      tpu.vector_store %arg8[%swap3A_279, %swap3A_280], %swap3A_283 {strides = array<i32>} : memref<16x1024xf32, #tpu.memory_space<vmem>>, vector<1x16xf32>,
      %get3A_284 = arith.index_cast %scan3A_116 : i32 to index
      %get3A_285 = arith.constant 192 : index
      %get3A_286 = tpu.vector_load %arg8[%get3A_284, %get3A_285] {strides = array<i32>} : memref<16x1024xf32, #tpu.memory_space<vmem>>, vector<1x16xf32>,
      %get3A_287 = vector.shape_cast %get3A_286 : vector<1x16xf32> to vector<16xf32>
      %get3A_288 = arith.index_cast %scan3A_116 : i32 to index
      %get3A_289 = arith.constant 192 : index
      %get3A_290 = tpu.vector_load %arg9[%get3A_288, %get3A_289] {strides = array<i32>} : memref<16x1024xf32, #tpu.memory_space<vmem>>, vector<1x16xf32>,
      %get3A_291 = vector.shape_cast %get3A_290 : vector<1x16xf32> to vector<16xf32>
      %add3A_292 = arith.addf %get3A_287, %get3A_291 : vector<16xf32>
      %swap3A_293 = arith.index_cast %scan3A_116 : i32 to index
      %swap3A_294 = arith.constant 192 : index
      %swap3A_295 = tpu.vector_load %arg8[%swap3A_293, %swap3A_294] {strides = array<i32>} : memref<16x1024xf32, #tpu.memory_space<vmem>>, vector<1x16xf32>,
      %swap3A_296 = vector.shape_cast %swap3A_295 : vector<1x16xf32> to vector<16xf32>
      %swap3A_297 = vector.shape_cast %add3A_292 : vector<16xf32> to vector<1x16xf32>
      tpu.vector_store %arg8[%swap3A_293, %swap3A_294], %swap3A_297 {strides = array<i32>} : memref<16x1024xf32, #tpu.memory_space<vmem>>, vector<1x16xf32>,
      %get3A_298 = arith.index_cast %scan3A_116 : i32 to index
      %get3A_299 = arith.constant 208 : index
      %get3A_300 = tpu.vector_load %arg8[%get3A_298, %get3A_299] {strides = array<i32>} : memref<16x1024xf32, #tpu.memory_space<vmem>>, vector<1x16xf32>,
      %get3A_301 = vector.shape_cast %get3A_300 : vector<1x16xf32> to vector<16xf32>
      %get3A_302 = arith.index_cast %scan3A_116 : i32 to index
      %get3A_303 = arith.constant 208 : index
      %get3A_304 = tpu.vector_load %arg9[%get3A_302, %get3A_303] {strides = array<i32>} : memref<16x1024xf32, #tpu.memory_space<vmem>>, vector<1x16xf32>,
      %get3A_305 = vector.shape_cast %get3A_304 : vector<1x16xf32> to vector<16xf32>
      %add3A_306 = arith.addf %get3A_301, %get3A_305 : vector<16xf32>
      %swap3A_307 = arith.index_cast %scan3A_116 : i32 to index
      %swap3A_308 = arith.constant 208 : index
      %swap3A_309 = tpu.vector_load %arg8[%swap3A_307, %swap3A_308] {strides = array<i32>} : memref<16x1024xf32, #tpu.memory_space<vmem>>, vector<1x16xf32>,
      %swap3A_310 = vector.shape_cast %swap3A_309 : vector<1x16xf32> to vector<16xf32>
      %swap3A_311 = vector.shape_cast %add3A_306 : vector<16xf32> to vector<1x16xf32>
      tpu.vector_store %arg8[%swap3A_307, %swap3A_308], %swap3A_311 {strides = array<i32>} : memref<16x1024xf32, #tpu.memory_space<vmem>>, vector<1x16xf32>,
      %get3A_312 = arith.index_cast %scan3A_116 : i32 to index
      %get3A_313 = arith.constant 224 : index
      %get3A_314 = tpu.vector_load %arg8[%get3A_312, %get3A_313] {strides = array<i32>} : memref<16x1024xf32, #tpu.memory_space<vmem>>, vector<1x16xf32>,
      %get3A_315 = vector.shape_cast %get3A_314 : vector<1x16xf32> to vector<16xf32>
      %get3A_316 = arith.index_cast %scan3A_116 : i32 to index
      %get3A_317 = arith.constant 224 : index
      %get3A_318 = tpu.vector_load %arg9[%get3A_316, %get3A_317] {strides = array<i32>} : memref<16x1024xf32, #tpu.memory_space<vmem>>, vector<1x16xf32>,
      %get3A_319 = vector.shape_cast %get3A_318 : vector<1x16xf32> to vector<16xf32>
      %add3A_320 = arith.addf %get3A_315, %get3A_319 : vector<16xf32>
      %swap3A_321 = arith.index_cast %scan3A_116 : i32 to index
      %swap3A_322 = arith.constant 224 : index
      %swap3A_323 = tpu.vector_load %arg8[%swap3A_321, %swap3A_322] {strides = array<i32>} : memref<16x1024xf32, #tpu.memory_space<vmem>>, vector<1x16xf32>,
      %swap3A_324 = vector.shape_cast %swap3A_323 : vector<1x16xf32> to vector<16xf32>
      %swap3A_325 = vector.shape_cast %add3A_320 : vector<16xf32> to vector<1x16xf32>
      tpu.vector_store %arg8[%swap3A_321, %swap3A_322], %swap3A_325 {strides = array<i32>} : memref<16x1024xf32, #tpu.memory_space<vmem>>, vector<1x16xf32>,
      %get3A_326 = arith.index_cast %scan3A_116 : i32 to index
      %get3A_327 = arith.constant 240 : index
      %get3A_328 = tpu.vector_load %arg8[%get3A_326, %get3A_327] {strides = array<i32>} : memref<16x1024xf32, #tpu.memory_space<vmem>>, vector<1x16xf32>,
      %get3A_329 = vector.shape_cast %get3A_328 : vector<1x16xf32> to vector<16xf32>
      %get3A_330 = arith.index_cast %scan3A_116 : i32 to index
      %get3A_331 = arith.constant 240 : index
      %get3A_332 = tpu.vector_load %arg9[%get3A_330, %get3A_331] {strides = array<i32>} : memref<16x1024xf32, #tpu.memory_space<vmem>>, vector<1x16xf32>,
      %get3A_333 = vector.shape_cast %get3A_332 : vector<1x16xf32> to vector<16xf32>
      %add3A_334 = arith.addf %get3A_329, %get3A_333 : vector<16xf32>
      %swap3A_335 = arith.index_cast %scan3A_116 : i32 to index
      %swap3A_336 = arith.constant 240 : index
      %swap3A_337 = tpu.vector_load %arg8[%swap3A_335, %swap3A_336] {strides = array<i32>} : memref<16x1024xf32, #tpu.memory_space<vmem>>, vector<1x16xf32>,
      %swap3A_338 = vector.shape_cast %swap3A_337 : vector<1x16xf32> to vector<16xf32>
      %swap3A_339 = vector.shape_cast %add3A_334 : vector<16xf32> to vector<1x16xf32>
      tpu.vector_store %arg8[%swap3A_335, %swap3A_336], %swap3A_339 {strides = array<i32>} : memref<16x1024xf32, #tpu.memory_space<vmem>>, vector<1x16xf32>,
      %get3A_340 = arith.index_cast %scan3A_116 : i32 to index
      %get3A_341 = arith.constant 256 : index
      %get3A_342 = tpu.vector_load %arg8[%get3A_340, %get3A_341] {strides = array<i32>} : memref<16x1024xf32, #tpu.memory_space<vmem>>, vector<1x16xf32>,
      %get3A_343 = vector.shape_cast %get3A_342 : vector<1x16xf32> to vector<16xf32>
      %get3A_344 = arith.index_cast %scan3A_116 : i32 to index
      %get3A_345 = arith.constant 256 : index
      %get3A_346 = tpu.vector_load %arg9[%get3A_344, %get3A_345] {strides = array<i32>} : memref<16x1024xf32, #tpu.memory_space<vmem>>, vector<1x16xf32>,
      %get3A_347 = vector.shape_cast %get3A_346 : vector<1x16xf32> to vector<16xf32>
      %add3A_348 = arith.addf %get3A_343, %get3A_347 : vector<16xf32>
      %swap3A_349 = arith.index_cast %scan3A_116 : i32 to index
      %swap3A_350 = arith.constant 256 : index
      %swap3A_351 = tpu.vector_load %arg8[%swap3A_349, %swap3A_350] {strides = array<i32>} : memref<16x1024xf32, #tpu.memory_space<vmem>>, vector<1x16xf32>,
      %swap3A_352 = vector.shape_cast %swap3A_351 : vector<1x16xf32> to vector<16xf32>
      %swap3A_353 = vector.shape_cast %add3A_348 : vector<16xf32> to vector<1x16xf32>
      tpu.vector_store %arg8[%swap3A_349, %swap3A_350], %swap3A_353 {strides = array<i32>} : memref<16x1024xf32, #tpu.memory_space<vmem>>, vector<1x16xf32>,
      %get3A_354 = arith.index_cast %scan3A_116 : i32 to index
      %get3A_355 = arith.constant 272 : index
      %get3A_356 = tpu.vector_load %arg8[%get3A_354, %get3A_355] {strides = array<i32>} : memref<16x1024xf32, #tpu.memory_space<vmem>>, vector<1x16xf32>,
      %get3A_357 = vector.shape_cast %get3A_356 : vector<1x16xf32> to vector<16xf32>
      %get3A_358 = arith.index_cast %scan3A_116 : i32 to index
      %get3A_359 = arith.constant 272 : index
      %get3A_360 = tpu.vector_load %arg9[%get3A_358, %get3A_359] {strides = array<i32>} : memref<16x1024xf32, #tpu.memory_space<vmem>>, vector<1x16xf32>,
      %get3A_361 = vector.shape_cast %get3A_360 : vector<1x16xf32> to vector<16xf32>
      %add3A_362 = arith.addf %get3A_357, %get3A_361 : vector<16xf32>
      %swap3A_363 = arith.index_cast %scan3A_116 : i32 to index
      %swap3A_364 = arith.constant 272 : index
      %swap3A_365 = tpu.vector_load %arg8[%swap3A_363, %swap3A_364] {strides = array<i32>} : memref<16x1024xf32, #tpu.memory_space<vmem>>, vector<1x16xf32>,
      %swap3A_366 = vector.shape_cast %swap3A_365 : vector<1x16xf32> to vector<16xf32>
      %swap3A_367 = vector.shape_cast %add3A_362 : vector<16xf32> to vector<1x16xf32>
      tpu.vector_store %arg8[%swap3A_363, %swap3A_364], %swap3A_367 {strides = array<i32>} : memref<16x1024xf32, #tpu.memory_space<vmem>>, vector<1x16xf32>,
      %get3A_368 = arith.index_cast %scan3A_116 : i32 to index
      %get3A_369 = arith.constant 288 : index
      %get3A_370 = tpu.vector_load %arg8[%get3A_368, %get3A_369] {strides = array<i32>} : memref<16x1024xf32, #tpu.memory_space<vmem>>, vector<1x16xf32>,
      %get3A_371 = vector.shape_cast %get3A_370 : vector<1x16xf32> to vector<16xf32>
      %get3A_372 = arith.index_cast %scan3A_116 : i32 to index
      %get3A_373 = arith.constant 288 : index
      %get3A_374 = tpu.vector_load %arg9[%get3A_372, %get3A_373] {strides = array<i32>} : memref<16x1024xf32, #tpu.memory_space<vmem>>, vector<1x16xf32>,
      %get3A_375 = vector.shape_cast %get3A_374 : vector<1x16xf32> to vector<16xf32>
      %add3A_376 = arith.addf %get3A_371, %get3A_375 : vector<16xf32>
      %swap3A_377 = arith.index_cast %scan3A_116 : i32 to index
      %swap3A_378 = arith.constant 288 : index
      %swap3A_379 = tpu.vector_load %arg8[%swap3A_377, %swap3A_378] {strides = array<i32>} : memref<16x1024xf32, #tpu.memory_space<vmem>>, vector<1x16xf32>,
      %swap3A_380 = vector.shape_cast %swap3A_379 : vector<1x16xf32> to vector<16xf32>
      %swap3A_381 = vector.shape_cast %add3A_376 : vector<16xf32> to vector<1x16xf32>
      tpu.vector_store %arg8[%swap3A_377, %swap3A_378], %swap3A_381 {strides = array<i32>} : memref<16x1024xf32, #tpu.memory_space<vmem>>, vector<1x16xf32>,
      %get3A_382 = arith.index_cast %scan3A_116 : i32 to index
      %get3A_383 = arith.constant 304 : index
      %get3A_384 = tpu.vector_load %arg8[%get3A_382, %get3A_383] {strides = array<i32>} : memref<16x1024xf32, #tpu.memory_space<vmem>>, vector<1x16xf32>,
      %get3A_385 = vector.shape_cast %get3A_384 : vector<1x16xf32> to vector<16xf32>
      %get3A_386 = arith.index_cast %scan3A_116 : i32 to index
      %get3A_387 = arith.constant 304 : index
      %get3A_388 = tpu.vector_load %arg9[%get3A_386, %get3A_387] {strides = array<i32>} : memref<16x1024xf32, #tpu.memory_space<vmem>>, vector<1x16xf32>,
      %get3A_389 = vector.shape_cast %get3A_388 : vector<1x16xf32> to vector<16xf32>
      %add3A_390 = arith.addf %get3A_385, %get3A_389 : vector<16xf32>
      %swap3A_391 = arith.index_cast %scan3A_116 : i32 to index
      %swap3A_392 = arith.constant 304 : index
      %swap3A_393 = tpu.vector_load %arg8[%swap3A_391, %swap3A_392] {strides = array<i32>} : memref<16x1024xf32, #tpu.memory_space<vmem>>, vector<1x16xf32>,
      %swap3A_394 = vector.shape_cast %swap3A_393 : vector<1x16xf32> to vector<16xf32>
      %swap3A_395 = vector.shape_cast %add3A_390 : vector<16xf32> to vector<1x16xf32>
      tpu.vector_store %arg8[%swap3A_391, %swap3A_392], %swap3A_395 {strides = array<i32>} : memref<16x1024xf32, #tpu.memory_space<vmem>>, vector<1x16xf32>,
      %get3A_396 = arith.index_cast %scan3A_116 : i32 to index
      %get3A_397 = arith.constant 320 : index
      %get3A_398 = tpu.vector_load %arg8[%get3A_396, %get3A_397] {strides = array<i32>} : memref<16x1024xf32, #tpu.memory_space<vmem>>, vector<1x16xf32>,
      %get3A_399 = vector.shape_cast %get3A_398 : vector<1x16xf32> to vector<16xf32>
      %get3A_400 = arith.index_cast %scan3A_116 : i32 to index
      %get3A_401 = arith.constant 320 : index
      %get3A_402 = tpu.vector_load %arg9[%get3A_400, %get3A_401] {strides = array<i32>} : memref<16x1024xf32, #tpu.memory_space<vmem>>, vector<1x16xf32>,
      %get3A_403 = vector.shape_cast %get3A_402 : vector<1x16xf32> to vector<16xf32>
      %add3A_404 = arith.addf %get3A_399, %get3A_403 : vector<16xf32>
      %swap3A_405 = arith.index_cast %scan3A_116 : i32 to index
      %swap3A_406 = arith.constant 320 : index
      %swap3A_407 = tpu.vector_load %arg8[%swap3A_405, %swap3A_406] {strides = array<i32>} : memref<16x1024xf32, #tpu.memory_space<vmem>>, vector<1x16xf32>,
      %swap3A_408 = vector.shape_cast %swap3A_407 : vector<1x16xf32> to vector<16xf32>
      %swap3A_409 = vector.shape_cast %add3A_404 : vector<16xf32> to vector<1x16xf32>
      tpu.vector_store %arg8[%swap3A_405, %swap3A_406], %swap3A_409 {strides = array<i32>} : memref<16x1024xf32, #tpu.memory_space<vmem>>, vector<1x16xf32>,
      %get3A_410 = arith.index_cast %scan3A_116 : i32 to index
      %get3A_411 = arith.constant 336 : index
      %get3A_412 = tpu.vector_load %arg8[%get3A_410, %get3A_411] {strides = array<i32>} : memref<16x1024xf32, #tpu.memory_space<vmem>>, vector<1x16xf32>,
      %get3A_413 = vector.shape_cast %get3A_412 : vector<1x16xf32> to vector<16xf32>
      %get3A_414 = arith.index_cast %scan3A_116 : i32 to index
      %get3A_415 = arith.constant 336 : index
      %get3A_416 = tpu.vector_load %arg9[%get3A_414, %get3A_415] {strides = array<i32>} : memref<16x1024xf32, #tpu.memory_space<vmem>>, vector<1x16xf32>,
      %get3A_417 = vector.shape_cast %get3A_416 : vector<1x16xf32> to vector<16xf32>
      %add3A_418 = arith.addf %get3A_413, %get3A_417 : vector<16xf32>
      %swap3A_419 = arith.index_cast %scan3A_116 : i32 to index
      %swap3A_420 = arith.constant 336 : index
      %swap3A_421 = tpu.vector_load %arg8[%swap3A_419, %swap3A_420] {strides = array<i32>} : memref<16x1024xf32, #tpu.memory_space<vmem>>, vector<1x16xf32>,
      %swap3A_422 = vector.shape_cast %swap3A_421 : vector<1x16xf32> to vector<16xf32>
      %swap3A_423 = vector.shape_cast %add3A_418 : vector<16xf32> to vector<1x16xf32>
      tpu.vector_store %arg8[%swap3A_419, %swap3A_420], %swap3A_423 {strides = array<i32>} : memref<16x1024xf32, #tpu.memory_space<vmem>>, vector<1x16xf32>,
      %get3A_424 = arith.index_cast %scan3A_116 : i32 to index
      %get3A_425 = arith.constant 352 : index
      %get3A_426 = tpu.vector_load %arg8[%get3A_424, %get3A_425] {strides = array<i32>} : memref<16x1024xf32, #tpu.memory_space<vmem>>, vector<1x16xf32>,
      %get3A_427 = vector.shape_cast %get3A_426 : vector<1x16xf32> to vector<16xf32>
      %get3A_428 = arith.index_cast %scan3A_116 : i32 to index
      %get3A_429 = arith.constant 352 : index
      %get3A_430 = tpu.vector_load %arg9[%get3A_428, %get3A_429] {strides = array<i32>} : memref<16x1024xf32, #tpu.memory_space<vmem>>, vector<1x16xf32>,
      %get3A_431 = vector.shape_cast %get3A_430 : vector<1x16xf32> to vector<16xf32>
      %add3A_432 = arith.addf %get3A_427, %get3A_431 : vector<16xf32>
      %swap3A_433 = arith.index_cast %scan3A_116 : i32 to index
      %swap3A_434 = arith.constant 352 : index
      %swap3A_435 = tpu.vector_load %arg8[%swap3A_433, %swap3A_434] {strides = array<i32>} : memref<16x1024xf32, #tpu.memory_space<vmem>>, vector<1x16xf32>,
      %swap3A_436 = vector.shape_cast %swap3A_435 : vector<1x16xf32> to vector<16xf32>
      %swap3A_437 = vector.shape_cast %add3A_432 : vector<16xf32> to vector<1x16xf32>
      tpu.vector_store %arg8[%swap3A_433, %swap3A_434], %swap3A_437 {strides = array<i32>} : memref<16x1024xf32, #tpu.memory_space<vmem>>, vector<1x16xf32>,
      %get3A_438 = arith.index_cast %scan3A_116 : i32 to index
      %get3A_439 = arith.constant 368 : index
      %get3A_440 = tpu.vector_load %arg8[%get3A_438, %get3A_439] {strides = array<i32>} : memref<16x1024xf32, #tpu.memory_space<vmem>>, vector<1x16xf32>,
      %get3A_441 = vector.shape_cast %get3A_440 : vector<1x16xf32> to vector<16xf32>
      %get3A_442 = arith.index_cast %scan3A_116 : i32 to index
      %get3A_443 = arith.constant 368 : index
      %get3A_444 = tpu.vector_load %arg9[%get3A_442, %get3A_443] {strides = array<i32>} : memref<16x1024xf32, #tpu.memory_space<vmem>>, vector<1x16xf32>,
      %get3A_445 = vector.shape_cast %get3A_444 : vector<1x16xf32> to vector<16xf32>
      %add3A_446 = arith.addf %get3A_441, %get3A_445 : vector<16xf32>
      %swap3A_447 = arith.index_cast %scan3A_116 : i32 to index
      %swap3A_448 = arith.constant 368 : index
      %swap3A_449 = tpu.vector_load %arg8[%swap3A_447, %swap3A_448] {strides = array<i32>} : memref<16x1024xf32, #tpu.memory_space<vmem>>, vector<1x16xf32>,
      %swap3A_450 = vector.shape_cast %swap3A_449 : vector<1x16xf32> to vector<16xf32>
      %swap3A_451 = vector.shape_cast %add3A_446 : vector<16xf32> to vector<1x16xf32>
      tpu.vector_store %arg8[%swap3A_447, %swap3A_448], %swap3A_451 {strides = array<i32>} : memref<16x1024xf32, #tpu.memory_space<vmem>>, vector<1x16xf32>,
      %get3A_452 = arith.index_cast %scan3A_116 : i32 to index
      %get3A_453 = arith.constant 384 : index
      %get3A_454 = tpu.vector_load %arg8[%get3A_452, %get3A_453] {strides = array<i32>} : memref<16x1024xf32, #tpu.memory_space<vmem>>, vector<1x16xf32>,
      %get3A_455 = vector.shape_cast %get3A_454 : vector<1x16xf32> to vector<16xf32>
      %get3A_456 = arith.index_cast %scan3A_116 : i32 to index
      %get3A_457 = arith.constant 384 : index
      %get3A_458 = tpu.vector_load %arg9[%get3A_456, %get3A_457] {strides = array<i32>} : memref<16x1024xf32, #tpu.memory_space<vmem>>, vector<1x16xf32>,
      %get3A_459 = vector.shape_cast %get3A_458 : vector<1x16xf32> to vector<16xf32>
      %add3A_460 = arith.addf %get3A_455, %get3A_459 : vector<16xf32>
      %swap3A_461 = arith.index_cast %scan3A_116 : i32 to index
      %swap3A_462 = arith.constant 384 : index
      %swap3A_463 = tpu.vector_load %arg8[%swap3A_461, %swap3A_462] {strides = array<i32>} : memref<16x1024xf32, #tpu.memory_space<vmem>>, vector<1x16xf32>,
      %swap3A_464 = vector.shape_cast %swap3A_463 : vector<1x16xf32> to vector<16xf32>
      %swap3A_465 = vector.shape_cast %add3A_460 : vector<16xf32> to vector<1x16xf32>
      tpu.vector_store %arg8[%swap3A_461, %swap3A_462], %swap3A_465 {strides = array<i32>} : memref<16x1024xf32, #tpu.memory_space<vmem>>, vector<1x16xf32>,
      %get3A_466 = arith.index_cast %scan3A_116 : i32 to index
      %get3A_467 = arith.constant 400 : index
      %get3A_468 = tpu.vector_load %arg8[%get3A_466, %get3A_467] {strides = array<i32>} : memref<16x1024xf32, #tpu.memory_space<vmem>>, vector<1x16xf32>,
      %get3A_469 = vector.shape_cast %get3A_468 : vector<1x16xf32> to vector<16xf32>
      %get3A_470 = arith.index_cast %scan3A_116 : i32 to index
      %get3A_471 = arith.constant 400 : index
      %get3A_472 = tpu.vector_load %arg9[%get3A_470, %get3A_471] {strides = array<i32>} : memref<16x1024xf32, #tpu.memory_space<vmem>>, vector<1x16xf32>,
      %get3A_473 = vector.shape_cast %get3A_472 : vector<1x16xf32> to vector<16xf32>
      %add3A_474 = arith.addf %get3A_469, %get3A_473 : vector<16xf32>
      %swap3A_475 = arith.index_cast %scan3A_116 : i32 to index
      %swap3A_476 = arith.constant 400 : index
      %swap3A_477 = tpu.vector_load %arg8[%swap3A_475, %swap3A_476] {strides = array<i32>} : memref<16x1024xf32, #tpu.memory_space<vmem>>, vector<1x16xf32>,
      %swap3A_478 = vector.shape_cast %swap3A_477 : vector<1x16xf32> to vector<16xf32>
      %swap3A_479 = vector.shape_cast %add3A_474 : vector<16xf32> to vector<1x16xf32>
      tpu.vector_store %arg8[%swap3A_475, %swap3A_476], %swap3A_479 {strides = array<i32>} : memref<16x1024xf32, #tpu.memory_space<vmem>>, vector<1x16xf32>,
      %get3A_480 = arith.index_cast %scan3A_116 : i32 to index
      %get3A_481 = arith.constant 416 : index
      %get3A_482 = tpu.vector_load %arg8[%get3A_480, %get3A_481] {strides = array<i32>} : memref<16x1024xf32, #tpu.memory_space<vmem>>, vector<1x16xf32>,
      %get3A_483 = vector.shape_cast %get3A_482 : vector<1x16xf32> to vector<16xf32>
      %get3A_484 = arith.index_cast %scan3A_116 : i32 to index
      %get3A_485 = arith.constant 416 : index
      %get3A_486 = tpu.vector_load %arg9[%get3A_484, %get3A_485] {strides = array<i32>} : memref<16x1024xf32, #tpu.memory_space<vmem>>, vector<1x16xf32>,
      %get3A_487 = vector.shape_cast %get3A_486 : vector<1x16xf32> to vector<16xf32>
      %add3A_488 = arith.addf %get3A_483, %get3A_487 : vector<16xf32>
      %swap3A_489 = arith.index_cast %scan3A_116 : i32 to index
      %swap3A_490 = arith.constant 416 : index
      %swap3A_491 = tpu.vector_load %arg8[%swap3A_489, %swap3A_490] {strides = array<i32>} : memref<16x1024xf32, #tpu.memory_space<vmem>>, vector<1x16xf32>,
      %swap3A_492 = vector.shape_cast %swap3A_491 : vector<1x16xf32> to vector<16xf32>
      %swap3A_493 = vector.shape_cast %add3A_488 : vector<16xf32> to vector<1x16xf32>
      tpu.vector_store %arg8[%swap3A_489, %swap3A_490], %swap3A_493 {strides = array<i32>} : memref<16x1024xf32, #tpu.memory_space<vmem>>, vector<1x16xf32>,
      %get3A_494 = arith.index_cast %scan3A_116 : i32 to index
      %get3A_495 = arith.constant 432 : index
      %get3A_496 = tpu.vector_load %arg8[%get3A_494, %get3A_495] {strides = array<i32>} : memref<16x1024xf32, #tpu.memory_space<vmem>>, vector<1x16xf32>,
      %get3A_497 = vector.shape_cast %get3A_496 : vector<1x16xf32> to vector<16xf32>
      %get3A_498 = arith.index_cast %scan3A_116 : i32 to index
      %get3A_499 = arith.constant 432 : index
      %get3A_500 = tpu.vector_load %arg9[%get3A_498, %get3A_499] {strides = array<i32>} : memref<16x1024xf32, #tpu.memory_space<vmem>>, vector<1x16xf32>,
      %get3A_501 = vector.shape_cast %get3A_500 : vector<1x16xf32> to vector<16xf32>
      %add3A_502 = arith.addf %get3A_497, %get3A_501 : vector<16xf32>
      %swap3A_503 = arith.index_cast %scan3A_116 : i32 to index
      %swap3A_504 = arith.constant 432 : index
      %swap3A_505 = tpu.vector_load %arg8[%swap3A_503, %swap3A_504] {strides = array<i32>} : memref<16x1024xf32, #tpu.memory_space<vmem>>, vector<1x16xf32>,
      %swap3A_506 = vector.shape_cast %swap3A_505 : vector<1x16xf32> to vector<16xf32>
      %swap3A_507 = vector.shape_cast %add3A_502 : vector<16xf32> to vector<1x16xf32>
      tpu.vector_store %arg8[%swap3A_503, %swap3A_504], %swap3A_507 {strides = array<i32>} : memref<16x1024xf32, #tpu.memory_space<vmem>>, vector<1x16xf32>,
      %get3A_508 = arith.index_cast %scan3A_116 : i32 to index
      %get3A_509 = arith.constant 448 : index
      %get3A_510 = tpu.vector_load %arg8[%get3A_508, %get3A_509] {strides = array<i32>} : memref<16x1024xf32, #tpu.memory_space<vmem>>, vector<1x16xf32>,
      %get3A_511 = vector.shape_cast %get3A_510 : vector<1x16xf32> to vector<16xf32>
      %get3A_512 = arith.index_cast %scan3A_116 : i32 to index
      %get3A_513 = arith.constant 448 : index
      %get3A_514 = tpu.vector_load %arg9[%get3A_512, %get3A_513] {strides = array<i32>} : memref<16x1024xf32, #tpu.memory_space<vmem>>, vector<1x16xf32>,
      %get3A_515 = vector.shape_cast %get3A_514 : vector<1x16xf32> to vector<16xf32>
      %add3A_516 = arith.addf %get3A_511, %get3A_515 : vector<16xf32>
      %swap3A_517 = arith.index_cast %scan3A_116 : i32 to index
      %swap3A_518 = arith.constant 448 : index
      %swap3A_519 = tpu.vector_load %arg8[%swap3A_517, %swap3A_518] {strides = array<i32>} : memref<16x1024xf32, #tpu.memory_space<vmem>>, vector<1x16xf32>,
      %swap3A_520 = vector.shape_cast %swap3A_519 : vector<1x16xf32> to vector<16xf32>
      %swap3A_521 = vector.shape_cast %add3A_516 : vector<16xf32> to vector<1x16xf32>
      tpu.vector_store %arg8[%swap3A_517, %swap3A_518], %swap3A_521 {strides = array<i32>} : memref<16x1024xf32, #tpu.memory_space<vmem>>, vector<1x16xf32>,
      %get3A_522 = arith.index_cast %scan3A_116 : i32 to index
      %get3A_523 = arith.constant 464 : index
      %get3A_524 = tpu.vector_load %arg8[%get3A_522, %get3A_523] {strides = array<i32>} : memref<16x1024xf32, #tpu.memory_space<vmem>>, vector<1x16xf32>,
      %get3A_525 = vector.shape_cast %get3A_524 : vector<1x16xf32> to vector<16xf32>
      %get3A_526 = arith.index_cast %scan3A_116 : i32 to index
      %get3A_527 = arith.constant 464 : index
      %get3A_528 = tpu.vector_load %arg9[%get3A_526, %get3A_527] {strides = array<i32>} : memref<16x1024xf32, #tpu.memory_space<vmem>>, vector<1x16xf32>,
      %get3A_529 = vector.shape_cast %get3A_528 : vector<1x16xf32> to vector<16xf32>
      %add3A_530 = arith.addf %get3A_525, %get3A_529 : vector<16xf32>
      %swap3A_531 = arith.index_cast %scan3A_116 : i32 to index
      %swap3A_532 = arith.constant 464 : index
      %swap3A_533 = tpu.vector_load %arg8[%swap3A_531, %swap3A_532] {strides = array<i32>} : memref<16x1024xf32, #tpu.memory_space<vmem>>, vector<1x16xf32>,
      %swap3A_534 = vector.shape_cast %swap3A_533 : vector<1x16xf32> to vector<16xf32>
      %swap3A_535 = vector.shape_cast %add3A_530 : vector<16xf32> to vector<1x16xf32>
      tpu.vector_store %arg8[%swap3A_531, %swap3A_532], %swap3A_535 {strides = array<i32>} : memref<16x1024xf32, #tpu.memory_space<vmem>>, vector<1x16xf32>,
      %get3A_536 = arith.index_cast %scan3A_116 : i32 to index
      %get3A_537 = arith.constant 480 : index
      %get3A_538 = tpu.vector_load %arg8[%get3A_536, %get3A_537] {strides = array<i32>} : memref<16x1024xf32, #tpu.memory_space<vmem>>, vector<1x16xf32>,
      %get3A_539 = vector.shape_cast %get3A_538 : vector<1x16xf32> to vector<16xf32>
      %get3A_540 = arith.index_cast %scan3A_116 : i32 to index
      %get3A_541 = arith.constant 480 : index
      %get3A_542 = tpu.vector_load %arg9[%get3A_540, %get3A_541] {strides = array<i32>} : memref<16x1024xf32, #tpu.memory_space<vmem>>, vector<1x16xf32>,
      %get3A_543 = vector.shape_cast %get3A_542 : vector<1x16xf32> to vector<16xf32>
      %add3A_544 = arith.addf %get3A_539, %get3A_543 : vector<16xf32>
      %swap3A_545 = arith.index_cast %scan3A_116 : i32 to index
      %swap3A_546 = arith.constant 480 : index
      %swap3A_547 = tpu.vector_load %arg8[%swap3A_545, %swap3A_546] {strides = array<i32>} : memref<16x1024xf32, #tpu.memory_space<vmem>>, vector<1x16xf32>,
      %swap3A_548 = vector.shape_cast %swap3A_547 : vector<1x16xf32> to vector<16xf32>
      %swap3A_549 = vector.shape_cast %add3A_544 : vector<16xf32> to vector<1x16xf32>
      tpu.vector_store %arg8[%swap3A_545, %swap3A_546], %swap3A_549 {strides = array<i32>} : memref<16x1024xf32, #tpu.memory_space<vmem>>, vector<1x16xf32>,
      %get3A_550 = arith.index_cast %scan3A_116 : i32 to index
      %get3A_551 = arith.constant 496 : index
      %get3A_552 = tpu.vector_load %arg8[%get3A_550, %get3A_551] {strides = array<i32>} : memref<16x1024xf32, #tpu.memory_space<vmem>>, vector<1x16xf32>,
      %get3A_553 = vector.shape_cast %get3A_552 : vector<1x16xf32> to vector<16xf32>
      %get3A_554 = arith.index_cast %scan3A_116 : i32 to index
      %get3A_555 = arith.constant 496 : index
      %get3A_556 = tpu.vector_load %arg9[%get3A_554, %get3A_555] {strides = array<i32>} : memref<16x1024xf32, #tpu.memory_space<vmem>>, vector<1x16xf32>,
      %get3A_557 = vector.shape_cast %get3A_556 : vector<1x16xf32> to vector<16xf32>
      %add3A_558 = arith.addf %get3A_553, %get3A_557 : vector<16xf32>
      %swap3A_559 = arith.index_cast %scan3A_116 : i32 to index
      %swap3A_560 = arith.constant 496 : index
      %swap3A_561 = tpu.vector_load %arg8[%swap3A_559, %swap3A_560] {strides = array<i32>} : memref<16x1024xf32, #tpu.memory_space<vmem>>, vector<1x16xf32>,
      %swap3A_562 = vector.shape_cast %swap3A_561 : vector<1x16xf32> to vector<16xf32>
      %swap3A_563 = vector.shape_cast %add3A_558 : vector<16xf32> to vector<1x16xf32>
      tpu.vector_store %arg8[%swap3A_559, %swap3A_560], %swap3A_563 {strides = array<i32>} : memref<16x1024xf32, #tpu.memory_space<vmem>>, vector<1x16xf32>,
      %get3A_564 = arith.index_cast %scan3A_116 : i32 to index
      %get3A_565 = arith.constant 512 : index
      %get3A_566 = tpu.vector_load %arg8[%get3A_564, %get3A_565] {strides = array<i32>} : memref<16x1024xf32, #tpu.memory_space<vmem>>, vector<1x16xf32>,
      %get3A_567 = vector.shape_cast %get3A_566 : vector<1x16xf32> to vector<16xf32>
      %get3A_568 = arith.index_cast %scan3A_116 : i32 to index
      %get3A_569 = arith.constant 512 : index
      %get3A_570 = tpu.vector_load %arg9[%get3A_568, %get3A_569] {strides = array<i32>} : memref<16x1024xf32, #tpu.memory_space<vmem>>, vector<1x16xf32>,
      %get3A_571 = vector.shape_cast %get3A_570 : vector<1x16xf32> to vector<16xf32>
      %add3A_572 = arith.addf %get3A_567, %get3A_571 : vector<16xf32>
      %swap3A_573 = arith.index_cast %scan3A_116 : i32 to index
      %swap3A_574 = arith.constant 512 : index
      %swap3A_575 = tpu.vector_load %arg8[%swap3A_573, %swap3A_574] {strides = array<i32>} : memref<16x1024xf32, #tpu.memory_space<vmem>>, vector<1x16xf32>,
      %swap3A_576 = vector.shape_cast %swap3A_575 : vector<1x16xf32> to vector<16xf32>
      %swap3A_577 = vector.shape_cast %add3A_572 : vector<16xf32> to vector<1x16xf32>
      tpu.vector_store %arg8[%swap3A_573, %swap3A_574], %swap3A_577 {strides = array<i32>} : memref<16x1024xf32, #tpu.memory_space<vmem>>, vector<1x16xf32>,
      %get3A_578 = arith.index_cast %scan3A_116 : i32 to index
      %get3A_579 = arith.constant 528 : index
      %get3A_580 = tpu.vector_load %arg8[%get3A_578, %get3A_579] {strides = array<i32>} : memref<16x1024xf32, #tpu.memory_space<vmem>>, vector<1x16xf32>,
      %get3A_581 = vector.shape_cast %get3A_580 : vector<1x16xf32> to vector<16xf32>
      %get3A_582 = arith.index_cast %scan3A_116 : i32 to index
      %get3A_583 = arith.constant 528 : index
      %get3A_584 = tpu.vector_load %arg9[%get3A_582, %get3A_583] {strides = array<i32>} : memref<16x1024xf32, #tpu.memory_space<vmem>>, vector<1x16xf32>,
      %get3A_585 = vector.shape_cast %get3A_584 : vector<1x16xf32> to vector<16xf32>
      %add3A_586 = arith.addf %get3A_581, %get3A_585 : vector<16xf32>
      %swap3A_587 = arith.index_cast %scan3A_116 : i32 to index
      %swap3A_588 = arith.constant 528 : index
      %swap3A_589 = tpu.vector_load %arg8[%swap3A_587, %swap3A_588] {strides = array<i32>} : memref<16x1024xf32, #tpu.memory_space<vmem>>, vector<1x16xf32>,
      %swap3A_590 = vector.shape_cast %swap3A_589 : vector<1x16xf32> to vector<16xf32>
      %swap3A_591 = vector.shape_cast %add3A_586 : vector<16xf32> to vector<1x16xf32>
      tpu.vector_store %arg8[%swap3A_587, %swap3A_588], %swap3A_591 {strides = array<i32>} : memref<16x1024xf32, #tpu.memory_space<vmem>>, vector<1x16xf32>,
      %get3A_592 = arith.index_cast %scan3A_116 : i32 to index
      %get3A_593 = arith.constant 544 : index
      %get3A_594 = tpu.vector_load %arg8[%get3A_592, %get3A_593] {strides = array<i32>} : memref<16x1024xf32, #tpu.memory_space<vmem>>, vector<1x16xf32>,
      %get3A_595 = vector.shape_cast %get3A_594 : vector<1x16xf32> to vector<16xf32>
      %get3A_596 = arith.index_cast %scan3A_116 : i32 to index
      %get3A_597 = arith.constant 544 : index
      %get3A_598 = tpu.vector_load %arg9[%get3A_596, %get3A_597] {strides = array<i32>} : memref<16x1024xf32, #tpu.memory_space<vmem>>, vector<1x16xf32>,
      %get3A_599 = vector.shape_cast %get3A_598 : vector<1x16xf32> to vector<16xf32>
      %add3A_600 = arith.addf %get3A_595, %get3A_599 : vector<16xf32>
      %swap3A_601 = arith.index_cast %scan3A_116 : i32 to index
      %swap3A_602 = arith.constant 544 : index
      %swap3A_603 = tpu.vector_load %arg8[%swap3A_601, %swap3A_602] {strides = array<i32>} : memref<16x1024xf32, #tpu.memory_space<vmem>>, vector<1x16xf32>,
      %swap3A_604 = vector.shape_cast %swap3A_603 : vector<1x16xf32> to vector<16xf32>
      %swap3A_605 = vector.shape_cast %add3A_600 : vector<16xf32> to vector<1x16xf32>
      tpu.vector_store %arg8[%swap3A_601, %swap3A_602], %swap3A_605 {strides = array<i32>} : memref<16x1024xf32, #tpu.memory_space<vmem>>, vector<1x16xf32>,
      %get3A_606 = arith.index_cast %scan3A_116 : i32 to index
      %get3A_607 = arith.constant 560 : index
      %get3A_608 = tpu.vector_load %arg8[%get3A_606, %get3A_607] {strides = array<i32>} : memref<16x1024xf32, #tpu.memory_space<vmem>>, vector<1x16xf32>,
      %get3A_609 = vector.shape_cast %get3A_608 : vector<1x16xf32> to vector<16xf32>
      %get3A_610 = arith.index_cast %scan3A_116 : i32 to index
      %get3A_611 = arith.constant 560 : index
      %get3A_612 = tpu.vector_load %arg9[%get3A_610, %get3A_611] {strides = array<i32>} : memref<16x1024xf32, #tpu.memory_space<vmem>>, vector<1x16xf32>,
      %get3A_613 = vector.shape_cast %get3A_612 : vector<1x16xf32> to vector<16xf32>
      %add3A_614 = arith.addf %get3A_609, %get3A_613 : vector<16xf32>
      %swap3A_615 = arith.index_cast %scan3A_116 : i32 to index
      %swap3A_616 = arith.constant 560 : index
      %swap3A_617 = tpu.vector_load %arg8[%swap3A_615, %swap3A_616] {strides = array<i32>} : memref<16x1024xf32, #tpu.memory_space<vmem>>, vector<1x16xf32>,
      %swap3A_618 = vector.shape_cast %swap3A_617 : vector<1x16xf32> to vector<16xf32>
      %swap3A_619 = vector.shape_cast %add3A_614 : vector<16xf32> to vector<1x16xf32>
      tpu.vector_store %arg8[%swap3A_615, %swap3A_616], %swap3A_619 {strides = array<i32>} : memref<16x1024xf32, #tpu.memory_space<vmem>>, vector<1x16xf32>,
      %get3A_620 = arith.index_cast %scan3A_116 : i32 to index
      %get3A_621 = arith.constant 576 : index
      %get3A_622 = tpu.vector_load %arg8[%get3A_620, %get3A_621] {strides = array<i32>} : memref<16x1024xf32, #tpu.memory_space<vmem>>, vector<1x16xf32>,
      %get3A_623 = vector.shape_cast %get3A_622 : vector<1x16xf32> to vector<16xf32>
      %get3A_624 = arith.index_cast %scan3A_116 : i32 to index
      %get3A_625 = arith.constant 576 : index
      %get3A_626 = tpu.vector_load %arg9[%get3A_624, %get3A_625] {strides = array<i32>} : memref<16x1024xf32, #tpu.memory_space<vmem>>, vector<1x16xf32>,
      %get3A_627 = vector.shape_cast %get3A_626 : vector<1x16xf32> to vector<16xf32>
      %add3A_628 = arith.addf %get3A_623, %get3A_627 : vector<16xf32>
      %swap3A_629 = arith.index_cast %scan3A_116 : i32 to index
      %swap3A_630 = arith.constant 576 : index
      %swap3A_631 = tpu.vector_load %arg8[%swap3A_629, %swap3A_630] {strides = array<i32>} : memref<16x1024xf32, #tpu.memory_space<vmem>>, vector<1x16xf32>,
      %swap3A_632 = vector.shape_cast %swap3A_631 : vector<1x16xf32> to vector<16xf32>
      %swap3A_633 = vector.shape_cast %add3A_628 : vector<16xf32> to vector<1x16xf32>
      tpu.vector_store %arg8[%swap3A_629, %swap3A_630], %swap3A_633 {strides = array<i32>} : memref<16x1024xf32, #tpu.memory_space<vmem>>, vector<1x16xf32>,
      %get3A_634 = arith.index_cast %scan3A_116 : i32 to index
      %get3A_635 = arith.constant 592 : index
      %get3A_636 = tpu.vector_load %arg8[%get3A_634, %get3A_635] {strides = array<i32>} : memref<16x1024xf32, #tpu.memory_space<vmem>>, vector<1x16xf32>,
      %get3A_637 = vector.shape_cast %get3A_636 : vector<1x16xf32> to vector<16xf32>
      %get3A_638 = arith.index_cast %scan3A_116 : i32 to index
      %get3A_639 = arith.constant 592 : index
      %get3A_640 = tpu.vector_load %arg9[%get3A_638, %get3A_639] {strides = array<i32>} : memref<16x1024xf32, #tpu.memory_space<vmem>>, vector<1x16xf32>,
      %get3A_641 = vector.shape_cast %get3A_640 : vector<1x16xf32> to vector<16xf32>
      %add3A_642 = arith.addf %get3A_637, %get3A_641 : vector<16xf32>
      %swap3A_643 = arith.index_cast %scan3A_116 : i32 to index
      %swap3A_644 = arith.constant 592 : index
      %swap3A_645 = tpu.vector_load %arg8[%swap3A_643, %swap3A_644] {strides = array<i32>} : memref<16x1024xf32, #tpu.memory_space<vmem>>, vector<1x16xf32>,
      %swap3A_646 = vector.shape_cast %swap3A_645 : vector<1x16xf32> to vector<16xf32>
      %swap3A_647 = vector.shape_cast %add3A_642 : vector<16xf32> to vector<1x16xf32>
      tpu.vector_store %arg8[%swap3A_643, %swap3A_644], %swap3A_647 {strides = array<i32>} : memref<16x1024xf32, #tpu.memory_space<vmem>>, vector<1x16xf32>,
      %get3A_648 = arith.index_cast %scan3A_116 : i32 to index
      %get3A_649 = arith.constant 608 : index
      %get3A_650 = tpu.vector_load %arg8[%get3A_648, %get3A_649] {strides = array<i32>} : memref<16x1024xf32, #tpu.memory_space<vmem>>, vector<1x16xf32>,
      %get3A_651 = vector.shape_cast %get3A_650 : vector<1x16xf32> to vector<16xf32>
      %get3A_652 = arith.index_cast %scan3A_116 : i32 to index
      %get3A_653 = arith.constant 608 : index
      %get3A_654 = tpu.vector_load %arg9[%get3A_652, %get3A_653] {strides = array<i32>} : memref<16x1024xf32, #tpu.memory_space<vmem>>, vector<1x16xf32>,
      %get3A_655 = vector.shape_cast %get3A_654 : vector<1x16xf32> to vector<16xf32>
      %add3A_656 = arith.addf %get3A_651, %get3A_655 : vector<16xf32>
      %swap3A_657 = arith.index_cast %scan3A_116 : i32 to index
      %swap3A_658 = arith.constant 608 : index
      %swap3A_659 = tpu.vector_load %arg8[%swap3A_657, %swap3A_658] {strides = array<i32>} : memref<16x1024xf32, #tpu.memory_space<vmem>>, vector<1x16xf32>,
      %swap3A_660 = vector.shape_cast %swap3A_659 : vector<1x16xf32> to vector<16xf32>
      %swap3A_661 = vector.shape_cast %add3A_656 : vector<16xf32> to vector<1x16xf32>
      tpu.vector_store %arg8[%swap3A_657, %swap3A_658], %swap3A_661 {strides = array<i32>} : memref<16x1024xf32, #tpu.memory_space<vmem>>, vector<1x16xf32>,
      %get3A_662 = arith.index_cast %scan3A_116 : i32 to index
      %get3A_663 = arith.constant 624 : index
      %get3A_664 = tpu.vector_load %arg8[%get3A_662, %get3A_663] {strides = array<i32>} : memref<16x1024xf32, #tpu.memory_space<vmem>>, vector<1x16xf32>,
      %get3A_665 = vector.shape_cast %get3A_664 : vector<1x16xf32> to vector<16xf32>
      %get3A_666 = arith.index_cast %scan3A_116 : i32 to index
      %get3A_667 = arith.constant 624 : index
      %get3A_668 = tpu.vector_load %arg9[%get3A_666, %get3A_667] {strides = array<i32>} : memref<16x1024xf32, #tpu.memory_space<vmem>>, vector<1x16xf32>,
      %get3A_669 = vector.shape_cast %get3A_668 : vector<1x16xf32> to vector<16xf32>
      %add3A_670 = arith.addf %get3A_665, %get3A_669 : vector<16xf32>
      %swap3A_671 = arith.index_cast %scan3A_116 : i32 to index
      %swap3A_672 = arith.constant 624 : index
      %swap3A_673 = tpu.vector_load %arg8[%swap3A_671, %swap3A_672] {strides = array<i32>} : memref<16x1024xf32, #tpu.memory_space<vmem>>, vector<1x16xf32>,
      %swap3A_674 = vector.shape_cast %swap3A_673 : vector<1x16xf32> to vector<16xf32>
      %swap3A_675 = vector.shape_cast %add3A_670 : vector<16xf32> to vector<1x16xf32>
      tpu.vector_store %arg8[%swap3A_671, %swap3A_672], %swap3A_675 {strides = array<i32>} : memref<16x1024xf32, #tpu.memory_space<vmem>>, vector<1x16xf32>,
      %get3A_676 = arith.index_cast %scan3A_116 : i32 to index
      %get3A_677 = arith.constant 640 : index
      %get3A_678 = tpu.vector_load %arg8[%get3A_676, %get3A_677] {strides = array<i32>} : memref<16x1024xf32, #tpu.memory_space<vmem>>, vector<1x16xf32>,
      %get3A_679 = vector.shape_cast %get3A_678 : vector<1x16xf32> to vector<16xf32>
      %get3A_680 = arith.index_cast %scan3A_116 : i32 to index
      %get3A_681 = arith.constant 640 : index
      %get3A_682 = tpu.vector_load %arg9[%get3A_680, %get3A_681] {strides = array<i32>} : memref<16x1024xf32, #tpu.memory_space<vmem>>, vector<1x16xf32>,
      %get3A_683 = vector.shape_cast %get3A_682 : vector<1x16xf32> to vector<16xf32>
      %add3A_684 = arith.addf %get3A_679, %get3A_683 : vector<16xf32>
      %swap3A_685 = arith.index_cast %scan3A_116 : i32 to index
      %swap3A_686 = arith.constant 640 : index
      %swap3A_687 = tpu.vector_load %arg8[%swap3A_685, %swap3A_686] {strides = array<i32>} : memref<16x1024xf32, #tpu.memory_space<vmem>>, vector<1x16xf32>,
      %swap3A_688 = vector.shape_cast %swap3A_687 : vector<1x16xf32> to vector<16xf32>
      %swap3A_689 = vector.shape_cast %add3A_684 : vector<16xf32> to vector<1x16xf32>
      tpu.vector_store %arg8[%swap3A_685, %swap3A_686], %swap3A_689 {strides = array<i32>} : memref<16x1024xf32, #tpu.memory_space<vmem>>, vector<1x16xf32>,
      %get3A_690 = arith.index_cast %scan3A_116 : i32 to index
      %get3A_691 = arith.constant 656 : index
      %get3A_692 = tpu.vector_load %arg8[%get3A_690, %get3A_691] {strides = array<i32>} : memref<16x1024xf32, #tpu.memory_space<vmem>>, vector<1x16xf32>,
      %get3A_693 = vector.shape_cast %get3A_692 : vector<1x16xf32> to vector<16xf32>
      %get3A_694 = arith.index_cast %scan3A_116 : i32 to index
      %get3A_695 = arith.constant 656 : index
      %get3A_696 = tpu.vector_load %arg9[%get3A_694, %get3A_695] {strides = array<i32>} : memref<16x1024xf32, #tpu.memory_space<vmem>>, vector<1x16xf32>,
      %get3A_697 = vector.shape_cast %get3A_696 : vector<1x16xf32> to vector<16xf32>
      %add3A_698 = arith.addf %get3A_693, %get3A_697 : vector<16xf32>
      %swap3A_699 = arith.index_cast %scan3A_116 : i32 to index
      %swap3A_700 = arith.constant 656 : index
      %swap3A_701 = tpu.vector_load %arg8[%swap3A_699, %swap3A_700] {strides = array<i32>} : memref<16x1024xf32, #tpu.memory_space<vmem>>, vector<1x16xf32>,
      %swap3A_702 = vector.shape_cast %swap3A_701 : vector<1x16xf32> to vector<16xf32>
      %swap3A_703 = vector.shape_cast %add3A_698 : vector<16xf32> to vector<1x16xf32>
      tpu.vector_store %arg8[%swap3A_699, %swap3A_700], %swap3A_703 {strides = array<i32>} : memref<16x1024xf32, #tpu.memory_space<vmem>>, vector<1x16xf32>,
      %get3A_704 = arith.index_cast %scan3A_116 : i32 to index
      %get3A_705 = arith.constant 672 : index
      %get3A_706 = tpu.vector_load %arg8[%get3A_704, %get3A_705] {strides = array<i32>} : memref<16x1024xf32, #tpu.memory_space<vmem>>, vector<1x16xf32>,
      %get3A_707 = vector.shape_cast %get3A_706 : vector<1x16xf32> to vector<16xf32>
      %get3A_708 = arith.index_cast %scan3A_116 : i32 to index
      %get3A_709 = arith.constant 672 : index
      %get3A_710 = tpu.vector_load %arg9[%get3A_708, %get3A_709] {strides = array<i32>} : memref<16x1024xf32, #tpu.memory_space<vmem>>, vector<1x16xf32>,
      %get3A_711 = vector.shape_cast %get3A_710 : vector<1x16xf32> to vector<16xf32>
      %add3A_712 = arith.addf %get3A_707, %get3A_711 : vector<16xf32>
      %swap3A_713 = arith.index_cast %scan3A_116 : i32 to index
      %swap3A_714 = arith.constant 672 : index
      %swap3A_715 = tpu.vector_load %arg8[%swap3A_713, %swap3A_714] {strides = array<i32>} : memref<16x1024xf32, #tpu.memory_space<vmem>>, vector<1x16xf32>,
      %swap3A_716 = vector.shape_cast %swap3A_715 : vector<1x16xf32> to vector<16xf32>
      %swap3A_717 = vector.shape_cast %add3A_712 : vector<16xf32> to vector<1x16xf32>
      tpu.vector_store %arg8[%swap3A_713, %swap3A_714], %swap3A_717 {strides = array<i32>} : memref<16x1024xf32, #tpu.memory_space<vmem>>, vector<1x16xf32>,
      %get3A_718 = arith.index_cast %scan3A_116 : i32 to index
      %get3A_719 = arith.constant 688 : index
      %get3A_720 = tpu.vector_load %arg8[%get3A_718, %get3A_719] {strides = array<i32>} : memref<16x1024xf32, #tpu.memory_space<vmem>>, vector<1x16xf32>,
      %get3A_721 = vector.shape_cast %get3A_720 : vector<1x16xf32> to vector<16xf32>
      %get3A_722 = arith.index_cast %scan3A_116 : i32 to index
      %get3A_723 = arith.constant 688 : index
      %get3A_724 = tpu.vector_load %arg9[%get3A_722, %get3A_723] {strides = array<i32>} : memref<16x1024xf32, #tpu.memory_space<vmem>>, vector<1x16xf32>,
      %get3A_725 = vector.shape_cast %get3A_724 : vector<1x16xf32> to vector<16xf32>
      %add3A_726 = arith.addf %get3A_721, %get3A_725 : vector<16xf32>
      %swap3A_727 = arith.index_cast %scan3A_116 : i32 to index
      %swap3A_728 = arith.constant 688 : index
      %swap3A_729 = tpu.vector_load %arg8[%swap3A_727, %swap3A_728] {strides = array<i32>} : memref<16x1024xf32, #tpu.memory_space<vmem>>, vector<1x16xf32>,
      %swap3A_730 = vector.shape_cast %swap3A_729 : vector<1x16xf32> to vector<16xf32>
      %swap3A_731 = vector.shape_cast %add3A_726 : vector<16xf32> to vector<1x16xf32>
      tpu.vector_store %arg8[%swap3A_727, %swap3A_728], %swap3A_731 {strides = array<i32>} : memref<16x1024xf32, #tpu.memory_space<vmem>>, vector<1x16xf32>,
      %get3A_732 = arith.index_cast %scan3A_116 : i32 to index
      %get3A_733 = arith.constant 704 : index
      %get3A_734 = tpu.vector_load %arg8[%get3A_732, %get3A_733] {strides = array<i32>} : memref<16x1024xf32, #tpu.memory_space<vmem>>, vector<1x16xf32>,
      %get3A_735 = vector.shape_cast %get3A_734 : vector<1x16xf32> to vector<16xf32>
      %get3A_736 = arith.index_cast %scan3A_116 : i32 to index
      %get3A_737 = arith.constant 704 : index
      %get3A_738 = tpu.vector_load %arg9[%get3A_736, %get3A_737] {strides = array<i32>} : memref<16x1024xf32, #tpu.memory_space<vmem>>, vector<1x16xf32>,
      %get3A_739 = vector.shape_cast %get3A_738 : vector<1x16xf32> to vector<16xf32>
      %add3A_740 = arith.addf %get3A_735, %get3A_739 : vector<16xf32>
      %swap3A_741 = arith.index_cast %scan3A_116 : i32 to index
      %swap3A_742 = arith.constant 704 : index
      %swap3A_743 = tpu.vector_load %arg8[%swap3A_741, %swap3A_742] {strides = array<i32>} : memref<16x1024xf32, #tpu.memory_space<vmem>>, vector<1x16xf32>,
      %swap3A_744 = vector.shape_cast %swap3A_743 : vector<1x16xf32> to vector<16xf32>
      %swap3A_745 = vector.shape_cast %add3A_740 : vector<16xf32> to vector<1x16xf32>
      tpu.vector_store %arg8[%swap3A_741, %swap3A_742], %swap3A_745 {strides = array<i32>} : memref<16x1024xf32, #tpu.memory_space<vmem>>, vector<1x16xf32>,
      %get3A_746 = arith.index_cast %scan3A_116 : i32 to index
      %get3A_747 = arith.constant 720 : index
      %get3A_748 = tpu.vector_load %arg8[%get3A_746, %get3A_747] {strides = array<i32>} : memref<16x1024xf32, #tpu.memory_space<vmem>>, vector<1x16xf32>,
      %get3A_749 = vector.shape_cast %get3A_748 : vector<1x16xf32> to vector<16xf32>
      %get3A_750 = arith.index_cast %scan3A_116 : i32 to index
      %get3A_751 = arith.constant 720 : index
      %get3A_752 = tpu.vector_load %arg9[%get3A_750, %get3A_751] {strides = array<i32>} : memref<16x1024xf32, #tpu.memory_space<vmem>>, vector<1x16xf32>,
      %get3A_753 = vector.shape_cast %get3A_752 : vector<1x16xf32> to vector<16xf32>
      %add3A_754 = arith.addf %get3A_749, %get3A_753 : vector<16xf32>
      %swap3A_755 = arith.index_cast %scan3A_116 : i32 to index
      %swap3A_756 = arith.constant 720 : index
      %swap3A_757 = tpu.vector_load %arg8[%swap3A_755, %swap3A_756] {strides = array<i32>} : memref<16x1024xf32, #tpu.memory_space<vmem>>, vector<1x16xf32>,
      %swap3A_758 = vector.shape_cast %swap3A_757 : vector<1x16xf32> to vector<16xf32>
      %swap3A_759 = vector.shape_cast %add3A_754 : vector<16xf32> to vector<1x16xf32>
      tpu.vector_store %arg8[%swap3A_755, %swap3A_756], %swap3A_759 {strides = array<i32>} : memref<16x1024xf32, #tpu.memory_space<vmem>>, vector<1x16xf32>,
      %get3A_760 = arith.index_cast %scan3A_116 : i32 to index
      %get3A_761 = arith.constant 736 : index
      %get3A_762 = tpu.vector_load %arg8[%get3A_760, %get3A_761] {strides = array<i32>} : memref<16x1024xf32, #tpu.memory_space<vmem>>, vector<1x16xf32>,
      %get3A_763 = vector.shape_cast %get3A_762 : vector<1x16xf32> to vector<16xf32>
      %get3A_764 = arith.index_cast %scan3A_116 : i32 to index
      %get3A_765 = arith.constant 736 : index
      %get3A_766 = tpu.vector_load %arg9[%get3A_764, %get3A_765] {strides = array<i32>} : memref<16x1024xf32, #tpu.memory_space<vmem>>, vector<1x16xf32>,
      %get3A_767 = vector.shape_cast %get3A_766 : vector<1x16xf32> to vector<16xf32>
      %add3A_768 = arith.addf %get3A_763, %get3A_767 : vector<16xf32>
      %swap3A_769 = arith.index_cast %scan3A_116 : i32 to index
      %swap3A_770 = arith.constant 736 : index
      %swap3A_771 = tpu.vector_load %arg8[%swap3A_769, %swap3A_770] {strides = array<i32>} : memref<16x1024xf32, #tpu.memory_space<vmem>>, vector<1x16xf32>,
      %swap3A_772 = vector.shape_cast %swap3A_771 : vector<1x16xf32> to vector<16xf32>
      %swap3A_773 = vector.shape_cast %add3A_768 : vector<16xf32> to vector<1x16xf32>
      tpu.vector_store %arg8[%swap3A_769, %swap3A_770], %swap3A_773 {strides = array<i32>} : memref<16x1024xf32, #tpu.memory_space<vmem>>, vector<1x16xf32>,
      %get3A_774 = arith.index_cast %scan3A_116 : i32 to index
      %get3A_775 = arith.constant 752 : index
      %get3A_776 = tpu.vector_load %arg8[%get3A_774, %get3A_775] {strides = array<i32>} : memref<16x1024xf32, #tpu.memory_space<vmem>>, vector<1x16xf32>,
      %get3A_777 = vector.shape_cast %get3A_776 : vector<1x16xf32> to vector<16xf32>
      %get3A_778 = arith.index_cast %scan3A_116 : i32 to index
      %get3A_779 = arith.constant 752 : index
      %get3A_780 = tpu.vector_load %arg9[%get3A_778, %get3A_779] {strides = array<i32>} : memref<16x1024xf32, #tpu.memory_space<vmem>>, vector<1x16xf32>,
      %get3A_781 = vector.shape_cast %get3A_780 : vector<1x16xf32> to vector<16xf32>
      %add3A_782 = arith.addf %get3A_777, %get3A_781 : vector<16xf32>
      %swap3A_783 = arith.index_cast %scan3A_116 : i32 to index
      %swap3A_784 = arith.constant 752 : index
      %swap3A_785 = tpu.vector_load %arg8[%swap3A_783, %swap3A_784] {strides = array<i32>} : memref<16x1024xf32, #tpu.memory_space<vmem>>, vector<1x16xf32>,
      %swap3A_786 = vector.shape_cast %swap3A_785 : vector<1x16xf32> to vector<16xf32>
      %swap3A_787 = vector.shape_cast %add3A_782 : vector<16xf32> to vector<1x16xf32>
      tpu.vector_store %arg8[%swap3A_783, %swap3A_784], %swap3A_787 {strides = array<i32>} : memref<16x1024xf32, #tpu.memory_space<vmem>>, vector<1x16xf32>,
      %get3A_788 = arith.index_cast %scan3A_116 : i32 to index
      %get3A_789 = arith.constant 768 : index
      %get3A_790 = tpu.vector_load %arg8[%get3A_788, %get3A_789] {strides = array<i32>} : memref<16x1024xf32, #tpu.memory_space<vmem>>, vector<1x16xf32>,
      %get3A_791 = vector.shape_cast %get3A_790 : vector<1x16xf32> to vector<16xf32>
      %get3A_792 = arith.index_cast %scan3A_116 : i32 to index
      %get3A_793 = arith.constant 768 : index
      %get3A_794 = tpu.vector_load %arg9[%get3A_792, %get3A_793] {strides = array<i32>} : memref<16x1024xf32, #tpu.memory_space<vmem>>, vector<1x16xf32>,
      %get3A_795 = vector.shape_cast %get3A_794 : vector<1x16xf32> to vector<16xf32>
      %add3A_796 = arith.addf %get3A_791, %get3A_795 : vector<16xf32>
      %swap3A_797 = arith.index_cast %scan3A_116 : i32 to index
      %swap3A_798 = arith.constant 768 : index
      %swap3A_799 = tpu.vector_load %arg8[%swap3A_797, %swap3A_798] {strides = array<i32>} : memref<16x1024xf32, #tpu.memory_space<vmem>>, vector<1x16xf32>,
      %swap3A_800 = vector.shape_cast %swap3A_799 : vector<1x16xf32> to vector<16xf32>
      %swap3A_801 = vector.shape_cast %add3A_796 : vector<16xf32> to vector<1x16xf32>
      tpu.vector_store %arg8[%swap3A_797, %swap3A_798], %swap3A_801 {strides = array<i32>} : memref<16x1024xf32, #tpu.memory_space<vmem>>, vector<1x16xf32>,
      %get3A_802 = arith.index_cast %scan3A_116 : i32 to index
      %get3A_803 = arith.constant 784 : index
      %get3A_804 = tpu.vector_load %arg8[%get3A_802, %get3A_803] {strides = array<i32>} : memref<16x1024xf32, #tpu.memory_space<vmem>>, vector<1x16xf32>,
      %get3A_805 = vector.shape_cast %get3A_804 : vector<1x16xf32> to vector<16xf32>
      %get3A_806 = arith.index_cast %scan3A_116 : i32 to index
      %get3A_807 = arith.constant 784 : index
      %get3A_808 = tpu.vector_load %arg9[%get3A_806, %get3A_807] {strides = array<i32>} : memref<16x1024xf32, #tpu.memory_space<vmem>>, vector<1x16xf32>,
      %get3A_809 = vector.shape_cast %get3A_808 : vector<1x16xf32> to vector<16xf32>
      %add3A_810 = arith.addf %get3A_805, %get3A_809 : vector<16xf32>
      %swap3A_811 = arith.index_cast %scan3A_116 : i32 to index
      %swap3A_812 = arith.constant 784 : index
      %swap3A_813 = tpu.vector_load %arg8[%swap3A_811, %swap3A_812] {strides = array<i32>} : memref<16x1024xf32, #tpu.memory_space<vmem>>, vector<1x16xf32>,
      %swap3A_814 = vector.shape_cast %swap3A_813 : vector<1x16xf32> to vector<16xf32>
      %swap3A_815 = vector.shape_cast %add3A_810 : vector<16xf32> to vector<1x16xf32>
      tpu.vector_store %arg8[%swap3A_811, %swap3A_812], %swap3A_815 {strides = array<i32>} : memref<16x1024xf32, #tpu.memory_space<vmem>>, vector<1x16xf32>,
      %get3A_816 = arith.index_cast %scan3A_116 : i32 to index
      %get3A_817 = arith.constant 800 : index
      %get3A_818 = tpu.vector_load %arg8[%get3A_816, %get3A_817] {strides = array<i32>} : memref<16x1024xf32, #tpu.memory_space<vmem>>, vector<1x16xf32>,
      %get3A_819 = vector.shape_cast %get3A_818 : vector<1x16xf32> to vector<16xf32>
      %get3A_820 = arith.index_cast %scan3A_116 : i32 to index
      %get3A_821 = arith.constant 800 : index
      %get3A_822 = tpu.vector_load %arg9[%get3A_820, %get3A_821] {strides = array<i32>} : memref<16x1024xf32, #tpu.memory_space<vmem>>, vector<1x16xf32>,
      %get3A_823 = vector.shape_cast %get3A_822 : vector<1x16xf32> to vector<16xf32>
      %add3A_824 = arith.addf %get3A_819, %get3A_823 : vector<16xf32>
      %swap3A_825 = arith.index_cast %scan3A_116 : i32 to index
      %swap3A_826 = arith.constant 800 : index
      %swap3A_827 = tpu.vector_load %arg8[%swap3A_825, %swap3A_826] {strides = array<i32>} : memref<16x1024xf32, #tpu.memory_space<vmem>>, vector<1x16xf32>,
      %swap3A_828 = vector.shape_cast %swap3A_827 : vector<1x16xf32> to vector<16xf32>
      %swap3A_829 = vector.shape_cast %add3A_824 : vector<16xf32> to vector<1x16xf32>
      tpu.vector_store %arg8[%swap3A_825, %swap3A_826], %swap3A_829 {strides = array<i32>} : memref<16x1024xf32, #tpu.memory_space<vmem>>, vector<1x16xf32>,
      %get3A_830 = arith.index_cast %scan3A_116 : i32 to index
      %get3A_831 = arith.constant 816 : index
      %get3A_832 = tpu.vector_load %arg8[%get3A_830, %get3A_831] {strides = array<i32>} : memref<16x1024xf32, #tpu.memory_space<vmem>>, vector<1x16xf32>,
      %get3A_833 = vector.shape_cast %get3A_832 : vector<1x16xf32> to vector<16xf32>
      %get3A_834 = arith.index_cast %scan3A_116 : i32 to index
      %get3A_835 = arith.constant 816 : index
      %get3A_836 = tpu.vector_load %arg9[%get3A_834, %get3A_835] {strides = array<i32>} : memref<16x1024xf32, #tpu.memory_space<vmem>>, vector<1x16xf32>,
      %get3A_837 = vector.shape_cast %get3A_836 : vector<1x16xf32> to vector<16xf32>
      %add3A_838 = arith.addf %get3A_833, %get3A_837 : vector<16xf32>
      %swap3A_839 = arith.index_cast %scan3A_116 : i32 to index
      %swap3A_840 = arith.constant 816 : index
      %swap3A_841 = tpu.vector_load %arg8[%swap3A_839, %swap3A_840] {strides = array<i32>} : memref<16x1024xf32, #tpu.memory_space<vmem>>, vector<1x16xf32>,
      %swap3A_842 = vector.shape_cast %swap3A_841 : vector<1x16xf32> to vector<16xf32>
      %swap3A_843 = vector.shape_cast %add3A_838 : vector<16xf32> to vector<1x16xf32>
      tpu.vector_store %arg8[%swap3A_839, %swap3A_840], %swap3A_843 {strides = array<i32>} : memref<16x1024xf32, #tpu.memory_space<vmem>>, vector<1x16xf32>,
      %get3A_844 = arith.index_cast %scan3A_116 : i32 to index
      %get3A_845 = arith.constant 832 : index
      %get3A_846 = tpu.vector_load %arg8[%get3A_844, %get3A_845] {strides = array<i32>} : memref<16x1024xf32, #tpu.memory_space<vmem>>, vector<1x16xf32>,
      %get3A_847 = vector.shape_cast %get3A_846 : vector<1x16xf32> to vector<16xf32>
      %get3A_848 = arith.index_cast %scan3A_116 : i32 to index
      %get3A_849 = arith.constant 832 : index
      %get3A_850 = tpu.vector_load %arg9[%get3A_848, %get3A_849] {strides = array<i32>} : memref<16x1024xf32, #tpu.memory_space<vmem>>, vector<1x16xf32>,
      %get3A_851 = vector.shape_cast %get3A_850 : vector<1x16xf32> to vector<16xf32>
      %add3A_852 = arith.addf %get3A_847, %get3A_851 : vector<16xf32>
      %swap3A_853 = arith.index_cast %scan3A_116 : i32 to index
      %swap3A_854 = arith.constant 832 : index
      %swap3A_855 = tpu.vector_load %arg8[%swap3A_853, %swap3A_854] {strides = array<i32>} : memref<16x1024xf32, #tpu.memory_space<vmem>>, vector<1x16xf32>,
      %swap3A_856 = vector.shape_cast %swap3A_855 : vector<1x16xf32> to vector<16xf32>
      %swap3A_857 = vector.shape_cast %add3A_852 : vector<16xf32> to vector<1x16xf32>
      tpu.vector_store %arg8[%swap3A_853, %swap3A_854], %swap3A_857 {strides = array<i32>} : memref<16x1024xf32, #tpu.memory_space<vmem>>, vector<1x16xf32>,
      %get3A_858 = arith.index_cast %scan3A_116 : i32 to index
      %get3A_859 = arith.constant 848 : index
      %get3A_860 = tpu.vector_load %arg8[%get3A_858, %get3A_859] {strides = array<i32>} : memref<16x1024xf32, #tpu.memory_space<vmem>>, vector<1x16xf32>,
      %get3A_861 = vector.shape_cast %get3A_860 : vector<1x16xf32> to vector<16xf32>
      %get3A_862 = arith.index_cast %scan3A_116 : i32 to index
      %get3A_863 = arith.constant 848 : index
      %get3A_864 = tpu.vector_load %arg9[%get3A_862, %get3A_863] {strides = array<i32>} : memref<16x1024xf32, #tpu.memory_space<vmem>>, vector<1x16xf32>,
      %get3A_865 = vector.shape_cast %get3A_864 : vector<1x16xf32> to vector<16xf32>
      %add3A_866 = arith.addf %get3A_861, %get3A_865 : vector<16xf32>
      %swap3A_867 = arith.index_cast %scan3A_116 : i32 to index
      %swap3A_868 = arith.constant 848 : index
      %swap3A_869 = tpu.vector_load %arg8[%swap3A_867, %swap3A_868] {strides = array<i32>} : memref<16x1024xf32, #tpu.memory_space<vmem>>, vector<1x16xf32>,
      %swap3A_870 = vector.shape_cast %swap3A_869 : vector<1x16xf32> to vector<16xf32>
      %swap3A_871 = vector.shape_cast %add3A_866 : vector<16xf32> to vector<1x16xf32>
      tpu.vector_store %arg8[%swap3A_867, %swap3A_868], %swap3A_871 {strides = array<i32>} : memref<16x1024xf32, #tpu.memory_space<vmem>>, vector<1x16xf32>,
      %get3A_872 = arith.index_cast %scan3A_116 : i32 to index
      %get3A_873 = arith.constant 864 : index
      %get3A_874 = tpu.vector_load %arg8[%get3A_872, %get3A_873] {strides = array<i32>} : memref<16x1024xf32, #tpu.memory_space<vmem>>, vector<1x16xf32>,
      %get3A_875 = vector.shape_cast %get3A_874 : vector<1x16xf32> to vector<16xf32>
      %get3A_876 = arith.index_cast %scan3A_116 : i32 to index
      %get3A_877 = arith.constant 864 : index
      %get3A_878 = tpu.vector_load %arg9[%get3A_876, %get3A_877] {strides = array<i32>} : memref<16x1024xf32, #tpu.memory_space<vmem>>, vector<1x16xf32>,
      %get3A_879 = vector.shape_cast %get3A_878 : vector<1x16xf32> to vector<16xf32>
      %add3A_880 = arith.addf %get3A_875, %get3A_879 : vector<16xf32>
      %swap3A_881 = arith.index_cast %scan3A_116 : i32 to index
      %swap3A_882 = arith.constant 864 : index
      %swap3A_883 = tpu.vector_load %arg8[%swap3A_881, %swap3A_882] {strides = array<i32>} : memref<16x1024xf32, #tpu.memory_space<vmem>>, vector<1x16xf32>,
      %swap3A_884 = vector.shape_cast %swap3A_883 : vector<1x16xf32> to vector<16xf32>
      %swap3A_885 = vector.shape_cast %add3A_880 : vector<16xf32> to vector<1x16xf32>
      tpu.vector_store %arg8[%swap3A_881, %swap3A_882], %swap3A_885 {strides = array<i32>} : memref<16x1024xf32, #tpu.memory_space<vmem>>, vector<1x16xf32>,
      %get3A_886 = arith.index_cast %scan3A_116 : i32 to index
      %get3A_887 = arith.constant 880 : index
      %get3A_888 = tpu.vector_load %arg8[%get3A_886, %get3A_887] {strides = array<i32>} : memref<16x1024xf32, #tpu.memory_space<vmem>>, vector<1x16xf32>,
      %get3A_889 = vector.shape_cast %get3A_888 : vector<1x16xf32> to vector<16xf32>
      %get3A_890 = arith.index_cast %scan3A_116 : i32 to index
      %get3A_891 = arith.constant 880 : index
      %get3A_892 = tpu.vector_load %arg9[%get3A_890, %get3A_891] {strides = array<i32>} : memref<16x1024xf32, #tpu.memory_space<vmem>>, vector<1x16xf32>,
      %get3A_893 = vector.shape_cast %get3A_892 : vector<1x16xf32> to vector<16xf32>
      %add3A_894 = arith.addf %get3A_889, %get3A_893 : vector<16xf32>
      %swap3A_895 = arith.index_cast %scan3A_116 : i32 to index
      %swap3A_896 = arith.constant 880 : index
      %swap3A_897 = tpu.vector_load %arg8[%swap3A_895, %swap3A_896] {strides = array<i32>} : memref<16x1024xf32, #tpu.memory_space<vmem>>, vector<1x16xf32>,
      %swap3A_898 = vector.shape_cast %swap3A_897 : vector<1x16xf32> to vector<16xf32>
      %swap3A_899 = vector.shape_cast %add3A_894 : vector<16xf32> to vector<1x16xf32>
      tpu.vector_store %arg8[%swap3A_895, %swap3A_896], %swap3A_899 {strides = array<i32>} : memref<16x1024xf32, #tpu.memory_space<vmem>>, vector<1x16xf32>,
      %get3A_900 = arith.index_cast %scan3A_116 : i32 to index
      %get3A_901 = arith.constant 896 : index
      %get3A_902 = tpu.vector_load %arg8[%get3A_900, %get3A_901] {strides = array<i32>} : memref<16x1024xf32, #tpu.memory_space<vmem>>, vector<1x16xf32>,
      %get3A_903 = vector.shape_cast %get3A_902 : vector<1x16xf32> to vector<16xf32>
      %get3A_904 = arith.index_cast %scan3A_116 : i32 to index
      %get3A_905 = arith.constant 896 : index
      %get3A_906 = tpu.vector_load %arg9[%get3A_904, %get3A_905] {strides = array<i32>} : memref<16x1024xf32, #tpu.memory_space<vmem>>, vector<1x16xf32>,
      %get3A_907 = vector.shape_cast %get3A_906 : vector<1x16xf32> to vector<16xf32>
      %add3A_908 = arith.addf %get3A_903, %get3A_907 : vector<16xf32>
      %swap3A_909 = arith.index_cast %scan3A_116 : i32 to index
      %swap3A_910 = arith.constant 896 : index
      %swap3A_911 = tpu.vector_load %arg8[%swap3A_909, %swap3A_910] {strides = array<i32>} : memref<16x1024xf32, #tpu.memory_space<vmem>>, vector<1x16xf32>,
      %swap3A_912 = vector.shape_cast %swap3A_911 : vector<1x16xf32> to vector<16xf32>
      %swap3A_913 = vector.shape_cast %add3A_908 : vector<16xf32> to vector<1x16xf32>
      tpu.vector_store %arg8[%swap3A_909, %swap3A_910], %swap3A_913 {strides = array<i32>} : memref<16x1024xf32, #tpu.memory_space<vmem>>, vector<1x16xf32>,
      %get3A_914 = arith.index_cast %scan3A_116 : i32 to index
      %get3A_915 = arith.constant 912 : index
      %get3A_916 = tpu.vector_load %arg8[%get3A_914, %get3A_915] {strides = array<i32>} : memref<16x1024xf32, #tpu.memory_space<vmem>>, vector<1x16xf32>,
      %get3A_917 = vector.shape_cast %get3A_916 : vector<1x16xf32> to vector<16xf32>
      %get3A_918 = arith.index_cast %scan3A_116 : i32 to index
      %get3A_919 = arith.constant 912 : index
      %get3A_920 = tpu.vector_load %arg9[%get3A_918, %get3A_919] {strides = array<i32>} : memref<16x1024xf32, #tpu.memory_space<vmem>>, vector<1x16xf32>,
      %get3A_921 = vector.shape_cast %get3A_920 : vector<1x16xf32> to vector<16xf32>
      %add3A_922 = arith.addf %get3A_917, %get3A_921 : vector<16xf32>
      %swap3A_923 = arith.index_cast %scan3A_116 : i32 to index
      %swap3A_924 = arith.constant 912 : index
      %swap3A_925 = tpu.vector_load %arg8[%swap3A_923, %swap3A_924] {strides = array<i32>} : memref<16x1024xf32, #tpu.memory_space<vmem>>, vector<1x16xf32>,
      %swap3A_926 = vector.shape_cast %swap3A_925 : vector<1x16xf32> to vector<16xf32>
      %swap3A_927 = vector.shape_cast %add3A_922 : vector<16xf32> to vector<1x16xf32>
      tpu.vector_store %arg8[%swap3A_923, %swap3A_924], %swap3A_927 {strides = array<i32>} : memref<16x1024xf32, #tpu.memory_space<vmem>>, vector<1x16xf32>,
      %get3A_928 = arith.index_cast %scan3A_116 : i32 to index
      %get3A_929 = arith.constant 928 : index
      %get3A_930 = tpu.vector_load %arg8[%get3A_928, %get3A_929] {strides = array<i32>} : memref<16x1024xf32, #tpu.memory_space<vmem>>, vector<1x16xf32>,
      %get3A_931 = vector.shape_cast %get3A_930 : vector<1x16xf32> to vector<16xf32>
      %get3A_932 = arith.index_cast %scan3A_116 : i32 to index
      %get3A_933 = arith.constant 928 : index
      %get3A_934 = tpu.vector_load %arg9[%get3A_932, %get3A_933] {strides = array<i32>} : memref<16x1024xf32, #tpu.memory_space<vmem>>, vector<1x16xf32>,
      %get3A_935 = vector.shape_cast %get3A_934 : vector<1x16xf32> to vector<16xf32>
      %add3A_936 = arith.addf %get3A_931, %get3A_935 : vector<16xf32>
      %swap3A_937 = arith.index_cast %scan3A_116 : i32 to index
      %swap3A_938 = arith.constant 928 : index
      %swap3A_939 = tpu.vector_load %arg8[%swap3A_937, %swap3A_938] {strides = array<i32>} : memref<16x1024xf32, #tpu.memory_space<vmem>>, vector<1x16xf32>,
      %swap3A_940 = vector.shape_cast %swap3A_939 : vector<1x16xf32> to vector<16xf32>
      %swap3A_941 = vector.shape_cast %add3A_936 : vector<16xf32> to vector<1x16xf32>
      tpu.vector_store %arg8[%swap3A_937, %swap3A_938], %swap3A_941 {strides = array<i32>} : memref<16x1024xf32, #tpu.memory_space<vmem>>, vector<1x16xf32>,
      %get3A_942 = arith.index_cast %scan3A_116 : i32 to index
      %get3A_943 = arith.constant 944 : index
      %get3A_944 = tpu.vector_load %arg8[%get3A_942, %get3A_943] {strides = array<i32>} : memref<16x1024xf32, #tpu.memory_space<vmem>>, vector<1x16xf32>,
      %get3A_945 = vector.shape_cast %get3A_944 : vector<1x16xf32> to vector<16xf32>
      %get3A_946 = arith.index_cast %scan3A_116 : i32 to index
      %get3A_947 = arith.constant 944 : index
      %get3A_948 = tpu.vector_load %arg9[%get3A_946, %get3A_947] {strides = array<i32>} : memref<16x1024xf32, #tpu.memory_space<vmem>>, vector<1x16xf32>,
      %get3A_949 = vector.shape_cast %get3A_948 : vector<1x16xf32> to vector<16xf32>
      %add3A_950 = arith.addf %get3A_945, %get3A_949 : vector<16xf32>
      %swap3A_951 = arith.index_cast %scan3A_116 : i32 to index
      %swap3A_952 = arith.constant 944 : index
      %swap3A_953 = tpu.vector_load %arg8[%swap3A_951, %swap3A_952] {strides = array<i32>} : memref<16x1024xf32, #tpu.memory_space<vmem>>, vector<1x16xf32>,
      %swap3A_954 = vector.shape_cast %swap3A_953 : vector<1x16xf32> to vector<16xf32>
      %swap3A_955 = vector.shape_cast %add3A_950 : vector<16xf32> to vector<1x16xf32>
      tpu.vector_store %arg8[%swap3A_951, %swap3A_952], %swap3A_955 {strides = array<i32>} : memref<16x1024xf32, #tpu.memory_space<vmem>>, vector<1x16xf32>,
      %get3A_956 = arith.index_cast %scan3A_116 : i32 to index
      %get3A_957 = arith.constant 960 : index
      %get3A_958 = tpu.vector_load %arg8[%get3A_956, %get3A_957] {strides = array<i32>} : memref<16x1024xf32, #tpu.memory_space<vmem>>, vector<1x16xf32>,
      %get3A_959 = vector.shape_cast %get3A_958 : vector<1x16xf32> to vector<16xf32>
      %get3A_960 = arith.index_cast %scan3A_116 : i32 to index
      %get3A_961 = arith.constant 960 : index
      %get3A_962 = tpu.vector_load %arg9[%get3A_960, %get3A_961] {strides = array<i32>} : memref<16x1024xf32, #tpu.memory_space<vmem>>, vector<1x16xf32>,
      %get3A_963 = vector.shape_cast %get3A_962 : vector<1x16xf32> to vector<16xf32>
      %add3A_964 = arith.addf %get3A_959, %get3A_963 : vector<16xf32>
      %swap3A_965 = arith.index_cast %scan3A_116 : i32 to index
      %swap3A_966 = arith.constant 960 : index
      %swap3A_967 = tpu.vector_load %arg8[%swap3A_965, %swap3A_966] {strides = array<i32>} : memref<16x1024xf32, #tpu.memory_space<vmem>>, vector<1x16xf32>,
      %swap3A_968 = vector.shape_cast %swap3A_967 : vector<1x16xf32> to vector<16xf32>
      %swap3A_969 = vector.shape_cast %add3A_964 : vector<16xf32> to vector<1x16xf32>
      tpu.vector_store %arg8[%swap3A_965, %swap3A_966], %swap3A_969 {strides = array<i32>} : memref<16x1024xf32, #tpu.memory_space<vmem>>, vector<1x16xf32>,
      %get3A_970 = arith.index_cast %scan3A_116 : i32 to index
      %get3A_971 = arith.constant 976 : index
      %get3A_972 = tpu.vector_load %arg8[%get3A_970, %get3A_971] {strides = array<i32>} : memref<16x1024xf32, #tpu.memory_space<vmem>>, vector<1x16xf32>,
      %get3A_973 = vector.shape_cast %get3A_972 : vector<1x16xf32> to vector<16xf32>
      %get3A_974 = arith.index_cast %scan3A_116 : i32 to index
      %get3A_975 = arith.constant 976 : index
      %get3A_976 = tpu.vector_load %arg9[%get3A_974, %get3A_975] {strides = array<i32>} : memref<16x1024xf32, #tpu.memory_space<vmem>>, vector<1x16xf32>,
      %get3A_977 = vector.shape_cast %get3A_976 : vector<1x16xf32> to vector<16xf32>
      %add3A_978 = arith.addf %get3A_973, %get3A_977 : vector<16xf32>
      %swap3A_979 = arith.index_cast %scan3A_116 : i32 to index
      %swap3A_980 = arith.constant 976 : index
      %swap3A_981 = tpu.vector_load %arg8[%swap3A_979, %swap3A_980] {strides = array<i32>} : memref<16x1024xf32, #tpu.memory_space<vmem>>, vector<1x16xf32>,
      %swap3A_982 = vector.shape_cast %swap3A_981 : vector<1x16xf32> to vector<16xf32>
      %swap3A_983 = vector.shape_cast %add3A_978 : vector<16xf32> to vector<1x16xf32>
      tpu.vector_store %arg8[%swap3A_979, %swap3A_980], %swap3A_983 {strides = array<i32>} : memref<16x1024xf32, #tpu.memory_space<vmem>>, vector<1x16xf32>,
      %get3A_984 = arith.index_cast %scan3A_116 : i32 to index
      %get3A_985 = arith.constant 992 : index
      %get3A_986 = tpu.vector_load %arg8[%get3A_984, %get3A_985] {strides = array<i32>} : memref<16x1024xf32, #tpu.memory_space<vmem>>, vector<1x16xf32>,
      %get3A_987 = vector.shape_cast %get3A_986 : vector<1x16xf32> to vector<16xf32>
      %get3A_988 = arith.index_cast %scan3A_116 : i32 to index
      %get3A_989 = arith.constant 992 : index
      %get3A_990 = tpu.vector_load %arg9[%get3A_988, %get3A_989] {strides = array<i32>} : memref<16x1024xf32, #tpu.memory_space<vmem>>, vector<1x16xf32>,
      %get3A_991 = vector.shape_cast %get3A_990 : vector<1x16xf32> to vector<16xf32>
      %add3A_992 = arith.addf %get3A_987, %get3A_991 : vector<16xf32>
      %swap3A_993 = arith.index_cast %scan3A_116 : i32 to index
      %swap3A_994 = arith.constant 992 : index
      %swap3A_995 = tpu.vector_load %arg8[%swap3A_993, %swap3A_994] {strides = array<i32>} : memref<16x1024xf32, #tpu.memory_space<vmem>>, vector<1x16xf32>,
      %swap3A_996 = vector.shape_cast %swap3A_995 : vector<1x16xf32> to vector<16xf32>
      %swap3A_997 = vector.shape_cast %add3A_992 : vector<16xf32> to vector<1x16xf32>
      tpu.vector_store %arg8[%swap3A_993, %swap3A_994], %swap3A_997 {strides = array<i32>} : memref<16x1024xf32, #tpu.memory_space<vmem>>, vector<1x16xf32>,
      %get3A_998 = arith.index_cast %scan3A_116 : i32 to index
      %get3A_999 = arith.constant 1008 : index
      %get3A_1000 = tpu.vector_load %arg8[%get3A_998, %get3A_999] {strides = array<i32>} : memref<16x1024xf32, #tpu.memory_space<vmem>>, vector<1x16xf32>,
      %get3A_1001 = vector.shape_cast %get3A_1000 : vector<1x16xf32> to vector<16xf32>
      %get3A_1002 = arith.index_cast %scan3A_116 : i32 to index
      %get3A_1003 = arith.constant 1008 : index
      %get3A_1004 = tpu.vector_load %arg9[%get3A_1002, %get3A_1003] {strides = array<i32>} : memref<16x1024xf32, #tpu.memory_space<vmem>>, vector<1x16xf32>,
      %get3A_1005 = vector.shape_cast %get3A_1004 : vector<1x16xf32> to vector<16xf32>
      %add3A_1006 = arith.addf %get3A_1001, %get3A_1005 : vector<16xf32>
      %swap3A_1007 = arith.index_cast %scan3A_116 : i32 to index
      %swap3A_1008 = arith.constant 1008 : index
      %swap3A_1009 = tpu.vector_load %arg8[%swap3A_1007, %swap3A_1008] {strides = array<i32>} : memref<16x1024xf32, #tpu.memory_space<vmem>>, vector<1x16xf32>,
      %swap3A_1010 = vector.shape_cast %swap3A_1009 : vector<1x16xf32> to vector<16xf32>
      %swap3A_1011 = vector.shape_cast %add3A_1006 : vector<16xf32> to vector<1x16xf32>
      tpu.vector_store %arg8[%swap3A_1007, %swap3A_1008], %swap3A_1011 {strides = array<i32>} : memref<16x1024xf32, #tpu.memory_space<vmem>>, vector<1x16xf32>,
      %scan3A_1012 = arith.constant 0 : i32
      scf.yield %scan3A_1012 : i32
    }
    %scan3A_65 = arith.constant 16 : i32
    %add3A_66 = arith.constant 16 : i32
    %add3A_67 = arith.addi %mul3A_2, %add3A_66 : i32
    "tpu.region"() ({
      %run_scoped3A = tpu.sem_alloc : memref<!tpu.dma_semaphore, #tpu.memory_space<semaphore_mem>>
      %dma_start3A_116 = arith.constant 0 : i32
      %dma_start3A_117 = tpu.memref_slice %arg5[%add3A_67, %dma_start3A_116] : memref<2048x1024xf32, #tpu.memory_space<hbm>> -> memref<16x1024xf32, #tpu.memory_space<hbm>>
      %dma_start3A_118 = arith.constant 0 : i32
      %dma_start3A_119 = tpu.memref_slice %arg5[%add3A_67, %dma_start3A_118] : memref<2048x1024xf32, #tpu.memory_space<hbm>> -> memref<16x1024xf32, #tpu.memory_space<hbm>>
      tpu.enqueue_dma source(%arg8 : memref<16x1024xf32, #tpu.memory_space<vmem>>) target(%dma_start3A_119 : memref<16x1024xf32, #tpu.memory_space<hbm>>) target_semaphore(%run_scoped3A : memref<!tpu.dma_semaphore, #tpu.memory_space<semaphore_mem>>)
      %dma_wait3A_120 = arith.constant 0 : i32
      %dma_wait3A_121 = tpu.memref_slice %arg5[%add3A_67, %dma_wait3A_120] : memref<2048x1024xf32, #tpu.memory_space<hbm>> -> memref<16x1024xf32, #tpu.memory_space<hbm>>
      %dma_wait3A_122 = arith.constant 0 : i32
      %dma_wait3A_123 = tpu.memref_slice %arg5[%add3A_67, %dma_wait3A_122] : memref<2048x1024xf32, #tpu.memory_space<hbm>> -> memref<16x1024xf32, #tpu.memory_space<hbm>>
      tpu.wait_dma2 semaphore(%run_scoped3A : memref<!tpu.dma_semaphore, #tpu.memory_space<semaphore_mem>>) src(%arg8 : memref<16x1024xf32, #tpu.memory_space<vmem>>) dst(%dma_wait3A_123 : memref<16x1024xf32, #tpu.memory_space<hbm>>)
      tpu.yield
    }) : () -> ()
    %dma_start3A_68 = arith.constant 48 : i32
    %dma_start3A_69 = tpu.memref_slice %arg10[%dma_start3A_68] : memref<64xi32, #tpu.memory_space<vmem>> -> memref<16xi32, #tpu.memory_space<vmem>>
    %dma_start3A_70 = arith.constant 0 : i32
    %dma_start3A_71 = arith.constant 0 : i32
    %dma_start3A_72 = tpu.memref_slice %arg2[%dma_start3A_70, %dma_start3A_71] : memref<8640x1024xf32, #tpu.memory_space<hbm>> -> memref<8640x1024xf32, #tpu.memory_space<hbm>>
    tpu.enqueue_indirect_dma source(%dma_start3A_72 : memref<8640x1024xf32, #tpu.memory_space<hbm>>) target(%arg8 : memref<16x1024xf32, #tpu.memory_space<vmem>>) offsets(%dma_start3A_69 : memref<16xi32, #tpu.memory_space<vmem>>) semaphore(%arg13 : memref<!tpu.dma_semaphore, #tpu.memory_space<semaphore_mem>>)
    %dma_start3A_73 = arith.constant 48 : i32
    %dma_start3A_74 = tpu.memref_slice %arg11[%dma_start3A_73] : memref<64xi32, #tpu.memory_space<vmem>> -> memref<16xi32, #tpu.memory_space<vmem>>
    %dma_start3A_75 = arith.constant 0 : i32
    %dma_start3A_76 = arith.constant 0 : i32
    %dma_start3A_77 = tpu.memref_slice %arg2[%dma_start3A_75, %dma_start3A_76] : memref<8640x1024xf32, #tpu.memory_space<hbm>> -> memref<8640x1024xf32, #tpu.memory_space<hbm>>
    tpu.enqueue_indirect_dma source(%dma_start3A_77 : memref<8640x1024xf32, #tpu.memory_space<hbm>>) target(%arg9 : memref<16x1024xf32, #tpu.memory_space<vmem>>) offsets(%dma_start3A_74 : memref<16xi32, #tpu.memory_space<vmem>>) semaphore(%arg13 : memref<!tpu.dma_semaphore, #tpu.memory_space<semaphore_mem>>)
    %dma_wait3A_78 = arith.constant 32 : i32
    %dma_wait3A_79 = tpu.memref_slice %arg10[%dma_wait3A_78] : memref<64xi32, #tpu.memory_space<vmem>> -> memref<16xi32, #tpu.memory_space<vmem>>
    %dma_wait3A_80 = arith.constant 0 : i32
    %dma_wait3A_81 = arith.constant 0 : i32
    %dma_wait3A_82 = tpu.memref_slice %arg2[%dma_wait3A_80, %dma_wait3A_81] : memref<8640x1024xf32, #tpu.memory_space<hbm>> -> memref<8640x1024xf32, #tpu.memory_space<hbm>>
    tpu.wait_indirect_dma semaphore(%arg12 : memref<!tpu.dma_semaphore, #tpu.memory_space<semaphore_mem>>) src(%dma_wait3A_82 : memref<8640x1024xf32, #tpu.memory_space<hbm>>) dst(%arg6 : memref<16x1024xf32, #tpu.memory_space<vmem>>)
    %dma_wait3A_83 = arith.constant 32 : i32
    %dma_wait3A_84 = tpu.memref_slice %arg11[%dma_wait3A_83] : memref<64xi32, #tpu.memory_space<vmem>> -> memref<16xi32, #tpu.memory_space<vmem>>
    %dma_wait3A_85 = arith.constant 0 : i32
    %dma_wait3A_86 = arith.constant 0 : i32
    %dma_wait3A_87 = tpu.memref_slice %arg2[%dma_wait3A_85, %dma_wait3A_86] : memref<8640x1024xf32, #tpu.memory_space<hbm>> -> memref<8640x1024xf32, #tpu.memory_space<hbm>>
    tpu.wait_indirect_dma semaphore(%arg12 : memref<!tpu.dma_semaphore, #tpu.memory_space<semaphore_mem>>) src(%dma_wait3A_87 : memref<8640x1024xf32, #tpu.memory_space<hbm>>) dst(%arg7 : memref<16x1024xf32, #tpu.memory_space<vmem>>)
    %scan3A_88 = arith.constant 0 : i32
    %scan3A_89 = arith.constant 0 : i32
    %scan3A_90 = arith.constant 16 : i32
    %scan3A_91 = arith.addi %scan3A_89, %scan3A_90 : i32
    %scan3A_92 = arith.constant 1 : i32
    %scan3A_93 = scf.for %scan3A_116 = %scan3A_89 to %scan3A_91 step %scan3A_92 iter_args(%scan3A_117 = %scan3A_88) -> (i32)  : i32 {
      %get3A = arith.index_cast %scan3A_116 : i32 to index
      %get3A_118 = arith.constant 0 : index
      %get3A_119 = tpu.vector_load %arg6[%get3A, %get3A_118] {strides = array<i32>} : memref<16x1024xf32, #tpu.memory_space<vmem>>, vector<1x16xf32>,
      %get3A_120 = vector.shape_cast %get3A_119 : vector<1x16xf32> to vector<16xf32>
      %get3A_121 = arith.index_cast %scan3A_116 : i32 to index
      %get3A_122 = arith.constant 0 : index
      %get3A_123 = tpu.vector_load %arg7[%get3A_121, %get3A_122] {strides = array<i32>} : memref<16x1024xf32, #tpu.memory_space<vmem>>, vector<1x16xf32>,
      %get3A_124 = vector.shape_cast %get3A_123 : vector<1x16xf32> to vector<16xf32>
      %add3A_125 = arith.addf %get3A_120, %get3A_124 : vector<16xf32>
      %swap3A = arith.index_cast %scan3A_116 : i32 to index
      %swap3A_126 = arith.constant 0 : index
      %swap3A_127 = tpu.vector_load %arg6[%swap3A, %swap3A_126] {strides = array<i32>} : memref<16x1024xf32, #tpu.memory_space<vmem>>, vector<1x16xf32>,
      %swap3A_128 = vector.shape_cast %swap3A_127 : vector<1x16xf32> to vector<16xf32>
      %swap3A_129 = vector.shape_cast %add3A_125 : vector<16xf32> to vector<1x16xf32>
      tpu.vector_store %arg6[%swap3A, %swap3A_126], %swap3A_129 {strides = array<i32>} : memref<16x1024xf32, #tpu.memory_space<vmem>>, vector<1x16xf32>,
      %get3A_130 = arith.index_cast %scan3A_116 : i32 to index
      %get3A_131 = arith.constant 16 : index
      %get3A_132 = tpu.vector_load %arg6[%get3A_130, %get3A_131] {strides = array<i32>} : memref<16x1024xf32, #tpu.memory_space<vmem>>, vector<1x16xf32>,
      %get3A_133 = vector.shape_cast %get3A_132 : vector<1x16xf32> to vector<16xf32>
      %get3A_134 = arith.index_cast %scan3A_116 : i32 to index
      %get3A_135 = arith.constant 16 : index
      %get3A_136 = tpu.vector_load %arg7[%get3A_134, %get3A_135] {strides = array<i32>} : memref<16x1024xf32, #tpu.memory_space<vmem>>, vector<1x16xf32>,
      %get3A_137 = vector.shape_cast %get3A_136 : vector<1x16xf32> to vector<16xf32>
      %add3A_138 = arith.addf %get3A_133, %get3A_137 : vector<16xf32>
      %swap3A_139 = arith.index_cast %scan3A_116 : i32 to index
      %swap3A_140 = arith.constant 16 : index
      %swap3A_141 = tpu.vector_load %arg6[%swap3A_139, %swap3A_140] {strides = array<i32>} : memref<16x1024xf32, #tpu.memory_space<vmem>>, vector<1x16xf32>,
      %swap3A_142 = vector.shape_cast %swap3A_141 : vector<1x16xf32> to vector<16xf32>
      %swap3A_143 = vector.shape_cast %add3A_138 : vector<16xf32> to vector<1x16xf32>
      tpu.vector_store %arg6[%swap3A_139, %swap3A_140], %swap3A_143 {strides = array<i32>} : memref<16x1024xf32, #tpu.memory_space<vmem>>, vector<1x16xf32>,
      %get3A_144 = arith.index_cast %scan3A_116 : i32 to index
      %get3A_145 = arith.constant 32 : index
      %get3A_146 = tpu.vector_load %arg6[%get3A_144, %get3A_145] {strides = array<i32>} : memref<16x1024xf32, #tpu.memory_space<vmem>>, vector<1x16xf32>,
      %get3A_147 = vector.shape_cast %get3A_146 : vector<1x16xf32> to vector<16xf32>
      %get3A_148 = arith.index_cast %scan3A_116 : i32 to index
      %get3A_149 = arith.constant 32 : index
      %get3A_150 = tpu.vector_load %arg7[%get3A_148, %get3A_149] {strides = array<i32>} : memref<16x1024xf32, #tpu.memory_space<vmem>>, vector<1x16xf32>,
      %get3A_151 = vector.shape_cast %get3A_150 : vector<1x16xf32> to vector<16xf32>
      %add3A_152 = arith.addf %get3A_147, %get3A_151 : vector<16xf32>
      %swap3A_153 = arith.index_cast %scan3A_116 : i32 to index
      %swap3A_154 = arith.constant 32 : index
      %swap3A_155 = tpu.vector_load %arg6[%swap3A_153, %swap3A_154] {strides = array<i32>} : memref<16x1024xf32, #tpu.memory_space<vmem>>, vector<1x16xf32>,
      %swap3A_156 = vector.shape_cast %swap3A_155 : vector<1x16xf32> to vector<16xf32>
      %swap3A_157 = vector.shape_cast %add3A_152 : vector<16xf32> to vector<1x16xf32>
      tpu.vector_store %arg6[%swap3A_153, %swap3A_154], %swap3A_157 {strides = array<i32>} : memref<16x1024xf32, #tpu.memory_space<vmem>>, vector<1x16xf32>,
      %get3A_158 = arith.index_cast %scan3A_116 : i32 to index
      %get3A_159 = arith.constant 48 : index
      %get3A_160 = tpu.vector_load %arg6[%get3A_158, %get3A_159] {strides = array<i32>} : memref<16x1024xf32, #tpu.memory_space<vmem>>, vector<1x16xf32>,
      %get3A_161 = vector.shape_cast %get3A_160 : vector<1x16xf32> to vector<16xf32>
      %get3A_162 = arith.index_cast %scan3A_116 : i32 to index
      %get3A_163 = arith.constant 48 : index
      %get3A_164 = tpu.vector_load %arg7[%get3A_162, %get3A_163] {strides = array<i32>} : memref<16x1024xf32, #tpu.memory_space<vmem>>, vector<1x16xf32>,
      %get3A_165 = vector.shape_cast %get3A_164 : vector<1x16xf32> to vector<16xf32>
      %add3A_166 = arith.addf %get3A_161, %get3A_165 : vector<16xf32>
      %swap3A_167 = arith.index_cast %scan3A_116 : i32 to index
      %swap3A_168 = arith.constant 48 : index
      %swap3A_169 = tpu.vector_load %arg6[%swap3A_167, %swap3A_168] {strides = array<i32>} : memref<16x1024xf32, #tpu.memory_space<vmem>>, vector<1x16xf32>,
      %swap3A_170 = vector.shape_cast %swap3A_169 : vector<1x16xf32> to vector<16xf32>
      %swap3A_171 = vector.shape_cast %add3A_166 : vector<16xf32> to vector<1x16xf32>
      tpu.vector_store %arg6[%swap3A_167, %swap3A_168], %swap3A_171 {strides = array<i32>} : memref<16x1024xf32, #tpu.memory_space<vmem>>, vector<1x16xf32>,
      %get3A_172 = arith.index_cast %scan3A_116 : i32 to index
      %get3A_173 = arith.constant 64 : index
      %get3A_174 = tpu.vector_load %arg6[%get3A_172, %get3A_173] {strides = array<i32>} : memref<16x1024xf32, #tpu.memory_space<vmem>>, vector<1x16xf32>,
      %get3A_175 = vector.shape_cast %get3A_174 : vector<1x16xf32> to vector<16xf32>
      %get3A_176 = arith.index_cast %scan3A_116 : i32 to index
      %get3A_177 = arith.constant 64 : index
      %get3A_178 = tpu.vector_load %arg7[%get3A_176, %get3A_177] {strides = array<i32>} : memref<16x1024xf32, #tpu.memory_space<vmem>>, vector<1x16xf32>,
      %get3A_179 = vector.shape_cast %get3A_178 : vector<1x16xf32> to vector<16xf32>
      %add3A_180 = arith.addf %get3A_175, %get3A_179 : vector<16xf32>
      %swap3A_181 = arith.index_cast %scan3A_116 : i32 to index
      %swap3A_182 = arith.constant 64 : index
      %swap3A_183 = tpu.vector_load %arg6[%swap3A_181, %swap3A_182] {strides = array<i32>} : memref<16x1024xf32, #tpu.memory_space<vmem>>, vector<1x16xf32>,
      %swap3A_184 = vector.shape_cast %swap3A_183 : vector<1x16xf32> to vector<16xf32>
      %swap3A_185 = vector.shape_cast %add3A_180 : vector<16xf32> to vector<1x16xf32>
      tpu.vector_store %arg6[%swap3A_181, %swap3A_182], %swap3A_185 {strides = array<i32>} : memref<16x1024xf32, #tpu.memory_space<vmem>>, vector<1x16xf32>,
      %get3A_186 = arith.index_cast %scan3A_116 : i32 to index
      %get3A_187 = arith.constant 80 : index
      %get3A_188 = tpu.vector_load %arg6[%get3A_186, %get3A_187] {strides = array<i32>} : memref<16x1024xf32, #tpu.memory_space<vmem>>, vector<1x16xf32>,
      %get3A_189 = vector.shape_cast %get3A_188 : vector<1x16xf32> to vector<16xf32>
      %get3A_190 = arith.index_cast %scan3A_116 : i32 to index
      %get3A_191 = arith.constant 80 : index
      %get3A_192 = tpu.vector_load %arg7[%get3A_190, %get3A_191] {strides = array<i32>} : memref<16x1024xf32, #tpu.memory_space<vmem>>, vector<1x16xf32>,
      %get3A_193 = vector.shape_cast %get3A_192 : vector<1x16xf32> to vector<16xf32>
      %add3A_194 = arith.addf %get3A_189, %get3A_193 : vector<16xf32>
      %swap3A_195 = arith.index_cast %scan3A_116 : i32 to index
      %swap3A_196 = arith.constant 80 : index
      %swap3A_197 = tpu.vector_load %arg6[%swap3A_195, %swap3A_196] {strides = array<i32>} : memref<16x1024xf32, #tpu.memory_space<vmem>>, vector<1x16xf32>,
      %swap3A_198 = vector.shape_cast %swap3A_197 : vector<1x16xf32> to vector<16xf32>
      %swap3A_199 = vector.shape_cast %add3A_194 : vector<16xf32> to vector<1x16xf32>
      tpu.vector_store %arg6[%swap3A_195, %swap3A_196], %swap3A_199 {strides = array<i32>} : memref<16x1024xf32, #tpu.memory_space<vmem>>, vector<1x16xf32>,
      %get3A_200 = arith.index_cast %scan3A_116 : i32 to index
      %get3A_201 = arith.constant 96 : index
      %get3A_202 = tpu.vector_load %arg6[%get3A_200, %get3A_201] {strides = array<i32>} : memref<16x1024xf32, #tpu.memory_space<vmem>>, vector<1x16xf32>,
      %get3A_203 = vector.shape_cast %get3A_202 : vector<1x16xf32> to vector<16xf32>
      %get3A_204 = arith.index_cast %scan3A_116 : i32 to index
      %get3A_205 = arith.constant 96 : index
      %get3A_206 = tpu.vector_load %arg7[%get3A_204, %get3A_205] {strides = array<i32>} : memref<16x1024xf32, #tpu.memory_space<vmem>>, vector<1x16xf32>,
      %get3A_207 = vector.shape_cast %get3A_206 : vector<1x16xf32> to vector<16xf32>
      %add3A_208 = arith.addf %get3A_203, %get3A_207 : vector<16xf32>
      %swap3A_209 = arith.index_cast %scan3A_116 : i32 to index
      %swap3A_210 = arith.constant 96 : index
      %swap3A_211 = tpu.vector_load %arg6[%swap3A_209, %swap3A_210] {strides = array<i32>} : memref<16x1024xf32, #tpu.memory_space<vmem>>, vector<1x16xf32>,
      %swap3A_212 = vector.shape_cast %swap3A_211 : vector<1x16xf32> to vector<16xf32>
      %swap3A_213 = vector.shape_cast %add3A_208 : vector<16xf32> to vector<1x16xf32>
      tpu.vector_store %arg6[%swap3A_209, %swap3A_210], %swap3A_213 {strides = array<i32>} : memref<16x1024xf32, #tpu.memory_space<vmem>>, vector<1x16xf32>,
      %get3A_214 = arith.index_cast %scan3A_116 : i32 to index
      %get3A_215 = arith.constant 112 : index
      %get3A_216 = tpu.vector_load %arg6[%get3A_214, %get3A_215] {strides = array<i32>} : memref<16x1024xf32, #tpu.memory_space<vmem>>, vector<1x16xf32>,
      %get3A_217 = vector.shape_cast %get3A_216 : vector<1x16xf32> to vector<16xf32>
      %get3A_218 = arith.index_cast %scan3A_116 : i32 to index
      %get3A_219 = arith.constant 112 : index
      %get3A_220 = tpu.vector_load %arg7[%get3A_218, %get3A_219] {strides = array<i32>} : memref<16x1024xf32, #tpu.memory_space<vmem>>, vector<1x16xf32>,
      %get3A_221 = vector.shape_cast %get3A_220 : vector<1x16xf32> to vector<16xf32>
      %add3A_222 = arith.addf %get3A_217, %get3A_221 : vector<16xf32>
      %swap3A_223 = arith.index_cast %scan3A_116 : i32 to index
      %swap3A_224 = arith.constant 112 : index
      %swap3A_225 = tpu.vector_load %arg6[%swap3A_223, %swap3A_224] {strides = array<i32>} : memref<16x1024xf32, #tpu.memory_space<vmem>>, vector<1x16xf32>,
      %swap3A_226 = vector.shape_cast %swap3A_225 : vector<1x16xf32> to vector<16xf32>
      %swap3A_227 = vector.shape_cast %add3A_222 : vector<16xf32> to vector<1x16xf32>
      tpu.vector_store %arg6[%swap3A_223, %swap3A_224], %swap3A_227 {strides = array<i32>} : memref<16x1024xf32, #tpu.memory_space<vmem>>, vector<1x16xf32>,
      %get3A_228 = arith.index_cast %scan3A_116 : i32 to index
      %get3A_229 = arith.constant 128 : index
      %get3A_230 = tpu.vector_load %arg6[%get3A_228, %get3A_229] {strides = array<i32>} : memref<16x1024xf32, #tpu.memory_space<vmem>>, vector<1x16xf32>,
      %get3A_231 = vector.shape_cast %get3A_230 : vector<1x16xf32> to vector<16xf32>
      %get3A_232 = arith.index_cast %scan3A_116 : i32 to index
      %get3A_233 = arith.constant 128 : index
      %get3A_234 = tpu.vector_load %arg7[%get3A_232, %get3A_233] {strides = array<i32>} : memref<16x1024xf32, #tpu.memory_space<vmem>>, vector<1x16xf32>,
      %get3A_235 = vector.shape_cast %get3A_234 : vector<1x16xf32> to vector<16xf32>
      %add3A_236 = arith.addf %get3A_231, %get3A_235 : vector<16xf32>
      %swap3A_237 = arith.index_cast %scan3A_116 : i32 to index
      %swap3A_238 = arith.constant 128 : index
      %swap3A_239 = tpu.vector_load %arg6[%swap3A_237, %swap3A_238] {strides = array<i32>} : memref<16x1024xf32, #tpu.memory_space<vmem>>, vector<1x16xf32>,
      %swap3A_240 = vector.shape_cast %swap3A_239 : vector<1x16xf32> to vector<16xf32>
      %swap3A_241 = vector.shape_cast %add3A_236 : vector<16xf32> to vector<1x16xf32>
      tpu.vector_store %arg6[%swap3A_237, %swap3A_238], %swap3A_241 {strides = array<i32>} : memref<16x1024xf32, #tpu.memory_space<vmem>>, vector<1x16xf32>,
      %get3A_242 = arith.index_cast %scan3A_116 : i32 to index
      %get3A_243 = arith.constant 144 : index
      %get3A_244 = tpu.vector_load %arg6[%get3A_242, %get3A_243] {strides = array<i32>} : memref<16x1024xf32, #tpu.memory_space<vmem>>, vector<1x16xf32>,
      %get3A_245 = vector.shape_cast %get3A_244 : vector<1x16xf32> to vector<16xf32>
      %get3A_246 = arith.index_cast %scan3A_116 : i32 to index
      %get3A_247 = arith.constant 144 : index
      %get3A_248 = tpu.vector_load %arg7[%get3A_246, %get3A_247] {strides = array<i32>} : memref<16x1024xf32, #tpu.memory_space<vmem>>, vector<1x16xf32>,
      %get3A_249 = vector.shape_cast %get3A_248 : vector<1x16xf32> to vector<16xf32>
      %add3A_250 = arith.addf %get3A_245, %get3A_249 : vector<16xf32>
      %swap3A_251 = arith.index_cast %scan3A_116 : i32 to index
      %swap3A_252 = arith.constant 144 : index
      %swap3A_253 = tpu.vector_load %arg6[%swap3A_251, %swap3A_252] {strides = array<i32>} : memref<16x1024xf32, #tpu.memory_space<vmem>>, vector<1x16xf32>,
      %swap3A_254 = vector.shape_cast %swap3A_253 : vector<1x16xf32> to vector<16xf32>
      %swap3A_255 = vector.shape_cast %add3A_250 : vector<16xf32> to vector<1x16xf32>
      tpu.vector_store %arg6[%swap3A_251, %swap3A_252], %swap3A_255 {strides = array<i32>} : memref<16x1024xf32, #tpu.memory_space<vmem>>, vector<1x16xf32>,
      %get3A_256 = arith.index_cast %scan3A_116 : i32 to index
      %get3A_257 = arith.constant 160 : index
      %get3A_258 = tpu.vector_load %arg6[%get3A_256, %get3A_257] {strides = array<i32>} : memref<16x1024xf32, #tpu.memory_space<vmem>>, vector<1x16xf32>,
      %get3A_259 = vector.shape_cast %get3A_258 : vector<1x16xf32> to vector<16xf32>
      %get3A_260 = arith.index_cast %scan3A_116 : i32 to index
      %get3A_261 = arith.constant 160 : index
      %get3A_262 = tpu.vector_load %arg7[%get3A_260, %get3A_261] {strides = array<i32>} : memref<16x1024xf32, #tpu.memory_space<vmem>>, vector<1x16xf32>,
      %get3A_263 = vector.shape_cast %get3A_262 : vector<1x16xf32> to vector<16xf32>
      %add3A_264 = arith.addf %get3A_259, %get3A_263 : vector<16xf32>
      %swap3A_265 = arith.index_cast %scan3A_116 : i32 to index
      %swap3A_266 = arith.constant 160 : index
      %swap3A_267 = tpu.vector_load %arg6[%swap3A_265, %swap3A_266] {strides = array<i32>} : memref<16x1024xf32, #tpu.memory_space<vmem>>, vector<1x16xf32>,
      %swap3A_268 = vector.shape_cast %swap3A_267 : vector<1x16xf32> to vector<16xf32>
      %swap3A_269 = vector.shape_cast %add3A_264 : vector<16xf32> to vector<1x16xf32>
      tpu.vector_store %arg6[%swap3A_265, %swap3A_266], %swap3A_269 {strides = array<i32>} : memref<16x1024xf32, #tpu.memory_space<vmem>>, vector<1x16xf32>,
      %get3A_270 = arith.index_cast %scan3A_116 : i32 to index
      %get3A_271 = arith.constant 176 : index
      %get3A_272 = tpu.vector_load %arg6[%get3A_270, %get3A_271] {strides = array<i32>} : memref<16x1024xf32, #tpu.memory_space<vmem>>, vector<1x16xf32>,
      %get3A_273 = vector.shape_cast %get3A_272 : vector<1x16xf32> to vector<16xf32>
      %get3A_274 = arith.index_cast %scan3A_116 : i32 to index
      %get3A_275 = arith.constant 176 : index
      %get3A_276 = tpu.vector_load %arg7[%get3A_274, %get3A_275] {strides = array<i32>} : memref<16x1024xf32, #tpu.memory_space<vmem>>, vector<1x16xf32>,
      %get3A_277 = vector.shape_cast %get3A_276 : vector<1x16xf32> to vector<16xf32>
      %add3A_278 = arith.addf %get3A_273, %get3A_277 : vector<16xf32>
      %swap3A_279 = arith.index_cast %scan3A_116 : i32 to index
      %swap3A_280 = arith.constant 176 : index
      %swap3A_281 = tpu.vector_load %arg6[%swap3A_279, %swap3A_280] {strides = array<i32>} : memref<16x1024xf32, #tpu.memory_space<vmem>>, vector<1x16xf32>,
      %swap3A_282 = vector.shape_cast %swap3A_281 : vector<1x16xf32> to vector<16xf32>
      %swap3A_283 = vector.shape_cast %add3A_278 : vector<16xf32> to vector<1x16xf32>
      tpu.vector_store %arg6[%swap3A_279, %swap3A_280], %swap3A_283 {strides = array<i32>} : memref<16x1024xf32, #tpu.memory_space<vmem>>, vector<1x16xf32>,
      %get3A_284 = arith.index_cast %scan3A_116 : i32 to index
      %get3A_285 = arith.constant 192 : index
      %get3A_286 = tpu.vector_load %arg6[%get3A_284, %get3A_285] {strides = array<i32>} : memref<16x1024xf32, #tpu.memory_space<vmem>>, vector<1x16xf32>,
      %get3A_287 = vector.shape_cast %get3A_286 : vector<1x16xf32> to vector<16xf32>
      %get3A_288 = arith.index_cast %scan3A_116 : i32 to index
      %get3A_289 = arith.constant 192 : index
      %get3A_290 = tpu.vector_load %arg7[%get3A_288, %get3A_289] {strides = array<i32>} : memref<16x1024xf32, #tpu.memory_space<vmem>>, vector<1x16xf32>,
      %get3A_291 = vector.shape_cast %get3A_290 : vector<1x16xf32> to vector<16xf32>
      %add3A_292 = arith.addf %get3A_287, %get3A_291 : vector<16xf32>
      %swap3A_293 = arith.index_cast %scan3A_116 : i32 to index
      %swap3A_294 = arith.constant 192 : index
      %swap3A_295 = tpu.vector_load %arg6[%swap3A_293, %swap3A_294] {strides = array<i32>} : memref<16x1024xf32, #tpu.memory_space<vmem>>, vector<1x16xf32>,
      %swap3A_296 = vector.shape_cast %swap3A_295 : vector<1x16xf32> to vector<16xf32>
      %swap3A_297 = vector.shape_cast %add3A_292 : vector<16xf32> to vector<1x16xf32>
      tpu.vector_store %arg6[%swap3A_293, %swap3A_294], %swap3A_297 {strides = array<i32>} : memref<16x1024xf32, #tpu.memory_space<vmem>>, vector<1x16xf32>,
      %get3A_298 = arith.index_cast %scan3A_116 : i32 to index
      %get3A_299 = arith.constant 208 : index
      %get3A_300 = tpu.vector_load %arg6[%get3A_298, %get3A_299] {strides = array<i32>} : memref<16x1024xf32, #tpu.memory_space<vmem>>, vector<1x16xf32>,
      %get3A_301 = vector.shape_cast %get3A_300 : vector<1x16xf32> to vector<16xf32>
      %get3A_302 = arith.index_cast %scan3A_116 : i32 to index
      %get3A_303 = arith.constant 208 : index
      %get3A_304 = tpu.vector_load %arg7[%get3A_302, %get3A_303] {strides = array<i32>} : memref<16x1024xf32, #tpu.memory_space<vmem>>, vector<1x16xf32>,
      %get3A_305 = vector.shape_cast %get3A_304 : vector<1x16xf32> to vector<16xf32>
      %add3A_306 = arith.addf %get3A_301, %get3A_305 : vector<16xf32>
      %swap3A_307 = arith.index_cast %scan3A_116 : i32 to index
      %swap3A_308 = arith.constant 208 : index
      %swap3A_309 = tpu.vector_load %arg6[%swap3A_307, %swap3A_308] {strides = array<i32>} : memref<16x1024xf32, #tpu.memory_space<vmem>>, vector<1x16xf32>,
      %swap3A_310 = vector.shape_cast %swap3A_309 : vector<1x16xf32> to vector<16xf32>
      %swap3A_311 = vector.shape_cast %add3A_306 : vector<16xf32> to vector<1x16xf32>
      tpu.vector_store %arg6[%swap3A_307, %swap3A_308], %swap3A_311 {strides = array<i32>} : memref<16x1024xf32, #tpu.memory_space<vmem>>, vector<1x16xf32>,
      %get3A_312 = arith.index_cast %scan3A_116 : i32 to index
      %get3A_313 = arith.constant 224 : index
      %get3A_314 = tpu.vector_load %arg6[%get3A_312, %get3A_313] {strides = array<i32>} : memref<16x1024xf32, #tpu.memory_space<vmem>>, vector<1x16xf32>,
      %get3A_315 = vector.shape_cast %get3A_314 : vector<1x16xf32> to vector<16xf32>
      %get3A_316 = arith.index_cast %scan3A_116 : i32 to index
      %get3A_317 = arith.constant 224 : index
      %get3A_318 = tpu.vector_load %arg7[%get3A_316, %get3A_317] {strides = array<i32>} : memref<16x1024xf32, #tpu.memory_space<vmem>>, vector<1x16xf32>,
      %get3A_319 = vector.shape_cast %get3A_318 : vector<1x16xf32> to vector<16xf32>
      %add3A_320 = arith.addf %get3A_315, %get3A_319 : vector<16xf32>
      %swap3A_321 = arith.index_cast %scan3A_116 : i32 to index
      %swap3A_322 = arith.constant 224 : index
      %swap3A_323 = tpu.vector_load %arg6[%swap3A_321, %swap3A_322] {strides = array<i32>} : memref<16x1024xf32, #tpu.memory_space<vmem>>, vector<1x16xf32>,
      %swap3A_324 = vector.shape_cast %swap3A_323 : vector<1x16xf32> to vector<16xf32>
      %swap3A_325 = vector.shape_cast %add3A_320 : vector<16xf32> to vector<1x16xf32>
      tpu.vector_store %arg6[%swap3A_321, %swap3A_322], %swap3A_325 {strides = array<i32>} : memref<16x1024xf32, #tpu.memory_space<vmem>>, vector<1x16xf32>,
      %get3A_326 = arith.index_cast %scan3A_116 : i32 to index
      %get3A_327 = arith.constant 240 : index
      %get3A_328 = tpu.vector_load %arg6[%get3A_326, %get3A_327] {strides = array<i32>} : memref<16x1024xf32, #tpu.memory_space<vmem>>, vector<1x16xf32>,
      %get3A_329 = vector.shape_cast %get3A_328 : vector<1x16xf32> to vector<16xf32>
      %get3A_330 = arith.index_cast %scan3A_116 : i32 to index
      %get3A_331 = arith.constant 240 : index
      %get3A_332 = tpu.vector_load %arg7[%get3A_330, %get3A_331] {strides = array<i32>} : memref<16x1024xf32, #tpu.memory_space<vmem>>, vector<1x16xf32>,
      %get3A_333 = vector.shape_cast %get3A_332 : vector<1x16xf32> to vector<16xf32>
      %add3A_334 = arith.addf %get3A_329, %get3A_333 : vector<16xf32>
      %swap3A_335 = arith.index_cast %scan3A_116 : i32 to index
      %swap3A_336 = arith.constant 240 : index
      %swap3A_337 = tpu.vector_load %arg6[%swap3A_335, %swap3A_336] {strides = array<i32>} : memref<16x1024xf32, #tpu.memory_space<vmem>>, vector<1x16xf32>,
      %swap3A_338 = vector.shape_cast %swap3A_337 : vector<1x16xf32> to vector<16xf32>
      %swap3A_339 = vector.shape_cast %add3A_334 : vector<16xf32> to vector<1x16xf32>
      tpu.vector_store %arg6[%swap3A_335, %swap3A_336], %swap3A_339 {strides = array<i32>} : memref<16x1024xf32, #tpu.memory_space<vmem>>, vector<1x16xf32>,
      %get3A_340 = arith.index_cast %scan3A_116 : i32 to index
      %get3A_341 = arith.constant 256 : index
      %get3A_342 = tpu.vector_load %arg6[%get3A_340, %get3A_341] {strides = array<i32>} : memref<16x1024xf32, #tpu.memory_space<vmem>>, vector<1x16xf32>,
      %get3A_343 = vector.shape_cast %get3A_342 : vector<1x16xf32> to vector<16xf32>
      %get3A_344 = arith.index_cast %scan3A_116 : i32 to index
      %get3A_345 = arith.constant 256 : index
      %get3A_346 = tpu.vector_load %arg7[%get3A_344, %get3A_345] {strides = array<i32>} : memref<16x1024xf32, #tpu.memory_space<vmem>>, vector<1x16xf32>,
      %get3A_347 = vector.shape_cast %get3A_346 : vector<1x16xf32> to vector<16xf32>
      %add3A_348 = arith.addf %get3A_343, %get3A_347 : vector<16xf32>
      %swap3A_349 = arith.index_cast %scan3A_116 : i32 to index
      %swap3A_350 = arith.constant 256 : index
      %swap3A_351 = tpu.vector_load %arg6[%swap3A_349, %swap3A_350] {strides = array<i32>} : memref<16x1024xf32, #tpu.memory_space<vmem>>, vector<1x16xf32>,
      %swap3A_352 = vector.shape_cast %swap3A_351 : vector<1x16xf32> to vector<16xf32>
      %swap3A_353 = vector.shape_cast %add3A_348 : vector<16xf32> to vector<1x16xf32>
      tpu.vector_store %arg6[%swap3A_349, %swap3A_350], %swap3A_353 {strides = array<i32>} : memref<16x1024xf32, #tpu.memory_space<vmem>>, vector<1x16xf32>,
      %get3A_354 = arith.index_cast %scan3A_116 : i32 to index
      %get3A_355 = arith.constant 272 : index
      %get3A_356 = tpu.vector_load %arg6[%get3A_354, %get3A_355] {strides = array<i32>} : memref<16x1024xf32, #tpu.memory_space<vmem>>, vector<1x16xf32>,
      %get3A_357 = vector.shape_cast %get3A_356 : vector<1x16xf32> to vector<16xf32>
      %get3A_358 = arith.index_cast %scan3A_116 : i32 to index
      %get3A_359 = arith.constant 272 : index
      %get3A_360 = tpu.vector_load %arg7[%get3A_358, %get3A_359] {strides = array<i32>} : memref<16x1024xf32, #tpu.memory_space<vmem>>, vector<1x16xf32>,
      %get3A_361 = vector.shape_cast %get3A_360 : vector<1x16xf32> to vector<16xf32>
      %add3A_362 = arith.addf %get3A_357, %get3A_361 : vector<16xf32>
      %swap3A_363 = arith.index_cast %scan3A_116 : i32 to index
      %swap3A_364 = arith.constant 272 : index
      %swap3A_365 = tpu.vector_load %arg6[%swap3A_363, %swap3A_364] {strides = array<i32>} : memref<16x1024xf32, #tpu.memory_space<vmem>>, vector<1x16xf32>,
      %swap3A_366 = vector.shape_cast %swap3A_365 : vector<1x16xf32> to vector<16xf32>
      %swap3A_367 = vector.shape_cast %add3A_362 : vector<16xf32> to vector<1x16xf32>
      tpu.vector_store %arg6[%swap3A_363, %swap3A_364], %swap3A_367 {strides = array<i32>} : memref<16x1024xf32, #tpu.memory_space<vmem>>, vector<1x16xf32>,
      %get3A_368 = arith.index_cast %scan3A_116 : i32 to index
      %get3A_369 = arith.constant 288 : index
      %get3A_370 = tpu.vector_load %arg6[%get3A_368, %get3A_369] {strides = array<i32>} : memref<16x1024xf32, #tpu.memory_space<vmem>>, vector<1x16xf32>,
      %get3A_371 = vector.shape_cast %get3A_370 : vector<1x16xf32> to vector<16xf32>
      %get3A_372 = arith.index_cast %scan3A_116 : i32 to index
      %get3A_373 = arith.constant 288 : index
      %get3A_374 = tpu.vector_load %arg7[%get3A_372, %get3A_373] {strides = array<i32>} : memref<16x1024xf32, #tpu.memory_space<vmem>>, vector<1x16xf32>,
      %get3A_375 = vector.shape_cast %get3A_374 : vector<1x16xf32> to vector<16xf32>
      %add3A_376 = arith.addf %get3A_371, %get3A_375 : vector<16xf32>
      %swap3A_377 = arith.index_cast %scan3A_116 : i32 to index
      %swap3A_378 = arith.constant 288 : index
      %swap3A_379 = tpu.vector_load %arg6[%swap3A_377, %swap3A_378] {strides = array<i32>} : memref<16x1024xf32, #tpu.memory_space<vmem>>, vector<1x16xf32>,
      %swap3A_380 = vector.shape_cast %swap3A_379 : vector<1x16xf32> to vector<16xf32>
      %swap3A_381 = vector.shape_cast %add3A_376 : vector<16xf32> to vector<1x16xf32>
      tpu.vector_store %arg6[%swap3A_377, %swap3A_378], %swap3A_381 {strides = array<i32>} : memref<16x1024xf32, #tpu.memory_space<vmem>>, vector<1x16xf32>,
      %get3A_382 = arith.index_cast %scan3A_116 : i32 to index
      %get3A_383 = arith.constant 304 : index
      %get3A_384 = tpu.vector_load %arg6[%get3A_382, %get3A_383] {strides = array<i32>} : memref<16x1024xf32, #tpu.memory_space<vmem>>, vector<1x16xf32>,
      %get3A_385 = vector.shape_cast %get3A_384 : vector<1x16xf32> to vector<16xf32>
      %get3A_386 = arith.index_cast %scan3A_116 : i32 to index
      %get3A_387 = arith.constant 304 : index
      %get3A_388 = tpu.vector_load %arg7[%get3A_386, %get3A_387] {strides = array<i32>} : memref<16x1024xf32, #tpu.memory_space<vmem>>, vector<1x16xf32>,
      %get3A_389 = vector.shape_cast %get3A_388 : vector<1x16xf32> to vector<16xf32>
      %add3A_390 = arith.addf %get3A_385, %get3A_389 : vector<16xf32>
      %swap3A_391 = arith.index_cast %scan3A_116 : i32 to index
      %swap3A_392 = arith.constant 304 : index
      %swap3A_393 = tpu.vector_load %arg6[%swap3A_391, %swap3A_392] {strides = array<i32>} : memref<16x1024xf32, #tpu.memory_space<vmem>>, vector<1x16xf32>,
      %swap3A_394 = vector.shape_cast %swap3A_393 : vector<1x16xf32> to vector<16xf32>
      %swap3A_395 = vector.shape_cast %add3A_390 : vector<16xf32> to vector<1x16xf32>
      tpu.vector_store %arg6[%swap3A_391, %swap3A_392], %swap3A_395 {strides = array<i32>} : memref<16x1024xf32, #tpu.memory_space<vmem>>, vector<1x16xf32>,
      %get3A_396 = arith.index_cast %scan3A_116 : i32 to index
      %get3A_397 = arith.constant 320 : index
      %get3A_398 = tpu.vector_load %arg6[%get3A_396, %get3A_397] {strides = array<i32>} : memref<16x1024xf32, #tpu.memory_space<vmem>>, vector<1x16xf32>,
      %get3A_399 = vector.shape_cast %get3A_398 : vector<1x16xf32> to vector<16xf32>
      %get3A_400 = arith.index_cast %scan3A_116 : i32 to index
      %get3A_401 = arith.constant 320 : index
      %get3A_402 = tpu.vector_load %arg7[%get3A_400, %get3A_401] {strides = array<i32>} : memref<16x1024xf32, #tpu.memory_space<vmem>>, vector<1x16xf32>,
      %get3A_403 = vector.shape_cast %get3A_402 : vector<1x16xf32> to vector<16xf32>
      %add3A_404 = arith.addf %get3A_399, %get3A_403 : vector<16xf32>
      %swap3A_405 = arith.index_cast %scan3A_116 : i32 to index
      %swap3A_406 = arith.constant 320 : index
      %swap3A_407 = tpu.vector_load %arg6[%swap3A_405, %swap3A_406] {strides = array<i32>} : memref<16x1024xf32, #tpu.memory_space<vmem>>, vector<1x16xf32>,
      %swap3A_408 = vector.shape_cast %swap3A_407 : vector<1x16xf32> to vector<16xf32>
      %swap3A_409 = vector.shape_cast %add3A_404 : vector<16xf32> to vector<1x16xf32>
      tpu.vector_store %arg6[%swap3A_405, %swap3A_406], %swap3A_409 {strides = array<i32>} : memref<16x1024xf32, #tpu.memory_space<vmem>>, vector<1x16xf32>,
      %get3A_410 = arith.index_cast %scan3A_116 : i32 to index
      %get3A_411 = arith.constant 336 : index
      %get3A_412 = tpu.vector_load %arg6[%get3A_410, %get3A_411] {strides = array<i32>} : memref<16x1024xf32, #tpu.memory_space<vmem>>, vector<1x16xf32>,
      %get3A_413 = vector.shape_cast %get3A_412 : vector<1x16xf32> to vector<16xf32>
      %get3A_414 = arith.index_cast %scan3A_116 : i32 to index
      %get3A_415 = arith.constant 336 : index
      %get3A_416 = tpu.vector_load %arg7[%get3A_414, %get3A_415] {strides = array<i32>} : memref<16x1024xf32, #tpu.memory_space<vmem>>, vector<1x16xf32>,
      %get3A_417 = vector.shape_cast %get3A_416 : vector<1x16xf32> to vector<16xf32>
      %add3A_418 = arith.addf %get3A_413, %get3A_417 : vector<16xf32>
      %swap3A_419 = arith.index_cast %scan3A_116 : i32 to index
      %swap3A_420 = arith.constant 336 : index
      %swap3A_421 = tpu.vector_load %arg6[%swap3A_419, %swap3A_420] {strides = array<i32>} : memref<16x1024xf32, #tpu.memory_space<vmem>>, vector<1x16xf32>,
      %swap3A_422 = vector.shape_cast %swap3A_421 : vector<1x16xf32> to vector<16xf32>
      %swap3A_423 = vector.shape_cast %add3A_418 : vector<16xf32> to vector<1x16xf32>
      tpu.vector_store %arg6[%swap3A_419, %swap3A_420], %swap3A_423 {strides = array<i32>} : memref<16x1024xf32, #tpu.memory_space<vmem>>, vector<1x16xf32>,
      %get3A_424 = arith.index_cast %scan3A_116 : i32 to index
      %get3A_425 = arith.constant 352 : index
      %get3A_426 = tpu.vector_load %arg6[%get3A_424, %get3A_425] {strides = array<i32>} : memref<16x1024xf32, #tpu.memory_space<vmem>>, vector<1x16xf32>,
      %get3A_427 = vector.shape_cast %get3A_426 : vector<1x16xf32> to vector<16xf32>
      %get3A_428 = arith.index_cast %scan3A_116 : i32 to index
      %get3A_429 = arith.constant 352 : index
      %get3A_430 = tpu.vector_load %arg7[%get3A_428, %get3A_429] {strides = array<i32>} : memref<16x1024xf32, #tpu.memory_space<vmem>>, vector<1x16xf32>,
      %get3A_431 = vector.shape_cast %get3A_430 : vector<1x16xf32> to vector<16xf32>
      %add3A_432 = arith.addf %get3A_427, %get3A_431 : vector<16xf32>
      %swap3A_433 = arith.index_cast %scan3A_116 : i32 to index
      %swap3A_434 = arith.constant 352 : index
      %swap3A_435 = tpu.vector_load %arg6[%swap3A_433, %swap3A_434] {strides = array<i32>} : memref<16x1024xf32, #tpu.memory_space<vmem>>, vector<1x16xf32>,
      %swap3A_436 = vector.shape_cast %swap3A_435 : vector<1x16xf32> to vector<16xf32>
      %swap3A_437 = vector.shape_cast %add3A_432 : vector<16xf32> to vector<1x16xf32>
      tpu.vector_store %arg6[%swap3A_433, %swap3A_434], %swap3A_437 {strides = array<i32>} : memref<16x1024xf32, #tpu.memory_space<vmem>>, vector<1x16xf32>,
      %get3A_438 = arith.index_cast %scan3A_116 : i32 to index
      %get3A_439 = arith.constant 368 : index
      %get3A_440 = tpu.vector_load %arg6[%get3A_438, %get3A_439] {strides = array<i32>} : memref<16x1024xf32, #tpu.memory_space<vmem>>, vector<1x16xf32>,
      %get3A_441 = vector.shape_cast %get3A_440 : vector<1x16xf32> to vector<16xf32>
      %get3A_442 = arith.index_cast %scan3A_116 : i32 to index
      %get3A_443 = arith.constant 368 : index
      %get3A_444 = tpu.vector_load %arg7[%get3A_442, %get3A_443] {strides = array<i32>} : memref<16x1024xf32, #tpu.memory_space<vmem>>, vector<1x16xf32>,
      %get3A_445 = vector.shape_cast %get3A_444 : vector<1x16xf32> to vector<16xf32>
      %add3A_446 = arith.addf %get3A_441, %get3A_445 : vector<16xf32>
      %swap3A_447 = arith.index_cast %scan3A_116 : i32 to index
      %swap3A_448 = arith.constant 368 : index
      %swap3A_449 = tpu.vector_load %arg6[%swap3A_447, %swap3A_448] {strides = array<i32>} : memref<16x1024xf32, #tpu.memory_space<vmem>>, vector<1x16xf32>,
      %swap3A_450 = vector.shape_cast %swap3A_449 : vector<1x16xf32> to vector<16xf32>
      %swap3A_451 = vector.shape_cast %add3A_446 : vector<16xf32> to vector<1x16xf32>
      tpu.vector_store %arg6[%swap3A_447, %swap3A_448], %swap3A_451 {strides = array<i32>} : memref<16x1024xf32, #tpu.memory_space<vmem>>, vector<1x16xf32>,
      %get3A_452 = arith.index_cast %scan3A_116 : i32 to index
      %get3A_453 = arith.constant 384 : index
      %get3A_454 = tpu.vector_load %arg6[%get3A_452, %get3A_453] {strides = array<i32>} : memref<16x1024xf32, #tpu.memory_space<vmem>>, vector<1x16xf32>,
      %get3A_455 = vector.shape_cast %get3A_454 : vector<1x16xf32> to vector<16xf32>
      %get3A_456 = arith.index_cast %scan3A_116 : i32 to index
      %get3A_457 = arith.constant 384 : index
      %get3A_458 = tpu.vector_load %arg7[%get3A_456, %get3A_457] {strides = array<i32>} : memref<16x1024xf32, #tpu.memory_space<vmem>>, vector<1x16xf32>,
      %get3A_459 = vector.shape_cast %get3A_458 : vector<1x16xf32> to vector<16xf32>
      %add3A_460 = arith.addf %get3A_455, %get3A_459 : vector<16xf32>
      %swap3A_461 = arith.index_cast %scan3A_116 : i32 to index
      %swap3A_462 = arith.constant 384 : index
      %swap3A_463 = tpu.vector_load %arg6[%swap3A_461, %swap3A_462] {strides = array<i32>} : memref<16x1024xf32, #tpu.memory_space<vmem>>, vector<1x16xf32>,
      %swap3A_464 = vector.shape_cast %swap3A_463 : vector<1x16xf32> to vector<16xf32>
      %swap3A_465 = vector.shape_cast %add3A_460 : vector<16xf32> to vector<1x16xf32>
      tpu.vector_store %arg6[%swap3A_461, %swap3A_462], %swap3A_465 {strides = array<i32>} : memref<16x1024xf32, #tpu.memory_space<vmem>>, vector<1x16xf32>,
      %get3A_466 = arith.index_cast %scan3A_116 : i32 to index
      %get3A_467 = arith.constant 400 : index
      %get3A_468 = tpu.vector_load %arg6[%get3A_466, %get3A_467] {strides = array<i32>} : memref<16x1024xf32, #tpu.memory_space<vmem>>, vector<1x16xf32>,
      %get3A_469 = vector.shape_cast %get3A_468 : vector<1x16xf32> to vector<16xf32>
      %get3A_470 = arith.index_cast %scan3A_116 : i32 to index
      %get3A_471 = arith.constant 400 : index
      %get3A_472 = tpu.vector_load %arg7[%get3A_470, %get3A_471] {strides = array<i32>} : memref<16x1024xf32, #tpu.memory_space<vmem>>, vector<1x16xf32>,
      %get3A_473 = vector.shape_cast %get3A_472 : vector<1x16xf32> to vector<16xf32>
      %add3A_474 = arith.addf %get3A_469, %get3A_473 : vector<16xf32>
      %swap3A_475 = arith.index_cast %scan3A_116 : i32 to index
      %swap3A_476 = arith.constant 400 : index
      %swap3A_477 = tpu.vector_load %arg6[%swap3A_475, %swap3A_476] {strides = array<i32>} : memref<16x1024xf32, #tpu.memory_space<vmem>>, vector<1x16xf32>,
      %swap3A_478 = vector.shape_cast %swap3A_477 : vector<1x16xf32> to vector<16xf32>
      %swap3A_479 = vector.shape_cast %add3A_474 : vector<16xf32> to vector<1x16xf32>
      tpu.vector_store %arg6[%swap3A_475, %swap3A_476], %swap3A_479 {strides = array<i32>} : memref<16x1024xf32, #tpu.memory_space<vmem>>, vector<1x16xf32>,
      %get3A_480 = arith.index_cast %scan3A_116 : i32 to index
      %get3A_481 = arith.constant 416 : index
      %get3A_482 = tpu.vector_load %arg6[%get3A_480, %get3A_481] {strides = array<i32>} : memref<16x1024xf32, #tpu.memory_space<vmem>>, vector<1x16xf32>,
      %get3A_483 = vector.shape_cast %get3A_482 : vector<1x16xf32> to vector<16xf32>
      %get3A_484 = arith.index_cast %scan3A_116 : i32 to index
      %get3A_485 = arith.constant 416 : index
      %get3A_486 = tpu.vector_load %arg7[%get3A_484, %get3A_485] {strides = array<i32>} : memref<16x1024xf32, #tpu.memory_space<vmem>>, vector<1x16xf32>,
      %get3A_487 = vector.shape_cast %get3A_486 : vector<1x16xf32> to vector<16xf32>
      %add3A_488 = arith.addf %get3A_483, %get3A_487 : vector<16xf32>
      %swap3A_489 = arith.index_cast %scan3A_116 : i32 to index
      %swap3A_490 = arith.constant 416 : index
      %swap3A_491 = tpu.vector_load %arg6[%swap3A_489, %swap3A_490] {strides = array<i32>} : memref<16x1024xf32, #tpu.memory_space<vmem>>, vector<1x16xf32>,
      %swap3A_492 = vector.shape_cast %swap3A_491 : vector<1x16xf32> to vector<16xf32>
      %swap3A_493 = vector.shape_cast %add3A_488 : vector<16xf32> to vector<1x16xf32>
      tpu.vector_store %arg6[%swap3A_489, %swap3A_490], %swap3A_493 {strides = array<i32>} : memref<16x1024xf32, #tpu.memory_space<vmem>>, vector<1x16xf32>,
      %get3A_494 = arith.index_cast %scan3A_116 : i32 to index
      %get3A_495 = arith.constant 432 : index
      %get3A_496 = tpu.vector_load %arg6[%get3A_494, %get3A_495] {strides = array<i32>} : memref<16x1024xf32, #tpu.memory_space<vmem>>, vector<1x16xf32>,
      %get3A_497 = vector.shape_cast %get3A_496 : vector<1x16xf32> to vector<16xf32>
      %get3A_498 = arith.index_cast %scan3A_116 : i32 to index
      %get3A_499 = arith.constant 432 : index
      %get3A_500 = tpu.vector_load %arg7[%get3A_498, %get3A_499] {strides = array<i32>} : memref<16x1024xf32, #tpu.memory_space<vmem>>, vector<1x16xf32>,
      %get3A_501 = vector.shape_cast %get3A_500 : vector<1x16xf32> to vector<16xf32>
      %add3A_502 = arith.addf %get3A_497, %get3A_501 : vector<16xf32>
      %swap3A_503 = arith.index_cast %scan3A_116 : i32 to index
      %swap3A_504 = arith.constant 432 : index
      %swap3A_505 = tpu.vector_load %arg6[%swap3A_503, %swap3A_504] {strides = array<i32>} : memref<16x1024xf32, #tpu.memory_space<vmem>>, vector<1x16xf32>,
      %swap3A_506 = vector.shape_cast %swap3A_505 : vector<1x16xf32> to vector<16xf32>
      %swap3A_507 = vector.shape_cast %add3A_502 : vector<16xf32> to vector<1x16xf32>
      tpu.vector_store %arg6[%swap3A_503, %swap3A_504], %swap3A_507 {strides = array<i32>} : memref<16x1024xf32, #tpu.memory_space<vmem>>, vector<1x16xf32>,
      %get3A_508 = arith.index_cast %scan3A_116 : i32 to index
      %get3A_509 = arith.constant 448 : index
      %get3A_510 = tpu.vector_load %arg6[%get3A_508, %get3A_509] {strides = array<i32>} : memref<16x1024xf32, #tpu.memory_space<vmem>>, vector<1x16xf32>,
      %get3A_511 = vector.shape_cast %get3A_510 : vector<1x16xf32> to vector<16xf32>
      %get3A_512 = arith.index_cast %scan3A_116 : i32 to index
      %get3A_513 = arith.constant 448 : index
      %get3A_514 = tpu.vector_load %arg7[%get3A_512, %get3A_513] {strides = array<i32>} : memref<16x1024xf32, #tpu.memory_space<vmem>>, vector<1x16xf32>,
      %get3A_515 = vector.shape_cast %get3A_514 : vector<1x16xf32> to vector<16xf32>
      %add3A_516 = arith.addf %get3A_511, %get3A_515 : vector<16xf32>
      %swap3A_517 = arith.index_cast %scan3A_116 : i32 to index
      %swap3A_518 = arith.constant 448 : index
      %swap3A_519 = tpu.vector_load %arg6[%swap3A_517, %swap3A_518] {strides = array<i32>} : memref<16x1024xf32, #tpu.memory_space<vmem>>, vector<1x16xf32>,
      %swap3A_520 = vector.shape_cast %swap3A_519 : vector<1x16xf32> to vector<16xf32>
      %swap3A_521 = vector.shape_cast %add3A_516 : vector<16xf32> to vector<1x16xf32>
      tpu.vector_store %arg6[%swap3A_517, %swap3A_518], %swap3A_521 {strides = array<i32>} : memref<16x1024xf32, #tpu.memory_space<vmem>>, vector<1x16xf32>,
      %get3A_522 = arith.index_cast %scan3A_116 : i32 to index
      %get3A_523 = arith.constant 464 : index
      %get3A_524 = tpu.vector_load %arg6[%get3A_522, %get3A_523] {strides = array<i32>} : memref<16x1024xf32, #tpu.memory_space<vmem>>, vector<1x16xf32>,
      %get3A_525 = vector.shape_cast %get3A_524 : vector<1x16xf32> to vector<16xf32>
      %get3A_526 = arith.index_cast %scan3A_116 : i32 to index
      %get3A_527 = arith.constant 464 : index
      %get3A_528 = tpu.vector_load %arg7[%get3A_526, %get3A_527] {strides = array<i32>} : memref<16x1024xf32, #tpu.memory_space<vmem>>, vector<1x16xf32>,
      %get3A_529 = vector.shape_cast %get3A_528 : vector<1x16xf32> to vector<16xf32>
      %add3A_530 = arith.addf %get3A_525, %get3A_529 : vector<16xf32>
      %swap3A_531 = arith.index_cast %scan3A_116 : i32 to index
      %swap3A_532 = arith.constant 464 : index
      %swap3A_533 = tpu.vector_load %arg6[%swap3A_531, %swap3A_532] {strides = array<i32>} : memref<16x1024xf32, #tpu.memory_space<vmem>>, vector<1x16xf32>,
      %swap3A_534 = vector.shape_cast %swap3A_533 : vector<1x16xf32> to vector<16xf32>
      %swap3A_535 = vector.shape_cast %add3A_530 : vector<16xf32> to vector<1x16xf32>
      tpu.vector_store %arg6[%swap3A_531, %swap3A_532], %swap3A_535 {strides = array<i32>} : memref<16x1024xf32, #tpu.memory_space<vmem>>, vector<1x16xf32>,
      %get3A_536 = arith.index_cast %scan3A_116 : i32 to index
      %get3A_537 = arith.constant 480 : index
      %get3A_538 = tpu.vector_load %arg6[%get3A_536, %get3A_537] {strides = array<i32>} : memref<16x1024xf32, #tpu.memory_space<vmem>>, vector<1x16xf32>,
      %get3A_539 = vector.shape_cast %get3A_538 : vector<1x16xf32> to vector<16xf32>
      %get3A_540 = arith.index_cast %scan3A_116 : i32 to index
      %get3A_541 = arith.constant 480 : index
      %get3A_542 = tpu.vector_load %arg7[%get3A_540, %get3A_541] {strides = array<i32>} : memref<16x1024xf32, #tpu.memory_space<vmem>>, vector<1x16xf32>,
      %get3A_543 = vector.shape_cast %get3A_542 : vector<1x16xf32> to vector<16xf32>
      %add3A_544 = arith.addf %get3A_539, %get3A_543 : vector<16xf32>
      %swap3A_545 = arith.index_cast %scan3A_116 : i32 to index
      %swap3A_546 = arith.constant 480 : index
      %swap3A_547 = tpu.vector_load %arg6[%swap3A_545, %swap3A_546] {strides = array<i32>} : memref<16x1024xf32, #tpu.memory_space<vmem>>, vector<1x16xf32>,
      %swap3A_548 = vector.shape_cast %swap3A_547 : vector<1x16xf32> to vector<16xf32>
      %swap3A_549 = vector.shape_cast %add3A_544 : vector<16xf32> to vector<1x16xf32>
      tpu.vector_store %arg6[%swap3A_545, %swap3A_546], %swap3A_549 {strides = array<i32>} : memref<16x1024xf32, #tpu.memory_space<vmem>>, vector<1x16xf32>,
      %get3A_550 = arith.index_cast %scan3A_116 : i32 to index
      %get3A_551 = arith.constant 496 : index
      %get3A_552 = tpu.vector_load %arg6[%get3A_550, %get3A_551] {strides = array<i32>} : memref<16x1024xf32, #tpu.memory_space<vmem>>, vector<1x16xf32>,
      %get3A_553 = vector.shape_cast %get3A_552 : vector<1x16xf32> to vector<16xf32>
      %get3A_554 = arith.index_cast %scan3A_116 : i32 to index
      %get3A_555 = arith.constant 496 : index
      %get3A_556 = tpu.vector_load %arg7[%get3A_554, %get3A_555] {strides = array<i32>} : memref<16x1024xf32, #tpu.memory_space<vmem>>, vector<1x16xf32>,
      %get3A_557 = vector.shape_cast %get3A_556 : vector<1x16xf32> to vector<16xf32>
      %add3A_558 = arith.addf %get3A_553, %get3A_557 : vector<16xf32>
      %swap3A_559 = arith.index_cast %scan3A_116 : i32 to index
      %swap3A_560 = arith.constant 496 : index
      %swap3A_561 = tpu.vector_load %arg6[%swap3A_559, %swap3A_560] {strides = array<i32>} : memref<16x1024xf32, #tpu.memory_space<vmem>>, vector<1x16xf32>,
      %swap3A_562 = vector.shape_cast %swap3A_561 : vector<1x16xf32> to vector<16xf32>
      %swap3A_563 = vector.shape_cast %add3A_558 : vector<16xf32> to vector<1x16xf32>
      tpu.vector_store %arg6[%swap3A_559, %swap3A_560], %swap3A_563 {strides = array<i32>} : memref<16x1024xf32, #tpu.memory_space<vmem>>, vector<1x16xf32>,
      %get3A_564 = arith.index_cast %scan3A_116 : i32 to index
      %get3A_565 = arith.constant 512 : index
      %get3A_566 = tpu.vector_load %arg6[%get3A_564, %get3A_565] {strides = array<i32>} : memref<16x1024xf32, #tpu.memory_space<vmem>>, vector<1x16xf32>,
      %get3A_567 = vector.shape_cast %get3A_566 : vector<1x16xf32> to vector<16xf32>
      %get3A_568 = arith.index_cast %scan3A_116 : i32 to index
      %get3A_569 = arith.constant 512 : index
      %get3A_570 = tpu.vector_load %arg7[%get3A_568, %get3A_569] {strides = array<i32>} : memref<16x1024xf32, #tpu.memory_space<vmem>>, vector<1x16xf32>,
      %get3A_571 = vector.shape_cast %get3A_570 : vector<1x16xf32> to vector<16xf32>
      %add3A_572 = arith.addf %get3A_567, %get3A_571 : vector<16xf32>
      %swap3A_573 = arith.index_cast %scan3A_116 : i32 to index
      %swap3A_574 = arith.constant 512 : index
      %swap3A_575 = tpu.vector_load %arg6[%swap3A_573, %swap3A_574] {strides = array<i32>} : memref<16x1024xf32, #tpu.memory_space<vmem>>, vector<1x16xf32>,
      %swap3A_576 = vector.shape_cast %swap3A_575 : vector<1x16xf32> to vector<16xf32>
      %swap3A_577 = vector.shape_cast %add3A_572 : vector<16xf32> to vector<1x16xf32>
      tpu.vector_store %arg6[%swap3A_573, %swap3A_574], %swap3A_577 {strides = array<i32>} : memref<16x1024xf32, #tpu.memory_space<vmem>>, vector<1x16xf32>,
      %get3A_578 = arith.index_cast %scan3A_116 : i32 to index
      %get3A_579 = arith.constant 528 : index
      %get3A_580 = tpu.vector_load %arg6[%get3A_578, %get3A_579] {strides = array<i32>} : memref<16x1024xf32, #tpu.memory_space<vmem>>, vector<1x16xf32>,
      %get3A_581 = vector.shape_cast %get3A_580 : vector<1x16xf32> to vector<16xf32>
      %get3A_582 = arith.index_cast %scan3A_116 : i32 to index
      %get3A_583 = arith.constant 528 : index
      %get3A_584 = tpu.vector_load %arg7[%get3A_582, %get3A_583] {strides = array<i32>} : memref<16x1024xf32, #tpu.memory_space<vmem>>, vector<1x16xf32>,
      %get3A_585 = vector.shape_cast %get3A_584 : vector<1x16xf32> to vector<16xf32>
      %add3A_586 = arith.addf %get3A_581, %get3A_585 : vector<16xf32>
      %swap3A_587 = arith.index_cast %scan3A_116 : i32 to index
      %swap3A_588 = arith.constant 528 : index
      %swap3A_589 = tpu.vector_load %arg6[%swap3A_587, %swap3A_588] {strides = array<i32>} : memref<16x1024xf32, #tpu.memory_space<vmem>>, vector<1x16xf32>,
      %swap3A_590 = vector.shape_cast %swap3A_589 : vector<1x16xf32> to vector<16xf32>
      %swap3A_591 = vector.shape_cast %add3A_586 : vector<16xf32> to vector<1x16xf32>
      tpu.vector_store %arg6[%swap3A_587, %swap3A_588], %swap3A_591 {strides = array<i32>} : memref<16x1024xf32, #tpu.memory_space<vmem>>, vector<1x16xf32>,
      %get3A_592 = arith.index_cast %scan3A_116 : i32 to index
      %get3A_593 = arith.constant 544 : index
      %get3A_594 = tpu.vector_load %arg6[%get3A_592, %get3A_593] {strides = array<i32>} : memref<16x1024xf32, #tpu.memory_space<vmem>>, vector<1x16xf32>,
      %get3A_595 = vector.shape_cast %get3A_594 : vector<1x16xf32> to vector<16xf32>
      %get3A_596 = arith.index_cast %scan3A_116 : i32 to index
      %get3A_597 = arith.constant 544 : index
      %get3A_598 = tpu.vector_load %arg7[%get3A_596, %get3A_597] {strides = array<i32>} : memref<16x1024xf32, #tpu.memory_space<vmem>>, vector<1x16xf32>,
      %get3A_599 = vector.shape_cast %get3A_598 : vector<1x16xf32> to vector<16xf32>
      %add3A_600 = arith.addf %get3A_595, %get3A_599 : vector<16xf32>
      %swap3A_601 = arith.index_cast %scan3A_116 : i32 to index
      %swap3A_602 = arith.constant 544 : index
      %swap3A_603 = tpu.vector_load %arg6[%swap3A_601, %swap3A_602] {strides = array<i32>} : memref<16x1024xf32, #tpu.memory_space<vmem>>, vector<1x16xf32>,
      %swap3A_604 = vector.shape_cast %swap3A_603 : vector<1x16xf32> to vector<16xf32>
      %swap3A_605 = vector.shape_cast %add3A_600 : vector<16xf32> to vector<1x16xf32>
      tpu.vector_store %arg6[%swap3A_601, %swap3A_602], %swap3A_605 {strides = array<i32>} : memref<16x1024xf32, #tpu.memory_space<vmem>>, vector<1x16xf32>,
      %get3A_606 = arith.index_cast %scan3A_116 : i32 to index
      %get3A_607 = arith.constant 560 : index
      %get3A_608 = tpu.vector_load %arg6[%get3A_606, %get3A_607] {strides = array<i32>} : memref<16x1024xf32, #tpu.memory_space<vmem>>, vector<1x16xf32>,
      %get3A_609 = vector.shape_cast %get3A_608 : vector<1x16xf32> to vector<16xf32>
      %get3A_610 = arith.index_cast %scan3A_116 : i32 to index
      %get3A_611 = arith.constant 560 : index
      %get3A_612 = tpu.vector_load %arg7[%get3A_610, %get3A_611] {strides = array<i32>} : memref<16x1024xf32, #tpu.memory_space<vmem>>, vector<1x16xf32>,
      %get3A_613 = vector.shape_cast %get3A_612 : vector<1x16xf32> to vector<16xf32>
      %add3A_614 = arith.addf %get3A_609, %get3A_613 : vector<16xf32>
      %swap3A_615 = arith.index_cast %scan3A_116 : i32 to index
      %swap3A_616 = arith.constant 560 : index
      %swap3A_617 = tpu.vector_load %arg6[%swap3A_615, %swap3A_616] {strides = array<i32>} : memref<16x1024xf32, #tpu.memory_space<vmem>>, vector<1x16xf32>,
      %swap3A_618 = vector.shape_cast %swap3A_617 : vector<1x16xf32> to vector<16xf32>
      %swap3A_619 = vector.shape_cast %add3A_614 : vector<16xf32> to vector<1x16xf32>
      tpu.vector_store %arg6[%swap3A_615, %swap3A_616], %swap3A_619 {strides = array<i32>} : memref<16x1024xf32, #tpu.memory_space<vmem>>, vector<1x16xf32>,
      %get3A_620 = arith.index_cast %scan3A_116 : i32 to index
      %get3A_621 = arith.constant 576 : index
      %get3A_622 = tpu.vector_load %arg6[%get3A_620, %get3A_621] {strides = array<i32>} : memref<16x1024xf32, #tpu.memory_space<vmem>>, vector<1x16xf32>,
      %get3A_623 = vector.shape_cast %get3A_622 : vector<1x16xf32> to vector<16xf32>
      %get3A_624 = arith.index_cast %scan3A_116 : i32 to index
      %get3A_625 = arith.constant 576 : index
      %get3A_626 = tpu.vector_load %arg7[%get3A_624, %get3A_625] {strides = array<i32>} : memref<16x1024xf32, #tpu.memory_space<vmem>>, vector<1x16xf32>,
      %get3A_627 = vector.shape_cast %get3A_626 : vector<1x16xf32> to vector<16xf32>
      %add3A_628 = arith.addf %get3A_623, %get3A_627 : vector<16xf32>
      %swap3A_629 = arith.index_cast %scan3A_116 : i32 to index
      %swap3A_630 = arith.constant 576 : index
      %swap3A_631 = tpu.vector_load %arg6[%swap3A_629, %swap3A_630] {strides = array<i32>} : memref<16x1024xf32, #tpu.memory_space<vmem>>, vector<1x16xf32>,
      %swap3A_632 = vector.shape_cast %swap3A_631 : vector<1x16xf32> to vector<16xf32>
      %swap3A_633 = vector.shape_cast %add3A_628 : vector<16xf32> to vector<1x16xf32>
      tpu.vector_store %arg6[%swap3A_629, %swap3A_630], %swap3A_633 {strides = array<i32>} : memref<16x1024xf32, #tpu.memory_space<vmem>>, vector<1x16xf32>,
      %get3A_634 = arith.index_cast %scan3A_116 : i32 to index
      %get3A_635 = arith.constant 592 : index
      %get3A_636 = tpu.vector_load %arg6[%get3A_634, %get3A_635] {strides = array<i32>} : memref<16x1024xf32, #tpu.memory_space<vmem>>, vector<1x16xf32>,
      %get3A_637 = vector.shape_cast %get3A_636 : vector<1x16xf32> to vector<16xf32>
      %get3A_638 = arith.index_cast %scan3A_116 : i32 to index
      %get3A_639 = arith.constant 592 : index
      %get3A_640 = tpu.vector_load %arg7[%get3A_638, %get3A_639] {strides = array<i32>} : memref<16x1024xf32, #tpu.memory_space<vmem>>, vector<1x16xf32>,
      %get3A_641 = vector.shape_cast %get3A_640 : vector<1x16xf32> to vector<16xf32>
      %add3A_642 = arith.addf %get3A_637, %get3A_641 : vector<16xf32>
      %swap3A_643 = arith.index_cast %scan3A_116 : i32 to index
      %swap3A_644 = arith.constant 592 : index
      %swap3A_645 = tpu.vector_load %arg6[%swap3A_643, %swap3A_644] {strides = array<i32>} : memref<16x1024xf32, #tpu.memory_space<vmem>>, vector<1x16xf32>,
      %swap3A_646 = vector.shape_cast %swap3A_645 : vector<1x16xf32> to vector<16xf32>
      %swap3A_647 = vector.shape_cast %add3A_642 : vector<16xf32> to vector<1x16xf32>
      tpu.vector_store %arg6[%swap3A_643, %swap3A_644], %swap3A_647 {strides = array<i32>} : memref<16x1024xf32, #tpu.memory_space<vmem>>, vector<1x16xf32>,
      %get3A_648 = arith.index_cast %scan3A_116 : i32 to index
      %get3A_649 = arith.constant 608 : index
      %get3A_650 = tpu.vector_load %arg6[%get3A_648, %get3A_649] {strides = array<i32>} : memref<16x1024xf32, #tpu.memory_space<vmem>>, vector<1x16xf32>,
      %get3A_651 = vector.shape_cast %get3A_650 : vector<1x16xf32> to vector<16xf32>
      %get3A_652 = arith.index_cast %scan3A_116 : i32 to index
      %get3A_653 = arith.constant 608 : index
      %get3A_654 = tpu.vector_load %arg7[%get3A_652, %get3A_653] {strides = array<i32>} : memref<16x1024xf32, #tpu.memory_space<vmem>>, vector<1x16xf32>,
      %get3A_655 = vector.shape_cast %get3A_654 : vector<1x16xf32> to vector<16xf32>
      %add3A_656 = arith.addf %get3A_651, %get3A_655 : vector<16xf32>
      %swap3A_657 = arith.index_cast %scan3A_116 : i32 to index
      %swap3A_658 = arith.constant 608 : index
      %swap3A_659 = tpu.vector_load %arg6[%swap3A_657, %swap3A_658] {strides = array<i32>} : memref<16x1024xf32, #tpu.memory_space<vmem>>, vector<1x16xf32>,
      %swap3A_660 = vector.shape_cast %swap3A_659 : vector<1x16xf32> to vector<16xf32>
      %swap3A_661 = vector.shape_cast %add3A_656 : vector<16xf32> to vector<1x16xf32>
      tpu.vector_store %arg6[%swap3A_657, %swap3A_658], %swap3A_661 {strides = array<i32>} : memref<16x1024xf32, #tpu.memory_space<vmem>>, vector<1x16xf32>,
      %get3A_662 = arith.index_cast %scan3A_116 : i32 to index
      %get3A_663 = arith.constant 624 : index
      %get3A_664 = tpu.vector_load %arg6[%get3A_662, %get3A_663] {strides = array<i32>} : memref<16x1024xf32, #tpu.memory_space<vmem>>, vector<1x16xf32>,
      %get3A_665 = vector.shape_cast %get3A_664 : vector<1x16xf32> to vector<16xf32>
      %get3A_666 = arith.index_cast %scan3A_116 : i32 to index
      %get3A_667 = arith.constant 624 : index
      %get3A_668 = tpu.vector_load %arg7[%get3A_666, %get3A_667] {strides = array<i32>} : memref<16x1024xf32, #tpu.memory_space<vmem>>, vector<1x16xf32>,
      %get3A_669 = vector.shape_cast %get3A_668 : vector<1x16xf32> to vector<16xf32>
      %add3A_670 = arith.addf %get3A_665, %get3A_669 : vector<16xf32>
      %swap3A_671 = arith.index_cast %scan3A_116 : i32 to index
      %swap3A_672 = arith.constant 624 : index
      %swap3A_673 = tpu.vector_load %arg6[%swap3A_671, %swap3A_672] {strides = array<i32>} : memref<16x1024xf32, #tpu.memory_space<vmem>>, vector<1x16xf32>,
      %swap3A_674 = vector.shape_cast %swap3A_673 : vector<1x16xf32> to vector<16xf32>
      %swap3A_675 = vector.shape_cast %add3A_670 : vector<16xf32> to vector<1x16xf32>
      tpu.vector_store %arg6[%swap3A_671, %swap3A_672], %swap3A_675 {strides = array<i32>} : memref<16x1024xf32, #tpu.memory_space<vmem>>, vector<1x16xf32>,
      %get3A_676 = arith.index_cast %scan3A_116 : i32 to index
      %get3A_677 = arith.constant 640 : index
      %get3A_678 = tpu.vector_load %arg6[%get3A_676, %get3A_677] {strides = array<i32>} : memref<16x1024xf32, #tpu.memory_space<vmem>>, vector<1x16xf32>,
      %get3A_679 = vector.shape_cast %get3A_678 : vector<1x16xf32> to vector<16xf32>
      %get3A_680 = arith.index_cast %scan3A_116 : i32 to index
      %get3A_681 = arith.constant 640 : index
      %get3A_682 = tpu.vector_load %arg7[%get3A_680, %get3A_681] {strides = array<i32>} : memref<16x1024xf32, #tpu.memory_space<vmem>>, vector<1x16xf32>,
      %get3A_683 = vector.shape_cast %get3A_682 : vector<1x16xf32> to vector<16xf32>
      %add3A_684 = arith.addf %get3A_679, %get3A_683 : vector<16xf32>
      %swap3A_685 = arith.index_cast %scan3A_116 : i32 to index
      %swap3A_686 = arith.constant 640 : index
      %swap3A_687 = tpu.vector_load %arg6[%swap3A_685, %swap3A_686] {strides = array<i32>} : memref<16x1024xf32, #tpu.memory_space<vmem>>, vector<1x16xf32>,
      %swap3A_688 = vector.shape_cast %swap3A_687 : vector<1x16xf32> to vector<16xf32>
      %swap3A_689 = vector.shape_cast %add3A_684 : vector<16xf32> to vector<1x16xf32>
      tpu.vector_store %arg6[%swap3A_685, %swap3A_686], %swap3A_689 {strides = array<i32>} : memref<16x1024xf32, #tpu.memory_space<vmem>>, vector<1x16xf32>,
      %get3A_690 = arith.index_cast %scan3A_116 : i32 to index
      %get3A_691 = arith.constant 656 : index
      %get3A_692 = tpu.vector_load %arg6[%get3A_690, %get3A_691] {strides = array<i32>} : memref<16x1024xf32, #tpu.memory_space<vmem>>, vector<1x16xf32>,
      %get3A_693 = vector.shape_cast %get3A_692 : vector<1x16xf32> to vector<16xf32>
      %get3A_694 = arith.index_cast %scan3A_116 : i32 to index
      %get3A_695 = arith.constant 656 : index
      %get3A_696 = tpu.vector_load %arg7[%get3A_694, %get3A_695] {strides = array<i32>} : memref<16x1024xf32, #tpu.memory_space<vmem>>, vector<1x16xf32>,
      %get3A_697 = vector.shape_cast %get3A_696 : vector<1x16xf32> to vector<16xf32>
      %add3A_698 = arith.addf %get3A_693, %get3A_697 : vector<16xf32>
      %swap3A_699 = arith.index_cast %scan3A_116 : i32 to index
      %swap3A_700 = arith.constant 656 : index
      %swap3A_701 = tpu.vector_load %arg6[%swap3A_699, %swap3A_700] {strides = array<i32>} : memref<16x1024xf32, #tpu.memory_space<vmem>>, vector<1x16xf32>,
      %swap3A_702 = vector.shape_cast %swap3A_701 : vector<1x16xf32> to vector<16xf32>
      %swap3A_703 = vector.shape_cast %add3A_698 : vector<16xf32> to vector<1x16xf32>
      tpu.vector_store %arg6[%swap3A_699, %swap3A_700], %swap3A_703 {strides = array<i32>} : memref<16x1024xf32, #tpu.memory_space<vmem>>, vector<1x16xf32>,
      %get3A_704 = arith.index_cast %scan3A_116 : i32 to index
      %get3A_705 = arith.constant 672 : index
      %get3A_706 = tpu.vector_load %arg6[%get3A_704, %get3A_705] {strides = array<i32>} : memref<16x1024xf32, #tpu.memory_space<vmem>>, vector<1x16xf32>,
      %get3A_707 = vector.shape_cast %get3A_706 : vector<1x16xf32> to vector<16xf32>
      %get3A_708 = arith.index_cast %scan3A_116 : i32 to index
      %get3A_709 = arith.constant 672 : index
      %get3A_710 = tpu.vector_load %arg7[%get3A_708, %get3A_709] {strides = array<i32>} : memref<16x1024xf32, #tpu.memory_space<vmem>>, vector<1x16xf32>,
      %get3A_711 = vector.shape_cast %get3A_710 : vector<1x16xf32> to vector<16xf32>
      %add3A_712 = arith.addf %get3A_707, %get3A_711 : vector<16xf32>
      %swap3A_713 = arith.index_cast %scan3A_116 : i32 to index
      %swap3A_714 = arith.constant 672 : index
      %swap3A_715 = tpu.vector_load %arg6[%swap3A_713, %swap3A_714] {strides = array<i32>} : memref<16x1024xf32, #tpu.memory_space<vmem>>, vector<1x16xf32>,
      %swap3A_716 = vector.shape_cast %swap3A_715 : vector<1x16xf32> to vector<16xf32>
      %swap3A_717 = vector.shape_cast %add3A_712 : vector<16xf32> to vector<1x16xf32>
      tpu.vector_store %arg6[%swap3A_713, %swap3A_714], %swap3A_717 {strides = array<i32>} : memref<16x1024xf32, #tpu.memory_space<vmem>>, vector<1x16xf32>,
      %get3A_718 = arith.index_cast %scan3A_116 : i32 to index
      %get3A_719 = arith.constant 688 : index
      %get3A_720 = tpu.vector_load %arg6[%get3A_718, %get3A_719] {strides = array<i32>} : memref<16x1024xf32, #tpu.memory_space<vmem>>, vector<1x16xf32>,
      %get3A_721 = vector.shape_cast %get3A_720 : vector<1x16xf32> to vector<16xf32>
      %get3A_722 = arith.index_cast %scan3A_116 : i32 to index
      %get3A_723 = arith.constant 688 : index
      %get3A_724 = tpu.vector_load %arg7[%get3A_722, %get3A_723] {strides = array<i32>} : memref<16x1024xf32, #tpu.memory_space<vmem>>, vector<1x16xf32>,
      %get3A_725 = vector.shape_cast %get3A_724 : vector<1x16xf32> to vector<16xf32>
      %add3A_726 = arith.addf %get3A_721, %get3A_725 : vector<16xf32>
      %swap3A_727 = arith.index_cast %scan3A_116 : i32 to index
      %swap3A_728 = arith.constant 688 : index
      %swap3A_729 = tpu.vector_load %arg6[%swap3A_727, %swap3A_728] {strides = array<i32>} : memref<16x1024xf32, #tpu.memory_space<vmem>>, vector<1x16xf32>,
      %swap3A_730 = vector.shape_cast %swap3A_729 : vector<1x16xf32> to vector<16xf32>
      %swap3A_731 = vector.shape_cast %add3A_726 : vector<16xf32> to vector<1x16xf32>
      tpu.vector_store %arg6[%swap3A_727, %swap3A_728], %swap3A_731 {strides = array<i32>} : memref<16x1024xf32, #tpu.memory_space<vmem>>, vector<1x16xf32>,
      %get3A_732 = arith.index_cast %scan3A_116 : i32 to index
      %get3A_733 = arith.constant 704 : index
      %get3A_734 = tpu.vector_load %arg6[%get3A_732, %get3A_733] {strides = array<i32>} : memref<16x1024xf32, #tpu.memory_space<vmem>>, vector<1x16xf32>,
      %get3A_735 = vector.shape_cast %get3A_734 : vector<1x16xf32> to vector<16xf32>
      %get3A_736 = arith.index_cast %scan3A_116 : i32 to index
      %get3A_737 = arith.constant 704 : index
      %get3A_738 = tpu.vector_load %arg7[%get3A_736, %get3A_737] {strides = array<i32>} : memref<16x1024xf32, #tpu.memory_space<vmem>>, vector<1x16xf32>,
      %get3A_739 = vector.shape_cast %get3A_738 : vector<1x16xf32> to vector<16xf32>
      %add3A_740 = arith.addf %get3A_735, %get3A_739 : vector<16xf32>
      %swap3A_741 = arith.index_cast %scan3A_116 : i32 to index
      %swap3A_742 = arith.constant 704 : index
      %swap3A_743 = tpu.vector_load %arg6[%swap3A_741, %swap3A_742] {strides = array<i32>} : memref<16x1024xf32, #tpu.memory_space<vmem>>, vector<1x16xf32>,
      %swap3A_744 = vector.shape_cast %swap3A_743 : vector<1x16xf32> to vector<16xf32>
      %swap3A_745 = vector.shape_cast %add3A_740 : vector<16xf32> to vector<1x16xf32>
      tpu.vector_store %arg6[%swap3A_741, %swap3A_742], %swap3A_745 {strides = array<i32>} : memref<16x1024xf32, #tpu.memory_space<vmem>>, vector<1x16xf32>,
      %get3A_746 = arith.index_cast %scan3A_116 : i32 to index
      %get3A_747 = arith.constant 720 : index
      %get3A_748 = tpu.vector_load %arg6[%get3A_746, %get3A_747] {strides = array<i32>} : memref<16x1024xf32, #tpu.memory_space<vmem>>, vector<1x16xf32>,
      %get3A_749 = vector.shape_cast %get3A_748 : vector<1x16xf32> to vector<16xf32>
      %get3A_750 = arith.index_cast %scan3A_116 : i32 to index
      %get3A_751 = arith.constant 720 : index
      %get3A_752 = tpu.vector_load %arg7[%get3A_750, %get3A_751] {strides = array<i32>} : memref<16x1024xf32, #tpu.memory_space<vmem>>, vector<1x16xf32>,
      %get3A_753 = vector.shape_cast %get3A_752 : vector<1x16xf32> to vector<16xf32>
      %add3A_754 = arith.addf %get3A_749, %get3A_753 : vector<16xf32>
      %swap3A_755 = arith.index_cast %scan3A_116 : i32 to index
      %swap3A_756 = arith.constant 720 : index
      %swap3A_757 = tpu.vector_load %arg6[%swap3A_755, %swap3A_756] {strides = array<i32>} : memref<16x1024xf32, #tpu.memory_space<vmem>>, vector<1x16xf32>,
      %swap3A_758 = vector.shape_cast %swap3A_757 : vector<1x16xf32> to vector<16xf32>
      %swap3A_759 = vector.shape_cast %add3A_754 : vector<16xf32> to vector<1x16xf32>
      tpu.vector_store %arg6[%swap3A_755, %swap3A_756], %swap3A_759 {strides = array<i32>} : memref<16x1024xf32, #tpu.memory_space<vmem>>, vector<1x16xf32>,
      %get3A_760 = arith.index_cast %scan3A_116 : i32 to index
      %get3A_761 = arith.constant 736 : index
      %get3A_762 = tpu.vector_load %arg6[%get3A_760, %get3A_761] {strides = array<i32>} : memref<16x1024xf32, #tpu.memory_space<vmem>>, vector<1x16xf32>,
      %get3A_763 = vector.shape_cast %get3A_762 : vector<1x16xf32> to vector<16xf32>
      %get3A_764 = arith.index_cast %scan3A_116 : i32 to index
      %get3A_765 = arith.constant 736 : index
      %get3A_766 = tpu.vector_load %arg7[%get3A_764, %get3A_765] {strides = array<i32>} : memref<16x1024xf32, #tpu.memory_space<vmem>>, vector<1x16xf32>,
      %get3A_767 = vector.shape_cast %get3A_766 : vector<1x16xf32> to vector<16xf32>
      %add3A_768 = arith.addf %get3A_763, %get3A_767 : vector<16xf32>
      %swap3A_769 = arith.index_cast %scan3A_116 : i32 to index
      %swap3A_770 = arith.constant 736 : index
      %swap3A_771 = tpu.vector_load %arg6[%swap3A_769, %swap3A_770] {strides = array<i32>} : memref<16x1024xf32, #tpu.memory_space<vmem>>, vector<1x16xf32>,
      %swap3A_772 = vector.shape_cast %swap3A_771 : vector<1x16xf32> to vector<16xf32>
      %swap3A_773 = vector.shape_cast %add3A_768 : vector<16xf32> to vector<1x16xf32>
      tpu.vector_store %arg6[%swap3A_769, %swap3A_770], %swap3A_773 {strides = array<i32>} : memref<16x1024xf32, #tpu.memory_space<vmem>>, vector<1x16xf32>,
      %get3A_774 = arith.index_cast %scan3A_116 : i32 to index
      %get3A_775 = arith.constant 752 : index
      %get3A_776 = tpu.vector_load %arg6[%get3A_774, %get3A_775] {strides = array<i32>} : memref<16x1024xf32, #tpu.memory_space<vmem>>, vector<1x16xf32>,
      %get3A_777 = vector.shape_cast %get3A_776 : vector<1x16xf32> to vector<16xf32>
      %get3A_778 = arith.index_cast %scan3A_116 : i32 to index
      %get3A_779 = arith.constant 752 : index
      %get3A_780 = tpu.vector_load %arg7[%get3A_778, %get3A_779] {strides = array<i32>} : memref<16x1024xf32, #tpu.memory_space<vmem>>, vector<1x16xf32>,
      %get3A_781 = vector.shape_cast %get3A_780 : vector<1x16xf32> to vector<16xf32>
      %add3A_782 = arith.addf %get3A_777, %get3A_781 : vector<16xf32>
      %swap3A_783 = arith.index_cast %scan3A_116 : i32 to index
      %swap3A_784 = arith.constant 752 : index
      %swap3A_785 = tpu.vector_load %arg6[%swap3A_783, %swap3A_784] {strides = array<i32>} : memref<16x1024xf32, #tpu.memory_space<vmem>>, vector<1x16xf32>,
      %swap3A_786 = vector.shape_cast %swap3A_785 : vector<1x16xf32> to vector<16xf32>
      %swap3A_787 = vector.shape_cast %add3A_782 : vector<16xf32> to vector<1x16xf32>
      tpu.vector_store %arg6[%swap3A_783, %swap3A_784], %swap3A_787 {strides = array<i32>} : memref<16x1024xf32, #tpu.memory_space<vmem>>, vector<1x16xf32>,
      %get3A_788 = arith.index_cast %scan3A_116 : i32 to index
      %get3A_789 = arith.constant 768 : index
      %get3A_790 = tpu.vector_load %arg6[%get3A_788, %get3A_789] {strides = array<i32>} : memref<16x1024xf32, #tpu.memory_space<vmem>>, vector<1x16xf32>,
      %get3A_791 = vector.shape_cast %get3A_790 : vector<1x16xf32> to vector<16xf32>
      %get3A_792 = arith.index_cast %scan3A_116 : i32 to index
      %get3A_793 = arith.constant 768 : index
      %get3A_794 = tpu.vector_load %arg7[%get3A_792, %get3A_793] {strides = array<i32>} : memref<16x1024xf32, #tpu.memory_space<vmem>>, vector<1x16xf32>,
      %get3A_795 = vector.shape_cast %get3A_794 : vector<1x16xf32> to vector<16xf32>
      %add3A_796 = arith.addf %get3A_791, %get3A_795 : vector<16xf32>
      %swap3A_797 = arith.index_cast %scan3A_116 : i32 to index
      %swap3A_798 = arith.constant 768 : index
      %swap3A_799 = tpu.vector_load %arg6[%swap3A_797, %swap3A_798] {strides = array<i32>} : memref<16x1024xf32, #tpu.memory_space<vmem>>, vector<1x16xf32>,
      %swap3A_800 = vector.shape_cast %swap3A_799 : vector<1x16xf32> to vector<16xf32>
      %swap3A_801 = vector.shape_cast %add3A_796 : vector<16xf32> to vector<1x16xf32>
      tpu.vector_store %arg6[%swap3A_797, %swap3A_798], %swap3A_801 {strides = array<i32>} : memref<16x1024xf32, #tpu.memory_space<vmem>>, vector<1x16xf32>,
      %get3A_802 = arith.index_cast %scan3A_116 : i32 to index
      %get3A_803 = arith.constant 784 : index
      %get3A_804 = tpu.vector_load %arg6[%get3A_802, %get3A_803] {strides = array<i32>} : memref<16x1024xf32, #tpu.memory_space<vmem>>, vector<1x16xf32>,
      %get3A_805 = vector.shape_cast %get3A_804 : vector<1x16xf32> to vector<16xf32>
      %get3A_806 = arith.index_cast %scan3A_116 : i32 to index
      %get3A_807 = arith.constant 784 : index
      %get3A_808 = tpu.vector_load %arg7[%get3A_806, %get3A_807] {strides = array<i32>} : memref<16x1024xf32, #tpu.memory_space<vmem>>, vector<1x16xf32>,
      %get3A_809 = vector.shape_cast %get3A_808 : vector<1x16xf32> to vector<16xf32>
      %add3A_810 = arith.addf %get3A_805, %get3A_809 : vector<16xf32>
      %swap3A_811 = arith.index_cast %scan3A_116 : i32 to index
      %swap3A_812 = arith.constant 784 : index
      %swap3A_813 = tpu.vector_load %arg6[%swap3A_811, %swap3A_812] {strides = array<i32>} : memref<16x1024xf32, #tpu.memory_space<vmem>>, vector<1x16xf32>,
      %swap3A_814 = vector.shape_cast %swap3A_813 : vector<1x16xf32> to vector<16xf32>
      %swap3A_815 = vector.shape_cast %add3A_810 : vector<16xf32> to vector<1x16xf32>
      tpu.vector_store %arg6[%swap3A_811, %swap3A_812], %swap3A_815 {strides = array<i32>} : memref<16x1024xf32, #tpu.memory_space<vmem>>, vector<1x16xf32>,
      %get3A_816 = arith.index_cast %scan3A_116 : i32 to index
      %get3A_817 = arith.constant 800 : index
      %get3A_818 = tpu.vector_load %arg6[%get3A_816, %get3A_817] {strides = array<i32>} : memref<16x1024xf32, #tpu.memory_space<vmem>>, vector<1x16xf32>,
      %get3A_819 = vector.shape_cast %get3A_818 : vector<1x16xf32> to vector<16xf32>
      %get3A_820 = arith.index_cast %scan3A_116 : i32 to index
      %get3A_821 = arith.constant 800 : index
      %get3A_822 = tpu.vector_load %arg7[%get3A_820, %get3A_821] {strides = array<i32>} : memref<16x1024xf32, #tpu.memory_space<vmem>>, vector<1x16xf32>,
      %get3A_823 = vector.shape_cast %get3A_822 : vector<1x16xf32> to vector<16xf32>
      %add3A_824 = arith.addf %get3A_819, %get3A_823 : vector<16xf32>
      %swap3A_825 = arith.index_cast %scan3A_116 : i32 to index
      %swap3A_826 = arith.constant 800 : index
      %swap3A_827 = tpu.vector_load %arg6[%swap3A_825, %swap3A_826] {strides = array<i32>} : memref<16x1024xf32, #tpu.memory_space<vmem>>, vector<1x16xf32>,
      %swap3A_828 = vector.shape_cast %swap3A_827 : vector<1x16xf32> to vector<16xf32>
      %swap3A_829 = vector.shape_cast %add3A_824 : vector<16xf32> to vector<1x16xf32>
      tpu.vector_store %arg6[%swap3A_825, %swap3A_826], %swap3A_829 {strides = array<i32>} : memref<16x1024xf32, #tpu.memory_space<vmem>>, vector<1x16xf32>,
      %get3A_830 = arith.index_cast %scan3A_116 : i32 to index
      %get3A_831 = arith.constant 816 : index
      %get3A_832 = tpu.vector_load %arg6[%get3A_830, %get3A_831] {strides = array<i32>} : memref<16x1024xf32, #tpu.memory_space<vmem>>, vector<1x16xf32>,
      %get3A_833 = vector.shape_cast %get3A_832 : vector<1x16xf32> to vector<16xf32>
      %get3A_834 = arith.index_cast %scan3A_116 : i32 to index
      %get3A_835 = arith.constant 816 : index
      %get3A_836 = tpu.vector_load %arg7[%get3A_834, %get3A_835] {strides = array<i32>} : memref<16x1024xf32, #tpu.memory_space<vmem>>, vector<1x16xf32>,
      %get3A_837 = vector.shape_cast %get3A_836 : vector<1x16xf32> to vector<16xf32>
      %add3A_838 = arith.addf %get3A_833, %get3A_837 : vector<16xf32>
      %swap3A_839 = arith.index_cast %scan3A_116 : i32 to index
      %swap3A_840 = arith.constant 816 : index
      %swap3A_841 = tpu.vector_load %arg6[%swap3A_839, %swap3A_840] {strides = array<i32>} : memref<16x1024xf32, #tpu.memory_space<vmem>>, vector<1x16xf32>,
      %swap3A_842 = vector.shape_cast %swap3A_841 : vector<1x16xf32> to vector<16xf32>
      %swap3A_843 = vector.shape_cast %add3A_838 : vector<16xf32> to vector<1x16xf32>
      tpu.vector_store %arg6[%swap3A_839, %swap3A_840], %swap3A_843 {strides = array<i32>} : memref<16x1024xf32, #tpu.memory_space<vmem>>, vector<1x16xf32>,
      %get3A_844 = arith.index_cast %scan3A_116 : i32 to index
      %get3A_845 = arith.constant 832 : index
      %get3A_846 = tpu.vector_load %arg6[%get3A_844, %get3A_845] {strides = array<i32>} : memref<16x1024xf32, #tpu.memory_space<vmem>>, vector<1x16xf32>,
      %get3A_847 = vector.shape_cast %get3A_846 : vector<1x16xf32> to vector<16xf32>
      %get3A_848 = arith.index_cast %scan3A_116 : i32 to index
      %get3A_849 = arith.constant 832 : index
      %get3A_850 = tpu.vector_load %arg7[%get3A_848, %get3A_849] {strides = array<i32>} : memref<16x1024xf32, #tpu.memory_space<vmem>>, vector<1x16xf32>,
      %get3A_851 = vector.shape_cast %get3A_850 : vector<1x16xf32> to vector<16xf32>
      %add3A_852 = arith.addf %get3A_847, %get3A_851 : vector<16xf32>
      %swap3A_853 = arith.index_cast %scan3A_116 : i32 to index
      %swap3A_854 = arith.constant 832 : index
      %swap3A_855 = tpu.vector_load %arg6[%swap3A_853, %swap3A_854] {strides = array<i32>} : memref<16x1024xf32, #tpu.memory_space<vmem>>, vector<1x16xf32>,
      %swap3A_856 = vector.shape_cast %swap3A_855 : vector<1x16xf32> to vector<16xf32>
      %swap3A_857 = vector.shape_cast %add3A_852 : vector<16xf32> to vector<1x16xf32>
      tpu.vector_store %arg6[%swap3A_853, %swap3A_854], %swap3A_857 {strides = array<i32>} : memref<16x1024xf32, #tpu.memory_space<vmem>>, vector<1x16xf32>,
      %get3A_858 = arith.index_cast %scan3A_116 : i32 to index
      %get3A_859 = arith.constant 848 : index
      %get3A_860 = tpu.vector_load %arg6[%get3A_858, %get3A_859] {strides = array<i32>} : memref<16x1024xf32, #tpu.memory_space<vmem>>, vector<1x16xf32>,
      %get3A_861 = vector.shape_cast %get3A_860 : vector<1x16xf32> to vector<16xf32>
      %get3A_862 = arith.index_cast %scan3A_116 : i32 to index
      %get3A_863 = arith.constant 848 : index
      %get3A_864 = tpu.vector_load %arg7[%get3A_862, %get3A_863] {strides = array<i32>} : memref<16x1024xf32, #tpu.memory_space<vmem>>, vector<1x16xf32>,
      %get3A_865 = vector.shape_cast %get3A_864 : vector<1x16xf32> to vector<16xf32>
      %add3A_866 = arith.addf %get3A_861, %get3A_865 : vector<16xf32>
      %swap3A_867 = arith.index_cast %scan3A_116 : i32 to index
      %swap3A_868 = arith.constant 848 : index
      %swap3A_869 = tpu.vector_load %arg6[%swap3A_867, %swap3A_868] {strides = array<i32>} : memref<16x1024xf32, #tpu.memory_space<vmem>>, vector<1x16xf32>,
      %swap3A_870 = vector.shape_cast %swap3A_869 : vector<1x16xf32> to vector<16xf32>
      %swap3A_871 = vector.shape_cast %add3A_866 : vector<16xf32> to vector<1x16xf32>
      tpu.vector_store %arg6[%swap3A_867, %swap3A_868], %swap3A_871 {strides = array<i32>} : memref<16x1024xf32, #tpu.memory_space<vmem>>, vector<1x16xf32>,
      %get3A_872 = arith.index_cast %scan3A_116 : i32 to index
      %get3A_873 = arith.constant 864 : index
      %get3A_874 = tpu.vector_load %arg6[%get3A_872, %get3A_873] {strides = array<i32>} : memref<16x1024xf32, #tpu.memory_space<vmem>>, vector<1x16xf32>,
      %get3A_875 = vector.shape_cast %get3A_874 : vector<1x16xf32> to vector<16xf32>
      %get3A_876 = arith.index_cast %scan3A_116 : i32 to index
      %get3A_877 = arith.constant 864 : index
      %get3A_878 = tpu.vector_load %arg7[%get3A_876, %get3A_877] {strides = array<i32>} : memref<16x1024xf32, #tpu.memory_space<vmem>>, vector<1x16xf32>,
      %get3A_879 = vector.shape_cast %get3A_878 : vector<1x16xf32> to vector<16xf32>
      %add3A_880 = arith.addf %get3A_875, %get3A_879 : vector<16xf32>
      %swap3A_881 = arith.index_cast %scan3A_116 : i32 to index
      %swap3A_882 = arith.constant 864 : index
      %swap3A_883 = tpu.vector_load %arg6[%swap3A_881, %swap3A_882] {strides = array<i32>} : memref<16x1024xf32, #tpu.memory_space<vmem>>, vector<1x16xf32>,
      %swap3A_884 = vector.shape_cast %swap3A_883 : vector<1x16xf32> to vector<16xf32>
      %swap3A_885 = vector.shape_cast %add3A_880 : vector<16xf32> to vector<1x16xf32>
      tpu.vector_store %arg6[%swap3A_881, %swap3A_882], %swap3A_885 {strides = array<i32>} : memref<16x1024xf32, #tpu.memory_space<vmem>>, vector<1x16xf32>,
      %get3A_886 = arith.index_cast %scan3A_116 : i32 to index
      %get3A_887 = arith.constant 880 : index
      %get3A_888 = tpu.vector_load %arg6[%get3A_886, %get3A_887] {strides = array<i32>} : memref<16x1024xf32, #tpu.memory_space<vmem>>, vector<1x16xf32>,
      %get3A_889 = vector.shape_cast %get3A_888 : vector<1x16xf32> to vector<16xf32>
      %get3A_890 = arith.index_cast %scan3A_116 : i32 to index
      %get3A_891 = arith.constant 880 : index
      %get3A_892 = tpu.vector_load %arg7[%get3A_890, %get3A_891] {strides = array<i32>} : memref<16x1024xf32, #tpu.memory_space<vmem>>, vector<1x16xf32>,
      %get3A_893 = vector.shape_cast %get3A_892 : vector<1x16xf32> to vector<16xf32>
      %add3A_894 = arith.addf %get3A_889, %get3A_893 : vector<16xf32>
      %swap3A_895 = arith.index_cast %scan3A_116 : i32 to index
      %swap3A_896 = arith.constant 880 : index
      %swap3A_897 = tpu.vector_load %arg6[%swap3A_895, %swap3A_896] {strides = array<i32>} : memref<16x1024xf32, #tpu.memory_space<vmem>>, vector<1x16xf32>,
      %swap3A_898 = vector.shape_cast %swap3A_897 : vector<1x16xf32> to vector<16xf32>
      %swap3A_899 = vector.shape_cast %add3A_894 : vector<16xf32> to vector<1x16xf32>
      tpu.vector_store %arg6[%swap3A_895, %swap3A_896], %swap3A_899 {strides = array<i32>} : memref<16x1024xf32, #tpu.memory_space<vmem>>, vector<1x16xf32>,
      %get3A_900 = arith.index_cast %scan3A_116 : i32 to index
      %get3A_901 = arith.constant 896 : index
      %get3A_902 = tpu.vector_load %arg6[%get3A_900, %get3A_901] {strides = array<i32>} : memref<16x1024xf32, #tpu.memory_space<vmem>>, vector<1x16xf32>,
      %get3A_903 = vector.shape_cast %get3A_902 : vector<1x16xf32> to vector<16xf32>
      %get3A_904 = arith.index_cast %scan3A_116 : i32 to index
      %get3A_905 = arith.constant 896 : index
      %get3A_906 = tpu.vector_load %arg7[%get3A_904, %get3A_905] {strides = array<i32>} : memref<16x1024xf32, #tpu.memory_space<vmem>>, vector<1x16xf32>,
      %get3A_907 = vector.shape_cast %get3A_906 : vector<1x16xf32> to vector<16xf32>
      %add3A_908 = arith.addf %get3A_903, %get3A_907 : vector<16xf32>
      %swap3A_909 = arith.index_cast %scan3A_116 : i32 to index
      %swap3A_910 = arith.constant 896 : index
      %swap3A_911 = tpu.vector_load %arg6[%swap3A_909, %swap3A_910] {strides = array<i32>} : memref<16x1024xf32, #tpu.memory_space<vmem>>, vector<1x16xf32>,
      %swap3A_912 = vector.shape_cast %swap3A_911 : vector<1x16xf32> to vector<16xf32>
      %swap3A_913 = vector.shape_cast %add3A_908 : vector<16xf32> to vector<1x16xf32>
      tpu.vector_store %arg6[%swap3A_909, %swap3A_910], %swap3A_913 {strides = array<i32>} : memref<16x1024xf32, #tpu.memory_space<vmem>>, vector<1x16xf32>,
      %get3A_914 = arith.index_cast %scan3A_116 : i32 to index
      %get3A_915 = arith.constant 912 : index
      %get3A_916 = tpu.vector_load %arg6[%get3A_914, %get3A_915] {strides = array<i32>} : memref<16x1024xf32, #tpu.memory_space<vmem>>, vector<1x16xf32>,
      %get3A_917 = vector.shape_cast %get3A_916 : vector<1x16xf32> to vector<16xf32>
      %get3A_918 = arith.index_cast %scan3A_116 : i32 to index
      %get3A_919 = arith.constant 912 : index
      %get3A_920 = tpu.vector_load %arg7[%get3A_918, %get3A_919] {strides = array<i32>} : memref<16x1024xf32, #tpu.memory_space<vmem>>, vector<1x16xf32>,
      %get3A_921 = vector.shape_cast %get3A_920 : vector<1x16xf32> to vector<16xf32>
      %add3A_922 = arith.addf %get3A_917, %get3A_921 : vector<16xf32>
      %swap3A_923 = arith.index_cast %scan3A_116 : i32 to index
      %swap3A_924 = arith.constant 912 : index
      %swap3A_925 = tpu.vector_load %arg6[%swap3A_923, %swap3A_924] {strides = array<i32>} : memref<16x1024xf32, #tpu.memory_space<vmem>>, vector<1x16xf32>,
      %swap3A_926 = vector.shape_cast %swap3A_925 : vector<1x16xf32> to vector<16xf32>
      %swap3A_927 = vector.shape_cast %add3A_922 : vector<16xf32> to vector<1x16xf32>
      tpu.vector_store %arg6[%swap3A_923, %swap3A_924], %swap3A_927 {strides = array<i32>} : memref<16x1024xf32, #tpu.memory_space<vmem>>, vector<1x16xf32>,
      %get3A_928 = arith.index_cast %scan3A_116 : i32 to index
      %get3A_929 = arith.constant 928 : index
      %get3A_930 = tpu.vector_load %arg6[%get3A_928, %get3A_929] {strides = array<i32>} : memref<16x1024xf32, #tpu.memory_space<vmem>>, vector<1x16xf32>,
      %get3A_931 = vector.shape_cast %get3A_930 : vector<1x16xf32> to vector<16xf32>
      %get3A_932 = arith.index_cast %scan3A_116 : i32 to index
      %get3A_933 = arith.constant 928 : index
      %get3A_934 = tpu.vector_load %arg7[%get3A_932, %get3A_933] {strides = array<i32>} : memref<16x1024xf32, #tpu.memory_space<vmem>>, vector<1x16xf32>,
      %get3A_935 = vector.shape_cast %get3A_934 : vector<1x16xf32> to vector<16xf32>
      %add3A_936 = arith.addf %get3A_931, %get3A_935 : vector<16xf32>
      %swap3A_937 = arith.index_cast %scan3A_116 : i32 to index
      %swap3A_938 = arith.constant 928 : index
      %swap3A_939 = tpu.vector_load %arg6[%swap3A_937, %swap3A_938] {strides = array<i32>} : memref<16x1024xf32, #tpu.memory_space<vmem>>, vector<1x16xf32>,
      %swap3A_940 = vector.shape_cast %swap3A_939 : vector<1x16xf32> to vector<16xf32>
      %swap3A_941 = vector.shape_cast %add3A_936 : vector<16xf32> to vector<1x16xf32>
      tpu.vector_store %arg6[%swap3A_937, %swap3A_938], %swap3A_941 {strides = array<i32>} : memref<16x1024xf32, #tpu.memory_space<vmem>>, vector<1x16xf32>,
      %get3A_942 = arith.index_cast %scan3A_116 : i32 to index
      %get3A_943 = arith.constant 944 : index
      %get3A_944 = tpu.vector_load %arg6[%get3A_942, %get3A_943] {strides = array<i32>} : memref<16x1024xf32, #tpu.memory_space<vmem>>, vector<1x16xf32>,
      %get3A_945 = vector.shape_cast %get3A_944 : vector<1x16xf32> to vector<16xf32>
      %get3A_946 = arith.index_cast %scan3A_116 : i32 to index
      %get3A_947 = arith.constant 944 : index
      %get3A_948 = tpu.vector_load %arg7[%get3A_946, %get3A_947] {strides = array<i32>} : memref<16x1024xf32, #tpu.memory_space<vmem>>, vector<1x16xf32>,
      %get3A_949 = vector.shape_cast %get3A_948 : vector<1x16xf32> to vector<16xf32>
      %add3A_950 = arith.addf %get3A_945, %get3A_949 : vector<16xf32>
      %swap3A_951 = arith.index_cast %scan3A_116 : i32 to index
      %swap3A_952 = arith.constant 944 : index
      %swap3A_953 = tpu.vector_load %arg6[%swap3A_951, %swap3A_952] {strides = array<i32>} : memref<16x1024xf32, #tpu.memory_space<vmem>>, vector<1x16xf32>,
      %swap3A_954 = vector.shape_cast %swap3A_953 : vector<1x16xf32> to vector<16xf32>
      %swap3A_955 = vector.shape_cast %add3A_950 : vector<16xf32> to vector<1x16xf32>
      tpu.vector_store %arg6[%swap3A_951, %swap3A_952], %swap3A_955 {strides = array<i32>} : memref<16x1024xf32, #tpu.memory_space<vmem>>, vector<1x16xf32>,
      %get3A_956 = arith.index_cast %scan3A_116 : i32 to index
      %get3A_957 = arith.constant 960 : index
      %get3A_958 = tpu.vector_load %arg6[%get3A_956, %get3A_957] {strides = array<i32>} : memref<16x1024xf32, #tpu.memory_space<vmem>>, vector<1x16xf32>,
      %get3A_959 = vector.shape_cast %get3A_958 : vector<1x16xf32> to vector<16xf32>
      %get3A_960 = arith.index_cast %scan3A_116 : i32 to index
      %get3A_961 = arith.constant 960 : index
      %get3A_962 = tpu.vector_load %arg7[%get3A_960, %get3A_961] {strides = array<i32>} : memref<16x1024xf32, #tpu.memory_space<vmem>>, vector<1x16xf32>,
      %get3A_963 = vector.shape_cast %get3A_962 : vector<1x16xf32> to vector<16xf32>
      %add3A_964 = arith.addf %get3A_959, %get3A_963 : vector<16xf32>
      %swap3A_965 = arith.index_cast %scan3A_116 : i32 to index
      %swap3A_966 = arith.constant 960 : index
      %swap3A_967 = tpu.vector_load %arg6[%swap3A_965, %swap3A_966] {strides = array<i32>} : memref<16x1024xf32, #tpu.memory_space<vmem>>, vector<1x16xf32>,
      %swap3A_968 = vector.shape_cast %swap3A_967 : vector<1x16xf32> to vector<16xf32>
      %swap3A_969 = vector.shape_cast %add3A_964 : vector<16xf32> to vector<1x16xf32>
      tpu.vector_store %arg6[%swap3A_965, %swap3A_966], %swap3A_969 {strides = array<i32>} : memref<16x1024xf32, #tpu.memory_space<vmem>>, vector<1x16xf32>,
      %get3A_970 = arith.index_cast %scan3A_116 : i32 to index
      %get3A_971 = arith.constant 976 : index
      %get3A_972 = tpu.vector_load %arg6[%get3A_970, %get3A_971] {strides = array<i32>} : memref<16x1024xf32, #tpu.memory_space<vmem>>, vector<1x16xf32>,
      %get3A_973 = vector.shape_cast %get3A_972 : vector<1x16xf32> to vector<16xf32>
      %get3A_974 = arith.index_cast %scan3A_116 : i32 to index
      %get3A_975 = arith.constant 976 : index
      %get3A_976 = tpu.vector_load %arg7[%get3A_974, %get3A_975] {strides = array<i32>} : memref<16x1024xf32, #tpu.memory_space<vmem>>, vector<1x16xf32>,
      %get3A_977 = vector.shape_cast %get3A_976 : vector<1x16xf32> to vector<16xf32>
      %add3A_978 = arith.addf %get3A_973, %get3A_977 : vector<16xf32>
      %swap3A_979 = arith.index_cast %scan3A_116 : i32 to index
      %swap3A_980 = arith.constant 976 : index
      %swap3A_981 = tpu.vector_load %arg6[%swap3A_979, %swap3A_980] {strides = array<i32>} : memref<16x1024xf32, #tpu.memory_space<vmem>>, vector<1x16xf32>,
      %swap3A_982 = vector.shape_cast %swap3A_981 : vector<1x16xf32> to vector<16xf32>
      %swap3A_983 = vector.shape_cast %add3A_978 : vector<16xf32> to vector<1x16xf32>
      tpu.vector_store %arg6[%swap3A_979, %swap3A_980], %swap3A_983 {strides = array<i32>} : memref<16x1024xf32, #tpu.memory_space<vmem>>, vector<1x16xf32>,
      %get3A_984 = arith.index_cast %scan3A_116 : i32 to index
      %get3A_985 = arith.constant 992 : index
      %get3A_986 = tpu.vector_load %arg6[%get3A_984, %get3A_985] {strides = array<i32>} : memref<16x1024xf32, #tpu.memory_space<vmem>>, vector<1x16xf32>,
      %get3A_987 = vector.shape_cast %get3A_986 : vector<1x16xf32> to vector<16xf32>
      %get3A_988 = arith.index_cast %scan3A_116 : i32 to index
      %get3A_989 = arith.constant 992 : index
      %get3A_990 = tpu.vector_load %arg7[%get3A_988, %get3A_989] {strides = array<i32>} : memref<16x1024xf32, #tpu.memory_space<vmem>>, vector<1x16xf32>,
      %get3A_991 = vector.shape_cast %get3A_990 : vector<1x16xf32> to vector<16xf32>
      %add3A_992 = arith.addf %get3A_987, %get3A_991 : vector<16xf32>
      %swap3A_993 = arith.index_cast %scan3A_116 : i32 to index
      %swap3A_994 = arith.constant 992 : index
      %swap3A_995 = tpu.vector_load %arg6[%swap3A_993, %swap3A_994] {strides = array<i32>} : memref<16x1024xf32, #tpu.memory_space<vmem>>, vector<1x16xf32>,
      %swap3A_996 = vector.shape_cast %swap3A_995 : vector<1x16xf32> to vector<16xf32>
      %swap3A_997 = vector.shape_cast %add3A_992 : vector<16xf32> to vector<1x16xf32>
      tpu.vector_store %arg6[%swap3A_993, %swap3A_994], %swap3A_997 {strides = array<i32>} : memref<16x1024xf32, #tpu.memory_space<vmem>>, vector<1x16xf32>,
      %get3A_998 = arith.index_cast %scan3A_116 : i32 to index
      %get3A_999 = arith.constant 1008 : index
      %get3A_1000 = tpu.vector_load %arg6[%get3A_998, %get3A_999] {strides = array<i32>} : memref<16x1024xf32, #tpu.memory_space<vmem>>, vector<1x16xf32>,
      %get3A_1001 = vector.shape_cast %get3A_1000 : vector<1x16xf32> to vector<16xf32>
      %get3A_1002 = arith.index_cast %scan3A_116 : i32 to index
      %get3A_1003 = arith.constant 1008 : index
      %get3A_1004 = tpu.vector_load %arg7[%get3A_1002, %get3A_1003] {strides = array<i32>} : memref<16x1024xf32, #tpu.memory_space<vmem>>, vector<1x16xf32>,
      %get3A_1005 = vector.shape_cast %get3A_1004 : vector<1x16xf32> to vector<16xf32>
      %add3A_1006 = arith.addf %get3A_1001, %get3A_1005 : vector<16xf32>
      %swap3A_1007 = arith.index_cast %scan3A_116 : i32 to index
      %swap3A_1008 = arith.constant 1008 : index
      %swap3A_1009 = tpu.vector_load %arg6[%swap3A_1007, %swap3A_1008] {strides = array<i32>} : memref<16x1024xf32, #tpu.memory_space<vmem>>, vector<1x16xf32>,
      %swap3A_1010 = vector.shape_cast %swap3A_1009 : vector<1x16xf32> to vector<16xf32>
      %swap3A_1011 = vector.shape_cast %add3A_1006 : vector<16xf32> to vector<1x16xf32>
      tpu.vector_store %arg6[%swap3A_1007, %swap3A_1008], %swap3A_1011 {strides = array<i32>} : memref<16x1024xf32, #tpu.memory_space<vmem>>, vector<1x16xf32>,
      %scan3A_1012 = arith.constant 0 : i32
      scf.yield %scan3A_1012 : i32
    }
    %scan3A_94 = arith.constant 16 : i32
    %add3A_95 = arith.constant 32 : i32
    %add3A_96 = arith.addi %mul3A_2, %add3A_95 : i32
    "tpu.region"() ({
      %run_scoped3A = tpu.sem_alloc : memref<!tpu.dma_semaphore, #tpu.memory_space<semaphore_mem>>
      %dma_start3A_116 = arith.constant 0 : i32
      %dma_start3A_117 = tpu.memref_slice %arg5[%add3A_96, %dma_start3A_116] : memref<2048x1024xf32, #tpu.memory_space<hbm>> -> memref<16x1024xf32, #tpu.memory_space<hbm>>
      %dma_start3A_118 = arith.constant 0 : i32
      %dma_start3A_119 = tpu.memref_slice %arg5[%add3A_96, %dma_start3A_118] : memref<2048x1024xf32, #tpu.memory_space<hbm>> -> memref<16x1024xf32, #tpu.memory_space<hbm>>
      tpu.enqueue_dma source(%arg6 : memref<16x1024xf32, #tpu.memory_space<vmem>>) target(%dma_start3A_119 : memref<16x1024xf32, #tpu.memory_space<hbm>>) target_semaphore(%run_scoped3A : memref<!tpu.dma_semaphore, #tpu.memory_space<semaphore_mem>>)
      %dma_wait3A_120 = arith.constant 0 : i32
      %dma_wait3A_121 = tpu.memref_slice %arg5[%add3A_96, %dma_wait3A_120] : memref<2048x1024xf32, #tpu.memory_space<hbm>> -> memref<16x1024xf32, #tpu.memory_space<hbm>>
      %dma_wait3A_122 = arith.constant 0 : i32
      %dma_wait3A_123 = tpu.memref_slice %arg5[%add3A_96, %dma_wait3A_122] : memref<2048x1024xf32, #tpu.memory_space<hbm>> -> memref<16x1024xf32, #tpu.memory_space<hbm>>
      tpu.wait_dma2 semaphore(%run_scoped3A : memref<!tpu.dma_semaphore, #tpu.memory_space<semaphore_mem>>) src(%arg6 : memref<16x1024xf32, #tpu.memory_space<vmem>>) dst(%dma_wait3A_123 : memref<16x1024xf32, #tpu.memory_space<hbm>>)
      tpu.yield
    }) : () -> ()
    %dma_wait3A_97 = arith.constant 48 : i32
    %dma_wait3A_98 = tpu.memref_slice %arg10[%dma_wait3A_97] : memref<64xi32, #tpu.memory_space<vmem>> -> memref<16xi32, #tpu.memory_space<vmem>>
    %dma_wait3A_99 = arith.constant 0 : i32
    %dma_wait3A_100 = arith.constant 0 : i32
    %dma_wait3A_101 = tpu.memref_slice %arg2[%dma_wait3A_99, %dma_wait3A_100] : memref<8640x1024xf32, #tpu.memory_space<hbm>> -> memref<8640x1024xf32, #tpu.memory_space<hbm>>
    tpu.wait_indirect_dma semaphore(%arg13 : memref<!tpu.dma_semaphore, #tpu.memory_space<semaphore_mem>>) src(%dma_wait3A_101 : memref<8640x1024xf32, #tpu.memory_space<hbm>>) dst(%arg8 : memref<16x1024xf32, #tpu.memory_space<vmem>>)
    %dma_wait3A_102 = arith.constant 48 : i32
    %dma_wait3A_103 = tpu.memref_slice %arg11[%dma_wait3A_102] : memref<64xi32, #tpu.memory_space<vmem>> -> memref<16xi32, #tpu.memory_space<vmem>>
    %dma_wait3A_104 = arith.constant 0 : i32
    %dma_wait3A_105 = arith.constant 0 : i32
    %dma_wait3A_106 = tpu.memref_slice %arg2[%dma_wait3A_104, %dma_wait3A_105] : memref<8640x1024xf32, #tpu.memory_space<hbm>> -> memref<8640x1024xf32, #tpu.memory_space<hbm>>
    tpu.wait_indirect_dma semaphore(%arg13 : memref<!tpu.dma_semaphore, #tpu.memory_space<semaphore_mem>>) src(%dma_wait3A_106 : memref<8640x1024xf32, #tpu.memory_space<hbm>>) dst(%arg9 : memref<16x1024xf32, #tpu.memory_space<vmem>>)
    %scan3A_107 = arith.constant 0 : i32
    %scan3A_108 = arith.constant 0 : i32
    %scan3A_109 = arith.constant 16 : i32
    %scan3A_110 = arith.addi %scan3A_108, %scan3A_109 : i32
    %scan3A_111 = arith.constant 1 : i32
    %scan3A_112 = scf.for %scan3A_116 = %scan3A_108 to %scan3A_110 step %scan3A_111 iter_args(%scan3A_117 = %scan3A_107) -> (i32)  : i32 {
      %get3A = arith.index_cast %scan3A_116 : i32 to index
      %get3A_118 = arith.constant 0 : index
      %get3A_119 = tpu.vector_load %arg8[%get3A, %get3A_118] {strides = array<i32>} : memref<16x1024xf32, #tpu.memory_space<vmem>>, vector<1x16xf32>,
      %get3A_120 = vector.shape_cast %get3A_119 : vector<1x16xf32> to vector<16xf32>
      %get3A_121 = arith.index_cast %scan3A_116 : i32 to index
      %get3A_122 = arith.constant 0 : index
      %get3A_123 = tpu.vector_load %arg9[%get3A_121, %get3A_122] {strides = array<i32>} : memref<16x1024xf32, #tpu.memory_space<vmem>>, vector<1x16xf32>,
      %get3A_124 = vector.shape_cast %get3A_123 : vector<1x16xf32> to vector<16xf32>
      %add3A_125 = arith.addf %get3A_120, %get3A_124 : vector<16xf32>
      %swap3A = arith.index_cast %scan3A_116 : i32 to index
      %swap3A_126 = arith.constant 0 : index
      %swap3A_127 = tpu.vector_load %arg8[%swap3A, %swap3A_126] {strides = array<i32>} : memref<16x1024xf32, #tpu.memory_space<vmem>>, vector<1x16xf32>,
      %swap3A_128 = vector.shape_cast %swap3A_127 : vector<1x16xf32> to vector<16xf32>
      %swap3A_129 = vector.shape_cast %add3A_125 : vector<16xf32> to vector<1x16xf32>
      tpu.vector_store %arg8[%swap3A, %swap3A_126], %swap3A_129 {strides = array<i32>} : memref<16x1024xf32, #tpu.memory_space<vmem>>, vector<1x16xf32>,
      %get3A_130 = arith.index_cast %scan3A_116 : i32 to index
      %get3A_131 = arith.constant 16 : index
      %get3A_132 = tpu.vector_load %arg8[%get3A_130, %get3A_131] {strides = array<i32>} : memref<16x1024xf32, #tpu.memory_space<vmem>>, vector<1x16xf32>,
      %get3A_133 = vector.shape_cast %get3A_132 : vector<1x16xf32> to vector<16xf32>
      %get3A_134 = arith.index_cast %scan3A_116 : i32 to index
      %get3A_135 = arith.constant 16 : index
      %get3A_136 = tpu.vector_load %arg9[%get3A_134, %get3A_135] {strides = array<i32>} : memref<16x1024xf32, #tpu.memory_space<vmem>>, vector<1x16xf32>,
      %get3A_137 = vector.shape_cast %get3A_136 : vector<1x16xf32> to vector<16xf32>
      %add3A_138 = arith.addf %get3A_133, %get3A_137 : vector<16xf32>
      %swap3A_139 = arith.index_cast %scan3A_116 : i32 to index
      %swap3A_140 = arith.constant 16 : index
      %swap3A_141 = tpu.vector_load %arg8[%swap3A_139, %swap3A_140] {strides = array<i32>} : memref<16x1024xf32, #tpu.memory_space<vmem>>, vector<1x16xf32>,
      %swap3A_142 = vector.shape_cast %swap3A_141 : vector<1x16xf32> to vector<16xf32>
      %swap3A_143 = vector.shape_cast %add3A_138 : vector<16xf32> to vector<1x16xf32>
      tpu.vector_store %arg8[%swap3A_139, %swap3A_140], %swap3A_143 {strides = array<i32>} : memref<16x1024xf32, #tpu.memory_space<vmem>>, vector<1x16xf32>,
      %get3A_144 = arith.index_cast %scan3A_116 : i32 to index
      %get3A_145 = arith.constant 32 : index
      %get3A_146 = tpu.vector_load %arg8[%get3A_144, %get3A_145] {strides = array<i32>} : memref<16x1024xf32, #tpu.memory_space<vmem>>, vector<1x16xf32>,
      %get3A_147 = vector.shape_cast %get3A_146 : vector<1x16xf32> to vector<16xf32>
      %get3A_148 = arith.index_cast %scan3A_116 : i32 to index
      %get3A_149 = arith.constant 32 : index
      %get3A_150 = tpu.vector_load %arg9[%get3A_148, %get3A_149] {strides = array<i32>} : memref<16x1024xf32, #tpu.memory_space<vmem>>, vector<1x16xf32>,
      %get3A_151 = vector.shape_cast %get3A_150 : vector<1x16xf32> to vector<16xf32>
      %add3A_152 = arith.addf %get3A_147, %get3A_151 : vector<16xf32>
      %swap3A_153 = arith.index_cast %scan3A_116 : i32 to index
      %swap3A_154 = arith.constant 32 : index
      %swap3A_155 = tpu.vector_load %arg8[%swap3A_153, %swap3A_154] {strides = array<i32>} : memref<16x1024xf32, #tpu.memory_space<vmem>>, vector<1x16xf32>,
      %swap3A_156 = vector.shape_cast %swap3A_155 : vector<1x16xf32> to vector<16xf32>
      %swap3A_157 = vector.shape_cast %add3A_152 : vector<16xf32> to vector<1x16xf32>
      tpu.vector_store %arg8[%swap3A_153, %swap3A_154], %swap3A_157 {strides = array<i32>} : memref<16x1024xf32, #tpu.memory_space<vmem>>, vector<1x16xf32>,
      %get3A_158 = arith.index_cast %scan3A_116 : i32 to index
      %get3A_159 = arith.constant 48 : index
      %get3A_160 = tpu.vector_load %arg8[%get3A_158, %get3A_159] {strides = array<i32>} : memref<16x1024xf32, #tpu.memory_space<vmem>>, vector<1x16xf32>,
      %get3A_161 = vector.shape_cast %get3A_160 : vector<1x16xf32> to vector<16xf32>
      %get3A_162 = arith.index_cast %scan3A_116 : i32 to index
      %get3A_163 = arith.constant 48 : index
      %get3A_164 = tpu.vector_load %arg9[%get3A_162, %get3A_163] {strides = array<i32>} : memref<16x1024xf32, #tpu.memory_space<vmem>>, vector<1x16xf32>,
      %get3A_165 = vector.shape_cast %get3A_164 : vector<1x16xf32> to vector<16xf32>
      %add3A_166 = arith.addf %get3A_161, %get3A_165 : vector<16xf32>
      %swap3A_167 = arith.index_cast %scan3A_116 : i32 to index
      %swap3A_168 = arith.constant 48 : index
      %swap3A_169 = tpu.vector_load %arg8[%swap3A_167, %swap3A_168] {strides = array<i32>} : memref<16x1024xf32, #tpu.memory_space<vmem>>, vector<1x16xf32>,
      %swap3A_170 = vector.shape_cast %swap3A_169 : vector<1x16xf32> to vector<16xf32>
      %swap3A_171 = vector.shape_cast %add3A_166 : vector<16xf32> to vector<1x16xf32>
      tpu.vector_store %arg8[%swap3A_167, %swap3A_168], %swap3A_171 {strides = array<i32>} : memref<16x1024xf32, #tpu.memory_space<vmem>>, vector<1x16xf32>,
      %get3A_172 = arith.index_cast %scan3A_116 : i32 to index
      %get3A_173 = arith.constant 64 : index
      %get3A_174 = tpu.vector_load %arg8[%get3A_172, %get3A_173] {strides = array<i32>} : memref<16x1024xf32, #tpu.memory_space<vmem>>, vector<1x16xf32>,
      %get3A_175 = vector.shape_cast %get3A_174 : vector<1x16xf32> to vector<16xf32>
      %get3A_176 = arith.index_cast %scan3A_116 : i32 to index
      %get3A_177 = arith.constant 64 : index
      %get3A_178 = tpu.vector_load %arg9[%get3A_176, %get3A_177] {strides = array<i32>} : memref<16x1024xf32, #tpu.memory_space<vmem>>, vector<1x16xf32>,
      %get3A_179 = vector.shape_cast %get3A_178 : vector<1x16xf32> to vector<16xf32>
      %add3A_180 = arith.addf %get3A_175, %get3A_179 : vector<16xf32>
      %swap3A_181 = arith.index_cast %scan3A_116 : i32 to index
      %swap3A_182 = arith.constant 64 : index
      %swap3A_183 = tpu.vector_load %arg8[%swap3A_181, %swap3A_182] {strides = array<i32>} : memref<16x1024xf32, #tpu.memory_space<vmem>>, vector<1x16xf32>,
      %swap3A_184 = vector.shape_cast %swap3A_183 : vector<1x16xf32> to vector<16xf32>
      %swap3A_185 = vector.shape_cast %add3A_180 : vector<16xf32> to vector<1x16xf32>
      tpu.vector_store %arg8[%swap3A_181, %swap3A_182], %swap3A_185 {strides = array<i32>} : memref<16x1024xf32, #tpu.memory_space<vmem>>, vector<1x16xf32>,
      %get3A_186 = arith.index_cast %scan3A_116 : i32 to index
      %get3A_187 = arith.constant 80 : index
      %get3A_188 = tpu.vector_load %arg8[%get3A_186, %get3A_187] {strides = array<i32>} : memref<16x1024xf32, #tpu.memory_space<vmem>>, vector<1x16xf32>,
      %get3A_189 = vector.shape_cast %get3A_188 : vector<1x16xf32> to vector<16xf32>
      %get3A_190 = arith.index_cast %scan3A_116 : i32 to index
      %get3A_191 = arith.constant 80 : index
      %get3A_192 = tpu.vector_load %arg9[%get3A_190, %get3A_191] {strides = array<i32>} : memref<16x1024xf32, #tpu.memory_space<vmem>>, vector<1x16xf32>,
      %get3A_193 = vector.shape_cast %get3A_192 : vector<1x16xf32> to vector<16xf32>
      %add3A_194 = arith.addf %get3A_189, %get3A_193 : vector<16xf32>
      %swap3A_195 = arith.index_cast %scan3A_116 : i32 to index
      %swap3A_196 = arith.constant 80 : index
      %swap3A_197 = tpu.vector_load %arg8[%swap3A_195, %swap3A_196] {strides = array<i32>} : memref<16x1024xf32, #tpu.memory_space<vmem>>, vector<1x16xf32>,
      %swap3A_198 = vector.shape_cast %swap3A_197 : vector<1x16xf32> to vector<16xf32>
      %swap3A_199 = vector.shape_cast %add3A_194 : vector<16xf32> to vector<1x16xf32>
      tpu.vector_store %arg8[%swap3A_195, %swap3A_196], %swap3A_199 {strides = array<i32>} : memref<16x1024xf32, #tpu.memory_space<vmem>>, vector<1x16xf32>,
      %get3A_200 = arith.index_cast %scan3A_116 : i32 to index
      %get3A_201 = arith.constant 96 : index
      %get3A_202 = tpu.vector_load %arg8[%get3A_200, %get3A_201] {strides = array<i32>} : memref<16x1024xf32, #tpu.memory_space<vmem>>, vector<1x16xf32>,
      %get3A_203 = vector.shape_cast %get3A_202 : vector<1x16xf32> to vector<16xf32>
      %get3A_204 = arith.index_cast %scan3A_116 : i32 to index
      %get3A_205 = arith.constant 96 : index
      %get3A_206 = tpu.vector_load %arg9[%get3A_204, %get3A_205] {strides = array<i32>} : memref<16x1024xf32, #tpu.memory_space<vmem>>, vector<1x16xf32>,
      %get3A_207 = vector.shape_cast %get3A_206 : vector<1x16xf32> to vector<16xf32>
      %add3A_208 = arith.addf %get3A_203, %get3A_207 : vector<16xf32>
      %swap3A_209 = arith.index_cast %scan3A_116 : i32 to index
      %swap3A_210 = arith.constant 96 : index
      %swap3A_211 = tpu.vector_load %arg8[%swap3A_209, %swap3A_210] {strides = array<i32>} : memref<16x1024xf32, #tpu.memory_space<vmem>>, vector<1x16xf32>,
      %swap3A_212 = vector.shape_cast %swap3A_211 : vector<1x16xf32> to vector<16xf32>
      %swap3A_213 = vector.shape_cast %add3A_208 : vector<16xf32> to vector<1x16xf32>
      tpu.vector_store %arg8[%swap3A_209, %swap3A_210], %swap3A_213 {strides = array<i32>} : memref<16x1024xf32, #tpu.memory_space<vmem>>, vector<1x16xf32>,
      %get3A_214 = arith.index_cast %scan3A_116 : i32 to index
      %get3A_215 = arith.constant 112 : index
      %get3A_216 = tpu.vector_load %arg8[%get3A_214, %get3A_215] {strides = array<i32>} : memref<16x1024xf32, #tpu.memory_space<vmem>>, vector<1x16xf32>,
      %get3A_217 = vector.shape_cast %get3A_216 : vector<1x16xf32> to vector<16xf32>
      %get3A_218 = arith.index_cast %scan3A_116 : i32 to index
      %get3A_219 = arith.constant 112 : index
      %get3A_220 = tpu.vector_load %arg9[%get3A_218, %get3A_219] {strides = array<i32>} : memref<16x1024xf32, #tpu.memory_space<vmem>>, vector<1x16xf32>,
      %get3A_221 = vector.shape_cast %get3A_220 : vector<1x16xf32> to vector<16xf32>
      %add3A_222 = arith.addf %get3A_217, %get3A_221 : vector<16xf32>
      %swap3A_223 = arith.index_cast %scan3A_116 : i32 to index
      %swap3A_224 = arith.constant 112 : index
      %swap3A_225 = tpu.vector_load %arg8[%swap3A_223, %swap3A_224] {strides = array<i32>} : memref<16x1024xf32, #tpu.memory_space<vmem>>, vector<1x16xf32>,
      %swap3A_226 = vector.shape_cast %swap3A_225 : vector<1x16xf32> to vector<16xf32>
      %swap3A_227 = vector.shape_cast %add3A_222 : vector<16xf32> to vector<1x16xf32>
      tpu.vector_store %arg8[%swap3A_223, %swap3A_224], %swap3A_227 {strides = array<i32>} : memref<16x1024xf32, #tpu.memory_space<vmem>>, vector<1x16xf32>,
      %get3A_228 = arith.index_cast %scan3A_116 : i32 to index
      %get3A_229 = arith.constant 128 : index
      %get3A_230 = tpu.vector_load %arg8[%get3A_228, %get3A_229] {strides = array<i32>} : memref<16x1024xf32, #tpu.memory_space<vmem>>, vector<1x16xf32>,
      %get3A_231 = vector.shape_cast %get3A_230 : vector<1x16xf32> to vector<16xf32>
      %get3A_232 = arith.index_cast %scan3A_116 : i32 to index
      %get3A_233 = arith.constant 128 : index
      %get3A_234 = tpu.vector_load %arg9[%get3A_232, %get3A_233] {strides = array<i32>} : memref<16x1024xf32, #tpu.memory_space<vmem>>, vector<1x16xf32>,
      %get3A_235 = vector.shape_cast %get3A_234 : vector<1x16xf32> to vector<16xf32>
      %add3A_236 = arith.addf %get3A_231, %get3A_235 : vector<16xf32>
      %swap3A_237 = arith.index_cast %scan3A_116 : i32 to index
      %swap3A_238 = arith.constant 128 : index
      %swap3A_239 = tpu.vector_load %arg8[%swap3A_237, %swap3A_238] {strides = array<i32>} : memref<16x1024xf32, #tpu.memory_space<vmem>>, vector<1x16xf32>,
      %swap3A_240 = vector.shape_cast %swap3A_239 : vector<1x16xf32> to vector<16xf32>
      %swap3A_241 = vector.shape_cast %add3A_236 : vector<16xf32> to vector<1x16xf32>
      tpu.vector_store %arg8[%swap3A_237, %swap3A_238], %swap3A_241 {strides = array<i32>} : memref<16x1024xf32, #tpu.memory_space<vmem>>, vector<1x16xf32>,
      %get3A_242 = arith.index_cast %scan3A_116 : i32 to index
      %get3A_243 = arith.constant 144 : index
      %get3A_244 = tpu.vector_load %arg8[%get3A_242, %get3A_243] {strides = array<i32>} : memref<16x1024xf32, #tpu.memory_space<vmem>>, vector<1x16xf32>,
      %get3A_245 = vector.shape_cast %get3A_244 : vector<1x16xf32> to vector<16xf32>
      %get3A_246 = arith.index_cast %scan3A_116 : i32 to index
      %get3A_247 = arith.constant 144 : index
      %get3A_248 = tpu.vector_load %arg9[%get3A_246, %get3A_247] {strides = array<i32>} : memref<16x1024xf32, #tpu.memory_space<vmem>>, vector<1x16xf32>,
      %get3A_249 = vector.shape_cast %get3A_248 : vector<1x16xf32> to vector<16xf32>
      %add3A_250 = arith.addf %get3A_245, %get3A_249 : vector<16xf32>
      %swap3A_251 = arith.index_cast %scan3A_116 : i32 to index
      %swap3A_252 = arith.constant 144 : index
      %swap3A_253 = tpu.vector_load %arg8[%swap3A_251, %swap3A_252] {strides = array<i32>} : memref<16x1024xf32, #tpu.memory_space<vmem>>, vector<1x16xf32>,
      %swap3A_254 = vector.shape_cast %swap3A_253 : vector<1x16xf32> to vector<16xf32>
      %swap3A_255 = vector.shape_cast %add3A_250 : vector<16xf32> to vector<1x16xf32>
      tpu.vector_store %arg8[%swap3A_251, %swap3A_252], %swap3A_255 {strides = array<i32>} : memref<16x1024xf32, #tpu.memory_space<vmem>>, vector<1x16xf32>,
      %get3A_256 = arith.index_cast %scan3A_116 : i32 to index
      %get3A_257 = arith.constant 160 : index
      %get3A_258 = tpu.vector_load %arg8[%get3A_256, %get3A_257] {strides = array<i32>} : memref<16x1024xf32, #tpu.memory_space<vmem>>, vector<1x16xf32>,
      %get3A_259 = vector.shape_cast %get3A_258 : vector<1x16xf32> to vector<16xf32>
      %get3A_260 = arith.index_cast %scan3A_116 : i32 to index
      %get3A_261 = arith.constant 160 : index
      %get3A_262 = tpu.vector_load %arg9[%get3A_260, %get3A_261] {strides = array<i32>} : memref<16x1024xf32, #tpu.memory_space<vmem>>, vector<1x16xf32>,
      %get3A_263 = vector.shape_cast %get3A_262 : vector<1x16xf32> to vector<16xf32>
      %add3A_264 = arith.addf %get3A_259, %get3A_263 : vector<16xf32>
      %swap3A_265 = arith.index_cast %scan3A_116 : i32 to index
      %swap3A_266 = arith.constant 160 : index
      %swap3A_267 = tpu.vector_load %arg8[%swap3A_265, %swap3A_266] {strides = array<i32>} : memref<16x1024xf32, #tpu.memory_space<vmem>>, vector<1x16xf32>,
      %swap3A_268 = vector.shape_cast %swap3A_267 : vector<1x16xf32> to vector<16xf32>
      %swap3A_269 = vector.shape_cast %add3A_264 : vector<16xf32> to vector<1x16xf32>
      tpu.vector_store %arg8[%swap3A_265, %swap3A_266], %swap3A_269 {strides = array<i32>} : memref<16x1024xf32, #tpu.memory_space<vmem>>, vector<1x16xf32>,
      %get3A_270 = arith.index_cast %scan3A_116 : i32 to index
      %get3A_271 = arith.constant 176 : index
      %get3A_272 = tpu.vector_load %arg8[%get3A_270, %get3A_271] {strides = array<i32>} : memref<16x1024xf32, #tpu.memory_space<vmem>>, vector<1x16xf32>,
      %get3A_273 = vector.shape_cast %get3A_272 : vector<1x16xf32> to vector<16xf32>
      %get3A_274 = arith.index_cast %scan3A_116 : i32 to index
      %get3A_275 = arith.constant 176 : index
      %get3A_276 = tpu.vector_load %arg9[%get3A_274, %get3A_275] {strides = array<i32>} : memref<16x1024xf32, #tpu.memory_space<vmem>>, vector<1x16xf32>,
      %get3A_277 = vector.shape_cast %get3A_276 : vector<1x16xf32> to vector<16xf32>
      %add3A_278 = arith.addf %get3A_273, %get3A_277 : vector<16xf32>
      %swap3A_279 = arith.index_cast %scan3A_116 : i32 to index
      %swap3A_280 = arith.constant 176 : index
      %swap3A_281 = tpu.vector_load %arg8[%swap3A_279, %swap3A_280] {strides = array<i32>} : memref<16x1024xf32, #tpu.memory_space<vmem>>, vector<1x16xf32>,
      %swap3A_282 = vector.shape_cast %swap3A_281 : vector<1x16xf32> to vector<16xf32>
      %swap3A_283 = vector.shape_cast %add3A_278 : vector<16xf32> to vector<1x16xf32>
      tpu.vector_store %arg8[%swap3A_279, %swap3A_280], %swap3A_283 {strides = array<i32>} : memref<16x1024xf32, #tpu.memory_space<vmem>>, vector<1x16xf32>,
      %get3A_284 = arith.index_cast %scan3A_116 : i32 to index
      %get3A_285 = arith.constant 192 : index
      %get3A_286 = tpu.vector_load %arg8[%get3A_284, %get3A_285] {strides = array<i32>} : memref<16x1024xf32, #tpu.memory_space<vmem>>, vector<1x16xf32>,
      %get3A_287 = vector.shape_cast %get3A_286 : vector<1x16xf32> to vector<16xf32>
      %get3A_288 = arith.index_cast %scan3A_116 : i32 to index
      %get3A_289 = arith.constant 192 : index
      %get3A_290 = tpu.vector_load %arg9[%get3A_288, %get3A_289] {strides = array<i32>} : memref<16x1024xf32, #tpu.memory_space<vmem>>, vector<1x16xf32>,
      %get3A_291 = vector.shape_cast %get3A_290 : vector<1x16xf32> to vector<16xf32>
      %add3A_292 = arith.addf %get3A_287, %get3A_291 : vector<16xf32>
      %swap3A_293 = arith.index_cast %scan3A_116 : i32 to index
      %swap3A_294 = arith.constant 192 : index
      %swap3A_295 = tpu.vector_load %arg8[%swap3A_293, %swap3A_294] {strides = array<i32>} : memref<16x1024xf32, #tpu.memory_space<vmem>>, vector<1x16xf32>,
      %swap3A_296 = vector.shape_cast %swap3A_295 : vector<1x16xf32> to vector<16xf32>
      %swap3A_297 = vector.shape_cast %add3A_292 : vector<16xf32> to vector<1x16xf32>
      tpu.vector_store %arg8[%swap3A_293, %swap3A_294], %swap3A_297 {strides = array<i32>} : memref<16x1024xf32, #tpu.memory_space<vmem>>, vector<1x16xf32>,
      %get3A_298 = arith.index_cast %scan3A_116 : i32 to index
      %get3A_299 = arith.constant 208 : index
      %get3A_300 = tpu.vector_load %arg8[%get3A_298, %get3A_299] {strides = array<i32>} : memref<16x1024xf32, #tpu.memory_space<vmem>>, vector<1x16xf32>,
      %get3A_301 = vector.shape_cast %get3A_300 : vector<1x16xf32> to vector<16xf32>
      %get3A_302 = arith.index_cast %scan3A_116 : i32 to index
      %get3A_303 = arith.constant 208 : index
      %get3A_304 = tpu.vector_load %arg9[%get3A_302, %get3A_303] {strides = array<i32>} : memref<16x1024xf32, #tpu.memory_space<vmem>>, vector<1x16xf32>,
      %get3A_305 = vector.shape_cast %get3A_304 : vector<1x16xf32> to vector<16xf32>
      %add3A_306 = arith.addf %get3A_301, %get3A_305 : vector<16xf32>
      %swap3A_307 = arith.index_cast %scan3A_116 : i32 to index
      %swap3A_308 = arith.constant 208 : index
      %swap3A_309 = tpu.vector_load %arg8[%swap3A_307, %swap3A_308] {strides = array<i32>} : memref<16x1024xf32, #tpu.memory_space<vmem>>, vector<1x16xf32>,
      %swap3A_310 = vector.shape_cast %swap3A_309 : vector<1x16xf32> to vector<16xf32>
      %swap3A_311 = vector.shape_cast %add3A_306 : vector<16xf32> to vector<1x16xf32>
      tpu.vector_store %arg8[%swap3A_307, %swap3A_308], %swap3A_311 {strides = array<i32>} : memref<16x1024xf32, #tpu.memory_space<vmem>>, vector<1x16xf32>,
      %get3A_312 = arith.index_cast %scan3A_116 : i32 to index
      %get3A_313 = arith.constant 224 : index
      %get3A_314 = tpu.vector_load %arg8[%get3A_312, %get3A_313] {strides = array<i32>} : memref<16x1024xf32, #tpu.memory_space<vmem>>, vector<1x16xf32>,
      %get3A_315 = vector.shape_cast %get3A_314 : vector<1x16xf32> to vector<16xf32>
      %get3A_316 = arith.index_cast %scan3A_116 : i32 to index
      %get3A_317 = arith.constant 224 : index
      %get3A_318 = tpu.vector_load %arg9[%get3A_316, %get3A_317] {strides = array<i32>} : memref<16x1024xf32, #tpu.memory_space<vmem>>, vector<1x16xf32>,
      %get3A_319 = vector.shape_cast %get3A_318 : vector<1x16xf32> to vector<16xf32>
      %add3A_320 = arith.addf %get3A_315, %get3A_319 : vector<16xf32>
      %swap3A_321 = arith.index_cast %scan3A_116 : i32 to index
      %swap3A_322 = arith.constant 224 : index
      %swap3A_323 = tpu.vector_load %arg8[%swap3A_321, %swap3A_322] {strides = array<i32>} : memref<16x1024xf32, #tpu.memory_space<vmem>>, vector<1x16xf32>,
      %swap3A_324 = vector.shape_cast %swap3A_323 : vector<1x16xf32> to vector<16xf32>
      %swap3A_325 = vector.shape_cast %add3A_320 : vector<16xf32> to vector<1x16xf32>
      tpu.vector_store %arg8[%swap3A_321, %swap3A_322], %swap3A_325 {strides = array<i32>} : memref<16x1024xf32, #tpu.memory_space<vmem>>, vector<1x16xf32>,
      %get3A_326 = arith.index_cast %scan3A_116 : i32 to index
      %get3A_327 = arith.constant 240 : index
      %get3A_328 = tpu.vector_load %arg8[%get3A_326, %get3A_327] {strides = array<i32>} : memref<16x1024xf32, #tpu.memory_space<vmem>>, vector<1x16xf32>,
      %get3A_329 = vector.shape_cast %get3A_328 : vector<1x16xf32> to vector<16xf32>
      %get3A_330 = arith.index_cast %scan3A_116 : i32 to index
      %get3A_331 = arith.constant 240 : index
      %get3A_332 = tpu.vector_load %arg9[%get3A_330, %get3A_331] {strides = array<i32>} : memref<16x1024xf32, #tpu.memory_space<vmem>>, vector<1x16xf32>,
      %get3A_333 = vector.shape_cast %get3A_332 : vector<1x16xf32> to vector<16xf32>
      %add3A_334 = arith.addf %get3A_329, %get3A_333 : vector<16xf32>
      %swap3A_335 = arith.index_cast %scan3A_116 : i32 to index
      %swap3A_336 = arith.constant 240 : index
      %swap3A_337 = tpu.vector_load %arg8[%swap3A_335, %swap3A_336] {strides = array<i32>} : memref<16x1024xf32, #tpu.memory_space<vmem>>, vector<1x16xf32>,
      %swap3A_338 = vector.shape_cast %swap3A_337 : vector<1x16xf32> to vector<16xf32>
      %swap3A_339 = vector.shape_cast %add3A_334 : vector<16xf32> to vector<1x16xf32>
      tpu.vector_store %arg8[%swap3A_335, %swap3A_336], %swap3A_339 {strides = array<i32>} : memref<16x1024xf32, #tpu.memory_space<vmem>>, vector<1x16xf32>,
      %get3A_340 = arith.index_cast %scan3A_116 : i32 to index
      %get3A_341 = arith.constant 256 : index
      %get3A_342 = tpu.vector_load %arg8[%get3A_340, %get3A_341] {strides = array<i32>} : memref<16x1024xf32, #tpu.memory_space<vmem>>, vector<1x16xf32>,
      %get3A_343 = vector.shape_cast %get3A_342 : vector<1x16xf32> to vector<16xf32>
      %get3A_344 = arith.index_cast %scan3A_116 : i32 to index
      %get3A_345 = arith.constant 256 : index
      %get3A_346 = tpu.vector_load %arg9[%get3A_344, %get3A_345] {strides = array<i32>} : memref<16x1024xf32, #tpu.memory_space<vmem>>, vector<1x16xf32>,
      %get3A_347 = vector.shape_cast %get3A_346 : vector<1x16xf32> to vector<16xf32>
      %add3A_348 = arith.addf %get3A_343, %get3A_347 : vector<16xf32>
      %swap3A_349 = arith.index_cast %scan3A_116 : i32 to index
      %swap3A_350 = arith.constant 256 : index
      %swap3A_351 = tpu.vector_load %arg8[%swap3A_349, %swap3A_350] {strides = array<i32>} : memref<16x1024xf32, #tpu.memory_space<vmem>>, vector<1x16xf32>,
      %swap3A_352 = vector.shape_cast %swap3A_351 : vector<1x16xf32> to vector<16xf32>
      %swap3A_353 = vector.shape_cast %add3A_348 : vector<16xf32> to vector<1x16xf32>
      tpu.vector_store %arg8[%swap3A_349, %swap3A_350], %swap3A_353 {strides = array<i32>} : memref<16x1024xf32, #tpu.memory_space<vmem>>, vector<1x16xf32>,
      %get3A_354 = arith.index_cast %scan3A_116 : i32 to index
      %get3A_355 = arith.constant 272 : index
      %get3A_356 = tpu.vector_load %arg8[%get3A_354, %get3A_355] {strides = array<i32>} : memref<16x1024xf32, #tpu.memory_space<vmem>>, vector<1x16xf32>,
      %get3A_357 = vector.shape_cast %get3A_356 : vector<1x16xf32> to vector<16xf32>
      %get3A_358 = arith.index_cast %scan3A_116 : i32 to index
      %get3A_359 = arith.constant 272 : index
      %get3A_360 = tpu.vector_load %arg9[%get3A_358, %get3A_359] {strides = array<i32>} : memref<16x1024xf32, #tpu.memory_space<vmem>>, vector<1x16xf32>,
      %get3A_361 = vector.shape_cast %get3A_360 : vector<1x16xf32> to vector<16xf32>
      %add3A_362 = arith.addf %get3A_357, %get3A_361 : vector<16xf32>
      %swap3A_363 = arith.index_cast %scan3A_116 : i32 to index
      %swap3A_364 = arith.constant 272 : index
      %swap3A_365 = tpu.vector_load %arg8[%swap3A_363, %swap3A_364] {strides = array<i32>} : memref<16x1024xf32, #tpu.memory_space<vmem>>, vector<1x16xf32>,
      %swap3A_366 = vector.shape_cast %swap3A_365 : vector<1x16xf32> to vector<16xf32>
      %swap3A_367 = vector.shape_cast %add3A_362 : vector<16xf32> to vector<1x16xf32>
      tpu.vector_store %arg8[%swap3A_363, %swap3A_364], %swap3A_367 {strides = array<i32>} : memref<16x1024xf32, #tpu.memory_space<vmem>>, vector<1x16xf32>,
      %get3A_368 = arith.index_cast %scan3A_116 : i32 to index
      %get3A_369 = arith.constant 288 : index
      %get3A_370 = tpu.vector_load %arg8[%get3A_368, %get3A_369] {strides = array<i32>} : memref<16x1024xf32, #tpu.memory_space<vmem>>, vector<1x16xf32>,
      %get3A_371 = vector.shape_cast %get3A_370 : vector<1x16xf32> to vector<16xf32>
      %get3A_372 = arith.index_cast %scan3A_116 : i32 to index
      %get3A_373 = arith.constant 288 : index
      %get3A_374 = tpu.vector_load %arg9[%get3A_372, %get3A_373] {strides = array<i32>} : memref<16x1024xf32, #tpu.memory_space<vmem>>, vector<1x16xf32>,
      %get3A_375 = vector.shape_cast %get3A_374 : vector<1x16xf32> to vector<16xf32>
      %add3A_376 = arith.addf %get3A_371, %get3A_375 : vector<16xf32>
      %swap3A_377 = arith.index_cast %scan3A_116 : i32 to index
      %swap3A_378 = arith.constant 288 : index
      %swap3A_379 = tpu.vector_load %arg8[%swap3A_377, %swap3A_378] {strides = array<i32>} : memref<16x1024xf32, #tpu.memory_space<vmem>>, vector<1x16xf32>,
      %swap3A_380 = vector.shape_cast %swap3A_379 : vector<1x16xf32> to vector<16xf32>
      %swap3A_381 = vector.shape_cast %add3A_376 : vector<16xf32> to vector<1x16xf32>
      tpu.vector_store %arg8[%swap3A_377, %swap3A_378], %swap3A_381 {strides = array<i32>} : memref<16x1024xf32, #tpu.memory_space<vmem>>, vector<1x16xf32>,
      %get3A_382 = arith.index_cast %scan3A_116 : i32 to index
      %get3A_383 = arith.constant 304 : index
      %get3A_384 = tpu.vector_load %arg8[%get3A_382, %get3A_383] {strides = array<i32>} : memref<16x1024xf32, #tpu.memory_space<vmem>>, vector<1x16xf32>,
      %get3A_385 = vector.shape_cast %get3A_384 : vector<1x16xf32> to vector<16xf32>
      %get3A_386 = arith.index_cast %scan3A_116 : i32 to index
      %get3A_387 = arith.constant 304 : index
      %get3A_388 = tpu.vector_load %arg9[%get3A_386, %get3A_387] {strides = array<i32>} : memref<16x1024xf32, #tpu.memory_space<vmem>>, vector<1x16xf32>,
      %get3A_389 = vector.shape_cast %get3A_388 : vector<1x16xf32> to vector<16xf32>
      %add3A_390 = arith.addf %get3A_385, %get3A_389 : vector<16xf32>
      %swap3A_391 = arith.index_cast %scan3A_116 : i32 to index
      %swap3A_392 = arith.constant 304 : index
      %swap3A_393 = tpu.vector_load %arg8[%swap3A_391, %swap3A_392] {strides = array<i32>} : memref<16x1024xf32, #tpu.memory_space<vmem>>, vector<1x16xf32>,
      %swap3A_394 = vector.shape_cast %swap3A_393 : vector<1x16xf32> to vector<16xf32>
      %swap3A_395 = vector.shape_cast %add3A_390 : vector<16xf32> to vector<1x16xf32>
      tpu.vector_store %arg8[%swap3A_391, %swap3A_392], %swap3A_395 {strides = array<i32>} : memref<16x1024xf32, #tpu.memory_space<vmem>>, vector<1x16xf32>,
      %get3A_396 = arith.index_cast %scan3A_116 : i32 to index
      %get3A_397 = arith.constant 320 : index
      %get3A_398 = tpu.vector_load %arg8[%get3A_396, %get3A_397] {strides = array<i32>} : memref<16x1024xf32, #tpu.memory_space<vmem>>, vector<1x16xf32>,
      %get3A_399 = vector.shape_cast %get3A_398 : vector<1x16xf32> to vector<16xf32>
      %get3A_400 = arith.index_cast %scan3A_116 : i32 to index
      %get3A_401 = arith.constant 320 : index
      %get3A_402 = tpu.vector_load %arg9[%get3A_400, %get3A_401] {strides = array<i32>} : memref<16x1024xf32, #tpu.memory_space<vmem>>, vector<1x16xf32>,
      %get3A_403 = vector.shape_cast %get3A_402 : vector<1x16xf32> to vector<16xf32>
      %add3A_404 = arith.addf %get3A_399, %get3A_403 : vector<16xf32>
      %swap3A_405 = arith.index_cast %scan3A_116 : i32 to index
      %swap3A_406 = arith.constant 320 : index
      %swap3A_407 = tpu.vector_load %arg8[%swap3A_405, %swap3A_406] {strides = array<i32>} : memref<16x1024xf32, #tpu.memory_space<vmem>>, vector<1x16xf32>,
      %swap3A_408 = vector.shape_cast %swap3A_407 : vector<1x16xf32> to vector<16xf32>
      %swap3A_409 = vector.shape_cast %add3A_404 : vector<16xf32> to vector<1x16xf32>
      tpu.vector_store %arg8[%swap3A_405, %swap3A_406], %swap3A_409 {strides = array<i32>} : memref<16x1024xf32, #tpu.memory_space<vmem>>, vector<1x16xf32>,
      %get3A_410 = arith.index_cast %scan3A_116 : i32 to index
      %get3A_411 = arith.constant 336 : index
      %get3A_412 = tpu.vector_load %arg8[%get3A_410, %get3A_411] {strides = array<i32>} : memref<16x1024xf32, #tpu.memory_space<vmem>>, vector<1x16xf32>,
      %get3A_413 = vector.shape_cast %get3A_412 : vector<1x16xf32> to vector<16xf32>
      %get3A_414 = arith.index_cast %scan3A_116 : i32 to index
      %get3A_415 = arith.constant 336 : index
      %get3A_416 = tpu.vector_load %arg9[%get3A_414, %get3A_415] {strides = array<i32>} : memref<16x1024xf32, #tpu.memory_space<vmem>>, vector<1x16xf32>,
      %get3A_417 = vector.shape_cast %get3A_416 : vector<1x16xf32> to vector<16xf32>
      %add3A_418 = arith.addf %get3A_413, %get3A_417 : vector<16xf32>
      %swap3A_419 = arith.index_cast %scan3A_116 : i32 to index
      %swap3A_420 = arith.constant 336 : index
      %swap3A_421 = tpu.vector_load %arg8[%swap3A_419, %swap3A_420] {strides = array<i32>} : memref<16x1024xf32, #tpu.memory_space<vmem>>, vector<1x16xf32>,
      %swap3A_422 = vector.shape_cast %swap3A_421 : vector<1x16xf32> to vector<16xf32>
      %swap3A_423 = vector.shape_cast %add3A_418 : vector<16xf32> to vector<1x16xf32>
      tpu.vector_store %arg8[%swap3A_419, %swap3A_420], %swap3A_423 {strides = array<i32>} : memref<16x1024xf32, #tpu.memory_space<vmem>>, vector<1x16xf32>,
      %get3A_424 = arith.index_cast %scan3A_116 : i32 to index
      %get3A_425 = arith.constant 352 : index
      %get3A_426 = tpu.vector_load %arg8[%get3A_424, %get3A_425] {strides = array<i32>} : memref<16x1024xf32, #tpu.memory_space<vmem>>, vector<1x16xf32>,
      %get3A_427 = vector.shape_cast %get3A_426 : vector<1x16xf32> to vector<16xf32>
      %get3A_428 = arith.index_cast %scan3A_116 : i32 to index
      %get3A_429 = arith.constant 352 : index
      %get3A_430 = tpu.vector_load %arg9[%get3A_428, %get3A_429] {strides = array<i32>} : memref<16x1024xf32, #tpu.memory_space<vmem>>, vector<1x16xf32>,
      %get3A_431 = vector.shape_cast %get3A_430 : vector<1x16xf32> to vector<16xf32>
      %add3A_432 = arith.addf %get3A_427, %get3A_431 : vector<16xf32>
      %swap3A_433 = arith.index_cast %scan3A_116 : i32 to index
      %swap3A_434 = arith.constant 352 : index
      %swap3A_435 = tpu.vector_load %arg8[%swap3A_433, %swap3A_434] {strides = array<i32>} : memref<16x1024xf32, #tpu.memory_space<vmem>>, vector<1x16xf32>,
      %swap3A_436 = vector.shape_cast %swap3A_435 : vector<1x16xf32> to vector<16xf32>
      %swap3A_437 = vector.shape_cast %add3A_432 : vector<16xf32> to vector<1x16xf32>
      tpu.vector_store %arg8[%swap3A_433, %swap3A_434], %swap3A_437 {strides = array<i32>} : memref<16x1024xf32, #tpu.memory_space<vmem>>, vector<1x16xf32>,
      %get3A_438 = arith.index_cast %scan3A_116 : i32 to index
      %get3A_439 = arith.constant 368 : index
      %get3A_440 = tpu.vector_load %arg8[%get3A_438, %get3A_439] {strides = array<i32>} : memref<16x1024xf32, #tpu.memory_space<vmem>>, vector<1x16xf32>,
      %get3A_441 = vector.shape_cast %get3A_440 : vector<1x16xf32> to vector<16xf32>
      %get3A_442 = arith.index_cast %scan3A_116 : i32 to index
      %get3A_443 = arith.constant 368 : index
      %get3A_444 = tpu.vector_load %arg9[%get3A_442, %get3A_443] {strides = array<i32>} : memref<16x1024xf32, #tpu.memory_space<vmem>>, vector<1x16xf32>,
      %get3A_445 = vector.shape_cast %get3A_444 : vector<1x16xf32> to vector<16xf32>
      %add3A_446 = arith.addf %get3A_441, %get3A_445 : vector<16xf32>
      %swap3A_447 = arith.index_cast %scan3A_116 : i32 to index
      %swap3A_448 = arith.constant 368 : index
      %swap3A_449 = tpu.vector_load %arg8[%swap3A_447, %swap3A_448] {strides = array<i32>} : memref<16x1024xf32, #tpu.memory_space<vmem>>, vector<1x16xf32>,
      %swap3A_450 = vector.shape_cast %swap3A_449 : vector<1x16xf32> to vector<16xf32>
      %swap3A_451 = vector.shape_cast %add3A_446 : vector<16xf32> to vector<1x16xf32>
      tpu.vector_store %arg8[%swap3A_447, %swap3A_448], %swap3A_451 {strides = array<i32>} : memref<16x1024xf32, #tpu.memory_space<vmem>>, vector<1x16xf32>,
      %get3A_452 = arith.index_cast %scan3A_116 : i32 to index
      %get3A_453 = arith.constant 384 : index
      %get3A_454 = tpu.vector_load %arg8[%get3A_452, %get3A_453] {strides = array<i32>} : memref<16x1024xf32, #tpu.memory_space<vmem>>, vector<1x16xf32>,
      %get3A_455 = vector.shape_cast %get3A_454 : vector<1x16xf32> to vector<16xf32>
      %get3A_456 = arith.index_cast %scan3A_116 : i32 to index
      %get3A_457 = arith.constant 384 : index
      %get3A_458 = tpu.vector_load %arg9[%get3A_456, %get3A_457] {strides = array<i32>} : memref<16x1024xf32, #tpu.memory_space<vmem>>, vector<1x16xf32>,
      %get3A_459 = vector.shape_cast %get3A_458 : vector<1x16xf32> to vector<16xf32>
      %add3A_460 = arith.addf %get3A_455, %get3A_459 : vector<16xf32>
      %swap3A_461 = arith.index_cast %scan3A_116 : i32 to index
      %swap3A_462 = arith.constant 384 : index
      %swap3A_463 = tpu.vector_load %arg8[%swap3A_461, %swap3A_462] {strides = array<i32>} : memref<16x1024xf32, #tpu.memory_space<vmem>>, vector<1x16xf32>,
      %swap3A_464 = vector.shape_cast %swap3A_463 : vector<1x16xf32> to vector<16xf32>
      %swap3A_465 = vector.shape_cast %add3A_460 : vector<16xf32> to vector<1x16xf32>
      tpu.vector_store %arg8[%swap3A_461, %swap3A_462], %swap3A_465 {strides = array<i32>} : memref<16x1024xf32, #tpu.memory_space<vmem>>, vector<1x16xf32>,
      %get3A_466 = arith.index_cast %scan3A_116 : i32 to index
      %get3A_467 = arith.constant 400 : index
      %get3A_468 = tpu.vector_load %arg8[%get3A_466, %get3A_467] {strides = array<i32>} : memref<16x1024xf32, #tpu.memory_space<vmem>>, vector<1x16xf32>,
      %get3A_469 = vector.shape_cast %get3A_468 : vector<1x16xf32> to vector<16xf32>
      %get3A_470 = arith.index_cast %scan3A_116 : i32 to index
      %get3A_471 = arith.constant 400 : index
      %get3A_472 = tpu.vector_load %arg9[%get3A_470, %get3A_471] {strides = array<i32>} : memref<16x1024xf32, #tpu.memory_space<vmem>>, vector<1x16xf32>,
      %get3A_473 = vector.shape_cast %get3A_472 : vector<1x16xf32> to vector<16xf32>
      %add3A_474 = arith.addf %get3A_469, %get3A_473 : vector<16xf32>
      %swap3A_475 = arith.index_cast %scan3A_116 : i32 to index
      %swap3A_476 = arith.constant 400 : index
      %swap3A_477 = tpu.vector_load %arg8[%swap3A_475, %swap3A_476] {strides = array<i32>} : memref<16x1024xf32, #tpu.memory_space<vmem>>, vector<1x16xf32>,
      %swap3A_478 = vector.shape_cast %swap3A_477 : vector<1x16xf32> to vector<16xf32>
      %swap3A_479 = vector.shape_cast %add3A_474 : vector<16xf32> to vector<1x16xf32>
      tpu.vector_store %arg8[%swap3A_475, %swap3A_476], %swap3A_479 {strides = array<i32>} : memref<16x1024xf32, #tpu.memory_space<vmem>>, vector<1x16xf32>,
      %get3A_480 = arith.index_cast %scan3A_116 : i32 to index
      %get3A_481 = arith.constant 416 : index
      %get3A_482 = tpu.vector_load %arg8[%get3A_480, %get3A_481] {strides = array<i32>} : memref<16x1024xf32, #tpu.memory_space<vmem>>, vector<1x16xf32>,
      %get3A_483 = vector.shape_cast %get3A_482 : vector<1x16xf32> to vector<16xf32>
      %get3A_484 = arith.index_cast %scan3A_116 : i32 to index
      %get3A_485 = arith.constant 416 : index
      %get3A_486 = tpu.vector_load %arg9[%get3A_484, %get3A_485] {strides = array<i32>} : memref<16x1024xf32, #tpu.memory_space<vmem>>, vector<1x16xf32>,
      %get3A_487 = vector.shape_cast %get3A_486 : vector<1x16xf32> to vector<16xf32>
      %add3A_488 = arith.addf %get3A_483, %get3A_487 : vector<16xf32>
      %swap3A_489 = arith.index_cast %scan3A_116 : i32 to index
      %swap3A_490 = arith.constant 416 : index
      %swap3A_491 = tpu.vector_load %arg8[%swap3A_489, %swap3A_490] {strides = array<i32>} : memref<16x1024xf32, #tpu.memory_space<vmem>>, vector<1x16xf32>,
      %swap3A_492 = vector.shape_cast %swap3A_491 : vector<1x16xf32> to vector<16xf32>
      %swap3A_493 = vector.shape_cast %add3A_488 : vector<16xf32> to vector<1x16xf32>
      tpu.vector_store %arg8[%swap3A_489, %swap3A_490], %swap3A_493 {strides = array<i32>} : memref<16x1024xf32, #tpu.memory_space<vmem>>, vector<1x16xf32>,
      %get3A_494 = arith.index_cast %scan3A_116 : i32 to index
      %get3A_495 = arith.constant 432 : index
      %get3A_496 = tpu.vector_load %arg8[%get3A_494, %get3A_495] {strides = array<i32>} : memref<16x1024xf32, #tpu.memory_space<vmem>>, vector<1x16xf32>,
      %get3A_497 = vector.shape_cast %get3A_496 : vector<1x16xf32> to vector<16xf32>
      %get3A_498 = arith.index_cast %scan3A_116 : i32 to index
      %get3A_499 = arith.constant 432 : index
      %get3A_500 = tpu.vector_load %arg9[%get3A_498, %get3A_499] {strides = array<i32>} : memref<16x1024xf32, #tpu.memory_space<vmem>>, vector<1x16xf32>,
      %get3A_501 = vector.shape_cast %get3A_500 : vector<1x16xf32> to vector<16xf32>
      %add3A_502 = arith.addf %get3A_497, %get3A_501 : vector<16xf32>
      %swap3A_503 = arith.index_cast %scan3A_116 : i32 to index
      %swap3A_504 = arith.constant 432 : index
      %swap3A_505 = tpu.vector_load %arg8[%swap3A_503, %swap3A_504] {strides = array<i32>} : memref<16x1024xf32, #tpu.memory_space<vmem>>, vector<1x16xf32>,
      %swap3A_506 = vector.shape_cast %swap3A_505 : vector<1x16xf32> to vector<16xf32>
      %swap3A_507 = vector.shape_cast %add3A_502 : vector<16xf32> to vector<1x16xf32>
      tpu.vector_store %arg8[%swap3A_503, %swap3A_504], %swap3A_507 {strides = array<i32>} : memref<16x1024xf32, #tpu.memory_space<vmem>>, vector<1x16xf32>,
      %get3A_508 = arith.index_cast %scan3A_116 : i32 to index
      %get3A_509 = arith.constant 448 : index
      %get3A_510 = tpu.vector_load %arg8[%get3A_508, %get3A_509] {strides = array<i32>} : memref<16x1024xf32, #tpu.memory_space<vmem>>, vector<1x16xf32>,
      %get3A_511 = vector.shape_cast %get3A_510 : vector<1x16xf32> to vector<16xf32>
      %get3A_512 = arith.index_cast %scan3A_116 : i32 to index
      %get3A_513 = arith.constant 448 : index
      %get3A_514 = tpu.vector_load %arg9[%get3A_512, %get3A_513] {strides = array<i32>} : memref<16x1024xf32, #tpu.memory_space<vmem>>, vector<1x16xf32>,
      %get3A_515 = vector.shape_cast %get3A_514 : vector<1x16xf32> to vector<16xf32>
      %add3A_516 = arith.addf %get3A_511, %get3A_515 : vector<16xf32>
      %swap3A_517 = arith.index_cast %scan3A_116 : i32 to index
      %swap3A_518 = arith.constant 448 : index
      %swap3A_519 = tpu.vector_load %arg8[%swap3A_517, %swap3A_518] {strides = array<i32>} : memref<16x1024xf32, #tpu.memory_space<vmem>>, vector<1x16xf32>,
      %swap3A_520 = vector.shape_cast %swap3A_519 : vector<1x16xf32> to vector<16xf32>
      %swap3A_521 = vector.shape_cast %add3A_516 : vector<16xf32> to vector<1x16xf32>
      tpu.vector_store %arg8[%swap3A_517, %swap3A_518], %swap3A_521 {strides = array<i32>} : memref<16x1024xf32, #tpu.memory_space<vmem>>, vector<1x16xf32>,
      %get3A_522 = arith.index_cast %scan3A_116 : i32 to index
      %get3A_523 = arith.constant 464 : index
      %get3A_524 = tpu.vector_load %arg8[%get3A_522, %get3A_523] {strides = array<i32>} : memref<16x1024xf32, #tpu.memory_space<vmem>>, vector<1x16xf32>,
      %get3A_525 = vector.shape_cast %get3A_524 : vector<1x16xf32> to vector<16xf32>
      %get3A_526 = arith.index_cast %scan3A_116 : i32 to index
      %get3A_527 = arith.constant 464 : index
      %get3A_528 = tpu.vector_load %arg9[%get3A_526, %get3A_527] {strides = array<i32>} : memref<16x1024xf32, #tpu.memory_space<vmem>>, vector<1x16xf32>,
      %get3A_529 = vector.shape_cast %get3A_528 : vector<1x16xf32> to vector<16xf32>
      %add3A_530 = arith.addf %get3A_525, %get3A_529 : vector<16xf32>
      %swap3A_531 = arith.index_cast %scan3A_116 : i32 to index
      %swap3A_532 = arith.constant 464 : index
      %swap3A_533 = tpu.vector_load %arg8[%swap3A_531, %swap3A_532] {strides = array<i32>} : memref<16x1024xf32, #tpu.memory_space<vmem>>, vector<1x16xf32>,
      %swap3A_534 = vector.shape_cast %swap3A_533 : vector<1x16xf32> to vector<16xf32>
      %swap3A_535 = vector.shape_cast %add3A_530 : vector<16xf32> to vector<1x16xf32>
      tpu.vector_store %arg8[%swap3A_531, %swap3A_532], %swap3A_535 {strides = array<i32>} : memref<16x1024xf32, #tpu.memory_space<vmem>>, vector<1x16xf32>,
      %get3A_536 = arith.index_cast %scan3A_116 : i32 to index
      %get3A_537 = arith.constant 480 : index
      %get3A_538 = tpu.vector_load %arg8[%get3A_536, %get3A_537] {strides = array<i32>} : memref<16x1024xf32, #tpu.memory_space<vmem>>, vector<1x16xf32>,
      %get3A_539 = vector.shape_cast %get3A_538 : vector<1x16xf32> to vector<16xf32>
      %get3A_540 = arith.index_cast %scan3A_116 : i32 to index
      %get3A_541 = arith.constant 480 : index
      %get3A_542 = tpu.vector_load %arg9[%get3A_540, %get3A_541] {strides = array<i32>} : memref<16x1024xf32, #tpu.memory_space<vmem>>, vector<1x16xf32>,
      %get3A_543 = vector.shape_cast %get3A_542 : vector<1x16xf32> to vector<16xf32>
      %add3A_544 = arith.addf %get3A_539, %get3A_543 : vector<16xf32>
      %swap3A_545 = arith.index_cast %scan3A_116 : i32 to index
      %swap3A_546 = arith.constant 480 : index
      %swap3A_547 = tpu.vector_load %arg8[%swap3A_545, %swap3A_546] {strides = array<i32>} : memref<16x1024xf32, #tpu.memory_space<vmem>>, vector<1x16xf32>,
      %swap3A_548 = vector.shape_cast %swap3A_547 : vector<1x16xf32> to vector<16xf32>
      %swap3A_549 = vector.shape_cast %add3A_544 : vector<16xf32> to vector<1x16xf32>
      tpu.vector_store %arg8[%swap3A_545, %swap3A_546], %swap3A_549 {strides = array<i32>} : memref<16x1024xf32, #tpu.memory_space<vmem>>, vector<1x16xf32>,
      %get3A_550 = arith.index_cast %scan3A_116 : i32 to index
      %get3A_551 = arith.constant 496 : index
      %get3A_552 = tpu.vector_load %arg8[%get3A_550, %get3A_551] {strides = array<i32>} : memref<16x1024xf32, #tpu.memory_space<vmem>>, vector<1x16xf32>,
      %get3A_553 = vector.shape_cast %get3A_552 : vector<1x16xf32> to vector<16xf32>
      %get3A_554 = arith.index_cast %scan3A_116 : i32 to index
      %get3A_555 = arith.constant 496 : index
      %get3A_556 = tpu.vector_load %arg9[%get3A_554, %get3A_555] {strides = array<i32>} : memref<16x1024xf32, #tpu.memory_space<vmem>>, vector<1x16xf32>,
      %get3A_557 = vector.shape_cast %get3A_556 : vector<1x16xf32> to vector<16xf32>
      %add3A_558 = arith.addf %get3A_553, %get3A_557 : vector<16xf32>
      %swap3A_559 = arith.index_cast %scan3A_116 : i32 to index
      %swap3A_560 = arith.constant 496 : index
      %swap3A_561 = tpu.vector_load %arg8[%swap3A_559, %swap3A_560] {strides = array<i32>} : memref<16x1024xf32, #tpu.memory_space<vmem>>, vector<1x16xf32>,
      %swap3A_562 = vector.shape_cast %swap3A_561 : vector<1x16xf32> to vector<16xf32>
      %swap3A_563 = vector.shape_cast %add3A_558 : vector<16xf32> to vector<1x16xf32>
      tpu.vector_store %arg8[%swap3A_559, %swap3A_560], %swap3A_563 {strides = array<i32>} : memref<16x1024xf32, #tpu.memory_space<vmem>>, vector<1x16xf32>,
      %get3A_564 = arith.index_cast %scan3A_116 : i32 to index
      %get3A_565 = arith.constant 512 : index
      %get3A_566 = tpu.vector_load %arg8[%get3A_564, %get3A_565] {strides = array<i32>} : memref<16x1024xf32, #tpu.memory_space<vmem>>, vector<1x16xf32>,
      %get3A_567 = vector.shape_cast %get3A_566 : vector<1x16xf32> to vector<16xf32>
      %get3A_568 = arith.index_cast %scan3A_116 : i32 to index
      %get3A_569 = arith.constant 512 : index
      %get3A_570 = tpu.vector_load %arg9[%get3A_568, %get3A_569] {strides = array<i32>} : memref<16x1024xf32, #tpu.memory_space<vmem>>, vector<1x16xf32>,
      %get3A_571 = vector.shape_cast %get3A_570 : vector<1x16xf32> to vector<16xf32>
      %add3A_572 = arith.addf %get3A_567, %get3A_571 : vector<16xf32>
      %swap3A_573 = arith.index_cast %scan3A_116 : i32 to index
      %swap3A_574 = arith.constant 512 : index
      %swap3A_575 = tpu.vector_load %arg8[%swap3A_573, %swap3A_574] {strides = array<i32>} : memref<16x1024xf32, #tpu.memory_space<vmem>>, vector<1x16xf32>,
      %swap3A_576 = vector.shape_cast %swap3A_575 : vector<1x16xf32> to vector<16xf32>
      %swap3A_577 = vector.shape_cast %add3A_572 : vector<16xf32> to vector<1x16xf32>
      tpu.vector_store %arg8[%swap3A_573, %swap3A_574], %swap3A_577 {strides = array<i32>} : memref<16x1024xf32, #tpu.memory_space<vmem>>, vector<1x16xf32>,
      %get3A_578 = arith.index_cast %scan3A_116 : i32 to index
      %get3A_579 = arith.constant 528 : index
      %get3A_580 = tpu.vector_load %arg8[%get3A_578, %get3A_579] {strides = array<i32>} : memref<16x1024xf32, #tpu.memory_space<vmem>>, vector<1x16xf32>,
      %get3A_581 = vector.shape_cast %get3A_580 : vector<1x16xf32> to vector<16xf32>
      %get3A_582 = arith.index_cast %scan3A_116 : i32 to index
      %get3A_583 = arith.constant 528 : index
      %get3A_584 = tpu.vector_load %arg9[%get3A_582, %get3A_583] {strides = array<i32>} : memref<16x1024xf32, #tpu.memory_space<vmem>>, vector<1x16xf32>,
      %get3A_585 = vector.shape_cast %get3A_584 : vector<1x16xf32> to vector<16xf32>
      %add3A_586 = arith.addf %get3A_581, %get3A_585 : vector<16xf32>
      %swap3A_587 = arith.index_cast %scan3A_116 : i32 to index
      %swap3A_588 = arith.constant 528 : index
      %swap3A_589 = tpu.vector_load %arg8[%swap3A_587, %swap3A_588] {strides = array<i32>} : memref<16x1024xf32, #tpu.memory_space<vmem>>, vector<1x16xf32>,
      %swap3A_590 = vector.shape_cast %swap3A_589 : vector<1x16xf32> to vector<16xf32>
      %swap3A_591 = vector.shape_cast %add3A_586 : vector<16xf32> to vector<1x16xf32>
      tpu.vector_store %arg8[%swap3A_587, %swap3A_588], %swap3A_591 {strides = array<i32>} : memref<16x1024xf32, #tpu.memory_space<vmem>>, vector<1x16xf32>,
      %get3A_592 = arith.index_cast %scan3A_116 : i32 to index
      %get3A_593 = arith.constant 544 : index
      %get3A_594 = tpu.vector_load %arg8[%get3A_592, %get3A_593] {strides = array<i32>} : memref<16x1024xf32, #tpu.memory_space<vmem>>, vector<1x16xf32>,
      %get3A_595 = vector.shape_cast %get3A_594 : vector<1x16xf32> to vector<16xf32>
      %get3A_596 = arith.index_cast %scan3A_116 : i32 to index
      %get3A_597 = arith.constant 544 : index
      %get3A_598 = tpu.vector_load %arg9[%get3A_596, %get3A_597] {strides = array<i32>} : memref<16x1024xf32, #tpu.memory_space<vmem>>, vector<1x16xf32>,
      %get3A_599 = vector.shape_cast %get3A_598 : vector<1x16xf32> to vector<16xf32>
      %add3A_600 = arith.addf %get3A_595, %get3A_599 : vector<16xf32>
      %swap3A_601 = arith.index_cast %scan3A_116 : i32 to index
      %swap3A_602 = arith.constant 544 : index
      %swap3A_603 = tpu.vector_load %arg8[%swap3A_601, %swap3A_602] {strides = array<i32>} : memref<16x1024xf32, #tpu.memory_space<vmem>>, vector<1x16xf32>,
      %swap3A_604 = vector.shape_cast %swap3A_603 : vector<1x16xf32> to vector<16xf32>
      %swap3A_605 = vector.shape_cast %add3A_600 : vector<16xf32> to vector<1x16xf32>
      tpu.vector_store %arg8[%swap3A_601, %swap3A_602], %swap3A_605 {strides = array<i32>} : memref<16x1024xf32, #tpu.memory_space<vmem>>, vector<1x16xf32>,
      %get3A_606 = arith.index_cast %scan3A_116 : i32 to index
      %get3A_607 = arith.constant 560 : index
      %get3A_608 = tpu.vector_load %arg8[%get3A_606, %get3A_607] {strides = array<i32>} : memref<16x1024xf32, #tpu.memory_space<vmem>>, vector<1x16xf32>,
      %get3A_609 = vector.shape_cast %get3A_608 : vector<1x16xf32> to vector<16xf32>
      %get3A_610 = arith.index_cast %scan3A_116 : i32 to index
      %get3A_611 = arith.constant 560 : index
      %get3A_612 = tpu.vector_load %arg9[%get3A_610, %get3A_611] {strides = array<i32>} : memref<16x1024xf32, #tpu.memory_space<vmem>>, vector<1x16xf32>,
      %get3A_613 = vector.shape_cast %get3A_612 : vector<1x16xf32> to vector<16xf32>
      %add3A_614 = arith.addf %get3A_609, %get3A_613 : vector<16xf32>
      %swap3A_615 = arith.index_cast %scan3A_116 : i32 to index
      %swap3A_616 = arith.constant 560 : index
      %swap3A_617 = tpu.vector_load %arg8[%swap3A_615, %swap3A_616] {strides = array<i32>} : memref<16x1024xf32, #tpu.memory_space<vmem>>, vector<1x16xf32>,
      %swap3A_618 = vector.shape_cast %swap3A_617 : vector<1x16xf32> to vector<16xf32>
      %swap3A_619 = vector.shape_cast %add3A_614 : vector<16xf32> to vector<1x16xf32>
      tpu.vector_store %arg8[%swap3A_615, %swap3A_616], %swap3A_619 {strides = array<i32>} : memref<16x1024xf32, #tpu.memory_space<vmem>>, vector<1x16xf32>,
      %get3A_620 = arith.index_cast %scan3A_116 : i32 to index
      %get3A_621 = arith.constant 576 : index
      %get3A_622 = tpu.vector_load %arg8[%get3A_620, %get3A_621] {strides = array<i32>} : memref<16x1024xf32, #tpu.memory_space<vmem>>, vector<1x16xf32>,
      %get3A_623 = vector.shape_cast %get3A_622 : vector<1x16xf32> to vector<16xf32>
      %get3A_624 = arith.index_cast %scan3A_116 : i32 to index
      %get3A_625 = arith.constant 576 : index
      %get3A_626 = tpu.vector_load %arg9[%get3A_624, %get3A_625] {strides = array<i32>} : memref<16x1024xf32, #tpu.memory_space<vmem>>, vector<1x16xf32>,
      %get3A_627 = vector.shape_cast %get3A_626 : vector<1x16xf32> to vector<16xf32>
      %add3A_628 = arith.addf %get3A_623, %get3A_627 : vector<16xf32>
      %swap3A_629 = arith.index_cast %scan3A_116 : i32 to index
      %swap3A_630 = arith.constant 576 : index
      %swap3A_631 = tpu.vector_load %arg8[%swap3A_629, %swap3A_630] {strides = array<i32>} : memref<16x1024xf32, #tpu.memory_space<vmem>>, vector<1x16xf32>,
      %swap3A_632 = vector.shape_cast %swap3A_631 : vector<1x16xf32> to vector<16xf32>
      %swap3A_633 = vector.shape_cast %add3A_628 : vector<16xf32> to vector<1x16xf32>
      tpu.vector_store %arg8[%swap3A_629, %swap3A_630], %swap3A_633 {strides = array<i32>} : memref<16x1024xf32, #tpu.memory_space<vmem>>, vector<1x16xf32>,
      %get3A_634 = arith.index_cast %scan3A_116 : i32 to index
      %get3A_635 = arith.constant 592 : index
      %get3A_636 = tpu.vector_load %arg8[%get3A_634, %get3A_635] {strides = array<i32>} : memref<16x1024xf32, #tpu.memory_space<vmem>>, vector<1x16xf32>,
      %get3A_637 = vector.shape_cast %get3A_636 : vector<1x16xf32> to vector<16xf32>
      %get3A_638 = arith.index_cast %scan3A_116 : i32 to index
      %get3A_639 = arith.constant 592 : index
      %get3A_640 = tpu.vector_load %arg9[%get3A_638, %get3A_639] {strides = array<i32>} : memref<16x1024xf32, #tpu.memory_space<vmem>>, vector<1x16xf32>,
      %get3A_641 = vector.shape_cast %get3A_640 : vector<1x16xf32> to vector<16xf32>
      %add3A_642 = arith.addf %get3A_637, %get3A_641 : vector<16xf32>
      %swap3A_643 = arith.index_cast %scan3A_116 : i32 to index
      %swap3A_644 = arith.constant 592 : index
      %swap3A_645 = tpu.vector_load %arg8[%swap3A_643, %swap3A_644] {strides = array<i32>} : memref<16x1024xf32, #tpu.memory_space<vmem>>, vector<1x16xf32>,
      %swap3A_646 = vector.shape_cast %swap3A_645 : vector<1x16xf32> to vector<16xf32>
      %swap3A_647 = vector.shape_cast %add3A_642 : vector<16xf32> to vector<1x16xf32>
      tpu.vector_store %arg8[%swap3A_643, %swap3A_644], %swap3A_647 {strides = array<i32>} : memref<16x1024xf32, #tpu.memory_space<vmem>>, vector<1x16xf32>,
      %get3A_648 = arith.index_cast %scan3A_116 : i32 to index
      %get3A_649 = arith.constant 608 : index
      %get3A_650 = tpu.vector_load %arg8[%get3A_648, %get3A_649] {strides = array<i32>} : memref<16x1024xf32, #tpu.memory_space<vmem>>, vector<1x16xf32>,
      %get3A_651 = vector.shape_cast %get3A_650 : vector<1x16xf32> to vector<16xf32>
      %get3A_652 = arith.index_cast %scan3A_116 : i32 to index
      %get3A_653 = arith.constant 608 : index
      %get3A_654 = tpu.vector_load %arg9[%get3A_652, %get3A_653] {strides = array<i32>} : memref<16x1024xf32, #tpu.memory_space<vmem>>, vector<1x16xf32>,
      %get3A_655 = vector.shape_cast %get3A_654 : vector<1x16xf32> to vector<16xf32>
      %add3A_656 = arith.addf %get3A_651, %get3A_655 : vector<16xf32>
      %swap3A_657 = arith.index_cast %scan3A_116 : i32 to index
      %swap3A_658 = arith.constant 608 : index
      %swap3A_659 = tpu.vector_load %arg8[%swap3A_657, %swap3A_658] {strides = array<i32>} : memref<16x1024xf32, #tpu.memory_space<vmem>>, vector<1x16xf32>,
      %swap3A_660 = vector.shape_cast %swap3A_659 : vector<1x16xf32> to vector<16xf32>
      %swap3A_661 = vector.shape_cast %add3A_656 : vector<16xf32> to vector<1x16xf32>
      tpu.vector_store %arg8[%swap3A_657, %swap3A_658], %swap3A_661 {strides = array<i32>} : memref<16x1024xf32, #tpu.memory_space<vmem>>, vector<1x16xf32>,
      %get3A_662 = arith.index_cast %scan3A_116 : i32 to index
      %get3A_663 = arith.constant 624 : index
      %get3A_664 = tpu.vector_load %arg8[%get3A_662, %get3A_663] {strides = array<i32>} : memref<16x1024xf32, #tpu.memory_space<vmem>>, vector<1x16xf32>,
      %get3A_665 = vector.shape_cast %get3A_664 : vector<1x16xf32> to vector<16xf32>
      %get3A_666 = arith.index_cast %scan3A_116 : i32 to index
      %get3A_667 = arith.constant 624 : index
      %get3A_668 = tpu.vector_load %arg9[%get3A_666, %get3A_667] {strides = array<i32>} : memref<16x1024xf32, #tpu.memory_space<vmem>>, vector<1x16xf32>,
      %get3A_669 = vector.shape_cast %get3A_668 : vector<1x16xf32> to vector<16xf32>
      %add3A_670 = arith.addf %get3A_665, %get3A_669 : vector<16xf32>
      %swap3A_671 = arith.index_cast %scan3A_116 : i32 to index
      %swap3A_672 = arith.constant 624 : index
      %swap3A_673 = tpu.vector_load %arg8[%swap3A_671, %swap3A_672] {strides = array<i32>} : memref<16x1024xf32, #tpu.memory_space<vmem>>, vector<1x16xf32>,
      %swap3A_674 = vector.shape_cast %swap3A_673 : vector<1x16xf32> to vector<16xf32>
      %swap3A_675 = vector.shape_cast %add3A_670 : vector<16xf32> to vector<1x16xf32>
      tpu.vector_store %arg8[%swap3A_671, %swap3A_672], %swap3A_675 {strides = array<i32>} : memref<16x1024xf32, #tpu.memory_space<vmem>>, vector<1x16xf32>,
      %get3A_676 = arith.index_cast %scan3A_116 : i32 to index
      %get3A_677 = arith.constant 640 : index
      %get3A_678 = tpu.vector_load %arg8[%get3A_676, %get3A_677] {strides = array<i32>} : memref<16x1024xf32, #tpu.memory_space<vmem>>, vector<1x16xf32>,
      %get3A_679 = vector.shape_cast %get3A_678 : vector<1x16xf32> to vector<16xf32>
      %get3A_680 = arith.index_cast %scan3A_116 : i32 to index
      %get3A_681 = arith.constant 640 : index
      %get3A_682 = tpu.vector_load %arg9[%get3A_680, %get3A_681] {strides = array<i32>} : memref<16x1024xf32, #tpu.memory_space<vmem>>, vector<1x16xf32>,
      %get3A_683 = vector.shape_cast %get3A_682 : vector<1x16xf32> to vector<16xf32>
      %add3A_684 = arith.addf %get3A_679, %get3A_683 : vector<16xf32>
      %swap3A_685 = arith.index_cast %scan3A_116 : i32 to index
      %swap3A_686 = arith.constant 640 : index
      %swap3A_687 = tpu.vector_load %arg8[%swap3A_685, %swap3A_686] {strides = array<i32>} : memref<16x1024xf32, #tpu.memory_space<vmem>>, vector<1x16xf32>,
      %swap3A_688 = vector.shape_cast %swap3A_687 : vector<1x16xf32> to vector<16xf32>
      %swap3A_689 = vector.shape_cast %add3A_684 : vector<16xf32> to vector<1x16xf32>
      tpu.vector_store %arg8[%swap3A_685, %swap3A_686], %swap3A_689 {strides = array<i32>} : memref<16x1024xf32, #tpu.memory_space<vmem>>, vector<1x16xf32>,
      %get3A_690 = arith.index_cast %scan3A_116 : i32 to index
      %get3A_691 = arith.constant 656 : index
      %get3A_692 = tpu.vector_load %arg8[%get3A_690, %get3A_691] {strides = array<i32>} : memref<16x1024xf32, #tpu.memory_space<vmem>>, vector<1x16xf32>,
      %get3A_693 = vector.shape_cast %get3A_692 : vector<1x16xf32> to vector<16xf32>
      %get3A_694 = arith.index_cast %scan3A_116 : i32 to index
      %get3A_695 = arith.constant 656 : index
      %get3A_696 = tpu.vector_load %arg9[%get3A_694, %get3A_695] {strides = array<i32>} : memref<16x1024xf32, #tpu.memory_space<vmem>>, vector<1x16xf32>,
      %get3A_697 = vector.shape_cast %get3A_696 : vector<1x16xf32> to vector<16xf32>
      %add3A_698 = arith.addf %get3A_693, %get3A_697 : vector<16xf32>
      %swap3A_699 = arith.index_cast %scan3A_116 : i32 to index
      %swap3A_700 = arith.constant 656 : index
      %swap3A_701 = tpu.vector_load %arg8[%swap3A_699, %swap3A_700] {strides = array<i32>} : memref<16x1024xf32, #tpu.memory_space<vmem>>, vector<1x16xf32>,
      %swap3A_702 = vector.shape_cast %swap3A_701 : vector<1x16xf32> to vector<16xf32>
      %swap3A_703 = vector.shape_cast %add3A_698 : vector<16xf32> to vector<1x16xf32>
      tpu.vector_store %arg8[%swap3A_699, %swap3A_700], %swap3A_703 {strides = array<i32>} : memref<16x1024xf32, #tpu.memory_space<vmem>>, vector<1x16xf32>,
      %get3A_704 = arith.index_cast %scan3A_116 : i32 to index
      %get3A_705 = arith.constant 672 : index
      %get3A_706 = tpu.vector_load %arg8[%get3A_704, %get3A_705] {strides = array<i32>} : memref<16x1024xf32, #tpu.memory_space<vmem>>, vector<1x16xf32>,
      %get3A_707 = vector.shape_cast %get3A_706 : vector<1x16xf32> to vector<16xf32>
      %get3A_708 = arith.index_cast %scan3A_116 : i32 to index
      %get3A_709 = arith.constant 672 : index
      %get3A_710 = tpu.vector_load %arg9[%get3A_708, %get3A_709] {strides = array<i32>} : memref<16x1024xf32, #tpu.memory_space<vmem>>, vector<1x16xf32>,
      %get3A_711 = vector.shape_cast %get3A_710 : vector<1x16xf32> to vector<16xf32>
      %add3A_712 = arith.addf %get3A_707, %get3A_711 : vector<16xf32>
      %swap3A_713 = arith.index_cast %scan3A_116 : i32 to index
      %swap3A_714 = arith.constant 672 : index
      %swap3A_715 = tpu.vector_load %arg8[%swap3A_713, %swap3A_714] {strides = array<i32>} : memref<16x1024xf32, #tpu.memory_space<vmem>>, vector<1x16xf32>,
      %swap3A_716 = vector.shape_cast %swap3A_715 : vector<1x16xf32> to vector<16xf32>
      %swap3A_717 = vector.shape_cast %add3A_712 : vector<16xf32> to vector<1x16xf32>
      tpu.vector_store %arg8[%swap3A_713, %swap3A_714], %swap3A_717 {strides = array<i32>} : memref<16x1024xf32, #tpu.memory_space<vmem>>, vector<1x16xf32>,
      %get3A_718 = arith.index_cast %scan3A_116 : i32 to index
      %get3A_719 = arith.constant 688 : index
      %get3A_720 = tpu.vector_load %arg8[%get3A_718, %get3A_719] {strides = array<i32>} : memref<16x1024xf32, #tpu.memory_space<vmem>>, vector<1x16xf32>,
      %get3A_721 = vector.shape_cast %get3A_720 : vector<1x16xf32> to vector<16xf32>
      %get3A_722 = arith.index_cast %scan3A_116 : i32 to index
      %get3A_723 = arith.constant 688 : index
      %get3A_724 = tpu.vector_load %arg9[%get3A_722, %get3A_723] {strides = array<i32>} : memref<16x1024xf32, #tpu.memory_space<vmem>>, vector<1x16xf32>,
      %get3A_725 = vector.shape_cast %get3A_724 : vector<1x16xf32> to vector<16xf32>
      %add3A_726 = arith.addf %get3A_721, %get3A_725 : vector<16xf32>
      %swap3A_727 = arith.index_cast %scan3A_116 : i32 to index
      %swap3A_728 = arith.constant 688 : index
      %swap3A_729 = tpu.vector_load %arg8[%swap3A_727, %swap3A_728] {strides = array<i32>} : memref<16x1024xf32, #tpu.memory_space<vmem>>, vector<1x16xf32>,
      %swap3A_730 = vector.shape_cast %swap3A_729 : vector<1x16xf32> to vector<16xf32>
      %swap3A_731 = vector.shape_cast %add3A_726 : vector<16xf32> to vector<1x16xf32>
      tpu.vector_store %arg8[%swap3A_727, %swap3A_728], %swap3A_731 {strides = array<i32>} : memref<16x1024xf32, #tpu.memory_space<vmem>>, vector<1x16xf32>,
      %get3A_732 = arith.index_cast %scan3A_116 : i32 to index
      %get3A_733 = arith.constant 704 : index
      %get3A_734 = tpu.vector_load %arg8[%get3A_732, %get3A_733] {strides = array<i32>} : memref<16x1024xf32, #tpu.memory_space<vmem>>, vector<1x16xf32>,
      %get3A_735 = vector.shape_cast %get3A_734 : vector<1x16xf32> to vector<16xf32>
      %get3A_736 = arith.index_cast %scan3A_116 : i32 to index
      %get3A_737 = arith.constant 704 : index
      %get3A_738 = tpu.vector_load %arg9[%get3A_736, %get3A_737] {strides = array<i32>} : memref<16x1024xf32, #tpu.memory_space<vmem>>, vector<1x16xf32>,
      %get3A_739 = vector.shape_cast %get3A_738 : vector<1x16xf32> to vector<16xf32>
      %add3A_740 = arith.addf %get3A_735, %get3A_739 : vector<16xf32>
      %swap3A_741 = arith.index_cast %scan3A_116 : i32 to index
      %swap3A_742 = arith.constant 704 : index
      %swap3A_743 = tpu.vector_load %arg8[%swap3A_741, %swap3A_742] {strides = array<i32>} : memref<16x1024xf32, #tpu.memory_space<vmem>>, vector<1x16xf32>,
      %swap3A_744 = vector.shape_cast %swap3A_743 : vector<1x16xf32> to vector<16xf32>
      %swap3A_745 = vector.shape_cast %add3A_740 : vector<16xf32> to vector<1x16xf32>
      tpu.vector_store %arg8[%swap3A_741, %swap3A_742], %swap3A_745 {strides = array<i32>} : memref<16x1024xf32, #tpu.memory_space<vmem>>, vector<1x16xf32>,
      %get3A_746 = arith.index_cast %scan3A_116 : i32 to index
      %get3A_747 = arith.constant 720 : index
      %get3A_748 = tpu.vector_load %arg8[%get3A_746, %get3A_747] {strides = array<i32>} : memref<16x1024xf32, #tpu.memory_space<vmem>>, vector<1x16xf32>,
      %get3A_749 = vector.shape_cast %get3A_748 : vector<1x16xf32> to vector<16xf32>
      %get3A_750 = arith.index_cast %scan3A_116 : i32 to index
      %get3A_751 = arith.constant 720 : index
      %get3A_752 = tpu.vector_load %arg9[%get3A_750, %get3A_751] {strides = array<i32>} : memref<16x1024xf32, #tpu.memory_space<vmem>>, vector<1x16xf32>,
      %get3A_753 = vector.shape_cast %get3A_752 : vector<1x16xf32> to vector<16xf32>
      %add3A_754 = arith.addf %get3A_749, %get3A_753 : vector<16xf32>
      %swap3A_755 = arith.index_cast %scan3A_116 : i32 to index
      %swap3A_756 = arith.constant 720 : index
      %swap3A_757 = tpu.vector_load %arg8[%swap3A_755, %swap3A_756] {strides = array<i32>} : memref<16x1024xf32, #tpu.memory_space<vmem>>, vector<1x16xf32>,
      %swap3A_758 = vector.shape_cast %swap3A_757 : vector<1x16xf32> to vector<16xf32>
      %swap3A_759 = vector.shape_cast %add3A_754 : vector<16xf32> to vector<1x16xf32>
      tpu.vector_store %arg8[%swap3A_755, %swap3A_756], %swap3A_759 {strides = array<i32>} : memref<16x1024xf32, #tpu.memory_space<vmem>>, vector<1x16xf32>,
      %get3A_760 = arith.index_cast %scan3A_116 : i32 to index
      %get3A_761 = arith.constant 736 : index
      %get3A_762 = tpu.vector_load %arg8[%get3A_760, %get3A_761] {strides = array<i32>} : memref<16x1024xf32, #tpu.memory_space<vmem>>, vector<1x16xf32>,
      %get3A_763 = vector.shape_cast %get3A_762 : vector<1x16xf32> to vector<16xf32>
      %get3A_764 = arith.index_cast %scan3A_116 : i32 to index
      %get3A_765 = arith.constant 736 : index
      %get3A_766 = tpu.vector_load %arg9[%get3A_764, %get3A_765] {strides = array<i32>} : memref<16x1024xf32, #tpu.memory_space<vmem>>, vector<1x16xf32>,
      %get3A_767 = vector.shape_cast %get3A_766 : vector<1x16xf32> to vector<16xf32>
      %add3A_768 = arith.addf %get3A_763, %get3A_767 : vector<16xf32>
      %swap3A_769 = arith.index_cast %scan3A_116 : i32 to index
      %swap3A_770 = arith.constant 736 : index
      %swap3A_771 = tpu.vector_load %arg8[%swap3A_769, %swap3A_770] {strides = array<i32>} : memref<16x1024xf32, #tpu.memory_space<vmem>>, vector<1x16xf32>,
      %swap3A_772 = vector.shape_cast %swap3A_771 : vector<1x16xf32> to vector<16xf32>
      %swap3A_773 = vector.shape_cast %add3A_768 : vector<16xf32> to vector<1x16xf32>
      tpu.vector_store %arg8[%swap3A_769, %swap3A_770], %swap3A_773 {strides = array<i32>} : memref<16x1024xf32, #tpu.memory_space<vmem>>, vector<1x16xf32>,
      %get3A_774 = arith.index_cast %scan3A_116 : i32 to index
      %get3A_775 = arith.constant 752 : index
      %get3A_776 = tpu.vector_load %arg8[%get3A_774, %get3A_775] {strides = array<i32>} : memref<16x1024xf32, #tpu.memory_space<vmem>>, vector<1x16xf32>,
      %get3A_777 = vector.shape_cast %get3A_776 : vector<1x16xf32> to vector<16xf32>
      %get3A_778 = arith.index_cast %scan3A_116 : i32 to index
      %get3A_779 = arith.constant 752 : index
      %get3A_780 = tpu.vector_load %arg9[%get3A_778, %get3A_779] {strides = array<i32>} : memref<16x1024xf32, #tpu.memory_space<vmem>>, vector<1x16xf32>,
      %get3A_781 = vector.shape_cast %get3A_780 : vector<1x16xf32> to vector<16xf32>
      %add3A_782 = arith.addf %get3A_777, %get3A_781 : vector<16xf32>
      %swap3A_783 = arith.index_cast %scan3A_116 : i32 to index
      %swap3A_784 = arith.constant 752 : index
      %swap3A_785 = tpu.vector_load %arg8[%swap3A_783, %swap3A_784] {strides = array<i32>} : memref<16x1024xf32, #tpu.memory_space<vmem>>, vector<1x16xf32>,
      %swap3A_786 = vector.shape_cast %swap3A_785 : vector<1x16xf32> to vector<16xf32>
      %swap3A_787 = vector.shape_cast %add3A_782 : vector<16xf32> to vector<1x16xf32>
      tpu.vector_store %arg8[%swap3A_783, %swap3A_784], %swap3A_787 {strides = array<i32>} : memref<16x1024xf32, #tpu.memory_space<vmem>>, vector<1x16xf32>,
      %get3A_788 = arith.index_cast %scan3A_116 : i32 to index
      %get3A_789 = arith.constant 768 : index
      %get3A_790 = tpu.vector_load %arg8[%get3A_788, %get3A_789] {strides = array<i32>} : memref<16x1024xf32, #tpu.memory_space<vmem>>, vector<1x16xf32>,
      %get3A_791 = vector.shape_cast %get3A_790 : vector<1x16xf32> to vector<16xf32>
      %get3A_792 = arith.index_cast %scan3A_116 : i32 to index
      %get3A_793 = arith.constant 768 : index
      %get3A_794 = tpu.vector_load %arg9[%get3A_792, %get3A_793] {strides = array<i32>} : memref<16x1024xf32, #tpu.memory_space<vmem>>, vector<1x16xf32>,
      %get3A_795 = vector.shape_cast %get3A_794 : vector<1x16xf32> to vector<16xf32>
      %add3A_796 = arith.addf %get3A_791, %get3A_795 : vector<16xf32>
      %swap3A_797 = arith.index_cast %scan3A_116 : i32 to index
      %swap3A_798 = arith.constant 768 : index
      %swap3A_799 = tpu.vector_load %arg8[%swap3A_797, %swap3A_798] {strides = array<i32>} : memref<16x1024xf32, #tpu.memory_space<vmem>>, vector<1x16xf32>,
      %swap3A_800 = vector.shape_cast %swap3A_799 : vector<1x16xf32> to vector<16xf32>
      %swap3A_801 = vector.shape_cast %add3A_796 : vector<16xf32> to vector<1x16xf32>
      tpu.vector_store %arg8[%swap3A_797, %swap3A_798], %swap3A_801 {strides = array<i32>} : memref<16x1024xf32, #tpu.memory_space<vmem>>, vector<1x16xf32>,
      %get3A_802 = arith.index_cast %scan3A_116 : i32 to index
      %get3A_803 = arith.constant 784 : index
      %get3A_804 = tpu.vector_load %arg8[%get3A_802, %get3A_803] {strides = array<i32>} : memref<16x1024xf32, #tpu.memory_space<vmem>>, vector<1x16xf32>,
      %get3A_805 = vector.shape_cast %get3A_804 : vector<1x16xf32> to vector<16xf32>
      %get3A_806 = arith.index_cast %scan3A_116 : i32 to index
      %get3A_807 = arith.constant 784 : index
      %get3A_808 = tpu.vector_load %arg9[%get3A_806, %get3A_807] {strides = array<i32>} : memref<16x1024xf32, #tpu.memory_space<vmem>>, vector<1x16xf32>,
      %get3A_809 = vector.shape_cast %get3A_808 : vector<1x16xf32> to vector<16xf32>
      %add3A_810 = arith.addf %get3A_805, %get3A_809 : vector<16xf32>
      %swap3A_811 = arith.index_cast %scan3A_116 : i32 to index
      %swap3A_812 = arith.constant 784 : index
      %swap3A_813 = tpu.vector_load %arg8[%swap3A_811, %swap3A_812] {strides = array<i32>} : memref<16x1024xf32, #tpu.memory_space<vmem>>, vector<1x16xf32>,
      %swap3A_814 = vector.shape_cast %swap3A_813 : vector<1x16xf32> to vector<16xf32>
      %swap3A_815 = vector.shape_cast %add3A_810 : vector<16xf32> to vector<1x16xf32>
      tpu.vector_store %arg8[%swap3A_811, %swap3A_812], %swap3A_815 {strides = array<i32>} : memref<16x1024xf32, #tpu.memory_space<vmem>>, vector<1x16xf32>,
      %get3A_816 = arith.index_cast %scan3A_116 : i32 to index
      %get3A_817 = arith.constant 800 : index
      %get3A_818 = tpu.vector_load %arg8[%get3A_816, %get3A_817] {strides = array<i32>} : memref<16x1024xf32, #tpu.memory_space<vmem>>, vector<1x16xf32>,
      %get3A_819 = vector.shape_cast %get3A_818 : vector<1x16xf32> to vector<16xf32>
      %get3A_820 = arith.index_cast %scan3A_116 : i32 to index
      %get3A_821 = arith.constant 800 : index
      %get3A_822 = tpu.vector_load %arg9[%get3A_820, %get3A_821] {strides = array<i32>} : memref<16x1024xf32, #tpu.memory_space<vmem>>, vector<1x16xf32>,
      %get3A_823 = vector.shape_cast %get3A_822 : vector<1x16xf32> to vector<16xf32>
      %add3A_824 = arith.addf %get3A_819, %get3A_823 : vector<16xf32>
      %swap3A_825 = arith.index_cast %scan3A_116 : i32 to index
      %swap3A_826 = arith.constant 800 : index
      %swap3A_827 = tpu.vector_load %arg8[%swap3A_825, %swap3A_826] {strides = array<i32>} : memref<16x1024xf32, #tpu.memory_space<vmem>>, vector<1x16xf32>,
      %swap3A_828 = vector.shape_cast %swap3A_827 : vector<1x16xf32> to vector<16xf32>
      %swap3A_829 = vector.shape_cast %add3A_824 : vector<16xf32> to vector<1x16xf32>
      tpu.vector_store %arg8[%swap3A_825, %swap3A_826], %swap3A_829 {strides = array<i32>} : memref<16x1024xf32, #tpu.memory_space<vmem>>, vector<1x16xf32>,
      %get3A_830 = arith.index_cast %scan3A_116 : i32 to index
      %get3A_831 = arith.constant 816 : index
      %get3A_832 = tpu.vector_load %arg8[%get3A_830, %get3A_831] {strides = array<i32>} : memref<16x1024xf32, #tpu.memory_space<vmem>>, vector<1x16xf32>,
      %get3A_833 = vector.shape_cast %get3A_832 : vector<1x16xf32> to vector<16xf32>
      %get3A_834 = arith.index_cast %scan3A_116 : i32 to index
      %get3A_835 = arith.constant 816 : index
      %get3A_836 = tpu.vector_load %arg9[%get3A_834, %get3A_835] {strides = array<i32>} : memref<16x1024xf32, #tpu.memory_space<vmem>>, vector<1x16xf32>,
      %get3A_837 = vector.shape_cast %get3A_836 : vector<1x16xf32> to vector<16xf32>
      %add3A_838 = arith.addf %get3A_833, %get3A_837 : vector<16xf32>
      %swap3A_839 = arith.index_cast %scan3A_116 : i32 to index
      %swap3A_840 = arith.constant 816 : index
      %swap3A_841 = tpu.vector_load %arg8[%swap3A_839, %swap3A_840] {strides = array<i32>} : memref<16x1024xf32, #tpu.memory_space<vmem>>, vector<1x16xf32>,
      %swap3A_842 = vector.shape_cast %swap3A_841 : vector<1x16xf32> to vector<16xf32>
      %swap3A_843 = vector.shape_cast %add3A_838 : vector<16xf32> to vector<1x16xf32>
      tpu.vector_store %arg8[%swap3A_839, %swap3A_840], %swap3A_843 {strides = array<i32>} : memref<16x1024xf32, #tpu.memory_space<vmem>>, vector<1x16xf32>,
      %get3A_844 = arith.index_cast %scan3A_116 : i32 to index
      %get3A_845 = arith.constant 832 : index
      %get3A_846 = tpu.vector_load %arg8[%get3A_844, %get3A_845] {strides = array<i32>} : memref<16x1024xf32, #tpu.memory_space<vmem>>, vector<1x16xf32>,
      %get3A_847 = vector.shape_cast %get3A_846 : vector<1x16xf32> to vector<16xf32>
      %get3A_848 = arith.index_cast %scan3A_116 : i32 to index
      %get3A_849 = arith.constant 832 : index
      %get3A_850 = tpu.vector_load %arg9[%get3A_848, %get3A_849] {strides = array<i32>} : memref<16x1024xf32, #tpu.memory_space<vmem>>, vector<1x16xf32>,
      %get3A_851 = vector.shape_cast %get3A_850 : vector<1x16xf32> to vector<16xf32>
      %add3A_852 = arith.addf %get3A_847, %get3A_851 : vector<16xf32>
      %swap3A_853 = arith.index_cast %scan3A_116 : i32 to index
      %swap3A_854 = arith.constant 832 : index
      %swap3A_855 = tpu.vector_load %arg8[%swap3A_853, %swap3A_854] {strides = array<i32>} : memref<16x1024xf32, #tpu.memory_space<vmem>>, vector<1x16xf32>,
      %swap3A_856 = vector.shape_cast %swap3A_855 : vector<1x16xf32> to vector<16xf32>
      %swap3A_857 = vector.shape_cast %add3A_852 : vector<16xf32> to vector<1x16xf32>
      tpu.vector_store %arg8[%swap3A_853, %swap3A_854], %swap3A_857 {strides = array<i32>} : memref<16x1024xf32, #tpu.memory_space<vmem>>, vector<1x16xf32>,
      %get3A_858 = arith.index_cast %scan3A_116 : i32 to index
      %get3A_859 = arith.constant 848 : index
      %get3A_860 = tpu.vector_load %arg8[%get3A_858, %get3A_859] {strides = array<i32>} : memref<16x1024xf32, #tpu.memory_space<vmem>>, vector<1x16xf32>,
      %get3A_861 = vector.shape_cast %get3A_860 : vector<1x16xf32> to vector<16xf32>
      %get3A_862 = arith.index_cast %scan3A_116 : i32 to index
      %get3A_863 = arith.constant 848 : index
      %get3A_864 = tpu.vector_load %arg9[%get3A_862, %get3A_863] {strides = array<i32>} : memref<16x1024xf32, #tpu.memory_space<vmem>>, vector<1x16xf32>,
      %get3A_865 = vector.shape_cast %get3A_864 : vector<1x16xf32> to vector<16xf32>
      %add3A_866 = arith.addf %get3A_861, %get3A_865 : vector<16xf32>
      %swap3A_867 = arith.index_cast %scan3A_116 : i32 to index
      %swap3A_868 = arith.constant 848 : index
      %swap3A_869 = tpu.vector_load %arg8[%swap3A_867, %swap3A_868] {strides = array<i32>} : memref<16x1024xf32, #tpu.memory_space<vmem>>, vector<1x16xf32>,
      %swap3A_870 = vector.shape_cast %swap3A_869 : vector<1x16xf32> to vector<16xf32>
      %swap3A_871 = vector.shape_cast %add3A_866 : vector<16xf32> to vector<1x16xf32>
      tpu.vector_store %arg8[%swap3A_867, %swap3A_868], %swap3A_871 {strides = array<i32>} : memref<16x1024xf32, #tpu.memory_space<vmem>>, vector<1x16xf32>,
      %get3A_872 = arith.index_cast %scan3A_116 : i32 to index
      %get3A_873 = arith.constant 864 : index
      %get3A_874 = tpu.vector_load %arg8[%get3A_872, %get3A_873] {strides = array<i32>} : memref<16x1024xf32, #tpu.memory_space<vmem>>, vector<1x16xf32>,
      %get3A_875 = vector.shape_cast %get3A_874 : vector<1x16xf32> to vector<16xf32>
      %get3A_876 = arith.index_cast %scan3A_116 : i32 to index
      %get3A_877 = arith.constant 864 : index
      %get3A_878 = tpu.vector_load %arg9[%get3A_876, %get3A_877] {strides = array<i32>} : memref<16x1024xf32, #tpu.memory_space<vmem>>, vector<1x16xf32>,
      %get3A_879 = vector.shape_cast %get3A_878 : vector<1x16xf32> to vector<16xf32>
      %add3A_880 = arith.addf %get3A_875, %get3A_879 : vector<16xf32>
      %swap3A_881 = arith.index_cast %scan3A_116 : i32 to index
      %swap3A_882 = arith.constant 864 : index
      %swap3A_883 = tpu.vector_load %arg8[%swap3A_881, %swap3A_882] {strides = array<i32>} : memref<16x1024xf32, #tpu.memory_space<vmem>>, vector<1x16xf32>,
      %swap3A_884 = vector.shape_cast %swap3A_883 : vector<1x16xf32> to vector<16xf32>
      %swap3A_885 = vector.shape_cast %add3A_880 : vector<16xf32> to vector<1x16xf32>
      tpu.vector_store %arg8[%swap3A_881, %swap3A_882], %swap3A_885 {strides = array<i32>} : memref<16x1024xf32, #tpu.memory_space<vmem>>, vector<1x16xf32>,
      %get3A_886 = arith.index_cast %scan3A_116 : i32 to index
      %get3A_887 = arith.constant 880 : index
      %get3A_888 = tpu.vector_load %arg8[%get3A_886, %get3A_887] {strides = array<i32>} : memref<16x1024xf32, #tpu.memory_space<vmem>>, vector<1x16xf32>,
      %get3A_889 = vector.shape_cast %get3A_888 : vector<1x16xf32> to vector<16xf32>
      %get3A_890 = arith.index_cast %scan3A_116 : i32 to index
      %get3A_891 = arith.constant 880 : index
      %get3A_892 = tpu.vector_load %arg9[%get3A_890, %get3A_891] {strides = array<i32>} : memref<16x1024xf32, #tpu.memory_space<vmem>>, vector<1x16xf32>,
      %get3A_893 = vector.shape_cast %get3A_892 : vector<1x16xf32> to vector<16xf32>
      %add3A_894 = arith.addf %get3A_889, %get3A_893 : vector<16xf32>
      %swap3A_895 = arith.index_cast %scan3A_116 : i32 to index
      %swap3A_896 = arith.constant 880 : index
      %swap3A_897 = tpu.vector_load %arg8[%swap3A_895, %swap3A_896] {strides = array<i32>} : memref<16x1024xf32, #tpu.memory_space<vmem>>, vector<1x16xf32>,
      %swap3A_898 = vector.shape_cast %swap3A_897 : vector<1x16xf32> to vector<16xf32>
      %swap3A_899 = vector.shape_cast %add3A_894 : vector<16xf32> to vector<1x16xf32>
      tpu.vector_store %arg8[%swap3A_895, %swap3A_896], %swap3A_899 {strides = array<i32>} : memref<16x1024xf32, #tpu.memory_space<vmem>>, vector<1x16xf32>,
      %get3A_900 = arith.index_cast %scan3A_116 : i32 to index
      %get3A_901 = arith.constant 896 : index
      %get3A_902 = tpu.vector_load %arg8[%get3A_900, %get3A_901] {strides = array<i32>} : memref<16x1024xf32, #tpu.memory_space<vmem>>, vector<1x16xf32>,
      %get3A_903 = vector.shape_cast %get3A_902 : vector<1x16xf32> to vector<16xf32>
      %get3A_904 = arith.index_cast %scan3A_116 : i32 to index
      %get3A_905 = arith.constant 896 : index
      %get3A_906 = tpu.vector_load %arg9[%get3A_904, %get3A_905] {strides = array<i32>} : memref<16x1024xf32, #tpu.memory_space<vmem>>, vector<1x16xf32>,
      %get3A_907 = vector.shape_cast %get3A_906 : vector<1x16xf32> to vector<16xf32>
      %add3A_908 = arith.addf %get3A_903, %get3A_907 : vector<16xf32>
      %swap3A_909 = arith.index_cast %scan3A_116 : i32 to index
      %swap3A_910 = arith.constant 896 : index
      %swap3A_911 = tpu.vector_load %arg8[%swap3A_909, %swap3A_910] {strides = array<i32>} : memref<16x1024xf32, #tpu.memory_space<vmem>>, vector<1x16xf32>,
      %swap3A_912 = vector.shape_cast %swap3A_911 : vector<1x16xf32> to vector<16xf32>
      %swap3A_913 = vector.shape_cast %add3A_908 : vector<16xf32> to vector<1x16xf32>
      tpu.vector_store %arg8[%swap3A_909, %swap3A_910], %swap3A_913 {strides = array<i32>} : memref<16x1024xf32, #tpu.memory_space<vmem>>, vector<1x16xf32>,
      %get3A_914 = arith.index_cast %scan3A_116 : i32 to index
      %get3A_915 = arith.constant 912 : index
      %get3A_916 = tpu.vector_load %arg8[%get3A_914, %get3A_915] {strides = array<i32>} : memref<16x1024xf32, #tpu.memory_space<vmem>>, vector<1x16xf32>,
      %get3A_917 = vector.shape_cast %get3A_916 : vector<1x16xf32> to vector<16xf32>
      %get3A_918 = arith.index_cast %scan3A_116 : i32 to index
      %get3A_919 = arith.constant 912 : index
      %get3A_920 = tpu.vector_load %arg9[%get3A_918, %get3A_919] {strides = array<i32>} : memref<16x1024xf32, #tpu.memory_space<vmem>>, vector<1x16xf32>,
      %get3A_921 = vector.shape_cast %get3A_920 : vector<1x16xf32> to vector<16xf32>
      %add3A_922 = arith.addf %get3A_917, %get3A_921 : vector<16xf32>
      %swap3A_923 = arith.index_cast %scan3A_116 : i32 to index
      %swap3A_924 = arith.constant 912 : index
      %swap3A_925 = tpu.vector_load %arg8[%swap3A_923, %swap3A_924] {strides = array<i32>} : memref<16x1024xf32, #tpu.memory_space<vmem>>, vector<1x16xf32>,
      %swap3A_926 = vector.shape_cast %swap3A_925 : vector<1x16xf32> to vector<16xf32>
      %swap3A_927 = vector.shape_cast %add3A_922 : vector<16xf32> to vector<1x16xf32>
      tpu.vector_store %arg8[%swap3A_923, %swap3A_924], %swap3A_927 {strides = array<i32>} : memref<16x1024xf32, #tpu.memory_space<vmem>>, vector<1x16xf32>,
      %get3A_928 = arith.index_cast %scan3A_116 : i32 to index
      %get3A_929 = arith.constant 928 : index
      %get3A_930 = tpu.vector_load %arg8[%get3A_928, %get3A_929] {strides = array<i32>} : memref<16x1024xf32, #tpu.memory_space<vmem>>, vector<1x16xf32>,
      %get3A_931 = vector.shape_cast %get3A_930 : vector<1x16xf32> to vector<16xf32>
      %get3A_932 = arith.index_cast %scan3A_116 : i32 to index
      %get3A_933 = arith.constant 928 : index
      %get3A_934 = tpu.vector_load %arg9[%get3A_932, %get3A_933] {strides = array<i32>} : memref<16x1024xf32, #tpu.memory_space<vmem>>, vector<1x16xf32>,
      %get3A_935 = vector.shape_cast %get3A_934 : vector<1x16xf32> to vector<16xf32>
      %add3A_936 = arith.addf %get3A_931, %get3A_935 : vector<16xf32>
      %swap3A_937 = arith.index_cast %scan3A_116 : i32 to index
      %swap3A_938 = arith.constant 928 : index
      %swap3A_939 = tpu.vector_load %arg8[%swap3A_937, %swap3A_938] {strides = array<i32>} : memref<16x1024xf32, #tpu.memory_space<vmem>>, vector<1x16xf32>,
      %swap3A_940 = vector.shape_cast %swap3A_939 : vector<1x16xf32> to vector<16xf32>
      %swap3A_941 = vector.shape_cast %add3A_936 : vector<16xf32> to vector<1x16xf32>
      tpu.vector_store %arg8[%swap3A_937, %swap3A_938], %swap3A_941 {strides = array<i32>} : memref<16x1024xf32, #tpu.memory_space<vmem>>, vector<1x16xf32>,
      %get3A_942 = arith.index_cast %scan3A_116 : i32 to index
      %get3A_943 = arith.constant 944 : index
      %get3A_944 = tpu.vector_load %arg8[%get3A_942, %get3A_943] {strides = array<i32>} : memref<16x1024xf32, #tpu.memory_space<vmem>>, vector<1x16xf32>,
      %get3A_945 = vector.shape_cast %get3A_944 : vector<1x16xf32> to vector<16xf32>
      %get3A_946 = arith.index_cast %scan3A_116 : i32 to index
      %get3A_947 = arith.constant 944 : index
      %get3A_948 = tpu.vector_load %arg9[%get3A_946, %get3A_947] {strides = array<i32>} : memref<16x1024xf32, #tpu.memory_space<vmem>>, vector<1x16xf32>,
      %get3A_949 = vector.shape_cast %get3A_948 : vector<1x16xf32> to vector<16xf32>
      %add3A_950 = arith.addf %get3A_945, %get3A_949 : vector<16xf32>
      %swap3A_951 = arith.index_cast %scan3A_116 : i32 to index
      %swap3A_952 = arith.constant 944 : index
      %swap3A_953 = tpu.vector_load %arg8[%swap3A_951, %swap3A_952] {strides = array<i32>} : memref<16x1024xf32, #tpu.memory_space<vmem>>, vector<1x16xf32>,
      %swap3A_954 = vector.shape_cast %swap3A_953 : vector<1x16xf32> to vector<16xf32>
      %swap3A_955 = vector.shape_cast %add3A_950 : vector<16xf32> to vector<1x16xf32>
      tpu.vector_store %arg8[%swap3A_951, %swap3A_952], %swap3A_955 {strides = array<i32>} : memref<16x1024xf32, #tpu.memory_space<vmem>>, vector<1x16xf32>,
      %get3A_956 = arith.index_cast %scan3A_116 : i32 to index
      %get3A_957 = arith.constant 960 : index
      %get3A_958 = tpu.vector_load %arg8[%get3A_956, %get3A_957] {strides = array<i32>} : memref<16x1024xf32, #tpu.memory_space<vmem>>, vector<1x16xf32>,
      %get3A_959 = vector.shape_cast %get3A_958 : vector<1x16xf32> to vector<16xf32>
      %get3A_960 = arith.index_cast %scan3A_116 : i32 to index
      %get3A_961 = arith.constant 960 : index
      %get3A_962 = tpu.vector_load %arg9[%get3A_960, %get3A_961] {strides = array<i32>} : memref<16x1024xf32, #tpu.memory_space<vmem>>, vector<1x16xf32>,
      %get3A_963 = vector.shape_cast %get3A_962 : vector<1x16xf32> to vector<16xf32>
      %add3A_964 = arith.addf %get3A_959, %get3A_963 : vector<16xf32>
      %swap3A_965 = arith.index_cast %scan3A_116 : i32 to index
      %swap3A_966 = arith.constant 960 : index
      %swap3A_967 = tpu.vector_load %arg8[%swap3A_965, %swap3A_966] {strides = array<i32>} : memref<16x1024xf32, #tpu.memory_space<vmem>>, vector<1x16xf32>,
      %swap3A_968 = vector.shape_cast %swap3A_967 : vector<1x16xf32> to vector<16xf32>
      %swap3A_969 = vector.shape_cast %add3A_964 : vector<16xf32> to vector<1x16xf32>
      tpu.vector_store %arg8[%swap3A_965, %swap3A_966], %swap3A_969 {strides = array<i32>} : memref<16x1024xf32, #tpu.memory_space<vmem>>, vector<1x16xf32>,
      %get3A_970 = arith.index_cast %scan3A_116 : i32 to index
      %get3A_971 = arith.constant 976 : index
      %get3A_972 = tpu.vector_load %arg8[%get3A_970, %get3A_971] {strides = array<i32>} : memref<16x1024xf32, #tpu.memory_space<vmem>>, vector<1x16xf32>,
      %get3A_973 = vector.shape_cast %get3A_972 : vector<1x16xf32> to vector<16xf32>
      %get3A_974 = arith.index_cast %scan3A_116 : i32 to index
      %get3A_975 = arith.constant 976 : index
      %get3A_976 = tpu.vector_load %arg9[%get3A_974, %get3A_975] {strides = array<i32>} : memref<16x1024xf32, #tpu.memory_space<vmem>>, vector<1x16xf32>,
      %get3A_977 = vector.shape_cast %get3A_976 : vector<1x16xf32> to vector<16xf32>
      %add3A_978 = arith.addf %get3A_973, %get3A_977 : vector<16xf32>
      %swap3A_979 = arith.index_cast %scan3A_116 : i32 to index
      %swap3A_980 = arith.constant 976 : index
      %swap3A_981 = tpu.vector_load %arg8[%swap3A_979, %swap3A_980] {strides = array<i32>} : memref<16x1024xf32, #tpu.memory_space<vmem>>, vector<1x16xf32>,
      %swap3A_982 = vector.shape_cast %swap3A_981 : vector<1x16xf32> to vector<16xf32>
      %swap3A_983 = vector.shape_cast %add3A_978 : vector<16xf32> to vector<1x16xf32>
      tpu.vector_store %arg8[%swap3A_979, %swap3A_980], %swap3A_983 {strides = array<i32>} : memref<16x1024xf32, #tpu.memory_space<vmem>>, vector<1x16xf32>,
      %get3A_984 = arith.index_cast %scan3A_116 : i32 to index
      %get3A_985 = arith.constant 992 : index
      %get3A_986 = tpu.vector_load %arg8[%get3A_984, %get3A_985] {strides = array<i32>} : memref<16x1024xf32, #tpu.memory_space<vmem>>, vector<1x16xf32>,
      %get3A_987 = vector.shape_cast %get3A_986 : vector<1x16xf32> to vector<16xf32>
      %get3A_988 = arith.index_cast %scan3A_116 : i32 to index
      %get3A_989 = arith.constant 992 : index
      %get3A_990 = tpu.vector_load %arg9[%get3A_988, %get3A_989] {strides = array<i32>} : memref<16x1024xf32, #tpu.memory_space<vmem>>, vector<1x16xf32>,
      %get3A_991 = vector.shape_cast %get3A_990 : vector<1x16xf32> to vector<16xf32>
      %add3A_992 = arith.addf %get3A_987, %get3A_991 : vector<16xf32>
      %swap3A_993 = arith.index_cast %scan3A_116 : i32 to index
      %swap3A_994 = arith.constant 992 : index
      %swap3A_995 = tpu.vector_load %arg8[%swap3A_993, %swap3A_994] {strides = array<i32>} : memref<16x1024xf32, #tpu.memory_space<vmem>>, vector<1x16xf32>,
      %swap3A_996 = vector.shape_cast %swap3A_995 : vector<1x16xf32> to vector<16xf32>
      %swap3A_997 = vector.shape_cast %add3A_992 : vector<16xf32> to vector<1x16xf32>
      tpu.vector_store %arg8[%swap3A_993, %swap3A_994], %swap3A_997 {strides = array<i32>} : memref<16x1024xf32, #tpu.memory_space<vmem>>, vector<1x16xf32>,
      %get3A_998 = arith.index_cast %scan3A_116 : i32 to index
      %get3A_999 = arith.constant 1008 : index
      %get3A_1000 = tpu.vector_load %arg8[%get3A_998, %get3A_999] {strides = array<i32>} : memref<16x1024xf32, #tpu.memory_space<vmem>>, vector<1x16xf32>,
      %get3A_1001 = vector.shape_cast %get3A_1000 : vector<1x16xf32> to vector<16xf32>
      %get3A_1002 = arith.index_cast %scan3A_116 : i32 to index
      %get3A_1003 = arith.constant 1008 : index
      %get3A_1004 = tpu.vector_load %arg9[%get3A_1002, %get3A_1003] {strides = array<i32>} : memref<16x1024xf32, #tpu.memory_space<vmem>>, vector<1x16xf32>,
      %get3A_1005 = vector.shape_cast %get3A_1004 : vector<1x16xf32> to vector<16xf32>
      %add3A_1006 = arith.addf %get3A_1001, %get3A_1005 : vector<16xf32>
      %swap3A_1007 = arith.index_cast %scan3A_116 : i32 to index
      %swap3A_1008 = arith.constant 1008 : index
      %swap3A_1009 = tpu.vector_load %arg8[%swap3A_1007, %swap3A_1008] {strides = array<i32>} : memref<16x1024xf32, #tpu.memory_space<vmem>>, vector<1x16xf32>,
      %swap3A_1010 = vector.shape_cast %swap3A_1009 : vector<1x16xf32> to vector<16xf32>
      %swap3A_1011 = vector.shape_cast %add3A_1006 : vector<16xf32> to vector<1x16xf32>
      tpu.vector_store %arg8[%swap3A_1007, %swap3A_1008], %swap3A_1011 {strides = array<i32>} : memref<16x1024xf32, #tpu.memory_space<vmem>>, vector<1x16xf32>,
      %scan3A_1012 = arith.constant 0 : i32
      scf.yield %scan3A_1012 : i32
    }
    %scan3A_113 = arith.constant 16 : i32
    %add3A_114 = arith.constant 48 : i32
    %add3A_115 = arith.addi %mul3A_2, %add3A_114 : i32
    "tpu.region"() ({
      %run_scoped3A = tpu.sem_alloc : memref<!tpu.dma_semaphore, #tpu.memory_space<semaphore_mem>>
      %dma_start3A_116 = arith.constant 0 : i32
      %dma_start3A_117 = tpu.memref_slice %arg5[%add3A_115, %dma_start3A_116] : memref<2048x1024xf32, #tpu.memory_space<hbm>> -> memref<16x1024xf32, #tpu.memory_space<hbm>>
      %dma_start3A_118 = arith.constant 0 : i32
      %dma_start3A_119 = tpu.memref_slice %arg5[%add3A_115, %dma_start3A_118] : memref<2048x1024xf32, #tpu.memory_space<hbm>> -> memref<16x1024xf32, #tpu.memory_space<hbm>>
      tpu.enqueue_dma source(%arg8 : memref<16x1024xf32, #tpu.memory_space<vmem>>) target(%dma_start3A_119 : memref<16x1024xf32, #tpu.memory_space<hbm>>) target_semaphore(%run_scoped3A : memref<!tpu.dma_semaphore, #tpu.memory_space<semaphore_mem>>)
      %dma_wait3A_120 = arith.constant 0 : i32
      %dma_wait3A_121 = tpu.memref_slice %arg5[%add3A_115, %dma_wait3A_120] : memref<2048x1024xf32, #tpu.memory_space<hbm>> -> memref<16x1024xf32, #tpu.memory_space<hbm>>
      %dma_wait3A_122 = arith.constant 0 : i32
      %dma_wait3A_123 = tpu.memref_slice %arg5[%add3A_115, %dma_wait3A_122] : memref<2048x1024xf32, #tpu.memory_space<hbm>> -> memref<16x1024xf32, #tpu.memory_space<hbm>>
      tpu.wait_dma2 semaphore(%run_scoped3A : memref<!tpu.dma_semaphore, #tpu.memory_space<semaphore_mem>>) src(%arg8 : memref<16x1024xf32, #tpu.memory_space<vmem>>) dst(%dma_wait3A_123 : memref<16x1024xf32, #tpu.memory_space<hbm>>)
      tpu.yield
    }) : () -> ()
    return
  }
}

#map = affine_map<(d0, d1) -> (0, 0)>
#map1 = affine_map<(d0, d1) -> (0)>
module attributes {stable_mosaic.version = 14 : i64} {
  func.func @dispatch(%arg0: i32, %arg1: i32, %arg2: memref<2048x1024xf32, #tpu.memory_space<hbm>>, %arg3: memref<2048xi32, #tpu.memory_space<hbm>>, %arg4: memref<2048xi32, #tpu.memory_space<hbm>>, %arg5: memref<2048x128xf32, #tpu.memory_space<hbm>>, %arg6: memref<2048x128xf32, #tpu.memory_space<hbm>>, %arg7: memref<8640x1024xf32, #tpu.memory_space<hbm>>, %arg8: memref<8640x128xf32, #tpu.memory_space<hbm>>, %arg9: memref<64x1024xf32, #tpu.memory_space<vmem>>, %arg10: memref<64xi32, #tpu.memory_space<vmem>>, %arg11: memref<64xi32, #tpu.memory_space<vmem>>, %arg12: memref<64x128xf32, #tpu.memory_space<vmem>>, %arg13: memref<64x128xf32, #tpu.memory_space<vmem>>, %arg14: memref<!tpu.dma_semaphore, #tpu.memory_space<semaphore_mem>>) attributes {dimension_semantics = [#tpu.dimension_semantics<core_parallel>, #tpu.dimension_semantics<subcore_parallel>], iteration_bounds = array<i64: 2, 16>, scalar_prefetch = 0 : i64, scratch_operands = 6 : i64, tpu.core_type = #tpu.core_type<sc_vector_subcore>, window_params = [{transform_indices = #map}, {transform_indices = #map1}, {transform_indices = #map1}, {transform_indices = #map}, {transform_indices = #map}, {transform_indices = #map}, {transform_indices = #map}]} {
    %mul3A = arith.constant 2 : i32
    %mul3A_0 = arith.muli %arg1, %mul3A : i32
    %add3A = arith.addi %mul3A_0, %arg0 : i32
    %mul3A_1 = arith.constant 64 : i32
    %mul3A_2 = arith.muli %add3A, %mul3A_1 : i32
    %dma_start3A = arith.constant 0 : i32
    %dma_start3A_3 = tpu.memref_slice %arg2[%mul3A_2, %dma_start3A] : memref<2048x1024xf32, #tpu.memory_space<hbm>> -> memref<64x1024xf32, #tpu.memory_space<hbm>>
    %dma_start3A_4 = arith.constant 0 : i32
    %dma_start3A_5 = tpu.memref_slice %arg2[%mul3A_2, %dma_start3A_4] : memref<2048x1024xf32, #tpu.memory_space<hbm>> -> memref<64x1024xf32, #tpu.memory_space<hbm>>
    tpu.enqueue_dma source(%dma_start3A_5 : memref<64x1024xf32, #tpu.memory_space<hbm>>) target(%arg9 : memref<64x1024xf32, #tpu.memory_space<vmem>>) target_semaphore(%arg14 : memref<!tpu.dma_semaphore, #tpu.memory_space<semaphore_mem>>)
    "tpu.region"() ({
      %run_scoped3A = tpu.sem_alloc : memref<!tpu.dma_semaphore, #tpu.memory_space<semaphore_mem>>
      %dma_start3A_33 = tpu.memref_slice %arg3[%mul3A_2] : memref<2048xi32, #tpu.memory_space<hbm>> -> memref<64xi32, #tpu.memory_space<hbm>>
      %dma_start3A_34 = tpu.memref_slice %arg3[%mul3A_2] : memref<2048xi32, #tpu.memory_space<hbm>> -> memref<64xi32, #tpu.memory_space<hbm>>
      tpu.enqueue_dma source(%dma_start3A_34 : memref<64xi32, #tpu.memory_space<hbm>>) target(%arg10 : memref<64xi32, #tpu.memory_space<vmem>>) target_semaphore(%run_scoped3A : memref<!tpu.dma_semaphore, #tpu.memory_space<semaphore_mem>>)
      %dma_wait3A_35 = tpu.memref_slice %arg3[%mul3A_2] : memref<2048xi32, #tpu.memory_space<hbm>> -> memref<64xi32, #tpu.memory_space<hbm>>
      %dma_wait3A_36 = tpu.memref_slice %arg3[%mul3A_2] : memref<2048xi32, #tpu.memory_space<hbm>> -> memref<64xi32, #tpu.memory_space<hbm>>
      tpu.wait_dma2 semaphore(%run_scoped3A : memref<!tpu.dma_semaphore, #tpu.memory_space<semaphore_mem>>) src(%dma_wait3A_36 : memref<64xi32, #tpu.memory_space<hbm>>) dst(%arg10 : memref<64xi32, #tpu.memory_space<vmem>>)
      tpu.yield
    }) : () -> ()
    "tpu.region"() ({
      %run_scoped3A = tpu.sem_alloc : memref<!tpu.dma_semaphore, #tpu.memory_space<semaphore_mem>>
      %dma_start3A_33 = tpu.memref_slice %arg4[%mul3A_2] : memref<2048xi32, #tpu.memory_space<hbm>> -> memref<64xi32, #tpu.memory_space<hbm>>
      %dma_start3A_34 = tpu.memref_slice %arg4[%mul3A_2] : memref<2048xi32, #tpu.memory_space<hbm>> -> memref<64xi32, #tpu.memory_space<hbm>>
      tpu.enqueue_dma source(%dma_start3A_34 : memref<64xi32, #tpu.memory_space<hbm>>) target(%arg11 : memref<64xi32, #tpu.memory_space<vmem>>) target_semaphore(%run_scoped3A : memref<!tpu.dma_semaphore, #tpu.memory_space<semaphore_mem>>)
      %dma_wait3A_35 = tpu.memref_slice %arg4[%mul3A_2] : memref<2048xi32, #tpu.memory_space<hbm>> -> memref<64xi32, #tpu.memory_space<hbm>>
      %dma_wait3A_36 = tpu.memref_slice %arg4[%mul3A_2] : memref<2048xi32, #tpu.memory_space<hbm>> -> memref<64xi32, #tpu.memory_space<hbm>>
      tpu.wait_dma2 semaphore(%run_scoped3A : memref<!tpu.dma_semaphore, #tpu.memory_space<semaphore_mem>>) src(%dma_wait3A_36 : memref<64xi32, #tpu.memory_space<hbm>>) dst(%arg11 : memref<64xi32, #tpu.memory_space<vmem>>)
      tpu.yield
    }) : () -> ()
    "tpu.region"() ({
      %run_scoped3A = tpu.sem_alloc : memref<!tpu.dma_semaphore, #tpu.memory_space<semaphore_mem>>
      %dma_start3A_33 = arith.constant 0 : i32
      %dma_start3A_34 = tpu.memref_slice %arg5[%mul3A_2, %dma_start3A_33] : memref<2048x128xf32, #tpu.memory_space<hbm>> -> memref<64x128xf32, #tpu.memory_space<hbm>>
      %dma_start3A_35 = arith.constant 0 : i32
      %dma_start3A_36 = tpu.memref_slice %arg5[%mul3A_2, %dma_start3A_35] : memref<2048x128xf32, #tpu.memory_space<hbm>> -> memref<64x128xf32, #tpu.memory_space<hbm>>
      tpu.enqueue_dma source(%dma_start3A_36 : memref<64x128xf32, #tpu.memory_space<hbm>>) target(%arg12 : memref<64x128xf32, #tpu.memory_space<vmem>>) target_semaphore(%run_scoped3A : memref<!tpu.dma_semaphore, #tpu.memory_space<semaphore_mem>>)
      %dma_wait3A_37 = arith.constant 0 : i32
      %dma_wait3A_38 = tpu.memref_slice %arg5[%mul3A_2, %dma_wait3A_37] : memref<2048x128xf32, #tpu.memory_space<hbm>> -> memref<64x128xf32, #tpu.memory_space<hbm>>
      %dma_wait3A_39 = arith.constant 0 : i32
      %dma_wait3A_40 = tpu.memref_slice %arg5[%mul3A_2, %dma_wait3A_39] : memref<2048x128xf32, #tpu.memory_space<hbm>> -> memref<64x128xf32, #tpu.memory_space<hbm>>
      tpu.wait_dma2 semaphore(%run_scoped3A : memref<!tpu.dma_semaphore, #tpu.memory_space<semaphore_mem>>) src(%dma_wait3A_40 : memref<64x128xf32, #tpu.memory_space<hbm>>) dst(%arg12 : memref<64x128xf32, #tpu.memory_space<vmem>>)
      tpu.yield
    }) : () -> ()
    "tpu.region"() ({
      %run_scoped3A = tpu.sem_alloc : memref<!tpu.dma_semaphore, #tpu.memory_space<semaphore_mem>>
      %dma_start3A_33 = arith.constant 0 : i32
      %dma_start3A_34 = tpu.memref_slice %arg6[%mul3A_2, %dma_start3A_33] : memref<2048x128xf32, #tpu.memory_space<hbm>> -> memref<64x128xf32, #tpu.memory_space<hbm>>
      %dma_start3A_35 = arith.constant 0 : i32
      %dma_start3A_36 = tpu.memref_slice %arg6[%mul3A_2, %dma_start3A_35] : memref<2048x128xf32, #tpu.memory_space<hbm>> -> memref<64x128xf32, #tpu.memory_space<hbm>>
      tpu.enqueue_dma source(%dma_start3A_36 : memref<64x128xf32, #tpu.memory_space<hbm>>) target(%arg13 : memref<64x128xf32, #tpu.memory_space<vmem>>) target_semaphore(%run_scoped3A : memref<!tpu.dma_semaphore, #tpu.memory_space<semaphore_mem>>)
      %dma_wait3A_37 = arith.constant 0 : i32
      %dma_wait3A_38 = tpu.memref_slice %arg6[%mul3A_2, %dma_wait3A_37] : memref<2048x128xf32, #tpu.memory_space<hbm>> -> memref<64x128xf32, #tpu.memory_space<hbm>>
      %dma_wait3A_39 = arith.constant 0 : i32
      %dma_wait3A_40 = tpu.memref_slice %arg6[%mul3A_2, %dma_wait3A_39] : memref<2048x128xf32, #tpu.memory_space<hbm>> -> memref<64x128xf32, #tpu.memory_space<hbm>>
      tpu.wait_dma2 semaphore(%run_scoped3A : memref<!tpu.dma_semaphore, #tpu.memory_space<semaphore_mem>>) src(%dma_wait3A_40 : memref<64x128xf32, #tpu.memory_space<hbm>>) dst(%arg13 : memref<64x128xf32, #tpu.memory_space<vmem>>)
      tpu.yield
    }) : () -> ()
    %dma_wait3A = arith.constant 0 : i32
    %dma_wait3A_6 = tpu.memref_slice %arg2[%mul3A_2, %dma_wait3A] : memref<2048x1024xf32, #tpu.memory_space<hbm>> -> memref<64x1024xf32, #tpu.memory_space<hbm>>
    %dma_wait3A_7 = arith.constant 0 : i32
    %dma_wait3A_8 = tpu.memref_slice %arg2[%mul3A_2, %dma_wait3A_7] : memref<2048x1024xf32, #tpu.memory_space<hbm>> -> memref<64x1024xf32, #tpu.memory_space<hbm>>
    tpu.wait_dma2 semaphore(%arg14 : memref<!tpu.dma_semaphore, #tpu.memory_space<semaphore_mem>>) src(%dma_wait3A_8 : memref<64x1024xf32, #tpu.memory_space<hbm>>) dst(%arg9 : memref<64x1024xf32, #tpu.memory_space<vmem>>)
    %dma_start3A_9 = arith.constant 0 : i32
    %dma_start3A_10 = arith.constant 0 : i32
    %dma_start3A_11 = tpu.memref_slice %arg7[%dma_start3A_9, %dma_start3A_10] : memref<8640x1024xf32, #tpu.memory_space<hbm>> -> memref<8640x1024xf32, #tpu.memory_space<hbm>>
    tpu.enqueue_indirect_dma source(%arg9 : memref<64x1024xf32, #tpu.memory_space<vmem>>) target(%dma_start3A_11 : memref<8640x1024xf32, #tpu.memory_space<hbm>>) offsets(%arg10 : memref<64xi32, #tpu.memory_space<vmem>>) semaphore(%arg14 : memref<!tpu.dma_semaphore, #tpu.memory_space<semaphore_mem>>)
    %dma_start3A_12 = arith.constant 0 : i32
    %dma_start3A_13 = arith.constant 0 : i32
    %dma_start3A_14 = tpu.memref_slice %arg7[%dma_start3A_12, %dma_start3A_13] : memref<8640x1024xf32, #tpu.memory_space<hbm>> -> memref<8640x1024xf32, #tpu.memory_space<hbm>>
    tpu.enqueue_indirect_dma source(%arg9 : memref<64x1024xf32, #tpu.memory_space<vmem>>) target(%dma_start3A_14 : memref<8640x1024xf32, #tpu.memory_space<hbm>>) offsets(%arg11 : memref<64xi32, #tpu.memory_space<vmem>>) semaphore(%arg14 : memref<!tpu.dma_semaphore, #tpu.memory_space<semaphore_mem>>)
    %dma_start3A_15 = arith.constant 0 : i32
    %dma_start3A_16 = arith.constant 0 : i32
    %dma_start3A_17 = tpu.memref_slice %arg8[%dma_start3A_15, %dma_start3A_16] : memref<8640x128xf32, #tpu.memory_space<hbm>> -> memref<8640x128xf32, #tpu.memory_space<hbm>>
    tpu.enqueue_indirect_dma source(%arg12 : memref<64x128xf32, #tpu.memory_space<vmem>>) target(%dma_start3A_17 : memref<8640x128xf32, #tpu.memory_space<hbm>>) offsets(%arg10 : memref<64xi32, #tpu.memory_space<vmem>>) semaphore(%arg14 : memref<!tpu.dma_semaphore, #tpu.memory_space<semaphore_mem>>)
    %dma_start3A_18 = arith.constant 0 : i32
    %dma_start3A_19 = arith.constant 0 : i32
    %dma_start3A_20 = tpu.memref_slice %arg8[%dma_start3A_18, %dma_start3A_19] : memref<8640x128xf32, #tpu.memory_space<hbm>> -> memref<8640x128xf32, #tpu.memory_space<hbm>>
    tpu.enqueue_indirect_dma source(%arg13 : memref<64x128xf32, #tpu.memory_space<vmem>>) target(%dma_start3A_20 : memref<8640x128xf32, #tpu.memory_space<hbm>>) offsets(%arg11 : memref<64xi32, #tpu.memory_space<vmem>>) semaphore(%arg14 : memref<!tpu.dma_semaphore, #tpu.memory_space<semaphore_mem>>)
    %dma_wait3A_21 = arith.constant 0 : i32
    %dma_wait3A_22 = arith.constant 0 : i32
    %dma_wait3A_23 = tpu.memref_slice %arg7[%dma_wait3A_21, %dma_wait3A_22] : memref<8640x1024xf32, #tpu.memory_space<hbm>> -> memref<8640x1024xf32, #tpu.memory_space<hbm>>
    tpu.wait_indirect_dma semaphore(%arg14 : memref<!tpu.dma_semaphore, #tpu.memory_space<semaphore_mem>>) src(%arg9 : memref<64x1024xf32, #tpu.memory_space<vmem>>) dst(%dma_wait3A_23 : memref<8640x1024xf32, #tpu.memory_space<hbm>>)
    %dma_wait3A_24 = arith.constant 0 : i32
    %dma_wait3A_25 = arith.constant 0 : i32
    %dma_wait3A_26 = tpu.memref_slice %arg7[%dma_wait3A_24, %dma_wait3A_25] : memref<8640x1024xf32, #tpu.memory_space<hbm>> -> memref<8640x1024xf32, #tpu.memory_space<hbm>>
    tpu.wait_indirect_dma semaphore(%arg14 : memref<!tpu.dma_semaphore, #tpu.memory_space<semaphore_mem>>) src(%arg9 : memref<64x1024xf32, #tpu.memory_space<vmem>>) dst(%dma_wait3A_26 : memref<8640x1024xf32, #tpu.memory_space<hbm>>)
    %dma_wait3A_27 = arith.constant 0 : i32
    %dma_wait3A_28 = arith.constant 0 : i32
    %dma_wait3A_29 = tpu.memref_slice %arg8[%dma_wait3A_27, %dma_wait3A_28] : memref<8640x128xf32, #tpu.memory_space<hbm>> -> memref<8640x128xf32, #tpu.memory_space<hbm>>
    tpu.wait_indirect_dma semaphore(%arg14 : memref<!tpu.dma_semaphore, #tpu.memory_space<semaphore_mem>>) src(%arg12 : memref<64x128xf32, #tpu.memory_space<vmem>>) dst(%dma_wait3A_29 : memref<8640x128xf32, #tpu.memory_space<hbm>>)
    %dma_wait3A_30 = arith.constant 0 : i32
    %dma_wait3A_31 = arith.constant 0 : i32
    %dma_wait3A_32 = tpu.memref_slice %arg8[%dma_wait3A_30, %dma_wait3A_31] : memref<8640x128xf32, #tpu.memory_space<hbm>> -> memref<8640x128xf32, #tpu.memory_space<hbm>>
    tpu.wait_indirect_dma semaphore(%arg14 : memref<!tpu.dma_semaphore, #tpu.memory_space<semaphore_mem>>) src(%arg13 : memref<64x128xf32, #tpu.memory_space<vmem>>) dst(%dma_wait3A_32 : memref<8640x128xf32, #tpu.memory_space<hbm>>)
    return
  }
}

module attributes {stable_mosaic.version = 14 : i64} {
  func.func @_ffn_body(%arg0: i32, %arg1: memref<15xi32, #tpu.memory_space<smem>>, %arg2: memref<1xi32, #tpu.memory_space<smem>>, %arg3: memref<576x1024xf32, #tpu.memory_space<vmem>>, %arg4: memref<1x1536x1024xf32, #tpu.memory_space<vmem>>, %arg5: memref<1x1024x768xf32, #tpu.memory_space<vmem>>, %arg6: memref<576x128xf32, #tpu.memory_space<vmem>>, %arg7: memref<576x1024xf32, #tpu.memory_space<vmem>>) attributes {dimension_semantics = [#tpu.dimension_semantics<arbitrary>], iteration_bounds = array<i64: 15>, scalar_prefetch = 2 : i64, scratch_operands = 0 : i64, tpu.core_type = #tpu.core_type<tc>, window_params = [{transform_indices = @transform_0, window_bounds = array<i64: 576, 1024>}, {transform_indices = @transform_1, window_bounds = array<i64: 1, 1536, 1024>}, {transform_indices = @transform_2, window_bounds = array<i64: 1, 1024, 768>}, {transform_indices = @transform_3, window_bounds = array<i64: 576, 128>}, {transform_indices = @transform_4, window_bounds = array<i64: 576, 1024>}]} {
    %get3A = arith.constant 0 : index
    %get3A_0 = memref.load %arg2[%get3A] : memref<1xi32, #tpu.memory_space<smem>>
    %lt3A = arith.cmpi slt, %arg0, %get3A_0 : i32
    %convert_element_type3A = arith.extui %lt3A : i1 to i32
    %cond3A = arith.constant 0 : i32
    %cond3A_1 = arith.cmpi ne, %convert_element_type3A, %cond3A : i32
    scf.if %cond3A_1 {
      %get3A_2 = arith.constant 0 : index
      %get3A_3 = arith.constant 0 : index
      %get3A_4 = vector.load %arg3[%get3A_2, %get3A_3] : memref<576x1024xf32, #tpu.memory_space<vmem>>, vector<576x1024xf32>
      %get3A_5 = arith.constant 0 : index
      %get3A_6 = arith.constant 0 : index
      %get3A_7 = arith.constant 0 : index
      %get3A_8 = vector.load %arg4[%get3A_5, %get3A_6, %get3A_7] : memref<1x1536x1024xf32, #tpu.memory_space<vmem>>, vector<1x1536x1024xf32>
      %get3A_9 = vector.shape_cast %get3A_8 : vector<1x1536x1024xf32> to vector<1536x1024xf32>
      %dot_general3A = arith.constant dense<0.000000e+00> : vector<576x1536xf32>
      %dot_general3A_10 = tpu.matmul %get3A_4, %get3A_9, %dot_general3A {dimension_numbers = #tpu.dot_dimension_numbers<[1], [1], [0], [0], [0, 0, 1, 0], [], []>, transpose_lhs_hint = false} : vector<576x1024xf32>, vector<1536x1024xf32>, vector<576x1536xf32> -> vector<576x1536xf32>
      %slice3A = vector.extract_strided_slice %dot_general3A_10 {offsets = [0, 0], sizes = [576, 768], strides = [1, 1]} : vector<576x1536xf32> to vector<576x768xf32>
      %slice3A_11 = vector.extract_strided_slice %dot_general3A_10 {offsets = [0, 768], sizes = [576, 768], strides = [1, 1]} : vector<576x1536xf32> to vector<576x768xf32>
      %get3A_12 = arith.constant 0 : index
      %get3A_13 = arith.constant 0 : index
      %get3A_14 = vector.load %arg6[%get3A_12, %get3A_13] : memref<576x128xf32, #tpu.memory_space<vmem>>, vector<576x1xf32>
      %mul3A = vector.broadcast %get3A_14 : vector<576x1xf32> to vector<576x768xf32>
      %mul3A_15 = arith.mulf %slice3A_11, %mul3A : vector<576x768xf32>
      %logistic3A = arith.negf %slice3A : vector<576x768xf32>
      %logistic3A_16 = math.exp %logistic3A : vector<576x768xf32>
      %logistic3A_17 = arith.constant 1.000000e+00 : f32
      %logistic3A_18 = vector.broadcast %logistic3A_17 : f32 to vector<576x768xf32>
      %logistic3A_19 = arith.addf %logistic3A_18, %logistic3A_16 : vector<576x768xf32>
      %logistic3A_20 = arith.divf %logistic3A_18, %logistic3A_19 : vector<576x768xf32>
      %mul3A_21 = arith.mulf %slice3A, %logistic3A_20 : vector<576x768xf32>
      %mul3A_22 = arith.mulf %mul3A_21, %mul3A_15 : vector<576x768xf32>
      %get3A_23 = arith.constant 0 : index
      %get3A_24 = arith.constant 0 : index
      %get3A_25 = arith.constant 0 : index
      %get3A_26 = vector.load %arg5[%get3A_23, %get3A_24, %get3A_25] : memref<1x1024x768xf32, #tpu.memory_space<vmem>>, vector<1x1024x768xf32>
      %get3A_27 = vector.shape_cast %get3A_26 : vector<1x1024x768xf32> to vector<1024x768xf32>
      %dot_general3A_28 = arith.constant dense<0.000000e+00> : vector<576x1024xf32>
      %dot_general3A_29 = tpu.matmul %mul3A_22, %get3A_27, %dot_general3A_28 {dimension_numbers = #tpu.dot_dimension_numbers<[1], [1], [0], [0], [0, 0, 1, 0], [], []>, transpose_lhs_hint = false} : vector<576x768xf32>, vector<1024x768xf32>, vector<576x1024xf32> -> vector<576x1024xf32>
      %swap3A = arith.constant 0 : index
      %swap3A_30 = arith.constant 0 : index
      %swap3A_31 = vector.load %arg7[%swap3A, %swap3A_30] : memref<576x1024xf32, #tpu.memory_space<vmem>>, vector<576x1024xf32>
      tpu.vector_store %arg7[%swap3A, %swap3A_30], %dot_general3A_29 {strides = array<i32>} : memref<576x1024xf32, #tpu.memory_space<vmem>>, vector<576x1024xf32>,
    } else {
    }
    return
  }
  func.func @transform_0(%arg0: i32, %arg1: memref<15xi32, #tpu.memory_space<smem>>, %arg2: memref<1xi32, #tpu.memory_space<smem>>) -> (i32, i32) {
    %get3A = arith.constant 0 : index
    %get3A_0 = memref.load %arg2[%get3A] : memref<1xi32, #tpu.memory_space<smem>>
    %sub3A = arith.constant 1 : i32
    %sub3A_1 = arith.subi %get3A_0, %sub3A : i32
    %min3A = arith.minsi %arg0, %sub3A_1 : i32
    %c0_i32 = arith.constant 0 : i32
    %c0_i32_2 = arith.constant 0 : i32
    return %min3A, %c0_i32 : i32, i32
  }
  func.func @transform_1(%arg0: i32, %arg1: memref<15xi32, #tpu.memory_space<smem>>, %arg2: memref<1xi32, #tpu.memory_space<smem>>) -> (i32, i32, i32) {
    %get3A = arith.constant 0 : index
    %get3A_0 = memref.load %arg2[%get3A] : memref<1xi32, #tpu.memory_space<smem>>
    %sub3A = arith.constant 1 : i32
    %sub3A_1 = arith.subi %get3A_0, %sub3A : i32
    %min3A = arith.minsi %arg0, %sub3A_1 : i32
    %get3A_2 = arith.index_cast %min3A : i32 to index
    %get3A_3 = memref.load %arg1[%get3A_2] : memref<15xi32, #tpu.memory_space<smem>>
    %c0_i32 = arith.constant 0 : i32
    %c0_i32_4 = arith.constant 0 : i32
    %c0_i32_5 = arith.constant 0 : i32
    return %get3A_3, %c0_i32, %c0_i32_4 : i32, i32, i32
  }
  func.func @transform_2(%arg0: i32, %arg1: memref<15xi32, #tpu.memory_space<smem>>, %arg2: memref<1xi32, #tpu.memory_space<smem>>) -> (i32, i32, i32) {
    %get3A = arith.constant 0 : index
    %get3A_0 = memref.load %arg2[%get3A] : memref<1xi32, #tpu.memory_space<smem>>
    %sub3A = arith.constant 1 : i32
    %sub3A_1 = arith.subi %get3A_0, %sub3A : i32
    %min3A = arith.minsi %arg0, %sub3A_1 : i32
    %get3A_2 = arith.index_cast %min3A : i32 to index
    %get3A_3 = memref.load %arg1[%get3A_2] : memref<15xi32, #tpu.memory_space<smem>>
    %c0_i32 = arith.constant 0 : i32
    %c0_i32_4 = arith.constant 0 : i32
    %c0_i32_5 = arith.constant 0 : i32
    return %get3A_3, %c0_i32, %c0_i32_4 : i32, i32, i32
  }
  func.func @transform_3(%arg0: i32, %arg1: memref<15xi32, #tpu.memory_space<smem>>, %arg2: memref<1xi32, #tpu.memory_space<smem>>) -> (i32, i32) {
    %get3A = arith.constant 0 : index
    %get3A_0 = memref.load %arg2[%get3A] : memref<1xi32, #tpu.memory_space<smem>>
    %sub3A = arith.constant 1 : i32
    %sub3A_1 = arith.subi %get3A_0, %sub3A : i32
    %min3A = arith.minsi %arg0, %sub3A_1 : i32
    %c0_i32 = arith.constant 0 : i32
    %c0_i32_2 = arith.constant 0 : i32
    return %min3A, %c0_i32 : i32, i32
  }
  func.func @transform_4(%arg0: i32, %arg1: memref<15xi32, #tpu.memory_space<smem>>, %arg2: memref<1xi32, #tpu.memory_space<smem>>) -> (i32, i32) {
    %get3A = arith.constant 0 : index
    %get3A_0 = memref.load %arg2[%get3A] : memref<1xi32, #tpu.memory_space<smem>>
    %sub3A = arith.constant 1 : i32
    %sub3A_1 = arith.subi %get3A_0, %sub3A : i32
    %min3A = arith.minsi %arg0, %sub3A_1 : i32
    %c0_i32 = arith.constant 0 : i32
    %c0_i32_2 = arith.constant 0 : i32
    return %min3A, %c0_i32 : i32, i32
  }
}

module attributes {stable_mosaic.version = 14 : i64} {
  func.func @_router_body(%arg0: memref<2048x1024xf32, #tpu.memory_space<vmem>>, %arg1: memref<8x1024xf32, #tpu.memory_space<vmem>>, %arg2: memref<2048x8xf32, #tpu.memory_space<vmem>>, %arg3: memref<16x128xi32, #tpu.memory_space<vmem>>, %arg4: memref<16x128xi32, #tpu.memory_space<vmem>>, %arg5: memref<2048x128xf32, #tpu.memory_space<vmem>>, %arg6: memref<2048x128xf32, #tpu.memory_space<vmem>>, %arg7: memref<1x15xi32, #tpu.memory_space<vmem>>, %arg8: memref<1x1xi32, #tpu.memory_space<vmem>>) attributes {dimension_semantics = [], scalar_prefetch = 0 : i64, scratch_operands = 0 : i64, tpu.core_type = #tpu.core_type<tc>} {
    %get3A = arith.constant 0 : index
    %get3A_0 = arith.constant 0 : index
    %get3A_1 = vector.load %arg0[%get3A, %get3A_0] : memref<2048x1024xf32, #tpu.memory_space<vmem>>, vector<2048x1024xf32>
    %get3A_2 = arith.constant 0 : index
    %get3A_3 = arith.constant 0 : index
    %get3A_4 = vector.load %arg1[%get3A_2, %get3A_3] : memref<8x1024xf32, #tpu.memory_space<vmem>>, vector<8x1024xf32>
    %dot_general3A = arith.constant dense<0.000000e+00> : vector<2048x8xf32>
    %dot_general3A_5 = tpu.matmul %get3A_1, %get3A_4, %dot_general3A {dimension_numbers = #tpu.dot_dimension_numbers<[1], [1], [0], [0], [0, 0, 1, 0], [], []>, transpose_lhs_hint = false} : vector<2048x1024xf32>, vector<8x1024xf32>, vector<2048x8xf32> -> vector<2048x8xf32>
    %swap3A = arith.constant 0 : index
    %swap3A_6 = arith.constant 0 : index
    %swap3A_7 = vector.load %arg2[%swap3A, %swap3A_6] : memref<2048x8xf32, #tpu.memory_space<vmem>>, vector<2048x8xf32>
    tpu.vector_store %arg2[%swap3A, %swap3A_6], %dot_general3A_5 {strides = array<i32>} : memref<2048x8xf32, #tpu.memory_space<vmem>>, vector<2048x8xf32>,
    %iota3A = tpu.iota {dimensions = array<i32: 1>} : vector<2048x8xi32>
    %reduce_max3A = arith.constant dense<0xFF800000> : vector<2048xf32>
    %reduce_max3A_8 = vector.multi_reduction <maximumf>, %dot_general3A_5, %reduce_max3A [1] : vector<2048x8xf32> to vector<2048xf32>
    %broadcast_in_dim3A = vector.shape_cast %reduce_max3A_8 : vector<2048xf32> to vector<2048x1xf32>
    %eq3A = vector.broadcast %broadcast_in_dim3A : vector<2048x1xf32> to vector<2048x8xf32>
    %eq3A_9 = arith.cmpf oeq, %dot_general3A_5, %eq3A : vector<2048x8xf32>
    %jit3A = arith.constant 8 : i32
    %broadcast_in_dim3A_10 = vector.broadcast %jit3A : i32 to vector<2048x8xi32>
    %select_n3A = arith.select %eq3A_9, %iota3A, %broadcast_in_dim3A_10 : vector<2048x8xi1>, vector<2048x8xi32>
    %reduce_min3A = arith.constant dense<2147483647> : vector<2048xi32>
    %reduce_min3A_11 = vector.multi_reduction <minsi>, %select_n3A, %reduce_min3A [1] : vector<2048x8xi32> to vector<2048xi32>
    %broadcast_in_dim3A_12 = vector.shape_cast %reduce_min3A_11 : vector<2048xi32> to vector<2048x1xi32>
    %eq3A_13 = vector.broadcast %broadcast_in_dim3A_12 : vector<2048x1xi32> to vector<2048x8xi32>
    %eq3A_14 = arith.cmpi eq, %iota3A, %eq3A_13 : vector<2048x8xi32>
    %jit3A_15 = arith.constant 0xFF800000 : f32
    %broadcast_in_dim3A_16 = vector.broadcast %jit3A_15 : f32 to vector<2048x8xf32>
    %select_n3A_17 = arith.select %eq3A_14, %broadcast_in_dim3A_16, %dot_general3A_5 : vector<2048x8xi1>, vector<2048x8xf32>
    %reduce_max3A_18 = arith.constant dense<0xFF800000> : vector<2048xf32>
    %reduce_max3A_19 = vector.multi_reduction <maximumf>, %select_n3A_17, %reduce_max3A_18 [1] : vector<2048x8xf32> to vector<2048xf32>
    %broadcast_in_dim3A_20 = vector.shape_cast %reduce_max3A_19 : vector<2048xf32> to vector<2048x1xf32>
    %eq3A_21 = vector.broadcast %broadcast_in_dim3A_20 : vector<2048x1xf32> to vector<2048x8xf32>
    %eq3A_22 = arith.cmpf oeq, %select_n3A_17, %eq3A_21 : vector<2048x8xf32>
    %jit3A_23 = arith.constant 8 : i32
    %broadcast_in_dim3A_24 = vector.broadcast %jit3A_23 : i32 to vector<2048x8xi32>
    %select_n3A_25 = arith.select %eq3A_22, %iota3A, %broadcast_in_dim3A_24 : vector<2048x8xi1>, vector<2048x8xi32>
    %reduce_min3A_26 = arith.constant dense<2147483647> : vector<2048xi32>
    %reduce_min3A_27 = vector.multi_reduction <minsi>, %select_n3A_25, %reduce_min3A_26 [1] : vector<2048x8xi32> to vector<2048xi32>
    %broadcast_in_dim3A_28 = vector.shape_cast %reduce_min3A_27 : vector<2048xi32> to vector<2048x1xi32>
    %eq3A_29 = vector.broadcast %broadcast_in_dim3A_28 : vector<2048x1xi32> to vector<2048x8xi32>
    %eq3A_30 = arith.cmpi eq, %iota3A, %eq3A_29 : vector<2048x8xi32>
    %sub3A = arith.subf %broadcast_in_dim3A_20, %broadcast_in_dim3A : vector<2048x1xf32>
    %exp3A = math.exp %sub3A : vector<2048x1xf32>
    %add3A = arith.constant 1.000000e+00 : f32
    %add3A_31 = vector.broadcast %add3A : f32 to vector<2048x1xf32>
    %add3A_32 = arith.addf %add3A_31, %exp3A : vector<2048x1xf32>
    %div3A = arith.constant 1.000000e+00 : f32
    %div3A_33 = vector.broadcast %div3A : f32 to vector<2048x1xf32>
    %div3A_34 = arith.divf %div3A_33, %add3A_32 : vector<2048x1xf32>
    %div3A_35 = arith.divf %exp3A, %add3A_32 : vector<2048x1xf32>
    %broadcast_in_dim3A_36 = vector.shape_cast %div3A_34 : vector<2048x1xf32> to vector<2048x1xf32>
    %broadcast_in_dim3A_37 = vector.broadcast %broadcast_in_dim3A_36 : vector<2048x1xf32> to vector<2048x128xf32>
    %swap3A_38 = arith.constant 0 : index
    %swap3A_39 = arith.constant 0 : index
    %swap3A_40 = vector.load %arg5[%swap3A_38, %swap3A_39] : memref<2048x128xf32, #tpu.memory_space<vmem>>, vector<2048x128xf32>
    tpu.vector_store %arg5[%swap3A_38, %swap3A_39], %broadcast_in_dim3A_37 {strides = array<i32>} : memref<2048x128xf32, #tpu.memory_space<vmem>>, vector<2048x128xf32>,
    %broadcast_in_dim3A_41 = vector.shape_cast %div3A_35 : vector<2048x1xf32> to vector<2048x1xf32>
    %broadcast_in_dim3A_42 = vector.broadcast %broadcast_in_dim3A_41 : vector<2048x1xf32> to vector<2048x128xf32>
    %swap3A_43 = arith.constant 0 : index
    %swap3A_44 = arith.constant 0 : index
    %swap3A_45 = vector.load %arg6[%swap3A_43, %swap3A_44] : memref<2048x128xf32, #tpu.memory_space<vmem>>, vector<2048x128xf32>
    tpu.vector_store %arg6[%swap3A_43, %swap3A_44], %broadcast_in_dim3A_42 {strides = array<i32>} : memref<2048x128xf32, #tpu.memory_space<vmem>>, vector<2048x128xf32>,
    %convert_element_type3A = arith.extui %eq3A_14 : vector<2048x8xi1> to vector<2048x8xi32>
    %convert_element_type3A_46 = arith.extui %eq3A_30 : vector<2048x8xi1> to vector<2048x8xi32>
    %add3A_47 = arith.addi %convert_element_type3A, %convert_element_type3A_46 : vector<2048x8xi32>
    %broadcast_in_dim3A_48 = arith.constant 0 : i32
    %broadcast_in_dim3A_49 = vector.broadcast %broadcast_in_dim3A_48 : i32 to vector<1x8xi32>
    %slice3A = vector.extract_strided_slice %add3A_47 {offsets = [0, 0], sizes = [2047, 8], strides = [1, 1]} : vector<2048x8xi32> to vector<2047x8xi32>
    %concatenate3A = tpu.concatenate %broadcast_in_dim3A_49, %slice3A in 0 : vector<1x8xi32>, vector<2047x8xi32> -> vector<2048x8xi32>
    %add3A_50 = arith.addi %add3A_47, %concatenate3A : vector<2048x8xi32>
    %broadcast_in_dim3A_51 = arith.constant 0 : i32
    %broadcast_in_dim3A_52 = vector.broadcast %broadcast_in_dim3A_51 : i32 to vector<2x8xi32>
    %slice3A_53 = vector.extract_strided_slice %add3A_50 {offsets = [0, 0], sizes = [2046, 8], strides = [1, 1]} : vector<2048x8xi32> to vector<2046x8xi32>
    %concatenate3A_54 = tpu.concatenate %broadcast_in_dim3A_52, %slice3A_53 in 0 : vector<2x8xi32>, vector<2046x8xi32> -> vector<2048x8xi32>
    %add3A_55 = arith.addi %add3A_50, %concatenate3A_54 : vector<2048x8xi32>
    %broadcast_in_dim3A_56 = arith.constant 0 : i32
    %broadcast_in_dim3A_57 = vector.broadcast %broadcast_in_dim3A_56 : i32 to vector<4x8xi32>
    %slice3A_58 = vector.extract_strided_slice %add3A_55 {offsets = [0, 0], sizes = [2044, 8], strides = [1, 1]} : vector<2048x8xi32> to vector<2044x8xi32>
    %concatenate3A_59 = tpu.concatenate %broadcast_in_dim3A_57, %slice3A_58 in 0 : vector<4x8xi32>, vector<2044x8xi32> -> vector<2048x8xi32>
    %add3A_60 = arith.addi %add3A_55, %concatenate3A_59 : vector<2048x8xi32>
    %broadcast_in_dim3A_61 = arith.constant 0 : i32
    %broadcast_in_dim3A_62 = vector.broadcast %broadcast_in_dim3A_61 : i32 to vector<8x8xi32>
    %slice3A_63 = vector.extract_strided_slice %add3A_60 {offsets = [0, 0], sizes = [2040, 8], strides = [1, 1]} : vector<2048x8xi32> to vector<2040x8xi32>
    %concatenate3A_64 = tpu.concatenate %broadcast_in_dim3A_62, %slice3A_63 in 0 : vector<8x8xi32>, vector<2040x8xi32> -> vector<2048x8xi32>
    %add3A_65 = arith.addi %add3A_60, %concatenate3A_64 : vector<2048x8xi32>
    %broadcast_in_dim3A_66 = arith.constant 0 : i32
    %broadcast_in_dim3A_67 = vector.broadcast %broadcast_in_dim3A_66 : i32 to vector<16x8xi32>
    %slice3A_68 = vector.extract_strided_slice %add3A_65 {offsets = [0, 0], sizes = [2032, 8], strides = [1, 1]} : vector<2048x8xi32> to vector<2032x8xi32>
    %concatenate3A_69 = tpu.concatenate %broadcast_in_dim3A_67, %slice3A_68 in 0 : vector<16x8xi32>, vector<2032x8xi32> -> vector<2048x8xi32>
    %add3A_70 = arith.addi %add3A_65, %concatenate3A_69 : vector<2048x8xi32>
    %broadcast_in_dim3A_71 = arith.constant 0 : i32
    %broadcast_in_dim3A_72 = vector.broadcast %broadcast_in_dim3A_71 : i32 to vector<32x8xi32>
    %slice3A_73 = vector.extract_strided_slice %add3A_70 {offsets = [0, 0], sizes = [2016, 8], strides = [1, 1]} : vector<2048x8xi32> to vector<2016x8xi32>
    %concatenate3A_74 = tpu.concatenate %broadcast_in_dim3A_72, %slice3A_73 in 0 : vector<32x8xi32>, vector<2016x8xi32> -> vector<2048x8xi32>
    %add3A_75 = arith.addi %add3A_70, %concatenate3A_74 : vector<2048x8xi32>
    %broadcast_in_dim3A_76 = arith.constant 0 : i32
    %broadcast_in_dim3A_77 = vector.broadcast %broadcast_in_dim3A_76 : i32 to vector<64x8xi32>
    %slice3A_78 = vector.extract_strided_slice %add3A_75 {offsets = [0, 0], sizes = [1984, 8], strides = [1, 1]} : vector<2048x8xi32> to vector<1984x8xi32>
    %concatenate3A_79 = tpu.concatenate %broadcast_in_dim3A_77, %slice3A_78 in 0 : vector<64x8xi32>, vector<1984x8xi32> -> vector<2048x8xi32>
    %add3A_80 = arith.addi %add3A_75, %concatenate3A_79 : vector<2048x8xi32>
    %broadcast_in_dim3A_81 = arith.constant 0 : i32
    %broadcast_in_dim3A_82 = vector.broadcast %broadcast_in_dim3A_81 : i32 to vector<128x8xi32>
    %slice3A_83 = vector.extract_strided_slice %add3A_80 {offsets = [0, 0], sizes = [1920, 8], strides = [1, 1]} : vector<2048x8xi32> to vector<1920x8xi32>
    %concatenate3A_84 = tpu.concatenate %broadcast_in_dim3A_82, %slice3A_83 in 0 : vector<128x8xi32>, vector<1920x8xi32> -> vector<2048x8xi32>
    %add3A_85 = arith.addi %add3A_80, %concatenate3A_84 : vector<2048x8xi32>
    %broadcast_in_dim3A_86 = arith.constant 0 : i32
    %broadcast_in_dim3A_87 = vector.broadcast %broadcast_in_dim3A_86 : i32 to vector<256x8xi32>
    %slice3A_88 = vector.extract_strided_slice %add3A_85 {offsets = [0, 0], sizes = [1792, 8], strides = [1, 1]} : vector<2048x8xi32> to vector<1792x8xi32>
    %concatenate3A_89 = tpu.concatenate %broadcast_in_dim3A_87, %slice3A_88 in 0 : vector<256x8xi32>, vector<1792x8xi32> -> vector<2048x8xi32>
    %add3A_90 = arith.addi %add3A_85, %concatenate3A_89 : vector<2048x8xi32>
    %broadcast_in_dim3A_91 = arith.constant 0 : i32
    %broadcast_in_dim3A_92 = vector.broadcast %broadcast_in_dim3A_91 : i32 to vector<512x8xi32>
    %slice3A_93 = vector.extract_strided_slice %add3A_90 {offsets = [0, 0], sizes = [1536, 8], strides = [1, 1]} : vector<2048x8xi32> to vector<1536x8xi32>
    %concatenate3A_94 = tpu.concatenate %broadcast_in_dim3A_92, %slice3A_93 in 0 : vector<512x8xi32>, vector<1536x8xi32> -> vector<2048x8xi32>
    %add3A_95 = arith.addi %add3A_90, %concatenate3A_94 : vector<2048x8xi32>
    %broadcast_in_dim3A_96 = arith.constant 0 : i32
    %broadcast_in_dim3A_97 = vector.broadcast %broadcast_in_dim3A_96 : i32 to vector<1024x8xi32>
    %slice3A_98 = vector.extract_strided_slice %add3A_95 {offsets = [0, 0], sizes = [1024, 8], strides = [1, 1]} : vector<2048x8xi32> to vector<1024x8xi32>
    %concatenate3A_99 = tpu.concatenate %broadcast_in_dim3A_97, %slice3A_98 in 0 : vector<1024x8xi32>, vector<1024x8xi32> -> vector<2048x8xi32>
    %add3A_100 = arith.addi %add3A_95, %concatenate3A_99 : vector<2048x8xi32>
    %sub3A_101 = arith.subi %add3A_100, %add3A_47 : vector<2048x8xi32>
    %slice3A_102 = vector.extract_strided_slice %add3A_100 {offsets = [2047, 0], sizes = [1, 8], strides = [1, 1]} : vector<2048x8xi32> to vector<1x8xi32>
    %add3A_103 = arith.constant 575 : i32
    %add3A_104 = vector.broadcast %add3A_103 : i32 to vector<1x8xi32>
    %add3A_105 = arith.addi %slice3A_102, %add3A_104 : vector<1x8xi32>
    %jit3A_106 = arith.constant 576 : i32
    %div3A_107 = vector.broadcast %jit3A_106 : i32 to vector<1x8xi32>
    %div3A_108 = arith.divsi %add3A_105, %div3A_107 : vector<1x8xi32>
    %sign3A = arith.constant 0 : i32
    %sign3A_109 = vector.broadcast %sign3A : i32 to vector<1x8xi32>
    %sign3A_110 = arith.cmpi sgt, %add3A_105, %sign3A_109 : vector<1x8xi32>
    %sign3A_111 = arith.extui %sign3A_110 : vector<1x8xi1> to vector<1x8xi32>
    %sign3A_112 = arith.constant 0 : i32
    %sign3A_113 = vector.broadcast %sign3A_112 : i32 to vector<1x8xi32>
    %sign3A_114 = arith.cmpi slt, %add3A_105, %sign3A_113 : vector<1x8xi32>
    %sign3A_115 = arith.extui %sign3A_114 : vector<1x8xi1> to vector<1x8xi32>
    %sign3A_116 = arith.subi %sign3A_111, %sign3A_115 : vector<1x8xi32>
    %sign3A_117 = arith.constant 0 : i32
    %sign3A_118 = arith.cmpi sgt, %jit3A_106, %sign3A_117 : i32
    %sign3A_119 = arith.extui %sign3A_118 : i1 to i32
    %sign3A_120 = arith.constant 0 : i32
    %sign3A_121 = arith.cmpi slt, %jit3A_106, %sign3A_120 : i32
    %sign3A_122 = arith.extui %sign3A_121 : i1 to i32
    %sign3A_123 = arith.subi %sign3A_119, %sign3A_122 : i32
    %ne3A = vector.broadcast %sign3A_123 : i32 to vector<1x8xi32>
    %ne3A_124 = arith.cmpi ne, %sign3A_116, %ne3A : vector<1x8xi32>
    %rem3A = vector.broadcast %jit3A_106 : i32 to vector<1x8xi32>
    %rem3A_125 = arith.remsi %add3A_105, %rem3A : vector<1x8xi32>
    %ne3A_126 = arith.constant 0 : i32
    %ne3A_127 = vector.broadcast %ne3A_126 : i32 to vector<1x8xi32>
    %ne3A_128 = arith.cmpi ne, %rem3A_125, %ne3A_127 : vector<1x8xi32>
    %and3A = arith.andi %ne3A_124, %ne3A_128 : vector<1x8xi1>
    %sub3A_129 = arith.constant 1 : i32
    %sub3A_130 = vector.broadcast %sub3A_129 : i32 to vector<1x8xi32>
    %sub3A_131 = arith.subi %div3A_108, %sub3A_130 : vector<1x8xi32>
    %select_n3A_132 = arith.select %and3A, %sub3A_131, %div3A_108 : vector<1x8xi1>, vector<1x8xi32>
    %broadcast_in_dim3A_133 = arith.constant 0 : i32
    %broadcast_in_dim3A_134 = vector.broadcast %broadcast_in_dim3A_133 : i32 to vector<1x1xi32>
    %slice3A_135 = vector.extract_strided_slice %select_n3A_132 {offsets = [0, 0], sizes = [1, 7], strides = [1, 1]} : vector<1x8xi32> to vector<1x7xi32>
    %concatenate3A_136 = tpu.concatenate %broadcast_in_dim3A_134, %slice3A_135 in 1 : vector<1x1xi32>, vector<1x7xi32> -> vector<1x8xi32>
    %add3A_137 = arith.addi %select_n3A_132, %concatenate3A_136 : vector<1x8xi32>
    %broadcast_in_dim3A_138 = arith.constant 0 : i32
    %broadcast_in_dim3A_139 = vector.broadcast %broadcast_in_dim3A_138 : i32 to vector<1x2xi32>
    %slice3A_140 = vector.extract_strided_slice %add3A_137 {offsets = [0, 0], sizes = [1, 6], strides = [1, 1]} : vector<1x8xi32> to vector<1x6xi32>
    %concatenate3A_141 = tpu.concatenate %broadcast_in_dim3A_139, %slice3A_140 in 1 : vector<1x2xi32>, vector<1x6xi32> -> vector<1x8xi32>
    %add3A_142 = arith.addi %add3A_137, %concatenate3A_141 : vector<1x8xi32>
    %broadcast_in_dim3A_143 = arith.constant 0 : i32
    %broadcast_in_dim3A_144 = vector.broadcast %broadcast_in_dim3A_143 : i32 to vector<1x4xi32>
    %slice3A_145 = vector.extract_strided_slice %add3A_142 {offsets = [0, 0], sizes = [1, 4], strides = [1, 1]} : vector<1x8xi32> to vector<1x4xi32>
    %concatenate3A_146 = tpu.concatenate %broadcast_in_dim3A_144, %slice3A_145 in 1 : vector<1x4xi32>, vector<1x4xi32> -> vector<1x8xi32>
    %add3A_147 = arith.addi %add3A_142, %concatenate3A_146 : vector<1x8xi32>
    %sub3A_148 = arith.subi %add3A_147, %select_n3A_132 : vector<1x8xi32>
    %mul3A = arith.constant 576 : i32
    %mul3A_149 = vector.broadcast %mul3A : i32 to vector<1x8xi32>
    %mul3A_150 = arith.muli %sub3A_148, %mul3A_149 : vector<1x8xi32>
    %iota3A_151 = tpu.iota {dimensions = array<i32: 0>} : vector<15x8xi32>
    %broadcast_in_dim3A_152 = vector.shape_cast %sub3A_148 : vector<1x8xi32> to vector<1x8xi32>
    %broadcast_in_dim3A_153 = vector.broadcast %broadcast_in_dim3A_152 : vector<1x8xi32> to vector<15x8xi32>
    %ge3A = arith.cmpi sge, %iota3A_151, %broadcast_in_dim3A_153 : vector<15x8xi32>
    %convert_element_type3A_154 = arith.extui %ge3A : vector<15x8xi1> to vector<15x8xi32>
    %reduce_sum3A = arith.constant dense<0> : vector<15xi32>
    %reduce_sum3A_155 = vector.multi_reduction <add>, %convert_element_type3A_154, %reduce_sum3A [1] : vector<15x8xi32> to vector<15xi32>
    %sub3A_156 = arith.constant 1 : i32
    %sub3A_157 = vector.broadcast %sub3A_156 : i32 to vector<15xi32>
    %sub3A_158 = arith.subi %reduce_sum3A_155, %sub3A_157 : vector<15xi32>
    %jit3A_159 = arith.constant 0 : i32
    %jit3A_160 = arith.constant 7 : i32
    %max3A = vector.broadcast %jit3A_159 : i32 to vector<15xi32>
    %max3A_161 = arith.maxsi %max3A, %sub3A_158 : vector<15xi32>
    %min3A = vector.broadcast %jit3A_160 : i32 to vector<15xi32>
    %min3A_162 = arith.minsi %min3A, %max3A_161 : vector<15xi32>
    %reshape3A = vector.shape_cast %min3A_162 : vector<15xi32> to vector<1x15xi32>
    %swap3A_163 = arith.constant 0 : index
    %swap3A_164 = arith.constant 0 : index
    %swap3A_165 = vector.load %arg7[%swap3A_163, %swap3A_164] : memref<1x15xi32, #tpu.memory_space<vmem>>, vector<1x15xi32>
    tpu.vector_store %arg7[%swap3A_163, %swap3A_164], %reshape3A {strides = array<i32>} : memref<1x15xi32, #tpu.memory_space<vmem>>, vector<1x15xi32>,
    %reduce_sum3A_166 = arith.constant dense<0> : vector<1xi32>
    %reduce_sum3A_167 = vector.multi_reduction <add>, %select_n3A_132, %reduce_sum3A_166 [1] : vector<1x8xi32> to vector<1xi32>
    %broadcast_in_dim3A_168 = vector.shape_cast %reduce_sum3A_167 : vector<1xi32> to vector<1x1xi32>
    %swap3A_169 = arith.constant 0 : index
    %swap3A_170 = arith.constant 0 : index
    %swap3A_171 = vector.load %arg8[%swap3A_169, %swap3A_170] : memref<1x1xi32, #tpu.memory_space<vmem>>, vector<1x1xi32>
    tpu.vector_store %arg8[%swap3A_169, %swap3A_170], %broadcast_in_dim3A_168 {strides = array<i32>} : memref<1x1xi32, #tpu.memory_space<vmem>>, vector<1x1xi32>,
    %broadcast_in_dim3A_172 = vector.shape_cast %mul3A_150 : vector<1x8xi32> to vector<1x8xi32>
    %broadcast_in_dim3A_173 = vector.broadcast %broadcast_in_dim3A_172 : vector<1x8xi32> to vector<2048x8xi32>
    %add3A_174 = arith.addi %sub3A_101, %broadcast_in_dim3A_173 : vector<2048x8xi32>
    %jit3A_175 = arith.constant 0 : i32
    %broadcast_in_dim3A_176 = vector.broadcast %jit3A_175 : i32 to vector<2048x8xi32>
    %select_n3A_177 = arith.select %eq3A_14, %add3A_174, %broadcast_in_dim3A_176 : vector<2048x8xi1>, vector<2048x8xi32>
    %reduce_sum3A_178 = arith.constant dense<0> : vector<2048xi32>
    %reduce_sum3A_179 = vector.multi_reduction <add>, %select_n3A_177, %reduce_sum3A_178 [1] : vector<2048x8xi32> to vector<2048xi32>
    %jit3A_180 = arith.constant 0 : i32
    %broadcast_in_dim3A_181 = vector.broadcast %jit3A_180 : i32 to vector<2048x8xi32>
    %select_n3A_182 = arith.select %eq3A_30, %add3A_174, %broadcast_in_dim3A_181 : vector<2048x8xi1>, vector<2048x8xi32>
    %reduce_sum3A_183 = arith.constant dense<0> : vector<2048xi32>
    %reduce_sum3A_184 = vector.multi_reduction <add>, %select_n3A_182, %reduce_sum3A_183 [1] : vector<2048x8xi32> to vector<2048xi32>
    %reshape3A_185 = vector.shape_cast %reduce_sum3A_179 : vector<2048xi32> to vector<16x128xi32>
    %swap3A_186 = arith.constant 0 : index
    %swap3A_187 = arith.constant 0 : index
    %swap3A_188 = vector.load %arg3[%swap3A_186, %swap3A_187] : memref<16x128xi32, #tpu.memory_space<vmem>>, vector<16x128xi32>
    tpu.vector_store %arg3[%swap3A_186, %swap3A_187], %reshape3A_185 {strides = array<i32>} : memref<16x128xi32, #tpu.memory_space<vmem>>, vector<16x128xi32>,
    %reshape3A_189 = vector.shape_cast %reduce_sum3A_184 : vector<2048xi32> to vector<16x128xi32>
    %swap3A_190 = arith.constant 0 : index
    %swap3A_191 = arith.constant 0 : index
    %swap3A_192 = vector.load %arg4[%swap3A_190, %swap3A_191] : memref<16x128xi32, #tpu.memory_space<vmem>>, vector<16x128xi32>
    tpu.vector_store %arg4[%swap3A_190, %swap3A_191], %reshape3A_189 {strides = array<i32>} : memref<16x128xi32, #tpu.memory_space<vmem>>, vector<16x128xi32>,
    return
  }
}

</mosaic_0001>

<sc_bundles>
// kernel: kernel.6.cloned.1.call-start
scs
__scs_entry_jumppad:
0x0: {  	(pc) =	sbr.rel $0x88, $3  }
0x1: {  	(tag) =	ssettag $0x0;
	lr =	simm.s32 $0x1  }
0x2: {  	[smem:$0x3F9D] =	sst lr;
	_ =	strace $0xD0000000  }
0x3: {  	_ = 	snop  }
0x4: {  	_ = 	snop  }
0x5: {  	_ = 	snop  }
0x6: {  	_ = 	snop  }
0x7: {  	_ = 	snop  }
__scs_overlays_trampoline_lowered:
0x8: {  	[smem:$0x3FAC] =	sst s0  }
0x9: {  	[smem:$0x3FAD] =	sst s1  }
0xa: {  	[smem:$0x3FAE] =	sst s2  }
0xb: {  	[smem:$0x3FAF] =	sst s3  }
0xc: {  	[smem:$0x3FB0] =	sst s4  }
0xd: {  	[smem:$0x3FB1] =	sst s5  }
0xe: {  	[smem:$0x3FB2] =	sst s6  }
0xf: {  	[smem:$0x3FB3] =	sst s7  }
0x10: {  	[smem:$0x3FB4] =	sst s8  }
0x11: {  	[smem:$0x3FB5] =	sst s9;
	s0 =	simm.s32 @!p0 $0x0  }
0x12: {  	s1 =	sld [smem:$0x3F9B];
	s0 =	simm.s32 @p0 $0x1  }
0x13: {  	[smem:$0x3FB6] =	sst s0;
	s0 =	simm.s32 @!p1 $0x0  }
0x14: {  	s2 =	sld [smem:$0x3F9A];
	s0 =	simm.s32 @p1 $0x1  }
0x15: {  	[smem:$0x3FB7] =	sst s0;
	s0 =	simm.s32 @!p2 $0x0  }
0x16: {  	s3 =	sld [smem:$0x3FDB];
	s0 =	simm.s32 @p2 $0x1  }
0x17: {  	s4 =	simm.s32 $0x1BF5;
	[smem:$0x3FB9] =	sst s0  }
0x18: {  	s0 =	sld [smem:$0x3F9C];
	_ =	swait.ge [sflag:s4], $0x0  }
0x19: {  	s7 =	sld [smem:$0x3F9D]  }
0x1a: {  	s8 =	sadd.s32 $0xFFFFE003, lr  }
0x1b: {  	s9 =	sadd.s32 $0xFFFFFEF7, lr;
	s5 =	simm.s32 $0xFFFFFFFF;
	p2 =	slt.u32 s8, $0xFFFFF086  }
0x1c: {  	p1 =	slt.u32 s9, $0xF7A;
	s5 =	simm.s32 @!p2 $0x0  }
0x1d: {  	s5 =	simm.s32 @p1 $0x1;
	p0 =	seq.s32 s7, s2  }
0x1e: {  	s7 =	smul.u32 @!p0 $0xF7A, s2;
	p2 =	seq.s32 @!p0 s5, $0x0  }
0x1f: {  	s9 =	smul.u32 $0xF7A, s1;
	s8 =	simm.s32 @!p0 $0x1BF5;
	p2 =	por !p2, p0  }
0x20: {  	[sflag:s8] =	ssyncset.s32 @!p0 $0xFFFFF086;
	s6 =	sadd.s32 @!p0 s3, s7;
	s7 =	simm.s32 @!p0 $0x108  }
0x21: {  	s3 =	sadd.s32 s3, s9;
	s6 =	sadd.s32 @!p0 $0x88, s6;
	s7 =	simm.s32 @p2 $0x1082  }
0x22: {  	[simem:s7], [sflag:s8] =	dma.local @!p0 [hbm:s6], $0xF7A  }
0x23: {  	s9 =	sor.u32 $0xD0000000, s2;
	s6 =	simm.s32 $0x108;
	_ =	swait.ge @!p0 [sflag:s8], $0x0  }
0x24: {  	s3 =	sadd.s32 $0x88, s3;
	s6 =	simm.s32 @!p1 $0x1082;
	[sflag:s4] =	ssyncset.s32 $0xFFFFF086  }
0x25: {  	[simem:s6], [sflag:s4] =	dma.local [hbm:s3], $0xF7A  }
0x26: {  	[smem:$0x3F9D] =	sst s1;
	(tag) =	ssettag s2;
	_ =	strace s9  }
0x27: {  	s1 =	sld [smem:$0x3FAD]  }
0x28: {  	s2 =	sld [smem:$0x3FAE]  }
0x29: {  	s4 =	sld [smem:$0x3FB0]  }
0x2a: {  	p0 =	seq.s32 s5, $0x0;
	s5 =	sld [smem:$0x3FB1]  }
0x2b: {  	s6 =	sld [smem:$0x3FB2]  }
0x2c: {  	s7 =	sld [smem:$0x3FB3]  }
0x2d: {  	s3 =	simm.s32 $0x108;
	s8 =	sld [smem:$0x3FB4]  }
0x2e: {  	s3 =	simm.s32 @!p0 $0x1082;
	s9 =	sld [smem:$0x3FB5]  }
0x2f: {  	lr =	sadd.s32 s0, s3;
	s0 =	sld [smem:$0x3FAC]  }
0x30: {  	s3 =	sld [smem:$0x3FAF]  }
0x31: {  	[smem:$0x3FB8] =	sst s10  }
0x32: {  	s10 =	sld [smem:$0x3FB6];
	_ =	sdelay $0x3  }
0x33: {  	p0 =	seq.s32 s10, $0x1;
	s10 =	sld [smem:$0x3FB8];
	_ =	sdelay $0x3  }
0x34: {  	[smem:$0x3FB8] =	sst s10  }
0x35: {  	s10 =	sld [smem:$0x3FB7];
	_ =	sdelay $0x3  }
0x36: {  	p1 =	seq.s32 s10, $0x1;
	s10 =	sld [smem:$0x3FB8];
	_ =	sdelay $0x3  }
0x37: {  	[smem:$0x3FB8] =	sst s10  }
0x38: {  	s10 =	sld [smem:$0x3FB9]  }
0x39: {  	_ = 	snop;
	(pc) =	sbr.ind lr, $3  }
0x3a: {  	_ = 	snop  }
0x3b: {  	_ = 	snop  }
0x3c: {  	p2 =	seq.s32 s10, $0x1;
	s10 =	sld [smem:$0x3FB8]  }
0x3d: {  	_ =	shalt  }
0x3e: {  	_ =	shalt  }
0x3f: {  	_ =	shalt  }
0x40: {  	_ =	shalt  }
0x41: {  	_ =	shalt  }
0x42: {  	_ =	shalt  }
0x43: {  	_ =	shalt  }
0x44: {  	_ =	shalt  }
0x45: {  	_ =	shalt  }
0x46: {  	_ =	shalt  }
0x47: {  	_ =	shalt  }
0x48: {  	_ =	shalt  }
0x49: {  	_ =	shalt  }
0x4a: {  	_ =	shalt  }
0x4b: {  	_ =	shalt  }
0x4c: {  	_ =	shalt  }
0x4d: {  	_ =	shalt  }
0x4e: {  	_ =	shalt  }
0x4f: {  	_ =	shalt  }
0x50: {  	_ =	shalt  }
0x51: {  	_ =	shalt  }
0x52: {  	_ =	shalt  }
0x53: {  	_ =	shalt  }
0x54: {  	_ =	shalt  }
0x55: {  	_ =	shalt  }
0x56: {  	_ =	shalt  }
0x57: {  	_ =	shalt  }
0x58: {  	_ =	shalt  }
0x59: {  	_ =	shalt  }
0x5a: {  	_ =	shalt  }
0x5b: {  	_ =	shalt  }
0x5c: {  	_ =	shalt  }
0x5d: {  	_ =	shalt  }
0x5e: {  	_ =	shalt  }
0x5f: {  	_ =	shalt  }
0x60: {  	_ =	shalt  }
0x61: {  	_ =	shalt  }
0x62: {  	_ =	shalt  }
0x63: {  	_ =	shalt  }
0x64: {  	_ =	shalt  }
0x65: {  	_ =	shalt  }
0x66: {  	_ =	shalt  }
0x67: {  	_ =	shalt  }
0x68: {  	_ =	shalt  }
0x69: {  	_ =	shalt  }
0x6a: {  	_ =	shalt  }
0x6b: {  	_ =	shalt  }
0x6c: {  	_ =	shalt  }
0x6d: {  	_ =	shalt  }
0x6e: {  	_ =	shalt  }
0x6f: {  	_ =	shalt  }
0x70: {  	_ =	shalt  }
0x71: {  	_ =	shalt  }
0x72: {  	_ =	shalt  }
0x73: {  	_ =	shalt  }
0x74: {  	_ =	shalt  }
0x75: {  	_ =	shalt  }
0x76: {  	_ =	shalt  }
0x77: {  	_ =	shalt  }
0x78: {  	_ =	shalt  }
0x79: {  	_ =	shalt  }
0x7a: {  	_ =	shalt  }
0x7b: {  	_ =	shalt  }
0x7c: {  	_ =	shalt  }
0x7d: {  	_ =	shalt  }
0x7e: {  	_ =	shalt  }
0x7f: {  	_ =	shalt  }
0x80: {  	_ =	shalt  }
0x81: {  	_ =	shalt  }
0x82: {  	_ =	shalt  }
0x83: {  	_ =	shalt  }
0x84: {  	_ =	shalt  }
0x85: {  	_ =	shalt  }
0x86: {  	_ =	shalt  }
0x87: {  	_ =	shalt  }
.Lfunc_end0:
.L_simem_size_0:
called_computation_lowered:
.L_overlay_start_0:
0x88: {  	s2 =	sld [smem:$0x3FD9]  }
0x89: {  	s3 =	sld [smem:$0x3FFE];
	_ =	sdelay $0x1  }
0x8a: {  	s1 =	srdreg.scid  }
0x8b: {  	s0 =	sand.u32 $0x1, s1  }
0x8c: {  	s14 =	sshll.u32 s0, $0xA;
	s2 =	sadd.s32 s3, s2  }
0x8d: {  	s2 =	sadd.s32 s2, s14  }
0x8e: {  	[smem:$0x3FC4] =	sst s2  }
0x8f: {  	_ = 	snop  }
0x90: {  	s2 =	sld [smem:$0x3FD0];
	_ =	sdelay $0x2  }
0x91: {  	s4 =	simm.s32 $0xA;
	s5 =	simm.s32 $0x10;
	s15 =	sld [smem:$0x3FC9]  }
0x92: {  	[smem:s5], [sflag:s4] =	dma.local [hbm:s2], $0x1  }
0x93: {  	_ =	swait.eq [sflag:s4], $0x1  }
0x94: {  	[sflag:s4] =	ssyncset.done $0x0  }
0x95: {  	[sflag:s4] =	ssyncadd.s32 $0xFFFFFFFF  }
0x96: {  	s16 =	sld [smem:$0x10];
	(tm) =	ssettm $0x1  }
0x97: {  	s17 =	sld [smem:$0x3FFB];
	_ =	sdelay $0x3  }
0x98: {  	_ =	strace s17  }
0x99: {  	s4 =	sld [smem:$0x3FFC];
	_ =	sdelay $0x3  }
0x9a: {  	_ =	strace s4  }
0x9b: {  	s4 =	sld [smem:$0x3FFD];
	_ =	sdelay $0x3  }
0x9c: {  	_ =	strace s4  }
0x9d: {  	_ =	strace $0x8FFFFFFF  }
0x9e: {  	s18 =	sld [smem:$0x3FDB];
	_ =	sdelay $0x1  }
0x9f: {  	s19 =	simm.s32 $_scs_section_size  }
0xa0: {  	s6 =	simm.s32 $_size__tile_overlayer_lowered;
	s7 =	simm.s32 $_tile_overlayer_lowered  }
0xa1: {  	s22 =	simm.s32 $0x1BFF;
	s21 =	sshll.u32 s7, $0x1;
	s4 =	sadd.s32 s19, s18  }
0xa2: {  	s8 =	simm.s32 $0x0;
	s20 =	sshll.u32 s6, $0x1;
	s6 =	sadd.s32 s21, s4  }
0xa3: {  	[timem:s8], [sflag:s22] =	dma.local [hbm:s6], s20  }
0xa4: {  	_ =	swait.ge [sflag:s22], s20  }
0xa5: {  	s5 =	ssub.s32 $0x0, s20;
	[sflag:s22] =	ssyncset.done $0x0  }
0xa6: {  	[sflag:s22] =	ssyncadd.s32 s5;
	_ =	sdelay $0x1  }
0xa7: {  	s23 =	simm.s32 $0x1B8B  }
0xa8: {  	_ =	swait.ge [sflag:s23], $0x1  }
0xa9: {  	[sflag:s23] =	ssyncset.done $0x0  }
0xaa: {  	s25 =	simm.s32 $0x1B8E;
	s24 =	sld [smem:$0x3FFE];
	[sflag:s23] =	ssyncadd.s32 $0xFFFFFFFF  }
0xab: {  	s26 =	simm.s32 $execute0_lowered;
	[smem:$0x3FD2] =	sst s25  }
0xac: {  	s6 =	sshll.u32 s26, $0x1;
	_ =	strace $0x80000046;
	[dreg:$0x1] =	wrdreg $0xFFFFFFFF  }
0xad: {  	s28 =	simm.s32 $_size_execute0_lowered;
	s4 =	sadd.s32 s4, s6;
	[dreg:$0x0] =	wrdreg $0x0  }
0xae: {  	s6 =	sshll.u32 s28, $0x1;
	[dreg:$0x2] =	wrdreg s4  }
0xaf: {  	[dreg:$0x3] =	wrdreg s6  }
0xb0: {  	[dreg:$0x4] =	wrdreg $0xC0  }
0xb1: {  	_ =	task [dreg:s8], $0x5FFFF  }
0xb2: {  	[dreg:$0x1] =	wrdreg $0xFFFFFFFF  }
0xb3: {  	[dreg:$0x0] =	wrdreg $0x60  }
0xb4: {  	[dreg:$0x2] =	wrdreg s15  }
0xb5: {  	[dreg:$0x3] =	wrdreg s24  }
0xb6: {  	[dreg:$0x4] =	wrdreg s16  }
0xb7: {  	[dreg:$0x5] =	wrdreg $0x9  }
0xb8: {  	_ =	task.clear_ibuf [dreg:s8], $0x6FFFF;
	_ =	strace $0x90000046  }
0xb9: {  	s29 =	simm.s32 $0x9;
	_ =	strace $0x80000048  }
0xba: {  	_ =	swait.ge [sflag:s29], $0x1  }
0xbb: {  	[sflag:s29] =	ssyncadd.s32 $0xFFFFFFFF  }
0xbc: {  	_ =	strace $0x90000048  }
0xbd: {  	_ =	sfence  }
0xbe: {  	s30 =	sld [smem:$0x0];
	_ =	sdelay $0x2  }
0xbf: {  	s31 =	sshll.u32 s1, $0xD;
	s1 =	sshrl.u32 s1, $0x2  }
0xc0: {  	s3 =	sand.u32 $0x4000, s31;
	s1 =	sadd.s32 s1, s30  }
0xc1: {  	s0 =	sor.u32 s3, s0;
	s1 =	sshll.u32 s1, $0x11  }
0xc2: {  	s0 =	sor.u32 s1, s0  }
0xc3: {  	s0 =	sadd.s32 $0x8F2B, s0  }
0xc4: {  	[sflag:s0] =	ssyncadd.remote.s32 $0x1  }
0xc5: {  	_ =	sfence.sel $0xFFFF  }
0xc6: {  	[dreg:$0x0] =	wrdreg $0xFFFFFFFF;
	(pc) =	sbr.abs _section_cstart, $3  }
0xc7: {  	[dreg:$0x1] =	wrdreg $0xFFFFFFFF  }
0xc8: {  	_ =	task.clear_ibuf [dreg:s8], $0x2FFFF;
	_ =	strace $0x9FFFFFFF  }
0xc9: {  	(tm) =	ssettm $0x7FFFFFFF  }
tec
execute0_lowered:
.L_overlay_start_1:
0x0: {  	(tag) =	ssettag $0x1  }
0x1: {  	s0 =	rddreg [dreg:$0x0]  }
0x2: {  	s1 =	srdreg.scid;
	s2 =	rddreg [dreg:$0x1]  }
0x3: {  	s3 =	stileid.u32;
	s10 =	simm.s32 $0x2;
	s14 =	simm.s32 $0x1  }
0x4: {  	s30 =	simm.s32 $0x1000;
	s31 =	simm.s32 $0x1800;
	s9 =	simm.s32 $0x3800  }
0x5: {  	s11 =	simm.s32 $0x4000;
	s12 =	simm.s32 $0x4800;
	s13 =	simm.s32 $0x5000  }
0x6: {  	s15 =	simm.s32 $0x5800;
	s16 =	simm.s32 $0x6000;
	s17 =	simm.s32 $0x6800  }
0x7: {  	s18 =	simm.s32 $0x7000;
	s19 =	simm.s32 $0x7800;
	s20 =	simm.s32 $0x8000  }
0x8: {  	s21 =	simm.s32 $0x8800;
	s28 =	simm.s32 $0xB000;
	s29 =	simm.s32 $0xB800  }
0x9: {  	s1 =	sand.u32 $0x1, s1;
	s4 =	sshll.u32 s3, $0x7;
	s3 =	simm.s32 $0x0  }
0xa: {  	s7 =	sadd.s32 $0x12300, s2;
	s5 =	sshll.u32 s1, $0x6;
	[smem:$0x7FF] =	sst s3  }
0xb: {  	s1 =	ssub.s32 $0x2, s1;
	s4 =	sor.u32 s5, s4;
	_ =	strace $0x80000047  }
0xc: {  	s25 =	sshrl.u32 s1, $0x1;
	s5 =	sshrl.u32 s4, $0x3;
	s6 =	sshll.u32 s4, $0x7  }
0xd: {  	s4 =	sshll.u32 s4, $0x4;
	s5 =	sadd.s32 s5, s2;
	s0 =	sadd.s32 s0, s6  }
0xe: {  	s1 =	ssub.s32 s1, s25;
	[dreg:$0x4] =	wrdreg s0;
	s22 =	sadd.s32 $0x11E00, s5  }
0xf: {  	s4 =	sadd.s32 s4, s2;
	s23 =	sadd.s32 $0x11C00, s5;
	[dreg:$0x5] =	wrdreg s22  }
0x10: {  	s6 =	sadd.s32 $0x12200, s2;
	s24 =	sadd.s32 $0x1C00, s4;
	[dreg:$0x6] =	wrdreg s23  }
0x11: {  	v2 =	vlaneseq.u32;
	s8 =	smax.u32 s1, $0x1;
	s26 =	sadd.s32 $0x9C00, s4;
	[dreg:$0x7] =	wrdreg s24  }
0x12: {  	vm0 =	vmmov $0xffff;
	v1 =	vshrl.u32 v2, $0x3;
	s4 =	sadd.s32 $0x12000, s2;
	s5 =	sadd.s32 $0x12100, s2;
	[dreg:$0x8] =	wrdreg s26  }
0x13: {  	v0 =	vand.u32 $0x7, v2;
	v2 =	vor.u32 $0x8, v2;
	v1 =	vmul.u32 $0x8, v1;
	s22 =	simm.s32 $0x9000;
	s23 =	simm.s32 $0x9800;
	s26 =	simm.s32 $0xA800  }
.LBB2_1:
0x14: {  	s24 =	rddreg [dreg:$0x4]  }
0x15: {  	[tilespmem:s3], [sflag:$0x1] =	stream.linear.gather [hbm4b:s24+s3], $0x10000, $0x38;
	[tilespmem:$0x14100] =	vst v63  }
0x16: {  	s25 =	rddreg [dreg:$0x5];
	s0 =	simm.s32 $0x10000  }
0x17: {  	[tilespmem:s0], [sflag:$0x2] =	stream.linear.gather [hbm4b:s25+s3], $0x40, $0x38;
	[tilespmem:$0x14100] =	vst v63  }
0x18: {  	_ =	swait.ge [sflag:s10], $0x40  }
0x19: {  	[sflag:s10] =	ssyncset.done $0x0  }
0x1a: {  	s1 =	simm.s32 $0x10080;
	s0 =	rddreg [dreg:$0x6];
	[sflag:s10] =	ssyncadd.s32 $0xFFFFFFC0  }
0x1b: {  	[tilespmem:s1], [sflag:$0x2] =	stream.linear.gather [hbm4b:s0+s3], $0x40, $0x38;
	[tilespmem:$0x14100] =	vst v63  }
0x1c: {  	_ =	swait.ge [sflag:s10], $0x40  }
0x1d: {  	[sflag:s10] =	ssyncset.done $0x0  }
0x1e: {  	s25 =	simm.s32 $0x10100;
	s2 =	rddreg [dreg:$0x7];
	[sflag:s10] =	ssyncadd.s32 $0xFFFFFFC0  }
0x1f: {  	[tilespmem:s25], [sflag:$0x2] =	stream.linear.gather [hbm4b:s2+s3], $0x2000, $0x38;
	[tilespmem:$0x14100] =	vst v63  }
0x20: {  	_ =	swait.ge [sflag:s10], $0x2000  }
0x21: {  	[sflag:s10] =	ssyncset.done $0x0  }
0x22: {  	s1 =	simm.s32 $0x12100;
	s0 =	rddreg [dreg:$0x8];
	[sflag:s10] =	ssyncadd.s32 $0xFFFFE000  }
0x23: {  	[tilespmem:s1], [sflag:$0x2] =	stream.linear.gather [hbm4b:s0+s3], $0x2000, $0x38;
	[tilespmem:$0x14100] =	vst v63  }
0x24: {  	_ =	swait.ge [sflag:s10], $0x2000  }
0x25: {  	[sflag:s10] =	ssyncset.done $0x0  }
0x26: {  	[sflag:s10] =	ssyncadd.s32 $0xFFFFE000  }
0x27: {  	_ =	swait.ge [sflag:s14], $0x10000  }
0x28: {  	[sflag:s14] =	ssyncset.done $0x0  }
0x29: {  	[sflag:s14] =	ssyncadd.s32 $0xFFFF0000  }
0x2a: {  	v3 =	vld [tilespmem:$0x10000];
	_ =	sdelay $0x4  }
0x2b: {  	v4 =	vshll.u32 v3, $0x3  }
0x2c: {  	v3 =	vand.u32 $0x7, v3;
	v4 =	vand.u32 $0xFFFFFFC0, v4  }
0x2d: {  	v3 =	vor.u32 v3, v4  }
0x2e: {  	v4 =	vperm.xlane v3, v0;
	_ =	sdelay $0x1  }
0x2f: {  	v4 =	vadd.s32 v1, v4;
	_ =	sdelay $0x4  }
0x30: {  	[hbm4b:s4+s3] =	stream.indirect_vreg.scatter [tilespmem:s3], [sflag:$0x1], $0x80, v4, vm0, $0xb8;
	[tilespmem:$0x14100] =	vst v63  }
0x31: {  	s24 =	simm.s32 $0x800;
	v3 =	vperm.xlane v3, v2  }
0x32: {  	[hbm4b:s5+s3] =	stream.indirect_vreg.scatter [tilespmem:s24], [sflag:$0x1], $0x80, v4, vm0, $0xb8;
	[tilespmem:$0x14100] =	vst v63  }
0x33: {  	v3 =	vadd.s32 v1, v3  }
0x34: {  	[hbm4b:s6+s3] =	stream.indirect_vreg.scatter [tilespmem:s30], [sflag:$0x1], $0x80, v4, vm0, $0xb8;
	[tilespmem:$0x14100] =	vst v63  }
0x35: {  	_ = 	snop  }
0x36: {  	[hbm4b:s7+s3] =	stream.indirect_vreg.scatter [tilespmem:s31], [sflag:$0x1], $0x80, v4, vm0, $0xb8;
	[tilespmem:$0x14100] =	vst v63  }
0x37: {  	s1 =	simm.s32 $0x2000  }
0x38: {  	[hbm4b:s4+s3] =	stream.indirect_vreg.scatter [tilespmem:s1], [sflag:$0x1], $0x80, v3, vm0, $0xb8;
	[tilespmem:$0x14100] =	vst v63  }
0x39: {  	s2 =	simm.s32 $0x2800  }
0x3a: {  	[hbm4b:s5+s3] =	stream.indirect_vreg.scatter [tilespmem:s2], [sflag:$0x1], $0x80, v3, vm0, $0xb8;
	[tilespmem:$0x14100] =	vst v63  }
0x3b: {  	s2 =	simm.s32 $0x3000  }
0x3c: {  	[hbm4b:s6+s3] =	stream.indirect_vreg.scatter [tilespmem:s2], [sflag:$0x1], $0x80, v3, vm0, $0xb8;
	[tilespmem:$0x14100] =	vst v63  }
0x3d: {  	_ = 	snop  }
0x3e: {  	[hbm4b:s7+s3] =	stream.indirect_vreg.scatter [tilespmem:s9], [sflag:$0x1], $0x80, v3, vm0, $0xb8;
	[tilespmem:$0x14100] =	vst v63  }
0x3f: {  	v3 =	vld [tilespmem:$0x10010];
	_ =	sdelay $0x4  }
0x40: {  	v57 =	vshll.u32 v3, $0x3  }
0x41: {  	v3 =	vand.u32 $0x7, v3;
	v4 =	vand.u32 $0xFFFFFFC0, v57  }
0x42: {  	v3 =	vor.u32 v3, v4  }
0x43: {  	v4 =	vperm.xlane v3, v0;
	_ =	sdelay $0x1  }
0x44: {  	v4 =	vadd.s32 v1, v4;
	_ =	sdelay $0x4  }
0x45: {  	[hbm4b:s4+s3] =	stream.indirect_vreg.scatter [tilespmem:s11], [sflag:$0x1], $0x80, v4, vm0, $0xb8;
	[tilespmem:$0x14100] =	vst v63  }
0x46: {  	v3 =	vperm.xlane v3, v2  }
0x47: {  	[hbm4b:s5+s3] =	stream.indirect_vreg.scatter [tilespmem:s12], [sflag:$0x1], $0x80, v4, vm0, $0xb8;
	[tilespmem:$0x14100] =	vst v63  }
0x48: {  	v3 =	vadd.s32 v1, v3  }
0x49: {  	[hbm4b:s6+s3] =	stream.indirect_vreg.scatter [tilespmem:s13], [sflag:$0x1], $0x80, v4, vm0, $0xb8;
	[tilespmem:$0x14100] =	vst v63  }
0x4a: {  	_ = 	snop  }
0x4b: {  	[hbm4b:s7+s3] =	stream.indirect_vreg.scatter [tilespmem:s15], [sflag:$0x1], $0x80, v4, vm0, $0xb8;
	[tilespmem:$0x14100] =	vst v63  }
0x4c: {  	_ = 	snop  }
0x4d: {  	[hbm4b:s4+s3] =	stream.indirect_vreg.scatter [tilespmem:s16], [sflag:$0x1], $0x80, v3, vm0, $0xb8;
	[tilespmem:$0x14100] =	vst v63  }
0x4e: {  	_ = 	snop  }
0x4f: {  	[hbm4b:s5+s3] =	stream.indirect_vreg.scatter [tilespmem:s17], [sflag:$0x1], $0x80, v3, vm0, $0xb8;
	[tilespmem:$0x14100] =	vst v63  }
0x50: {  	_ = 	snop  }
0x51: {  	[hbm4b:s6+s3] =	stream.indirect_vreg.scatter [tilespmem:s18], [sflag:$0x1], $0x80, v3, vm0, $0xb8;
	[tilespmem:$0x14100] =	vst v63  }
0x52: {  	_ = 	snop  }
0x53: {  	[hbm4b:s7+s3] =	stream.indirect_vreg.scatter [tilespmem:s19], [sflag:$0x1], $0x80, v3, vm0, $0xb8;
	[tilespmem:$0x14100] =	vst v63  }
0x54: {  	v3 =	vld [tilespmem:$0x10020];
	_ =	sdelay $0x4  }
0x55: {  	v58 =	vshll.u32 v3, $0x3  }
0x56: {  	v3 =	vand.u32 $0x7, v3;
	v4 =	vand.u32 $0xFFFFFFC0, v58  }
0x57: {  	v3 =	vor.u32 v3, v4  }
0x58: {  	v4 =	vperm.xlane v3, v0;
	_ =	sdelay $0x1  }
0x59: {  	v4 =	vadd.s32 v1, v4;
	_ =	sdelay $0x4  }
0x5a: {  	[hbm4b:s4+s3] =	stream.indirect_vreg.scatter [tilespmem:s20], [sflag:$0x1], $0x80, v4, vm0, $0xb8;
	[tilespmem:$0x14100] =	vst v63  }
0x5b: {  	v3 =	vperm.xlane v3, v2  }
0x5c: {  	[hbm4b:s5+s3] =	stream.indirect_vreg.scatter [tilespmem:s21], [sflag:$0x1], $0x80, v4, vm0, $0xb8;
	[tilespmem:$0x14100] =	vst v63  }
0x5d: {  	v3 =	vadd.s32 v1, v3  }
0x5e: {  	[hbm4b:s6+s3] =	stream.indirect_vreg.scatter [tilespmem:s22], [sflag:$0x1], $0x80, v4, vm0, $0xb8;
	[tilespmem:$0x14100] =	vst v63  }
0x5f: {  	_ = 	snop  }
0x60: {  	[hbm4b:s7+s3] =	stream.indirect_vreg.scatter [tilespmem:s23], [sflag:$0x1], $0x80, v4, vm0, $0xb8;
	[tilespmem:$0x14100] =	vst v63  }
0x61: {  	s25 =	simm.s32 $0xA000  }
0x62: {  	[hbm4b:s4+s3] =	stream.indirect_vreg.scatter [tilespmem:s25], [sflag:$0x1], $0x80, v3, vm0, $0xb8;
	[tilespmem:$0x14100] =	vst v63  }
0x63: {  	_ = 	snop  }
0x64: {  	[hbm4b:s5+s3] =	stream.indirect_vreg.scatter [tilespmem:s26], [sflag:$0x1], $0x80, v3, vm0, $0xb8;
	[tilespmem:$0x14100] =	vst v63  }
0x65: {  	_ = 	snop  }
0x66: {  	[hbm4b:s6+s3] =	stream.indirect_vreg.scatter [tilespmem:s28], [sflag:$0x1], $0x80, v3, vm0, $0xb8;
	[tilespmem:$0x14100] =	vst v63  }
0x67: {  	_ = 	snop  }
0x68: {  	[hbm4b:s7+s3] =	stream.indirect_vreg.scatter [tilespmem:s29], [sflag:$0x1], $0x80, v3, vm0, $0xb8;
	[tilespmem:$0x14100] =	vst v63  }
0x69: {  	v3 =	vld [tilespmem:$0x10030];
	_ =	sdelay $0x4  }
0x6a: {  	v59 =	vshll.u32 v3, $0x3  }
0x6b: {  	v3 =	vand.u32 $0x7, v3;
	v4 =	vand.u32 $0xFFFFFFC0, v59  }
0x6c: {  	v3 =	vor.u32 v3, v4  }
0x6d: {  	v4 =	vperm.xlane v3, v0;
	_ =	sdelay $0x1  }
0x6e: {  	v4 =	vadd.s32 v1, v4;
	_ =	sdelay $0x3  }
0x6f: {  	s0 =	simm.s32 $0xC000  }
0x70: {  	[hbm4b:s4+s3] =	stream.indirect_vreg.scatter [tilespmem:s0], [sflag:$0x1], $0x80, v4, vm0, $0xb8;
	[tilespmem:$0x14100] =	vst v63  }
0x71: {  	v3 =	vperm.xlane v3, v2;
	s0 =	simm.s32 $0xC800  }
0x72: {  	[hbm4b:s5+s3] =	stream.indirect_vreg.scatter [tilespmem:s0], [sflag:$0x1], $0x80, v4, vm0, $0xb8;
	[tilespmem:$0x14100] =	vst v63  }
0x73: {  	v3 =	vadd.s32 v1, v3;
	s0 =	simm.s32 $0xD000  }
0x74: {  	[hbm4b:s6+s3] =	stream.indirect_vreg.scatter [tilespmem:s0], [sflag:$0x1], $0x80, v4, vm0, $0xb8;
	[tilespmem:$0x14100] =	vst v63  }
0x75: {  	s0 =	simm.s32 $0xD800  }
0x76: {  	[hbm4b:s7+s3] =	stream.indirect_vreg.scatter [tilespmem:s0], [sflag:$0x1], $0x80, v4, vm0, $0xb8;
	[tilespmem:$0x14100] =	vst v63  }
0x77: {  	s0 =	simm.s32 $0xE000  }
0x78: {  	[hbm4b:s4+s3] =	stream.indirect_vreg.scatter [tilespmem:s0], [sflag:$0x1], $0x80, v3, vm0, $0xb8;
	[tilespmem:$0x14100] =	vst v63  }
0x79: {  	s0 =	simm.s32 $0xE800  }
0x7a: {  	[hbm4b:s5+s3] =	stream.indirect_vreg.scatter [tilespmem:s0], [sflag:$0x1], $0x80, v3, vm0, $0xb8;
	[tilespmem:$0x14100] =	vst v63  }
0x7b: {  	s0 =	simm.s32 $0xF000  }
0x7c: {  	[hbm4b:s6+s3] =	stream.indirect_vreg.scatter [tilespmem:s0], [sflag:$0x1], $0x80, v3, vm0, $0xb8;
	[tilespmem:$0x14100] =	vst v63  }
0x7d: {  	s0 =	simm.s32 $0xF800  }
0x7e: {  	[hbm4b:s7+s3] =	stream.indirect_vreg.scatter [tilespmem:s0], [sflag:$0x1], $0x80, v3, vm0, $0xb8;
	[tilespmem:$0x14100] =	vst v63  }
0x7f: {  	v3 =	vld [tilespmem:$0x10080];
	_ =	sdelay $0x4  }
0x80: {  	v60 =	vshll.u32 v3, $0x3  }
0x81: {  	v3 =	vand.u32 $0x7, v3;
	v4 =	vand.u32 $0xFFFFFFC0, v60  }
0x82: {  	v3 =	vor.u32 v3, v4  }
0x83: {  	v4 =	vperm.xlane v3, v0;
	_ =	sdelay $0x1  }
0x84: {  	v4 =	vadd.s32 v1, v4;
	_ =	sdelay $0x4  }
0x85: {  	[hbm4b:s4+s3] =	stream.indirect_vreg.scatter [tilespmem:s3], [sflag:$0x1], $0x80, v4, vm0, $0xb8;
	[tilespmem:$0x14100] =	vst v63  }
0x86: {  	v3 =	vperm.xlane v3, v2  }
0x87: {  	[hbm4b:s5+s3] =	stream.indirect_vreg.scatter [tilespmem:s24], [sflag:$0x1], $0x80, v4, vm0, $0xb8;
	[tilespmem:$0x14100] =	vst v63  }
0x88: {  	v3 =	vadd.s32 v1, v3  }
0x89: {  	[hbm4b:s6+s3] =	stream.indirect_vreg.scatter [tilespmem:s30], [sflag:$0x1], $0x80, v4, vm0, $0xb8;
	[tilespmem:$0x14100] =	vst v63  }
0x8a: {  	_ = 	snop  }
0x8b: {  	[hbm4b:s7+s3] =	stream.indirect_vreg.scatter [tilespmem:s31], [sflag:$0x1], $0x80, v4, vm0, $0xb8;
	[tilespmem:$0x14100] =	vst v63  }
0x8c: {  	_ = 	snop  }
0x8d: {  	[hbm4b:s4+s3] =	stream.indirect_vreg.scatter [tilespmem:s1], [sflag:$0x1], $0x80, v3, vm0, $0xb8;
	[tilespmem:$0x14100] =	vst v63  }
0x8e: {  	s24 =	simm.s32 $0x2800  }
0x8f: {  	[hbm4b:s5+s3] =	stream.indirect_vreg.scatter [tilespmem:s24], [sflag:$0x1], $0x80, v3, vm0, $0xb8;
	[tilespmem:$0x14100] =	vst v63  }
0x90: {  	_ = 	snop  }
0x91: {  	[hbm4b:s6+s3] =	stream.indirect_vreg.scatter [tilespmem:s2], [sflag:$0x1], $0x80, v3, vm0, $0xb8;
	[tilespmem:$0x14100] =	vst v63  }
0x92: {  	_ = 	snop  }
0x93: {  	[hbm4b:s7+s3] =	stream.indirect_vreg.scatter [tilespmem:s9], [sflag:$0x1], $0x80, v3, vm0, $0xb8;
	[tilespmem:$0x14100] =	vst v63  }
0x94: {  	v3 =	vld [tilespmem:$0x10090];
	_ =	sdelay $0x4  }
0x95: {  	v61 =	vshll.u32 v3, $0x3  }
0x96: {  	v3 =	vand.u32 $0x7, v3;
	v4 =	vand.u32 $0xFFFFFFC0, v61  }
0x97: {  	v3 =	vor.u32 v3, v4  }
0x98: {  	v4 =	vperm.xlane v3, v0;
	_ =	sdelay $0x1  }
0x99: {  	v4 =	vadd.s32 v1, v4;
	_ =	sdelay $0x4  }
0x9a: {  	[hbm4b:s4+s3] =	stream.indirect_vreg.scatter [tilespmem:s11], [sflag:$0x1], $0x80, v4, vm0, $0xb8;
	[tilespmem:$0x14100] =	vst v63  }
0x9b: {  	v3 =	vperm.xlane v3, v2  }
0x9c: {  	[hbm4b:s5+s3] =	stream.indirect_vreg.scatter [tilespmem:s12], [sflag:$0x1], $0x80, v4, vm0, $0xb8;
	[tilespmem:$0x14100] =	vst v63  }
0x9d: {  	v3 =	vadd.s32 v1, v3  }
0x9e: {  	[hbm4b:s6+s3] =	stream.indirect_vreg.scatter [tilespmem:s13], [sflag:$0x1], $0x80, v4, vm0, $0xb8;
	[tilespmem:$0x14100] =	vst v63  }
0x9f: {  	_ = 	snop  }
0xa0: {  	[hbm4b:s7+s3] =	stream.indirect_vreg.scatter [tilespmem:s15], [sflag:$0x1], $0x80, v4, vm0, $0xb8;
	[tilespmem:$0x14100] =	vst v63  }
0xa1: {  	_ = 	snop  }
0xa2: {  	[hbm4b:s4+s3] =	stream.indirect_vreg.scatter [tilespmem:s16], [sflag:$0x1], $0x80, v3, vm0, $0xb8;
	[tilespmem:$0x14100] =	vst v63  }
0xa3: {  	_ = 	snop  }
0xa4: {  	[hbm4b:s5+s3] =	stream.indirect_vreg.scatter [tilespmem:s17], [sflag:$0x1], $0x80, v3, vm0, $0xb8;
	[tilespmem:$0x14100] =	vst v63  }
0xa5: {  	_ = 	snop  }
0xa6: {  	[hbm4b:s6+s3] =	stream.indirect_vreg.scatter [tilespmem:s18], [sflag:$0x1], $0x80, v3, vm0, $0xb8;
	[tilespmem:$0x14100] =	vst v63  }
0xa7: {  	_ = 	snop  }
0xa8: {  	[hbm4b:s7+s3] =	stream.indirect_vreg.scatter [tilespmem:s19], [sflag:$0x1], $0x80, v3, vm0, $0xb8;
	[tilespmem:$0x14100] =	vst v63  }
0xa9: {  	v3 =	vld [tilespmem:$0x100A0];
	_ =	sdelay $0x4  }
0xaa: {  	v62 =	vshll.u32 v3, $0x3  }
0xab: {  	v3 =	vand.u32 $0x7, v3;
	v4 =	vand.u32 $0xFFFFFFC0, v62  }
0xac: {  	v3 =	vor.u32 v3, v4  }
0xad: {  	v4 =	vperm.xlane v3, v0;
	_ =	sdelay $0x1  }
0xae: {  	v4 =	vadd.s32 v1, v4;
	_ =	sdelay $0x4  }
0xaf: {  	[hbm4b:s4+s3] =	stream.indirect_vreg.scatter [tilespmem:s20], [sflag:$0x1], $0x80, v4, vm0, $0xb8;
	[tilespmem:$0x14100] =	vst v63  }
0xb0: {  	v3 =	vperm.xlane v3, v2  }
0xb1: {  	[hbm4b:s5+s3] =	stream.indirect_vreg.scatter [tilespmem:s21], [sflag:$0x1], $0x80, v4, vm0, $0xb8;
	[tilespmem:$0x14100] =	vst v63  }
0xb2: {  	v3 =	vadd.s32 v1, v3  }
0xb3: {  	[hbm4b:s6+s3] =	stream.indirect_vreg.scatter [tilespmem:s22], [sflag:$0x1], $0x80, v4, vm0, $0xb8;
	[tilespmem:$0x14100] =	vst v63  }
0xb4: {  	_ = 	snop  }
0xb5: {  	[hbm4b:s7+s3] =	stream.indirect_vreg.scatter [tilespmem:s23], [sflag:$0x1], $0x80, v4, vm0, $0xb8;
	[tilespmem:$0x14100] =	vst v63  }
0xb6: {  	_ = 	snop  }
0xb7: {  	[hbm4b:s4+s3] =	stream.indirect_vreg.scatter [tilespmem:s25], [sflag:$0x1], $0x80, v3, vm0, $0xb8;
	[tilespmem:$0x14100] =	vst v63  }
0xb8: {  	_ = 	snop  }
0xb9: {  	[hbm4b:s5+s3] =	stream.indirect_vreg.scatter [tilespmem:s26], [sflag:$0x1], $0x80, v3, vm0, $0xb8;
	[tilespmem:$0x14100] =	vst v63  }
0xba: {  	_ = 	snop  }
0xbb: {  	[hbm4b:s6+s3] =	stream.indirect_vreg.scatter [tilespmem:s28], [sflag:$0x1], $0x80, v3, vm0, $0xb8;
	[tilespmem:$0x14100] =	vst v63  }
0xbc: {  	_ = 	snop  }
0xbd: {  	[hbm4b:s7+s3] =	stream.indirect_vreg.scatter [tilespmem:s29], [sflag:$0x1], $0x80, v3, vm0, $0xb8;
	[tilespmem:$0x14100] =	vst v63  }
0xbe: {  	v3 =	vld [tilespmem:$0x100B0];
	_ =	sdelay $0x4  }
0xbf: {  	v63 =	vshll.u32 v3, $0x3  }
0xc0: {  	v3 =	vand.u32 $0x7, v3;
	v4 =	vand.u32 $0xFFFFFFC0, v63  }
0xc1: {  	v3 =	vor.u32 v3, v4  }
0xc2: {  	v4 =	vperm.xlane v3, v0;
	_ =	sdelay $0x1  }
0xc3: {  	v4 =	vadd.s32 v1, v4;
	_ =	sdelay $0x3  }
0xc4: {  	s25 =	simm.s32 $0xC000  }
0xc5: {  	[hbm4b:s4+s3] =	stream.indirect_vreg.scatter [tilespmem:s25], [sflag:$0x1], $0x80, v4, vm0, $0xb8;
	[tilespmem:$0x14100] =	vst v63  }
0xc6: {  	s2 =	simm.s32 $0xC800;
	v3 =	vperm.xlane v3, v2  }
0xc7: {  	[hbm4b:s5+s3] =	stream.indirect_vreg.scatter [tilespmem:s2], [sflag:$0x1], $0x80, v4, vm0, $0xb8;
	[tilespmem:$0x14100] =	vst v63  }
0xc8: {  	s24 =	simm.s32 $0xD000;
	v3 =	vadd.s32 v1, v3  }
0xc9: {  	[hbm4b:s6+s3] =	stream.indirect_vreg.scatter [tilespmem:s24], [sflag:$0x1], $0x80, v4, vm0, $0xb8;
	[tilespmem:$0x14100] =	vst v63  }
0xca: {  	s25 =	simm.s32 $0xD800  }
0xcb: {  	[hbm4b:s7+s3] =	stream.indirect_vreg.scatter [tilespmem:s25], [sflag:$0x1], $0x80, v4, vm0, $0xb8;
	[tilespmem:$0x14100] =	vst v63  }
0xcc: {  	s2 =	simm.s32 $0xE000  }
0xcd: {  	[hbm4b:s4+s3] =	stream.indirect_vreg.scatter [tilespmem:s2], [sflag:$0x1], $0x80, v3, vm0, $0xb8;
	[tilespmem:$0x14100] =	vst v63  }
0xce: {  	s24 =	simm.s32 $0xE800  }
0xcf: {  	[hbm4b:s5+s3] =	stream.indirect_vreg.scatter [tilespmem:s24], [sflag:$0x1], $0x80, v3, vm0, $0xb8;
	[tilespmem:$0x14100] =	vst v63  }
0xd0: {  	s25 =	simm.s32 $0xF000  }
0xd1: {  	[hbm4b:s6+s3] =	stream.indirect_vreg.scatter [tilespmem:s25], [sflag:$0x1], $0x80, v3, vm0, $0xb8;
	[tilespmem:$0x14100] =	vst v63  }
0xd2: {  	s2 =	simm.s32 $0x10000  }
0xd3: {  	[hbm4b:s7+s3] =	stream.indirect_vreg.scatter [tilespmem:s0], [sflag:$0x1], $0x80, v3, vm0, $0xb8;
	[tilespmem:$0x14100] =	vst v63  }
0xd4: {  	s24 =	rddreg [dreg:$0x2];
	s25 =	simm.s32 $0x10100;
	s0 =	simm.s32 $0x40  }
0xd5: {  	[hbm4b:s24+s0] =	stream.indirect.scatter [tilespmem:s25], [sflag:$0x1], $0x80, s2, s0, $0xb8;
	[tilespmem:$0x14100] =	vst v63  }
0xd6: {  	s2 =	simm.s32 $0x10080;
	s25 =	simm.s32 $0x12100  }
0xd7: {  	[hbm4b:s24+s0] =	stream.indirect.scatter [tilespmem:s25], [sflag:$0x1], $0x80, s2, s0, $0xb8;
	[tilespmem:$0x14100] =	vst v63  }
0xd8: {  	_ =	swait.ge [sflag:s14], $0x10000  }
0xd9: {  	[sflag:s14] =	ssyncset.done $0x0  }
0xda: {  	[sflag:s14] =	ssyncadd.s32 $0xFFFF0000  }
0xdb: {  	_ =	swait.ge [sflag:s14], $0x10000  }
0xdc: {  	[sflag:s14] =	ssyncset.done $0x0  }
0xdd: {  	[sflag:s14] =	ssyncadd.s32 $0xFFFF0000  }
0xde: {  	p0 =	sne.s32 s8, $0x1;
	_ =	swait.ge [sflag:s14], $0x2000  }
.Ltmp0:
0xdf: {  	[sflag:s14] =	ssyncset.done $0x0;
	(pc) =	sbr.rel @p0 .LBB2_1-.Ltmp0, $4  }
0xe0: {  	[sflag:s14] =	ssyncadd.s32 $0xFFFFE000  }
0xe1: {  	_ =	swait.ge [sflag:s14], $0x2000  }
0xe2: {  	[sflag:s14] =	ssyncset.done $0x0  }
0xe3: {  	s8 =	sadd.s32 $0xFFFFFFFF, s8;
	[sflag:s14] =	ssyncadd.s32 $0xFFFFE000  }
0xe4: {  	_ =	sfence.sel $0x180000  }
0xe5: {  	[bflag:$0x0] =	sbarrier.arrive $0xFFFF  }
0xe6: {  	_ =	strace $0x90000047  }
0xe7: {  	s0 =	stileid.u32;
	[bflag:$0x2] =	sbarrier.arrive $0xFFFF  }
0xe8: {  	p0 =	sne.s32 s0, $0x0;
	s0 =	rddreg [dreg:$0x3]  }
0xe9: {  	s0 =	sadd.s32 @!p0 $0x100000, s0  }
0xea: {  	[sflag:s0] =	ssyncadd.tile.s32 @!p0 $0x1;
	_ =	shalt  }
.Lfunc_end2:
_tile_overlayer_lowered:
.L_overlay_start_2:
0xeb: {  	(tag) =	ssettag $0x2  }
0xec: {  	s0 =	rddreg [dreg:$0x0];
	s2 =	stileid.u32  }
0xed: {  	s1 =	rddreg [dreg:$0x1];
	p0 =	sne.s32 s2, $0x0  }
0xee: {  	s3 =	rddreg [dreg:$0x2];
	[bflag:$0x3] =	sbarrier.arrive $0xFFFF;
	s2 =	simm.s32 @!p0 $0x1C02  }
0xef: {  	[timem:s3], [sflag:s2] =	dma.local @!p0 [hbm:s0], s1  }
0xf0: {  	s0 =	simm.s32 @!p0 $0x2  }
0xf1: {  	_ =	swait.ge @!p0 [sflag:s0], s1  }
0xf2: {  	s1 =	ssub.s32 @!p0 $0x0, s1;
	[sflag:s0] =	ssyncset.done @!p0 $0x0  }
0xf3: {  	[sflag:s0] =	ssyncadd.s32 @!p0 s1  }
0xf4: {  	[bflag:$0x3] =	sbarrier.arrive $0xFFFF  }
0xf5: {  	_ =	shalt  }

// kernel: kernel.9.cloned.1.call-start
scs
__scs_entry_jumppad:
0x0: {  	(pc) =	sbr.rel $0x88, $3  }
0x1: {  	(tag) =	ssettag $0x0;
	lr =	simm.s32 $0x1  }
0x2: {  	[smem:$0x3F9D] =	sst lr;
	_ =	strace $0xD0000000  }
0x3: {  	_ = 	snop  }
0x4: {  	_ = 	snop  }
0x5: {  	_ = 	snop  }
0x6: {  	_ = 	snop  }
0x7: {  	_ = 	snop  }
__scs_overlays_trampoline_lowered:
0x8: {  	[smem:$0x3FAC] =	sst s0  }
0x9: {  	[smem:$0x3FAD] =	sst s1  }
0xa: {  	[smem:$0x3FAE] =	sst s2  }
0xb: {  	[smem:$0x3FAF] =	sst s3  }
0xc: {  	[smem:$0x3FB0] =	sst s4  }
0xd: {  	[smem:$0x3FB1] =	sst s5  }
0xe: {  	[smem:$0x3FB2] =	sst s6  }
0xf: {  	[smem:$0x3FB3] =	sst s7  }
0x10: {  	[smem:$0x3FB4] =	sst s8  }
0x11: {  	[smem:$0x3FB5] =	sst s9;
	s0 =	simm.s32 @!p0 $0x0  }
0x12: {  	s1 =	sld [smem:$0x3F9B];
	s0 =	simm.s32 @p0 $0x1  }
0x13: {  	[smem:$0x3FB6] =	sst s0;
	s0 =	simm.s32 @!p1 $0x0  }
0x14: {  	s2 =	sld [smem:$0x3F9A];
	s0 =	simm.s32 @p1 $0x1  }
0x15: {  	[smem:$0x3FB7] =	sst s0;
	s0 =	simm.s32 @!p2 $0x0  }
0x16: {  	s3 =	sld [smem:$0x3FDB];
	s0 =	simm.s32 @p2 $0x1  }
0x17: {  	s4 =	simm.s32 $0x1BF5;
	[smem:$0x3FB9] =	sst s0  }
0x18: {  	s0 =	sld [smem:$0x3F9C];
	_ =	swait.ge [sflag:s4], $0x0  }
0x19: {  	s7 =	sld [smem:$0x3F9D]  }
0x1a: {  	s8 =	sadd.s32 $0xFFFFE003, lr  }
0x1b: {  	s9 =	sadd.s32 $0xFFFFFEF7, lr;
	s5 =	simm.s32 $0xFFFFFFFF;
	p2 =	slt.u32 s8, $0xFFFFF086  }
0x1c: {  	p1 =	slt.u32 s9, $0xF7A;
	s5 =	simm.s32 @!p2 $0x0  }
0x1d: {  	s5 =	simm.s32 @p1 $0x1;
	p0 =	seq.s32 s7, s2  }
0x1e: {  	s7 =	smul.u32 @!p0 $0xF7A, s2;
	p2 =	seq.s32 @!p0 s5, $0x0  }
0x1f: {  	s9 =	smul.u32 $0xF7A, s1;
	s8 =	simm.s32 @!p0 $0x1BF5;
	p2 =	por !p2, p0  }
0x20: {  	[sflag:s8] =	ssyncset.s32 @!p0 $0xFFFFF086;
	s6 =	sadd.s32 @!p0 s3, s7;
	s7 =	simm.s32 @!p0 $0x108  }
0x21: {  	s3 =	sadd.s32 s3, s9;
	s6 =	sadd.s32 @!p0 $0x88, s6;
	s7 =	simm.s32 @p2 $0x1082  }
0x22: {  	[simem:s7], [sflag:s8] =	dma.local @!p0 [hbm:s6], $0xF7A  }
0x23: {  	s9 =	sor.u32 $0xD0000000, s2;
	s6 =	simm.s32 $0x108;
	_ =	swait.ge @!p0 [sflag:s8], $0x0  }
0x24: {  	s3 =	sadd.s32 $0x88, s3;
	s6 =	simm.s32 @!p1 $0x1082;
	[sflag:s4] =	ssyncset.s32 $0xFFFFF086  }
0x25: {  	[simem:s6], [sflag:s4] =	dma.local [hbm:s3], $0xF7A  }
0x26: {  	[smem:$0x3F9D] =	sst s1;
	(tag) =	ssettag s2;
	_ =	strace s9  }
0x27: {  	s1 =	sld [smem:$0x3FAD]  }
0x28: {  	s2 =	sld [smem:$0x3FAE]  }
0x29: {  	s4 =	sld [smem:$0x3FB0]  }
0x2a: {  	p0 =	seq.s32 s5, $0x0;
	s5 =	sld [smem:$0x3FB1]  }
0x2b: {  	s6 =	sld [smem:$0x3FB2]  }
0x2c: {  	s7 =	sld [smem:$0x3FB3]  }
0x2d: {  	s3 =	simm.s32 $0x108;
	s8 =	sld [smem:$0x3FB4]  }
0x2e: {  	s3 =	simm.s32 @!p0 $0x1082;
	s9 =	sld [smem:$0x3FB5]  }
0x2f: {  	lr =	sadd.s32 s0, s3;
	s0 =	sld [smem:$0x3FAC]  }
0x30: {  	s3 =	sld [smem:$0x3FAF]  }
0x31: {  	[smem:$0x3FB8] =	sst s10  }
0x32: {  	s10 =	sld [smem:$0x3FB6];
	_ =	sdelay $0x3  }
0x33: {  	p0 =	seq.s32 s10, $0x1;
	s10 =	sld [smem:$0x3FB8];
	_ =	sdelay $0x3  }
0x34: {  	[smem:$0x3FB8] =	sst s10  }
0x35: {  	s10 =	sld [smem:$0x3FB7];
	_ =	sdelay $0x3  }
0x36: {  	p1 =	seq.s32 s10, $0x1;
	s10 =	sld [smem:$0x3FB8];
	_ =	sdelay $0x3  }
0x37: {  	[smem:$0x3FB8] =	sst s10  }
0x38: {  	s10 =	sld [smem:$0x3FB9]  }
0x39: {  	_ = 	snop;
	(pc) =	sbr.ind lr, $3  }
0x3a: {  	_ = 	snop  }
0x3b: {  	_ = 	snop  }
0x3c: {  	p2 =	seq.s32 s10, $0x1;
	s10 =	sld [smem:$0x3FB8]  }
0x3d: {  	_ =	shalt  }
0x3e: {  	_ =	shalt  }
0x3f: {  	_ =	shalt  }
0x40: {  	_ =	shalt  }
0x41: {  	_ =	shalt  }
0x42: {  	_ =	shalt  }
0x43: {  	_ =	shalt  }
0x44: {  	_ =	shalt  }
0x45: {  	_ =	shalt  }
0x46: {  	_ =	shalt  }
0x47: {  	_ =	shalt  }
0x48: {  	_ =	shalt  }
0x49: {  	_ =	shalt  }
0x4a: {  	_ =	shalt  }
0x4b: {  	_ =	shalt  }
0x4c: {  	_ =	shalt  }
0x4d: {  	_ =	shalt  }
0x4e: {  	_ =	shalt  }
0x4f: {  	_ =	shalt  }
0x50: {  	_ =	shalt  }
0x51: {  	_ =	shalt  }
0x52: {  	_ =	shalt  }
0x53: {  	_ =	shalt  }
0x54: {  	_ =	shalt  }
0x55: {  	_ =	shalt  }
0x56: {  	_ =	shalt  }
0x57: {  	_ =	shalt  }
0x58: {  	_ =	shalt  }
0x59: {  	_ =	shalt  }
0x5a: {  	_ =	shalt  }
0x5b: {  	_ =	shalt  }
0x5c: {  	_ =	shalt  }
0x5d: {  	_ =	shalt  }
0x5e: {  	_ =	shalt  }
0x5f: {  	_ =	shalt  }
0x60: {  	_ =	shalt  }
0x61: {  	_ =	shalt  }
0x62: {  	_ =	shalt  }
0x63: {  	_ =	shalt  }
0x64: {  	_ =	shalt  }
0x65: {  	_ =	shalt  }
0x66: {  	_ =	shalt  }
0x67: {  	_ =	shalt  }
0x68: {  	_ =	shalt  }
0x69: {  	_ =	shalt  }
0x6a: {  	_ =	shalt  }
0x6b: {  	_ =	shalt  }
0x6c: {  	_ =	shalt  }
0x6d: {  	_ =	shalt  }
0x6e: {  	_ =	shalt  }
0x6f: {  	_ =	shalt  }
0x70: {  	_ =	shalt  }
0x71: {  	_ =	shalt  }
0x72: {  	_ =	shalt  }
0x73: {  	_ =	shalt  }
0x74: {  	_ =	shalt  }
0x75: {  	_ =	shalt  }
0x76: {  	_ =	shalt  }
0x77: {  	_ =	shalt  }
0x78: {  	_ =	shalt  }
0x79: {  	_ =	shalt  }
0x7a: {  	_ =	shalt  }
0x7b: {  	_ =	shalt  }
0x7c: {  	_ =	shalt  }
0x7d: {  	_ =	shalt  }
0x7e: {  	_ =	shalt  }
0x7f: {  	_ =	shalt  }
0x80: {  	_ =	shalt  }
0x81: {  	_ =	shalt  }
0x82: {  	_ =	shalt  }
0x83: {  	_ =	shalt  }
0x84: {  	_ =	shalt  }
0x85: {  	_ =	shalt  }
0x86: {  	_ =	shalt  }
0x87: {  	_ =	shalt  }
.Lfunc_end0:
.L_simem_size_0:
called_computation.1_lowered:
.L_overlay_start_0:
0x88: {  	s2 =	sld [smem:$0x3FD9]  }
0x89: {  	s3 =	sld [smem:$0x3FFE];
	_ =	sdelay $0x1  }
0x8a: {  	s1 =	srdreg.scid  }
0x8b: {  	s0 =	sand.u32 $0x1, s1  }
0x8c: {  	s14 =	sshll.u32 s0, $0xA;
	s2 =	sadd.s32 s3, s2  }
0x8d: {  	s2 =	sadd.s32 s2, s14  }
0x8e: {  	[smem:$0x3FC4] =	sst s2  }
0x8f: {  	_ = 	snop  }
0x90: {  	s2 =	sld [smem:$0x3FD0];
	_ =	sdelay $0x2  }
0x91: {  	s15 =	simm.s32 $0xA;
	s4 =	simm.s32 $0x10  }
0x92: {  	[smem:s4], [sflag:s15] =	dma.local [hbm:s2], $0x1  }
0x93: {  	_ =	swait.eq [sflag:s15], $0x1  }
0x94: {  	[sflag:s15] =	ssyncset.done $0x0  }
0x95: {  	[sflag:s15] =	ssyncadd.s32 $0xFFFFFFFF  }
0x96: {  	s16 =	sld [smem:$0x10];
	(tm) =	ssettm $0x1  }
0x97: {  	s17 =	sld [smem:$0x3FFB];
	_ =	sdelay $0x3  }
0x98: {  	_ =	strace s17  }
0x99: {  	s3 =	sld [smem:$0x3FFC];
	_ =	sdelay $0x3  }
0x9a: {  	_ =	strace s3  }
0x9b: {  	s3 =	sld [smem:$0x3FFD];
	_ =	sdelay $0x3  }
0x9c: {  	_ =	strace s3  }
0x9d: {  	_ =	strace $0x8FFFFFFF  }
0x9e: {  	s18 =	sld [smem:$0x3FDB];
	_ =	sdelay $0x1  }
0x9f: {  	s19 =	simm.s32 $_scs_section_size  }
0xa0: {  	s5 =	simm.s32 $_size__tile_overlayer_lowered;
	s6 =	simm.s32 $_tile_overlayer_lowered  }
0xa1: {  	s22 =	simm.s32 $0x1BFF;
	s21 =	sshll.u32 s6, $0x1;
	s3 =	sadd.s32 s19, s18  }
0xa2: {  	s7 =	simm.s32 $0x0;
	s20 =	sshll.u32 s5, $0x1;
	s5 =	sadd.s32 s21, s3  }
0xa3: {  	[timem:s7], [sflag:s22] =	dma.local [hbm:s5], s20  }
0xa4: {  	_ =	swait.ge [sflag:s22], s20  }
0xa5: {  	s4 =	ssub.s32 $0x0, s20;
	[sflag:s22] =	ssyncset.done $0x0  }
0xa6: {  	[sflag:s22] =	ssyncadd.s32 s4;
	_ =	sdelay $0x1  }
0xa7: {  	s23 =	simm.s32 $0x1B8B  }
0xa8: {  	_ =	swait.ge [sflag:s23], $0x1  }
0xa9: {  	[sflag:s23] =	ssyncset.done $0x0  }
0xaa: {  	s25 =	simm.s32 $0x1B8E;
	s24 =	sld [smem:$0x3FFE];
	[sflag:s23] =	ssyncadd.s32 $0xFFFFFFFF  }
0xab: {  	s26 =	simm.s32 $execute0_lowered;
	[smem:$0x3FD2] =	sst s25  }
0xac: {  	s5 =	sshll.u32 s26, $0x1;
	_ =	strace $0x80000049;
	[dreg:$0x1] =	wrdreg $0xFFFFFFFF  }
0xad: {  	s28 =	simm.s32 $_size_execute0_lowered;
	s3 =	sadd.s32 s3, s5;
	[dreg:$0x0] =	wrdreg $0x0  }
0xae: {  	s5 =	sshll.u32 s28, $0x1;
	[dreg:$0x2] =	wrdreg s3  }
0xaf: {  	[dreg:$0x3] =	wrdreg s5  }
0xb0: {  	[dreg:$0x4] =	wrdreg $0xC0  }
0xb1: {  	_ =	task [dreg:s7], $0x5FFFF  }
0xb2: {  	[dreg:$0x1] =	wrdreg $0xFFFFFFFF  }
0xb3: {  	[dreg:$0x0] =	wrdreg $0x60  }
0xb4: {  	[dreg:$0x2] =	wrdreg s24  }
0xb5: {  	[dreg:$0x3] =	wrdreg s16  }
0xb6: {  	[dreg:$0x4] =	wrdreg $0x9  }
0xb7: {  	_ =	task.clear_ibuf [dreg:s7], $0x5FFFF;
	_ =	strace $0x90000049  }
0xb8: {  	s29 =	simm.s32 $0x9;
	_ =	strace $0x8000004B  }
0xb9: {  	_ =	swait.ge [sflag:s29], $0x1  }
0xba: {  	[sflag:s29] =	ssyncadd.s32 $0xFFFFFFFF  }
0xbb: {  	_ =	strace $0x9000004B  }
0xbc: {  	_ =	sfence  }
0xbd: {  	s30 =	sld [smem:$0x0];
	_ =	sdelay $0x2  }
0xbe: {  	s31 =	sshll.u32 s1, $0xD;
	s1 =	sshrl.u32 s1, $0x2  }
0xbf: {  	s3 =	sand.u32 $0x4000, s31;
	s1 =	sadd.s32 s1, s30  }
0xc0: {  	s0 =	sor.u32 s3, s0;
	s1 =	sshll.u32 s1, $0x11  }
0xc1: {  	s0 =	sor.u32 s1, s0  }
0xc2: {  	s0 =	sadd.s32 $0x8F2B, s0  }
0xc3: {  	[sflag:s0] =	ssyncadd.remote.s32 $0x1  }
0xc4: {  	_ =	sfence.sel $0xFFFF  }
0xc5: {  	[dreg:$0x0] =	wrdreg $0xFFFFFFFF;
	(pc) =	sbr.abs _section_cstart, $3  }
0xc6: {  	[dreg:$0x1] =	wrdreg $0xFFFFFFFF  }
0xc7: {  	_ =	task.clear_ibuf [dreg:s7], $0x2FFFF;
	_ =	strace $0x9FFFFFFF  }
0xc8: {  	(tm) =	ssettm $0x7FFFFFFF  }
0xc9: {  	_ =	shalt  }
tec
execute0_lowered:
.L_overlay_start_1:
0x0: {  	(tag) =	ssettag $0x1  }
0x1: {  	s0 =	rddreg [dreg:$0x0]  }
0x2: {  	s1 =	rddreg [dreg:$0x1]  }
0x3: {  	s2 =	srdreg.scid;
	s4 =	stileid.u32  }
0x4: {  	s15 =	simm.s32 $0x3;
	s17 =	simm.s32 $0x9800;
	s18 =	simm.s32 $0xA000  }
0x5: {  	s19 =	simm.s32 $0xA800;
	s20 =	simm.s32 $0xB000;
	s28 =	simm.s32 $0xF800  }
0x6: {  	s29 =	simm.s32 $0x1;
	s30 =	simm.s32 $0x2;
	s31 =	simm.s32 $0x0  }
0x7: {  	s3 =	sand.u32 $0x1, s2;
	s2 =	simm.s32 $0x0;
	s4 =	sshll.u32 s4, $0x7  }
0x8: {  	s9 =	sadd.s32 $0x120300, s0;
	s5 =	sshll.u32 s3, $0x6;
	[smem:$0x7FF] =	sst s2  }
0x9: {  	s21 =	ssub.s32 $0x2, s3;
	s3 =	sadd.s32 $0x120000, s0;
	s4 =	sor.u32 s5, s4  }
0xa: {  	_ =	strace $0x8000004A;
	s7 =	sshrl.u32 s21, $0x1;
	s6 =	sshrl.u32 s4, $0x3  }
0xb: {  	s5 =	ssub.s32 s21, s7;
	s4 =	sshll.u32 s4, $0x7;
	s7 =	sadd.s32 $0x120200, s0  }
0xc: {  	s21 =	simm.s32 $0xB800;
	s6 =	sadd.s32 s6, s0;
	s26 =	smax.u32 s5, $0x1  }
0xd: {  	s8 =	sadd.s32 s1, s4;
	s22 =	sadd.s32 $0x11E00, s6;
	[dreg:$0x8] =	wrdreg s26  }
0xe: {  	s1 =	simm.s32 $0x8000;
	s6 =	sadd.s32 $0x11C00, s6;
	[dreg:$0x3] =	wrdreg s22  }
0xf: {  	s4 =	simm.s32 $0xD800;
	s23 =	sadd.s32 $0x800, s8;
	[dreg:$0x4] =	wrdreg s6  }
0x10: {  	s5 =	simm.s32 $0xE800;
	s24 =	sadd.s32 $0x1000, s8;
	[dreg:$0x5] =	wrdreg s23  }
0x11: {  	v2 =	vlaneseq.u32;
	s25 =	sadd.s32 $0x1800, s8;
	s26 =	simm.s32 $0xF000;
	[dreg:$0x6] =	wrdreg s24  }
0x12: {  	vm0 =	vmmov $0xffff;
	v1 =	vshrl.u32 v2, $0x3;
	s6 =	sadd.s32 $0x120100, s0;
	[dreg:$0x7] =	wrdreg s25;
	s22 =	simm.s32 $0xC000  }
0x13: {  	v0 =	vand.u32 $0x7, v2;
	v2 =	vor.u32 $0x8, v2;
	v1 =	vmul.u32 $0x8, v1;
	s23 =	simm.s32 $0xC800;
	s24 =	simm.s32 $0xD000;
	s25 =	simm.s32 $0xE000  }
.LBB2_1:
0x14: {  	s0 =	rddreg [dreg:$0x3];
	s10 =	simm.s32 $0x10000  }
0x15: {  	[tilespmem:s10], [sflag:$0x3] =	stream.linear.gather [hbm4b:s0+s2], $0x40, $0x38;
	[tilespmem:$0x10100] =	vst v63  }
0x16: {  	_ =	swait.ge [sflag:s15], $0x40  }
0x17: {  	[sflag:s15] =	ssyncset.done $0x0  }
0x18: {  	s16 =	simm.s32 $0x10080;
	s14 =	rddreg [dreg:$0x4];
	[sflag:s15] =	ssyncadd.s32 $0xFFFFFFC0  }
0x19: {  	[tilespmem:s16], [sflag:$0x3] =	stream.linear.gather [hbm4b:s14+s2], $0x40, $0x38;
	[tilespmem:$0x10100] =	vst v63  }
0x1a: {  	_ =	swait.ge [sflag:s15], $0x40  }
0x1b: {  	[sflag:s15] =	ssyncset.done $0x0  }
0x1c: {  	[sflag:s15] =	ssyncadd.s32 $0xFFFFFFC0  }
0x1d: {  	v3 =	vld [tilespmem:$0x10000];
	_ =	sdelay $0x4  }
0x1e: {  	v4 =	vshll.u32 v3, $0x3  }
0x1f: {  	v3 =	vand.u32 $0x7, v3;
	v4 =	vand.u32 $0xFFFFFFC0, v4  }
0x20: {  	v3 =	vor.u32 v3, v4  }
0x21: {  	v4 =	vperm.xlane v3, v0;
	_ =	sdelay $0x1  }
0x22: {  	v4 =	vadd.s32 v1, v4;
	_ =	sdelay $0x4  }
0x23: {  	[tilespmem:s2], [sflag:$0x1] =	stream.indirect_vreg.gather [hbm4b:s3+s2], $0x80, v4, vm0, $0xb8;
	[tilespmem:$0x10100] =	vst v63  }
0x24: {  	s11 =	simm.s32 $0x800;
	v3 =	vperm.xlane v3, v2  }
0x25: {  	[tilespmem:s11], [sflag:$0x1] =	stream.indirect_vreg.gather [hbm4b:s6+s2], $0x80, v4, vm0, $0xb8;
	[tilespmem:$0x10100] =	vst v63  }
0x26: {  	s12 =	simm.s32 $0x1000;
	v3 =	vadd.s32 v1, v3  }
0x27: {  	[tilespmem:s12], [sflag:$0x1] =	stream.indirect_vreg.gather [hbm4b:s7+s2], $0x80, v4, vm0, $0xb8;
	[tilespmem:$0x10100] =	vst v63  }
0x28: {  	s13 =	simm.s32 $0x1800  }
0x29: {  	[tilespmem:s13], [sflag:$0x1] =	stream.indirect_vreg.gather [hbm4b:s9+s2], $0x80, v4, vm0, $0xb8;
	[tilespmem:$0x10100] =	vst v63  }
0x2a: {  	s14 =	simm.s32 $0x2000  }
0x2b: {  	[tilespmem:s14], [sflag:$0x1] =	stream.indirect_vreg.gather [hbm4b:s3+s2], $0x80, v3, vm0, $0xb8;
	[tilespmem:$0x10100] =	vst v63  }
0x2c: {  	s16 =	simm.s32 $0x2800  }
0x2d: {  	[tilespmem:s16], [sflag:$0x1] =	stream.indirect_vreg.gather [hbm4b:s6+s2], $0x80, v3, vm0, $0xb8;
	[tilespmem:$0x10100] =	vst v63  }
0x2e: {  	s10 =	simm.s32 $0x3000  }
0x2f: {  	[tilespmem:s10], [sflag:$0x1] =	stream.indirect_vreg.gather [hbm4b:s7+s2], $0x80, v3, vm0, $0xb8;
	[tilespmem:$0x10100] =	vst v63  }
0x30: {  	s11 =	simm.s32 $0x3800  }
0x31: {  	[tilespmem:s11], [sflag:$0x1] =	stream.indirect_vreg.gather [hbm4b:s9+s2], $0x80, v3, vm0, $0xb8;
	[tilespmem:$0x10100] =	vst v63  }
0x32: {  	v3 =	vld [tilespmem:$0x10080];
	_ =	sdelay $0x4  }
0x33: {  	v61 =	vshll.u32 v3, $0x3  }
0x34: {  	v3 =	vand.u32 $0x7, v3;
	v4 =	vand.u32 $0xFFFFFFC0, v61  }
0x35: {  	v3 =	vor.u32 v3, v4  }
0x36: {  	v4 =	vperm.xlane v3, v0;
	_ =	sdelay $0x1  }
0x37: {  	v4 =	vadd.s32 v1, v4;
	_ =	sdelay $0x3  }
0x38: {  	s12 =	simm.s32 $0x4000  }
0x39: {  	[tilespmem:s12], [sflag:$0x1] =	stream.indirect_vreg.gather [hbm4b:s3+s2], $0x80, v4, vm0, $0xb8;
	[tilespmem:$0x10100] =	vst v63  }
0x3a: {  	s13 =	simm.s32 $0x4800;
	v3 =	vperm.xlane v3, v2  }
0x3b: {  	[tilespmem:s13], [sflag:$0x1] =	stream.indirect_vreg.gather [hbm4b:s6+s2], $0x80, v4, vm0, $0xb8;
	[tilespmem:$0x10100] =	vst v63  }
0x3c: {  	s14 =	simm.s32 $0x5000;
	v3 =	vadd.s32 v1, v3  }
0x3d: {  	[tilespmem:s14], [sflag:$0x1] =	stream.indirect_vreg.gather [hbm4b:s7+s2], $0x80, v4, vm0, $0xb8;
	[tilespmem:$0x10100] =	vst v63  }
0x3e: {  	s16 =	simm.s32 $0x5800  }
0x3f: {  	[tilespmem:s16], [sflag:$0x1] =	stream.indirect_vreg.gather [hbm4b:s9+s2], $0x80, v4, vm0, $0xb8;
	[tilespmem:$0x10100] =	vst v63  }
0x40: {  	s10 =	simm.s32 $0x6000  }
0x41: {  	[tilespmem:s10], [sflag:$0x1] =	stream.indirect_vreg.gather [hbm4b:s3+s2], $0x80, v3, vm0, $0xb8;
	[tilespmem:$0x10100] =	vst v63  }
0x42: {  	s11 =	simm.s32 $0x6800  }
0x43: {  	[tilespmem:s11], [sflag:$0x1] =	stream.indirect_vreg.gather [hbm4b:s6+s2], $0x80, v3, vm0, $0xb8;
	[tilespmem:$0x10100] =	vst v63  }
0x44: {  	s12 =	simm.s32 $0x7000  }
0x45: {  	[tilespmem:s12], [sflag:$0x1] =	stream.indirect_vreg.gather [hbm4b:s7+s2], $0x80, v3, vm0, $0xb8;
	[tilespmem:$0x10100] =	vst v63  }
0x46: {  	s13 =	simm.s32 $0x7800  }
0x47: {  	[tilespmem:s13], [sflag:$0x1] =	stream.indirect_vreg.gather [hbm4b:s9+s2], $0x80, v3, vm0, $0xb8;
	[tilespmem:$0x10100] =	vst v63  }
0x48: {  	v3 =	vld [tilespmem:$0x10010];
	_ =	sdelay $0x4  }
0x49: {  	v62 =	vshll.u32 v3, $0x3  }
0x4a: {  	v3 =	vand.u32 $0x7, v3;
	v4 =	vand.u32 $0xFFFFFFC0, v62  }
0x4b: {  	v3 =	vor.u32 v3, v4  }
0x4c: {  	v4 =	vperm.xlane v3, v0;
	_ =	sdelay $0x1  }
0x4d: {  	v4 =	vadd.s32 v1, v4;
	_ =	sdelay $0x4  }
0x4e: {  	[tilespmem:s1], [sflag:$0x2] =	stream.indirect_vreg.gather [hbm4b:s3+s2], $0x80, v4, vm0, $0xb8;
	[tilespmem:$0x10100] =	vst v63  }
0x4f: {  	s14 =	simm.s32 $0x8800;
	v3 =	vperm.xlane v3, v2  }
0x50: {  	[tilespmem:s14], [sflag:$0x2] =	stream.indirect_vreg.gather [hbm4b:s6+s2], $0x80, v4, vm0, $0xb8;
	[tilespmem:$0x10100] =	vst v63  }
0x51: {  	s16 =	simm.s32 $0x9000;
	v3 =	vadd.s32 v1, v3  }
0x52: {  	[tilespmem:s16], [sflag:$0x2] =	stream.indirect_vreg.gather [hbm4b:s7+s2], $0x80, v4, vm0, $0xb8;
	[tilespmem:$0x10100] =	vst v63  }
0x53: {  	_ = 	snop  }
0x54: {  	[tilespmem:s17], [sflag:$0x2] =	stream.indirect_vreg.gather [hbm4b:s9+s2], $0x80, v4, vm0, $0xb8;
	[tilespmem:$0x10100] =	vst v63  }
0x55: {  	_ = 	snop  }
0x56: {  	[tilespmem:s18], [sflag:$0x2] =	stream.indirect_vreg.gather [hbm4b:s3+s2], $0x80, v3, vm0, $0xb8;
	[tilespmem:$0x10100] =	vst v63  }
0x57: {  	_ = 	snop  }
0x58: {  	[tilespmem:s19], [sflag:$0x2] =	stream.indirect_vreg.gather [hbm4b:s6+s2], $0x80, v3, vm0, $0xb8;
	[tilespmem:$0x10100] =	vst v63  }
0x59: {  	_ = 	snop  }
0x5a: {  	[tilespmem:s20], [sflag:$0x2] =	stream.indirect_vreg.gather [hbm4b:s7+s2], $0x80, v3, vm0, $0xb8;
	[tilespmem:$0x10100] =	vst v63  }
0x5b: {  	_ = 	snop  }
0x5c: {  	[tilespmem:s21], [sflag:$0x2] =	stream.indirect_vreg.gather [hbm4b:s9+s2], $0x80, v3, vm0, $0xb8;
	[tilespmem:$0x10100] =	vst v63  }
0x5d: {  	v3 =	vld [tilespmem:$0x10090];
	_ =	sdelay $0x4  }
0x5e: {  	v63 =	vshll.u32 v3, $0x3  }
0x5f: {  	v3 =	vand.u32 $0x7, v3;
	v4 =	vand.u32 $0xFFFFFFC0, v63  }
0x60: {  	v3 =	vor.u32 v3, v4  }
0x61: {  	v4 =	vperm.xlane v3, v0;
	_ =	sdelay $0x1  }
0x62: {  	v4 =	vadd.s32 v1, v4;
	_ =	sdelay $0x4  }
0x63: {  	[tilespmem:s22], [sflag:$0x2] =	stream.indirect_vreg.gather [hbm4b:s3+s2], $0x80, v4, vm0, $0xb8;
	[tilespmem:$0x10100] =	vst v63  }
0x64: {  	v3 =	vperm.xlane v3, v2  }
0x65: {  	[tilespmem:s23], [sflag:$0x2] =	stream.indirect_vreg.gather [hbm4b:s6+s2], $0x80, v4, vm0, $0xb8;
	[tilespmem:$0x10100] =	vst v63  }
0x66: {  	v3 =	vadd.s32 v1, v3  }
0x67: {  	[tilespmem:s24], [sflag:$0x2] =	stream.indirect_vreg.gather [hbm4b:s7+s2], $0x80, v4, vm0, $0xb8;
	[tilespmem:$0x10100] =	vst v63  }
0x68: {  	_ = 	snop  }
0x69: {  	[tilespmem:s4], [sflag:$0x2] =	stream.indirect_vreg.gather [hbm4b:s9+s2], $0x80, v4, vm0, $0xb8;
	[tilespmem:$0x10100] =	vst v63  }
0x6a: {  	_ = 	snop  }
0x6b: {  	[tilespmem:s25], [sflag:$0x2] =	stream.indirect_vreg.gather [hbm4b:s3+s2], $0x80, v3, vm0, $0xb8;
	[tilespmem:$0x10100] =	vst v63  }
0x6c: {  	_ = 	snop  }
0x6d: {  	[tilespmem:s5], [sflag:$0x2] =	stream.indirect_vreg.gather [hbm4b:s6+s2], $0x80, v3, vm0, $0xb8;
	[tilespmem:$0x10100] =	vst v63  }
0x6e: {  	_ = 	snop  }
0x6f: {  	[tilespmem:s26], [sflag:$0x2] =	stream.indirect_vreg.gather [hbm4b:s7+s2], $0x80, v3, vm0, $0xb8;
	[tilespmem:$0x10100] =	vst v63  }
0x70: {  	_ = 	snop  }
0x71: {  	[tilespmem:s28], [sflag:$0x2] =	stream.indirect_vreg.gather [hbm4b:s9+s2], $0x80, v3, vm0, $0xb8;
	[tilespmem:$0x10100] =	vst v63  }
0x72: {  	_ =	swait.ge [sflag:s29], $0x4000  }
0x73: {  	[sflag:s29] =	ssyncset.done $0x0  }
0x74: {  	[sflag:s29] =	ssyncadd.s32 $0xFFFFC000  }
0x75: {  	_ =	swait.ge [sflag:s29], $0x4000  }
0x76: {  	s0 =	simm.s32 $0xFFFFC000;
	s10 =	simm.s32 $0x0;
	[sflag:s29] =	ssyncset.done $0x0  }
0x77: {  	s11 =	simm.s32 $0x0;
	s14 =	simm.s32 $0x0;
	[sflag:s29] =	ssyncadd.s32 $0xFFFFC000  }
.LBB2_2:
0x78: {  	s12 =	sadd.s32 $0x4000, s0  }
0x79: {  	s16 =	sand.u32 $0x380, s14;
	s12 =	sand.u32 $0x2000, s12  }
0x7a: {  	s12 =	sor.u32 s16, s12  }
0x7b: {  	v3 =	vld [tilespmem:s12+$0x0]  }
0x7c: {  	v4 =	vld [tilespmem:s12+$0x4000]  }
0x7d: {  	v5 =	vld [tilespmem:s12+$0x10]  }
0x7e: {  	v6 =	vld [tilespmem:s12+$0x4010]  }
0x7f: {  	v7 =	vld [tilespmem:s12+$0x20]  }
0x80: {  	v8 =	vld [tilespmem:s12+$0x4020]  }
0x81: {  	v9 =	vld [tilespmem:s12+$0x30]  }
0x82: {  	v10 =	vld [tilespmem:s12+$0x4030]  }
0x83: {  	v11 =	vld [tilespmem:s12+$0x40]  }
0x84: {  	v12 =	vld [tilespmem:s12+$0x4040]  }
0x85: {  	v13 =	vld [tilespmem:s12+$0x50]  }
0x86: {  	v14 =	vld [tilespmem:s12+$0x4050]  }
0x87: {  	v15 =	vld [tilespmem:s12+$0x60]  }
0x88: {  	v16 =	vld [tilespmem:s12+$0x4060]  }
0x89: {  	v17 =	vld [tilespmem:s12+$0x70]  }
0x8a: {  	v18 =	vld [tilespmem:s12+$0x4070]  }
0x8b: {  	v19 =	vld [tilespmem:s12+$0x400]  }
0x8c: {  	v20 =	vld [tilespmem:s12+$0x4400]  }
0x8d: {  	v21 =	vld [tilespmem:s12+$0x410]  }
0x8e: {  	v22 =	vld [tilespmem:s12+$0x4410]  }
0x8f: {  	v23 =	vld [tilespmem:s12+$0x420]  }
0x90: {  	v24 =	vld [tilespmem:s12+$0x4420]  }
0x91: {  	v25 =	vld [tilespmem:s12+$0x430]  }
0x92: {  	v26 =	vld [tilespmem:s12+$0x4430]  }
0x93: {  	v27 =	vld [tilespmem:s12+$0x440]  }
0x94: {  	v28 =	vld [tilespmem:s12+$0x4440]  }
0x95: {  	v29 =	vld [tilespmem:s12+$0x450]  }
0x96: {  	v30 =	vld [tilespmem:s12+$0x4450]  }
0x97: {  	v31 =	vld [tilespmem:s12+$0x460]  }
0x98: {  	v32 =	vld [tilespmem:s12+$0x4460]  }
0x99: {  	v33 =	vld [tilespmem:s12+$0x470]  }
0x9a: {  	v34 =	vld [tilespmem:s12+$0x4470]  }
0x9b: {  	v35 =	vld [tilespmem:s12+$0x800]  }
0x9c: {  	v36 =	vld [tilespmem:s12+$0x4800]  }
0x9d: {  	v37 =	vld [tilespmem:s12+$0x810]  }
0x9e: {  	v38 =	vld [tilespmem:s12+$0x4810]  }
0x9f: {  	v39 =	vld [tilespmem:s12+$0x820]  }
0xa0: {  	v40 =	vld [tilespmem:s12+$0x4820]  }
0xa1: {  	v41 =	vld [tilespmem:s12+$0x830]  }
0xa2: {  	v42 =	vld [tilespmem:s12+$0x4830]  }
0xa3: {  	v43 =	vld [tilespmem:s12+$0x840]  }
0xa4: {  	v44 =	vld [tilespmem:s12+$0x4840]  }
0xa5: {  	v45 =	vld [tilespmem:s12+$0x850]  }
0xa6: {  	v46 =	vld [tilespmem:s12+$0x4850]  }
0xa7: {  	v47 =	vld [tilespmem:s12+$0x860]  }
0xa8: {  	v48 =	vld [tilespmem:s12+$0x4860]  }
0xa9: {  	v49 =	vld [tilespmem:s12+$0x870]  }
0xaa: {  	v50 =	vld [tilespmem:s12+$0x4870]  }
0xab: {  	v51 =	vld [tilespmem:s12+$0xC00]  }
0xac: {  	v52 =	vld [tilespmem:s12+$0x4C00]  }
0xad: {  	v53 =	vld [tilespmem:s12+$0xC10]  }
0xae: {  	v54 =	vld [tilespmem:s12+$0x4C10]  }
0xaf: {  	v55 =	vld [tilespmem:s12+$0xC20]  }
0xb0: {  	v56 =	vld [tilespmem:s12+$0x4C20]  }
0xb1: {  	v57 =	vld [tilespmem:s12+$0xC30]  }
0xb2: {  	v58 =	vld [tilespmem:s12+$0x4C30]  }
0xb3: {  	v59 =	vld [tilespmem:s12+$0xC40]  }
0xb4: {  	v60 =	vld [tilespmem:s12+$0x4C40]  }
0xb5: {  	v61 =	vld [tilespmem:s12+$0xC50]  }
0xb6: {  	v62 =	vld [tilespmem:s12+$0x4C50]  }
0xb7: {  	v63 =	vld [tilespmem:s12+$0xC60]  }
0xb8: {  	v3 =	vadd.f32 v4, v3;
	v4 =	vld [tilespmem:s12+$0x4C60]  }
0xb9: {  	v5 =	vadd.f32 v6, v5;
	v6 =	vld [tilespmem:s12+$0xC70]  }
0xba: {  	v14 =	vadd.f32 v14, v13;
	v13 =	vld [tilespmem:s12+$0x5020];
	[tilespmem:s12+$0x0] =	vst v3;
	v3 =	vadd.f32 v8, v7  }
0xbb: {  	v18 =	vadd.f32 v18, v17;
	v17 =	vld [tilespmem:s12+$0x5040];
	[tilespmem:s12+$0x10] =	vst v5  }
0xbc: {  	v22 =	vadd.f32 v22, v21;
	v21 =	vld [tilespmem:s12+$0x5060];
	[tilespmem:s12+$0x20] =	vst v3;
	v3 =	vadd.f32 v12, v11  }
0xbd: {  	v7 =	vld [tilespmem:s12+$0x4C70];
	[tilespmem:s12+$0x50] =	vst v14  }
0xbe: {  	v8 =	vld [tilespmem:s12+$0x1000];
	[tilespmem:s12+$0x40] =	vst v3;
	v3 =	vadd.f32 v16, v15  }
0xbf: {  	v5 =	vadd.f32 v10, v9;
	v9 =	vld [tilespmem:s12+$0x5000];
	[tilespmem:s12+$0x70] =	vst v18  }
0xc0: {  	v10 =	vld [tilespmem:s12+$0x1010];
	[tilespmem:s12+$0x60] =	vst v3;
	v3 =	vadd.f32 v20, v19  }
0xc1: {  	v26 =	vadd.f32 v26, v25;
	v14 =	vld [tilespmem:s12+$0x1030];
	[tilespmem:s12+$0x410] =	vst v22  }
0xc2: {  	v18 =	vld [tilespmem:s12+$0x1050];
	[tilespmem:s12+$0x400] =	vst v3;
	v3 =	vadd.f32 v24, v23  }
0xc3: {  	v30 =	vadd.f32 v30, v29;
	[tilespmem:s12+$0x430] =	vst v26;
	v22 =	vld [tilespmem:s12+$0x1070]  }
0xc4: {  	v19 =	vld [tilespmem:s12+$0x5050];
	[tilespmem:s12+$0x420] =	vst v3;
	v3 =	vadd.f32 v28, v27  }
0xc5: {  	v34 =	vadd.f32 v34, v33;
	[tilespmem:s12+$0x450] =	vst v30;
	v11 =	vld [tilespmem:s12+$0x5010]  }
0xc6: {  	v12 =	vld [tilespmem:s12+$0x1020];
	[tilespmem:s12+$0x440] =	vst v3;
	v3 =	vadd.f32 v32, v31  }
0xc7: {  	[tilespmem:s12+$0x470] =	vst v34;
	v15 =	vld [tilespmem:s12+$0x5030]  }
0xc8: {  	v16 =	vld [tilespmem:s12+$0x1040];
	[tilespmem:s12+$0x460] =	vst v3;
	v3 =	vadd.f32 v36, v35  }
0xc9: {  	[tilespmem:s12+$0x30] =	vst v5;
	v20 =	vld [tilespmem:s12+$0x1060];
	v19 =	vadd.f32 v19, v18  }
0xca: {  	v24 =	vld [tilespmem:s12+$0x1400];
	[tilespmem:s12+$0x800] =	vst v3;
	v3 =	vadd.f32 v40, v39  }
0xcb: {  	[tilespmem:s12+$0x1050] =	vst v19;
	v36 =	vadd.f32 v38, v37;
	v37 =	vld [tilespmem:s12+$0x5070]  }
0xcc: {  	v38 =	vadd.f32 v42, v41;
	v41 =	vld [tilespmem:s12+$0x1410];
	[tilespmem:s12+$0x820] =	vst v3;
	v3 =	vadd.f32 v44, v43  }
0xcd: {  	v42 =	vld [tilespmem:s12+$0x5410];
	[tilespmem:s12+$0x810] =	vst v36  }
0xce: {  	v35 =	vld [tilespmem:s12+$0x1810];
	[tilespmem:s12+$0x840] =	vst v3;
	v3 =	vadd.f32 v48, v47  }
0xcf: {  	v39 =	vld [tilespmem:s12+$0x5400];
	[tilespmem:s12+$0x830] =	vst v38;
	v40 =	vadd.f32 v46, v45  }
0xd0: {  	v45 =	vld [tilespmem:s12+$0x5420];
	[tilespmem:s12+$0x860] =	vst v3;
	v3 =	vadd.f32 v52, v51  }
0xd1: {  	v46 =	vadd.f32 v54, v53;
	v53 =	vld [tilespmem:s12+$0x1450];
	[tilespmem:s12+$0x850] =	vst v40  }
0xd2: {  	v54 =	vld [tilespmem:s12+$0x5450];
	[tilespmem:s12+$0xC00] =	vst v3;
	v3 =	vadd.f32 v56, v55  }
0xd3: {  	v36 =	vld [tilespmem:s12+$0x5810];
	v43 =	vadd.f32 v50, v49;
	[tilespmem:s12+$0xC10] =	vst v46  }
0xd4: {  	v38 =	vld [tilespmem:s12+$0x1820];
	[tilespmem:s12+$0xC20] =	vst v3;
	v3 =	vadd.f32 v60, v59  }
0xd5: {  	v44 =	vld [tilespmem:s12+$0x1420];
	v49 =	vadd.f32 v58, v57;
	[tilespmem:s12+$0x870] =	vst v43  }
0xd6: {  	v50 =	vld [tilespmem:s12+$0x1440];
	[tilespmem:s12+$0xC40] =	vst v3;
	v3 =	vadd.f32 v4, v63  }
0xd7: {  	v57 =	vld [tilespmem:s12+$0x5460];
	v58 =	vadd.f32 v11, v10;
	[tilespmem:s12+$0xC30] =	vst v49  }
0xd8: {  	v46 =	vld [tilespmem:s12+$0x5850];
	[tilespmem:s12+$0xC60] =	vst v3;
	v3 =	vadd.f32 v9, v8  }
0xd9: {  	v37 =	vadd.f32 v37, v22;
	v40 =	vadd.f32 v42, v41;
	v41 =	vld [tilespmem:s12+$0x1830];
	[tilespmem:s12+$0x1010] =	vst v58  }
0xda: {  	v42 =	vld [tilespmem:s12+$0x5830];
	[tilespmem:s12+$0x1000] =	vst v3;
	v3 =	vadd.f32 v13, v12  }
0xdb: {  	v47 =	vld [tilespmem:s12+$0x1430];
	[tilespmem:s12+$0x1070] =	vst v37  }
0xdc: {  	v48 =	vld [tilespmem:s12+$0x5430];
	[tilespmem:s12+$0x1020] =	vst v3;
	v3 =	vadd.f32 v17, v16  }
0xdd: {  	v49 =	vld [tilespmem:s12+$0x5860];
	[tilespmem:s12+$0x1410] =	vst v40;
	v52 =	vadd.f32 v62, v61  }
0xde: {  	v51 =	vld [tilespmem:s12+$0x5440];
	[tilespmem:s12+$0x1040] =	vst v3;
	v3 =	vadd.f32 v21, v20  }
0xdf: {  	v61 =	vadd.f32 v15, v14;
	v62 =	vld [tilespmem:s12+$0x1800];
	[tilespmem:s12+$0xC50] =	vst v52  }
0xe0: {  	v56 =	vld [tilespmem:s12+$0x1460];
	[tilespmem:s12+$0x1060] =	vst v3;
	v3 =	vadd.f32 v39, v24  }
0xe1: {  	v55 =	vadd.f32 v7, v6;
	[tilespmem:s12+$0x1030] =	vst v61;
	v52 =	vld [tilespmem:s12+$0x5870]  }
0xe2: {  	v43 =	vadd.f32 v48, v47;
	v47 =	vld [tilespmem:s12+$0x1860];
	[tilespmem:s12+$0x1400] =	vst v3;
	v3 =	vadd.f32 v45, v44  }
0xe3: {  	[tilespmem:s12+$0xC70] =	vst v55;
	v63 =	vld [tilespmem:s12+$0x5800]  }
0xe4: {  	v59 =	vld [tilespmem:s12+$0x1470];
	[tilespmem:s12+$0x1420] =	vst v3;
	v3 =	vadd.f32 v51, v50  }
0xe5: {  	[tilespmem:s12+$0x1430] =	vst v43;
	v4 =	vadd.f32 v54, v53;
	v39 =	vld [tilespmem:s12+$0x5820]  }
0xe6: {  	v60 =	vld [tilespmem:s12+$0x5470];
	[tilespmem:s12+$0x1440] =	vst v3;
	v3 =	vadd.f32 v57, v56  }
0xe7: {  	v54 =	vadd.f32 v42, v41;
	[tilespmem:s12+$0x1450] =	vst v4;
	v45 =	vld [tilespmem:s12+$0x1850]  }
0xe8: {  	v53 =	vld [tilespmem:s12+$0x5840];
	[tilespmem:s12+$0x1460] =	vst v3;
	v3 =	vadd.f32 v63, v62  }
0xe9: {  	[tilespmem:s12+$0x1830] =	vst v54;
	v55 =	vadd.f32 v49, v47;
	v50 =	vld [tilespmem:s12+$0x1870]  }
0xea: {  	v44 =	vld [tilespmem:s12+$0x1840];
	[tilespmem:s12+$0x1800] =	vst v3;
	v3 =	vadd.f32 v39, v38  }
0xeb: {  	v48 =	vadd.f32 v60, v59;
	[tilespmem:s12+$0x1860] =	vst v55  }
0xec: {  	[tilespmem:s12+$0x1820] =	vst v3;
	v3 =	vadd.f32 v46, v45  }
0xed: {  	s13 =	sand.u32 $0x7, s10;
	[tilespmem:s12+$0x1470] =	vst v48;
	v51 =	vadd.f32 v36, v35  }
0xee: {  	s16 =	sshll.u32 s13, $0x7;
	[tilespmem:s12+$0x1850] =	vst v3;
	v3 =	vadd.f32 v52, v50  }
0xef: {  	s16 =	sadd.s32 s16, s11;
	[tilespmem:s12+$0x1810] =	vst v51;
	v56 =	vadd.f32 v53, v44  }
0xf0: {  	s13 =	sor.u32 $0x1C00, s16;
	[tilespmem:s12+$0x1870] =	vst v3  }
0xf1: {  	[tilespmem:s12+$0x1840] =	vst v56;
	v3 =	vld [tilespmem:s13+$0x0]  }
0xf2: {  	v4 =	vld [tilespmem:s13+$0x4000];
	_ =	sdelay $0x4  }
0xf3: {  	v3 =	vadd.f32 v4, v3;
	_ =	sdelay $0x1  }
0xf4: {  	[tilespmem:s13+$0x0] =	vst v3;
	s13 =	sor.u32 $0x1C10, s16  }
0xf5: {  	v3 =	vld [tilespmem:s13+$0x0]  }
0xf6: {  	v57 =	vld [tilespmem:s13+$0x4000];
	_ =	sdelay $0x4  }
0xf7: {  	v3 =	vadd.f32 v57, v3;
	_ =	sdelay $0x1  }
0xf8: {  	[tilespmem:s13+$0x0] =	vst v3;
	s13 =	sor.u32 $0x1C20, s16  }
0xf9: {  	v3 =	vld [tilespmem:s13+$0x0]  }
0xfa: {  	v58 =	vld [tilespmem:s13+$0x4000];
	_ =	sdelay $0x4  }
0xfb: {  	v3 =	vadd.f32 v58, v3;
	_ =	sdelay $0x1  }
0xfc: {  	[tilespmem:s13+$0x0] =	vst v3;
	s13 =	sor.u32 $0x1C30, s16  }
0xfd: {  	v3 =	vld [tilespmem:s13+$0x0]  }
0xfe: {  	v59 =	vld [tilespmem:s13+$0x4000];
	_ =	sdelay $0x4  }
0xff: {  	v3 =	vadd.f32 v59, v3;
	_ =	sdelay $0x1  }
0x100: {  	[tilespmem:s13+$0x0] =	vst v3;
	s13 =	sor.u32 $0x1C40, s16  }
0x101: {  	v3 =	vld [tilespmem:s13+$0x0]  }
0x102: {  	v60 =	vld [tilespmem:s13+$0x4000];
	_ =	sdelay $0x4  }
0x103: {  	v3 =	vadd.f32 v60, v3;
	_ =	sdelay $0x1  }
0x104: {  	[tilespmem:s13+$0x0] =	vst v3;
	s13 =	sor.u32 $0x1C50, s16  }
0x105: {  	v3 =	vld [tilespmem:s13+$0x0]  }
0x106: {  	v61 =	vld [tilespmem:s13+$0x4000];
	_ =	sdelay $0x4  }
0x107: {  	v3 =	vadd.f32 v61, v3;
	_ =	sdelay $0x1  }
0x108: {  	[tilespmem:s13+$0x0] =	vst v3;
	s13 =	sor.u32 $0x1C60, s16  }
0x109: {  	v3 =	vld [tilespmem:s13+$0x0]  }
0x10a: {  	v62 =	vld [tilespmem:s13+$0x4000];
	_ =	sdelay $0x4  }
0x10b: {  	v3 =	vadd.f32 v62, v3;
	_ =	sdelay $0x1  }
0x10c: {  	s16 =	sor.u32 $0x1C70, s16;
	[tilespmem:s13+$0x0] =	vst v3  }
0x10d: {  	v3 =	vld [tilespmem:s16+$0x0]  }
0x10e: {  	v63 =	vld [tilespmem:s16+$0x4000];
	_ =	sdelay $0x1  }
0x10f: {  	p0 =	sne.s32 s14, $0x780  }
.Ltmp0:
0x110: {  	_ = 	snop;
	(pc) =	sbr.rel @p0 .LBB2_2-.Ltmp0, $4  }
0x111: {  	_ = 	snop  }
0x112: {  	v3 =	vadd.f32 v63, v3  }
0x113: {  	s10 =	sadd.s32 $0x1, s10  }
0x114: {  	s0 =	sadd.s32 $0x400, s0;
	s14 =	sadd.s32 $0x80, s14;
	s11 =	sadd.s32 $0x400, s11;
	[tilespmem:s16+$0x0] =	vst v3  }
0x115: {  	s0 =	simm.s32 $0x0  }
0x116: {  	[hbm4b:s8+s0] =	stream.linear.scatter [tilespmem:s0], [sflag:$0x3], $0x4000, $0x38;
	[tilespmem:$0x10100] =	vst v63  }
0x117: {  	_ =	swait.ge [sflag:s15], $0x4000  }
0x118: {  	[sflag:s15] =	ssyncset.done $0x0  }
0x119: {  	[sflag:s15] =	ssyncadd.s32 $0xFFFFC000  }
0x11a: {  	v3 =	vld [tilespmem:$0x10020];
	_ =	sdelay $0x4  }
0x11b: {  	v4 =	vshll.u32 v3, $0x3  }
0x11c: {  	v3 =	vand.u32 $0x7, v3;
	v4 =	vand.u32 $0xFFFFFFC0, v4  }
0x11d: {  	v3 =	vor.u32 v3, v4  }
0x11e: {  	v4 =	vperm.xlane v3, v0;
	_ =	sdelay $0x1  }
0x11f: {  	v4 =	vadd.s32 v1, v4;
	_ =	sdelay $0x4  }
0x120: {  	[tilespmem:s0], [sflag:$0x1] =	stream.indirect_vreg.gather [hbm4b:s3+s0], $0x80, v4, vm0, $0xb8;
	[tilespmem:$0x10100] =	vst v63  }
0x121: {  	s10 =	simm.s32 $0x800;
	v3 =	vperm.xlane v3, v2  }
0x122: {  	[tilespmem:s10], [sflag:$0x1] =	stream.indirect_vreg.gather [hbm4b:s6+s0], $0x80, v4, vm0, $0xb8;
	[tilespmem:$0x10100] =	vst v63  }
0x123: {  	s12 =	simm.s32 $0x1000;
	v3 =	vadd.s32 v1, v3  }
0x124: {  	[tilespmem:s12], [sflag:$0x1] =	stream.indirect_vreg.gather [hbm4b:s7+s0], $0x80, v4, vm0, $0xb8;
	[tilespmem:$0x10100] =	vst v63  }
0x125: {  	s13 =	simm.s32 $0x1800  }
0x126: {  	[tilespmem:s13], [sflag:$0x1] =	stream.indirect_vreg.gather [hbm4b:s9+s0], $0x80, v4, vm0, $0xb8;
	[tilespmem:$0x10100] =	vst v63  }
0x127: {  	s14 =	simm.s32 $0x2000  }
0x128: {  	[tilespmem:s14], [sflag:$0x1] =	stream.indirect_vreg.gather [hbm4b:s3+s0], $0x80, v3, vm0, $0xb8;
	[tilespmem:$0x10100] =	vst v63  }
0x129: {  	s16 =	simm.s32 $0x2800  }
0x12a: {  	[tilespmem:s16], [sflag:$0x1] =	stream.indirect_vreg.gather [hbm4b:s6+s0], $0x80, v3, vm0, $0xb8;
	[tilespmem:$0x10100] =	vst v63  }
0x12b: {  	s11 =	simm.s32 $0x3000  }
0x12c: {  	[tilespmem:s11], [sflag:$0x1] =	stream.indirect_vreg.gather [hbm4b:s7+s0], $0x80, v3, vm0, $0xb8;
	[tilespmem:$0x10100] =	vst v63  }
0x12d: {  	s12 =	simm.s32 $0x3800  }
0x12e: {  	[tilespmem:s12], [sflag:$0x1] =	stream.indirect_vreg.gather [hbm4b:s9+s0], $0x80, v3, vm0, $0xb8;
	[tilespmem:$0x10100] =	vst v63  }
0x12f: {  	v3 =	vld [tilespmem:$0x100A0];
	_ =	sdelay $0x4  }
0x130: {  	v63 =	vshll.u32 v3, $0x3  }
0x131: {  	v3 =	vand.u32 $0x7, v3;
	v4 =	vand.u32 $0xFFFFFFC0, v63  }
0x132: {  	v3 =	vor.u32 v3, v4  }
0x133: {  	v4 =	vperm.xlane v3, v0;
	_ =	sdelay $0x1  }
0x134: {  	v4 =	vadd.s32 v1, v4;
	_ =	sdelay $0x3  }
0x135: {  	s13 =	simm.s32 $0x4000  }
0x136: {  	[tilespmem:s13], [sflag:$0x1] =	stream.indirect_vreg.gather [hbm4b:s3+s0], $0x80, v4, vm0, $0xb8;
	[tilespmem:$0x10100] =	vst v63  }
0x137: {  	s14 =	simm.s32 $0x4800;
	v3 =	vperm.xlane v3, v2  }
0x138: {  	[tilespmem:s14], [sflag:$0x1] =	stream.indirect_vreg.gather [hbm4b:s6+s0], $0x80, v4, vm0, $0xb8;
	[tilespmem:$0x10100] =	vst v63  }
0x139: {  	s16 =	simm.s32 $0x5000;
	v3 =	vadd.s32 v1, v3  }
0x13a: {  	[tilespmem:s16], [sflag:$0x1] =	stream.indirect_vreg.gather [hbm4b:s7+s0], $0x80, v4, vm0, $0xb8;
	[tilespmem:$0x10100] =	vst v63  }
0x13b: {  	s11 =	simm.s32 $0x5800  }
0x13c: {  	[tilespmem:s11], [sflag:$0x1] =	stream.indirect_vreg.gather [hbm4b:s9+s0], $0x80, v4, vm0, $0xb8;
	[tilespmem:$0x10100] =	vst v63  }
0x13d: {  	s12 =	simm.s32 $0x6000  }
0x13e: {  	[tilespmem:s12], [sflag:$0x1] =	stream.indirect_vreg.gather [hbm4b:s3+s0], $0x80, v3, vm0, $0xb8;
	[tilespmem:$0x10100] =	vst v63  }
0x13f: {  	s13 =	simm.s32 $0x6800  }
0x140: {  	[tilespmem:s13], [sflag:$0x1] =	stream.indirect_vreg.gather [hbm4b:s6+s0], $0x80, v3, vm0, $0xb8;
	[tilespmem:$0x10100] =	vst v63  }
0x141: {  	s14 =	simm.s32 $0x7000  }
0x142: {  	[tilespmem:s14], [sflag:$0x1] =	stream.indirect_vreg.gather [hbm4b:s7+s0], $0x80, v3, vm0, $0xb8;
	[tilespmem:$0x10100] =	vst v63  }
0x143: {  	s16 =	simm.s32 $0x7800  }
0x144: {  	[tilespmem:s16], [sflag:$0x1] =	stream.indirect_vreg.gather [hbm4b:s9+s0], $0x80, v3, vm0, $0xb8;
	[tilespmem:$0x10100] =	vst v63  }
0x145: {  	_ =	swait.ge [sflag:s30], $0x4000  }
0x146: {  	[sflag:s30] =	ssyncset.done $0x0  }
0x147: {  	[sflag:s30] =	ssyncadd.s32 $0xFFFFC000  }
0x148: {  	_ =	swait.ge [sflag:s30], $0x4000  }
0x149: {  	s10 =	simm.s32 $0xFFFFC000;
	[sflag:s30] =	ssyncset.done $0x0  }
0x14a: {  	s11 =	simm.s32 $0x0;
	s14 =	simm.s32 $0x0;
	[sflag:s30] =	ssyncadd.s32 $0xFFFFC000  }
.LBB2_4:
0x14b: {  	s12 =	sadd.s32 $0x4000, s10  }
0x14c: {  	s13 =	sand.u32 $0x380, s14;
	s12 =	sand.u32 $0x2000, s12  }
0x14d: {  	s12 =	sor.u32 s13, s12  }
0x14e: {  	v3 =	vld [tilespmem:s12+$0x8000]  }
0x14f: {  	v4 =	vld [tilespmem:s12+$0xC000]  }
0x150: {  	v5 =	vld [tilespmem:s12+$0x8010]  }
0x151: {  	v6 =	vld [tilespmem:s12+$0xC010]  }
0x152: {  	v7 =	vld [tilespmem:s12+$0x8020]  }
0x153: {  	v8 =	vld [tilespmem:s12+$0xC020]  }
0x154: {  	v9 =	vld [tilespmem:s12+$0x8030]  }
0x155: {  	v10 =	vld [tilespmem:s12+$0xC030]  }
0x156: {  	v11 =	vld [tilespmem:s12+$0x8040]  }
0x157: {  	v12 =	vld [tilespmem:s12+$0xC040]  }
0x158: {  	v13 =	vld [tilespmem:s12+$0x8050]  }
0x159: {  	v14 =	vld [tilespmem:s12+$0xC050]  }
0x15a: {  	v15 =	vld [tilespmem:s12+$0x8060]  }
0x15b: {  	v16 =	vld [tilespmem:s12+$0xC060]  }
0x15c: {  	v17 =	vld [tilespmem:s12+$0x8070]  }
0x15d: {  	v18 =	vld [tilespmem:s12+$0xC070]  }
0x15e: {  	v19 =	vld [tilespmem:s12+$0x8400]  }
0x15f: {  	v20 =	vld [tilespmem:s12+$0xC400]  }
0x160: {  	v21 =	vld [tilespmem:s12+$0x8410]  }
0x161: {  	v22 =	vld [tilespmem:s12+$0xC410]  }
0x162: {  	v23 =	vld [tilespmem:s12+$0x8420]  }
0x163: {  	v24 =	vld [tilespmem:s12+$0xC420]  }
0x164: {  	v25 =	vld [tilespmem:s12+$0x8430]  }
0x165: {  	v26 =	vld [tilespmem:s12+$0xC430]  }
0x166: {  	v27 =	vld [tilespmem:s12+$0x8440]  }
0x167: {  	v28 =	vld [tilespmem:s12+$0xC440]  }
0x168: {  	v29 =	vld [tilespmem:s12+$0x8450]  }
0x169: {  	v30 =	vld [tilespmem:s12+$0xC450]  }
0x16a: {  	v31 =	vld [tilespmem:s12+$0x8460]  }
0x16b: {  	v32 =	vld [tilespmem:s12+$0xC460]  }
0x16c: {  	v33 =	vld [tilespmem:s12+$0x8470]  }
0x16d: {  	v34 =	vld [tilespmem:s12+$0xC470]  }
0x16e: {  	v35 =	vld [tilespmem:s12+$0x8800]  }
0x16f: {  	v36 =	vld [tilespmem:s12+$0xC800]  }
0x170: {  	v37 =	vld [tilespmem:s12+$0x8810]  }
0x171: {  	v38 =	vld [tilespmem:s12+$0xC810]  }
0x172: {  	v39 =	vld [tilespmem:s12+$0x8820]  }
0x173: {  	v40 =	vld [tilespmem:s12+$0xC820]  }
0x174: {  	v41 =	vld [tilespmem:s12+$0x8830]  }
0x175: {  	v42 =	vld [tilespmem:s12+$0xC830]  }
0x176: {  	v43 =	vld [tilespmem:s12+$0x8840]  }
0x177: {  	v44 =	vld [tilespmem:s12+$0xC840]  }
0x178: {  	v45 =	vld [tilespmem:s12+$0x8850]  }
0x179: {  	v46 =	vld [tilespmem:s12+$0xC850]  }
0x17a: {  	v47 =	vld [tilespmem:s12+$0x8860]  }
0x17b: {  	v48 =	vld [tilespmem:s12+$0xC860]  }
0x17c: {  	v49 =	vld [tilespmem:s12+$0x8870]  }
0x17d: {  	v50 =	vld [tilespmem:s12+$0xC870]  }
0x17e: {  	v51 =	vld [tilespmem:s12+$0x8C00]  }
0x17f: {  	v52 =	vld [tilespmem:s12+$0xCC00]  }
0x180: {  	v53 =	vld [tilespmem:s12+$0x8C10]  }
0x181: {  	v54 =	vld [tilespmem:s12+$0xCC10]  }
0x182: {  	v55 =	vld [tilespmem:s12+$0x8C20]  }
0x183: {  	v56 =	vld [tilespmem:s12+$0xCC20]  }
0x184: {  	v57 =	vld [tilespmem:s12+$0x8C30]  }
0x185: {  	v58 =	vld [tilespmem:s12+$0xCC30]  }
0x186: {  	v59 =	vld [tilespmem:s12+$0x8C40]  }
0x187: {  	v60 =	vld [tilespmem:s12+$0xCC40]  }
0x188: {  	v61 =	vld [tilespmem:s12+$0x8C50]  }
0x189: {  	v62 =	vld [tilespmem:s12+$0xCC50]  }
0x18a: {  	v63 =	vld [tilespmem:s12+$0x8C60]  }
0x18b: {  	v3 =	vadd.f32 v4, v3;
	v4 =	vld [tilespmem:s12+$0xCC60]  }
0x18c: {  	v5 =	vadd.f32 v6, v5;
	v6 =	vld [tilespmem:s12+$0x8C70]  }
0x18d: {  	v14 =	vadd.f32 v14, v13;
	v13 =	vld [tilespmem:s12+$0xD020];
	[tilespmem:s12+$0x8000] =	vst v3;
	v3 =	vadd.f32 v8, v7  }
0x18e: {  	v18 =	vadd.f32 v18, v17;
	v17 =	vld [tilespmem:s12+$0xD040];
	[tilespmem:s12+$0x8010] =	vst v5  }
0x18f: {  	v22 =	vadd.f32 v22, v21;
	v21 =	vld [tilespmem:s12+$0xD060];
	[tilespmem:s12+$0x8020] =	vst v3;
	v3 =	vadd.f32 v12, v11  }
0x190: {  	v7 =	vld [tilespmem:s12+$0xCC70];
	[tilespmem:s12+$0x8050] =	vst v14  }
0x191: {  	v8 =	vld [tilespmem:s12+$0x9000];
	[tilespmem:s12+$0x8040] =	vst v3;
	v3 =	vadd.f32 v16, v15  }
0x192: {  	v5 =	vadd.f32 v10, v9;
	v9 =	vld [tilespmem:s12+$0xD000];
	[tilespmem:s12+$0x8070] =	vst v18  }
0x193: {  	v10 =	vld [tilespmem:s12+$0x9010];
	[tilespmem:s12+$0x8060] =	vst v3;
	v3 =	vadd.f32 v20, v19  }
0x194: {  	v26 =	vadd.f32 v26, v25;
	v14 =	vld [tilespmem:s12+$0x9030];
	[tilespmem:s12+$0x8410] =	vst v22  }
0x195: {  	v18 =	vld [tilespmem:s12+$0x9050];
	[tilespmem:s12+$0x8400] =	vst v3;
	v3 =	vadd.f32 v24, v23  }
0x196: {  	v30 =	vadd.f32 v30, v29;
	[tilespmem:s12+$0x8430] =	vst v26;
	v22 =	vld [tilespmem:s12+$0x9070]  }
0x197: {  	v19 =	vld [tilespmem:s12+$0xD050];
	[tilespmem:s12+$0x8420] =	vst v3;
	v3 =	vadd.f32 v28, v27  }
0x198: {  	v34 =	vadd.f32 v34, v33;
	[tilespmem:s12+$0x8450] =	vst v30;
	v11 =	vld [tilespmem:s12+$0xD010]  }
0x199: {  	v12 =	vld [tilespmem:s12+$0x9020];
	[tilespmem:s12+$0x8440] =	vst v3;
	v3 =	vadd.f32 v32, v31  }
0x19a: {  	[tilespmem:s12+$0x8470] =	vst v34;
	v15 =	vld [tilespmem:s12+$0xD030]  }
0x19b: {  	v16 =	vld [tilespmem:s12+$0x9040];
	[tilespmem:s12+$0x8460] =	vst v3;
	v3 =	vadd.f32 v36, v35  }
0x19c: {  	[tilespmem:s12+$0x8030] =	vst v5;
	v20 =	vld [tilespmem:s12+$0x9060];
	v19 =	vadd.f32 v19, v18  }
0x19d: {  	v24 =	vld [tilespmem:s12+$0x9400];
	[tilespmem:s12+$0x8800] =	vst v3;
	v3 =	vadd.f32 v40, v39  }
0x19e: {  	[tilespmem:s12+$0x9050] =	vst v19;
	v36 =	vadd.f32 v38, v37;
	v37 =	vld [tilespmem:s12+$0xD070]  }
0x19f: {  	v38 =	vadd.f32 v42, v41;
	v41 =	vld [tilespmem:s12+$0x9410];
	[tilespmem:s12+$0x8820] =	vst v3;
	v3 =	vadd.f32 v44, v43  }
0x1a0: {  	v42 =	vld [tilespmem:s12+$0xD410];
	[tilespmem:s12+$0x8810] =	vst v36  }
0x1a1: {  	v35 =	vld [tilespmem:s12+$0x9810];
	[tilespmem:s12+$0x8840] =	vst v3;
	v3 =	vadd.f32 v48, v47  }
0x1a2: {  	v39 =	vld [tilespmem:s12+$0xD400];
	[tilespmem:s12+$0x8830] =	vst v38;
	v40 =	vadd.f32 v46, v45  }
0x1a3: {  	v45 =	vld [tilespmem:s12+$0xD420];
	[tilespmem:s12+$0x8860] =	vst v3;
	v3 =	vadd.f32 v52, v51  }
0x1a4: {  	v46 =	vadd.f32 v54, v53;
	v53 =	vld [tilespmem:s12+$0x9450];
	[tilespmem:s12+$0x8850] =	vst v40  }
0x1a5: {  	v54 =	vld [tilespmem:s12+$0xD450];
	[tilespmem:s12+$0x8C00] =	vst v3;
	v3 =	vadd.f32 v56, v55  }
0x1a6: {  	v36 =	vld [tilespmem:s12+$0xD810];
	v43 =	vadd.f32 v50, v49;
	[tilespmem:s12+$0x8C10] =	vst v46  }
0x1a7: {  	v38 =	vld [tilespmem:s12+$0x9820];
	[tilespmem:s12+$0x8C20] =	vst v3;
	v3 =	vadd.f32 v60, v59  }
0x1a8: {  	v44 =	vld [tilespmem:s12+$0x9420];
	v49 =	vadd.f32 v58, v57;
	[tilespmem:s12+$0x8870] =	vst v43  }
0x1a9: {  	v50 =	vld [tilespmem:s12+$0x9440];
	[tilespmem:s12+$0x8C40] =	vst v3;
	v3 =	vadd.f32 v4, v63  }
0x1aa: {  	v57 =	vld [tilespmem:s12+$0xD460];
	v58 =	vadd.f32 v11, v10;
	[tilespmem:s12+$0x8C30] =	vst v49  }
0x1ab: {  	v46 =	vld [tilespmem:s12+$0xD850];
	[tilespmem:s12+$0x8C60] =	vst v3;
	v3 =	vadd.f32 v9, v8  }
0x1ac: {  	v37 =	vadd.f32 v37, v22;
	v40 =	vadd.f32 v42, v41;
	v41 =	vld [tilespmem:s12+$0x9830];
	[tilespmem:s12+$0x9010] =	vst v58  }
0x1ad: {  	v42 =	vld [tilespmem:s12+$0xD830];
	[tilespmem:s12+$0x9000] =	vst v3;
	v3 =	vadd.f32 v13, v12  }
0x1ae: {  	v47 =	vld [tilespmem:s12+$0x9430];
	[tilespmem:s12+$0x9070] =	vst v37  }
0x1af: {  	v48 =	vld [tilespmem:s12+$0xD430];
	[tilespmem:s12+$0x9020] =	vst v3;
	v3 =	vadd.f32 v17, v16  }
0x1b0: {  	v49 =	vld [tilespmem:s12+$0xD860];
	[tilespmem:s12+$0x9410] =	vst v40;
	v52 =	vadd.f32 v62, v61  }
0x1b1: {  	v51 =	vld [tilespmem:s12+$0xD440];
	[tilespmem:s12+$0x9040] =	vst v3;
	v3 =	vadd.f32 v21, v20  }
0x1b2: {  	v61 =	vadd.f32 v15, v14;
	v62 =	vld [tilespmem:s12+$0x9800];
	[tilespmem:s12+$0x8C50] =	vst v52  }
0x1b3: {  	v56 =	vld [tilespmem:s12+$0x9460];
	[tilespmem:s12+$0x9060] =	vst v3;
	v3 =	vadd.f32 v39, v24  }
0x1b4: {  	v55 =	vadd.f32 v7, v6;
	[tilespmem:s12+$0x9030] =	vst v61;
	v52 =	vld [tilespmem:s12+$0xD870]  }
0x1b5: {  	v43 =	vadd.f32 v48, v47;
	v47 =	vld [tilespmem:s12+$0x9860];
	[tilespmem:s12+$0x9400] =	vst v3;
	v3 =	vadd.f32 v45, v44  }
0x1b6: {  	[tilespmem:s12+$0x8C70] =	vst v55;
	v63 =	vld [tilespmem:s12+$0xD800]  }
0x1b7: {  	v59 =	vld [tilespmem:s12+$0x9470];
	[tilespmem:s12+$0x9420] =	vst v3;
	v3 =	vadd.f32 v51, v50  }
0x1b8: {  	[tilespmem:s12+$0x9430] =	vst v43;
	v4 =	vadd.f32 v54, v53;
	v39 =	vld [tilespmem:s12+$0xD820]  }
0x1b9: {  	v60 =	vld [tilespmem:s12+$0xD470];
	[tilespmem:s12+$0x9440] =	vst v3;
	v3 =	vadd.f32 v57, v56  }
0x1ba: {  	v54 =	vadd.f32 v42, v41;
	[tilespmem:s12+$0x9450] =	vst v4;
	v45 =	vld [tilespmem:s12+$0x9850]  }
0x1bb: {  	v53 =	vld [tilespmem:s12+$0xD840];
	[tilespmem:s12+$0x9460] =	vst v3;
	v3 =	vadd.f32 v63, v62  }
0x1bc: {  	[tilespmem:s12+$0x9830] =	vst v54;
	v55 =	vadd.f32 v49, v47;
	v50 =	vld [tilespmem:s12+$0x9870]  }
0x1bd: {  	v44 =	vld [tilespmem:s12+$0x9840];
	[tilespmem:s12+$0x9800] =	vst v3;
	v3 =	vadd.f32 v39, v38  }
0x1be: {  	v48 =	vadd.f32 v60, v59;
	[tilespmem:s12+$0x9860] =	vst v55  }
0x1bf: {  	[tilespmem:s12+$0x9820] =	vst v3;
	v3 =	vadd.f32 v46, v45  }
0x1c0: {  	s16 =	sand.u32 $0x7, s0;
	[tilespmem:s12+$0x9470] =	vst v48;
	v51 =	vadd.f32 v36, v35  }
0x1c1: {  	s13 =	sshll.u32 s16, $0x7;
	[tilespmem:s12+$0x9850] =	vst v3;
	v3 =	vadd.f32 v52, v50  }
0x1c2: {  	s13 =	sadd.s32 s13, s11;
	[tilespmem:s12+$0x9810] =	vst v51;
	v56 =	vadd.f32 v53, v44  }
0x1c3: {  	s16 =	sor.u32 $0x1C00, s13;
	[tilespmem:s12+$0x9870] =	vst v3  }
0x1c4: {  	[tilespmem:s12+$0x9840] =	vst v56;
	v3 =	vld [tilespmem:s16+$0x8000]  }
0x1c5: {  	v4 =	vld [tilespmem:s16+$0xC000];
	_ =	sdelay $0x4  }
0x1c6: {  	v3 =	vadd.f32 v4, v3;
	_ =	sdelay $0x1  }
0x1c7: {  	[tilespmem:s16+$0x8000] =	vst v3;
	s16 =	sor.u32 $0x1C10, s13  }
0x1c8: {  	v3 =	vld [tilespmem:s16+$0x8000]  }
0x1c9: {  	v57 =	vld [tilespmem:s16+$0xC000];
	_ =	sdelay $0x4  }
0x1ca: {  	v3 =	vadd.f32 v57, v3;
	_ =	sdelay $0x1  }
0x1cb: {  	[tilespmem:s16+$0x8000] =	vst v3;
	s16 =	sor.u32 $0x1C20, s13  }
0x1cc: {  	v3 =	vld [tilespmem:s16+$0x8000]  }
0x1cd: {  	v58 =	vld [tilespmem:s16+$0xC000];
	_ =	sdelay $0x4  }
0x1ce: {  	v3 =	vadd.f32 v58, v3;
	_ =	sdelay $0x1  }
0x1cf: {  	[tilespmem:s16+$0x8000] =	vst v3;
	s16 =	sor.u32 $0x1C30, s13  }
0x1d0: {  	v3 =	vld [tilespmem:s16+$0x8000]  }
0x1d1: {  	v59 =	vld [tilespmem:s16+$0xC000];
	_ =	sdelay $0x4  }
0x1d2: {  	v3 =	vadd.f32 v59, v3;
	_ =	sdelay $0x1  }
0x1d3: {  	[tilespmem:s16+$0x8000] =	vst v3;
	s16 =	sor.u32 $0x1C40, s13  }
0x1d4: {  	v3 =	vld [tilespmem:s16+$0x8000]  }
0x1d5: {  	v60 =	vld [tilespmem:s16+$0xC000];
	_ =	sdelay $0x4  }
0x1d6: {  	v3 =	vadd.f32 v60, v3;
	_ =	sdelay $0x1  }
0x1d7: {  	[tilespmem:s16+$0x8000] =	vst v3;
	s16 =	sor.u32 $0x1C50, s13  }
0x1d8: {  	v3 =	vld [tilespmem:s16+$0x8000]  }
0x1d9: {  	v61 =	vld [tilespmem:s16+$0xC000];
	_ =	sdelay $0x4  }
0x1da: {  	v3 =	vadd.f32 v61, v3;
	_ =	sdelay $0x1  }
0x1db: {  	[tilespmem:s16+$0x8000] =	vst v3;
	s16 =	sor.u32 $0x1C60, s13  }
0x1dc: {  	v3 =	vld [tilespmem:s16+$0x8000]  }
0x1dd: {  	v62 =	vld [tilespmem:s16+$0xC000];
	_ =	sdelay $0x4  }
0x1de: {  	v3 =	vadd.f32 v62, v3;
	_ =	sdelay $0x1  }
0x1df: {  	[tilespmem:s16+$0x8000] =	vst v3;
	s16 =	sor.u32 $0x1C70, s13  }
0x1e0: {  	v3 =	vld [tilespmem:s16+$0x8000]  }
0x1e1: {  	v63 =	vld [tilespmem:s16+$0xC000];
	_ =	sdelay $0x1  }
0x1e2: {  	p0 =	sne.s32 s14, $0x780  }
.Ltmp1:
0x1e3: {  	_ = 	snop;
	(pc) =	sbr.rel @p0 .LBB2_4-.Ltmp1, $4  }
0x1e4: {  	_ = 	snop  }
0x1e5: {  	v3 =	vadd.f32 v63, v3  }
0x1e6: {  	s0 =	sadd.s32 $0x1, s0  }
0x1e7: {  	s10 =	sadd.s32 $0x400, s10;
	s14 =	sadd.s32 $0x80, s14;
	s11 =	sadd.s32 $0x400, s11;
	[tilespmem:s16+$0x8000] =	vst v3  }
0x1e8: {  	s0 =	simm.s32 $0x0;
	s10 =	rddreg [dreg:$0x5]  }
0x1e9: {  	[hbm4b:s10+s0] =	stream.linear.scatter [tilespmem:s1], [sflag:$0x3], $0x4000, $0x38;
	[tilespmem:$0x10100] =	vst v63  }
0x1ea: {  	_ =	swait.ge [sflag:s15], $0x4000  }
0x1eb: {  	[sflag:s15] =	ssyncset.done $0x0  }
0x1ec: {  	[sflag:s15] =	ssyncadd.s32 $0xFFFFC000  }
0x1ed: {  	v3 =	vld [tilespmem:$0x10030];
	_ =	sdelay $0x4  }
0x1ee: {  	v4 =	vshll.u32 v3, $0x3  }
0x1ef: {  	v3 =	vand.u32 $0x7, v3;
	v4 =	vand.u32 $0xFFFFFFC0, v4  }
0x1f0: {  	v3 =	vor.u32 v3, v4  }
0x1f1: {  	v4 =	vperm.xlane v3, v0;
	_ =	sdelay $0x1  }
0x1f2: {  	v4 =	vadd.s32 v1, v4;
	_ =	sdelay $0x4  }
0x1f3: {  	[tilespmem:s1], [sflag:$0x2] =	stream.indirect_vreg.gather [hbm4b:s3+s0], $0x80, v4, vm0, $0xb8;
	[tilespmem:$0x10100] =	vst v63  }
0x1f4: {  	s14 =	simm.s32 $0x8800;
	v3 =	vperm.xlane v3, v2  }
0x1f5: {  	[tilespmem:s14], [sflag:$0x2] =	stream.indirect_vreg.gather [hbm4b:s6+s0], $0x80, v4, vm0, $0xb8;
	[tilespmem:$0x10100] =	vst v63  }
0x1f6: {  	s16 =	simm.s32 $0x9000;
	v3 =	vadd.s32 v1, v3  }
0x1f7: {  	[tilespmem:s16], [sflag:$0x2] =	stream.indirect_vreg.gather [hbm4b:s7+s0], $0x80, v4, vm0, $0xb8;
	[tilespmem:$0x10100] =	vst v63  }
0x1f8: {  	_ = 	snop  }
0x1f9: {  	[tilespmem:s17], [sflag:$0x2] =	stream.indirect_vreg.gather [hbm4b:s9+s0], $0x80, v4, vm0, $0xb8;
	[tilespmem:$0x10100] =	vst v63  }
0x1fa: {  	_ = 	snop  }
0x1fb: {  	[tilespmem:s18], [sflag:$0x2] =	stream.indirect_vreg.gather [hbm4b:s3+s0], $0x80, v3, vm0, $0xb8;
	[tilespmem:$0x10100] =	vst v63  }
0x1fc: {  	_ = 	snop  }
0x1fd: {  	[tilespmem:s19], [sflag:$0x2] =	stream.indirect_vreg.gather [hbm4b:s6+s0], $0x80, v3, vm0, $0xb8;
	[tilespmem:$0x10100] =	vst v63  }
0x1fe: {  	_ = 	snop  }
0x1ff: {  	[tilespmem:s20], [sflag:$0x2] =	stream.indirect_vreg.gather [hbm4b:s7+s0], $0x80, v3, vm0, $0xb8;
	[tilespmem:$0x10100] =	vst v63  }
0x200: {  	_ = 	snop  }
0x201: {  	[tilespmem:s21], [sflag:$0x2] =	stream.indirect_vreg.gather [hbm4b:s9+s0], $0x80, v3, vm0, $0xb8;
	[tilespmem:$0x10100] =	vst v63  }
0x202: {  	v3 =	vld [tilespmem:$0x100B0];
	_ =	sdelay $0x4  }
0x203: {  	v63 =	vshll.u32 v3, $0x3  }
0x204: {  	v3 =	vand.u32 $0x7, v3;
	v4 =	vand.u32 $0xFFFFFFC0, v63  }
0x205: {  	v3 =	vor.u32 v3, v4  }
0x206: {  	v4 =	vperm.xlane v3, v0;
	_ =	sdelay $0x1  }
0x207: {  	v4 =	vadd.s32 v1, v4;
	_ =	sdelay $0x4  }
0x208: {  	[tilespmem:s22], [sflag:$0x2] =	stream.indirect_vreg.gather [hbm4b:s3+s0], $0x80, v4, vm0, $0xb8;
	[tilespmem:$0x10100] =	vst v63  }
0x209: {  	v3 =	vperm.xlane v3, v2  }
0x20a: {  	[tilespmem:s23], [sflag:$0x2] =	stream.indirect_vreg.gather [hbm4b:s6+s0], $0x80, v4, vm0, $0xb8;
	[tilespmem:$0x10100] =	vst v63  }
0x20b: {  	v3 =	vadd.s32 v1, v3  }
0x20c: {  	[tilespmem:s24], [sflag:$0x2] =	stream.indirect_vreg.gather [hbm4b:s7+s0], $0x80, v4, vm0, $0xb8;
	[tilespmem:$0x10100] =	vst v63  }
0x20d: {  	_ = 	snop  }
0x20e: {  	[tilespmem:s4], [sflag:$0x2] =	stream.indirect_vreg.gather [hbm4b:s9+s0], $0x80, v4, vm0, $0xb8;
	[tilespmem:$0x10100] =	vst v63  }
0x20f: {  	_ = 	snop  }
0x210: {  	[tilespmem:s25], [sflag:$0x2] =	stream.indirect_vreg.gather [hbm4b:s3+s0], $0x80, v3, vm0, $0xb8;
	[tilespmem:$0x10100] =	vst v63  }
0x211: {  	_ = 	snop  }
0x212: {  	[tilespmem:s5], [sflag:$0x2] =	stream.indirect_vreg.gather [hbm4b:s6+s0], $0x80, v3, vm0, $0xb8;
	[tilespmem:$0x10100] =	vst v63  }
0x213: {  	_ = 	snop  }
0x214: {  	[tilespmem:s26], [sflag:$0x2] =	stream.indirect_vreg.gather [hbm4b:s7+s0], $0x80, v3, vm0, $0xb8;
	[tilespmem:$0x10100] =	vst v63  }
0x215: {  	_ = 	snop  }
0x216: {  	[tilespmem:s28], [sflag:$0x2] =	stream.indirect_vreg.gather [hbm4b:s9+s0], $0x80, v3, vm0, $0xb8;
	[tilespmem:$0x10100] =	vst v63  }
0x217: {  	_ =	swait.ge [sflag:s29], $0x4000  }
0x218: {  	[sflag:s29] =	ssyncset.done $0x0  }
0x219: {  	[sflag:s29] =	ssyncadd.s32 $0xFFFFC000  }
0x21a: {  	_ =	swait.ge [sflag:s29], $0x4000  }
0x21b: {  	s11 =	simm.s32 $0x0;
	[sflag:s29] =	ssyncset.done $0x0  }
0x21c: {  	s10 =	simm.s32 $0xFFFFC000;
	s14 =	simm.s32 $0x0;
	[sflag:s29] =	ssyncadd.s32 $0xFFFFC000  }
.LBB2_6:
0x21d: {  	s12 =	sadd.s32 $0x4000, s10  }
0x21e: {  	s13 =	sand.u32 $0x380, s14;
	s12 =	sand.u32 $0x2000, s12  }
0x21f: {  	s12 =	sor.u32 s13, s12  }
0x220: {  	v3 =	vld [tilespmem:s12+$0x0]  }
0x221: {  	v4 =	vld [tilespmem:s12+$0x4000]  }
0x222: {  	v5 =	vld [tilespmem:s12+$0x10]  }
0x223: {  	v6 =	vld [tilespmem:s12+$0x4010]  }
0x224: {  	v7 =	vld [tilespmem:s12+$0x20]  }
0x225: {  	v8 =	vld [tilespmem:s12+$0x4020]  }
0x226: {  	v9 =	vld [tilespmem:s12+$0x30]  }
0x227: {  	v10 =	vld [tilespmem:s12+$0x4030]  }
0x228: {  	v11 =	vld [tilespmem:s12+$0x40]  }
0x229: {  	v12 =	vld [tilespmem:s12+$0x4040]  }
0x22a: {  	v13 =	vld [tilespmem:s12+$0x50]  }
0x22b: {  	v14 =	vld [tilespmem:s12+$0x4050]  }
0x22c: {  	v15 =	vld [tilespmem:s12+$0x60]  }
0x22d: {  	v16 =	vld [tilespmem:s12+$0x4060]  }
0x22e: {  	v17 =	vld [tilespmem:s12+$0x70]  }
0x22f: {  	v18 =	vld [tilespmem:s12+$0x4070]  }
0x230: {  	v19 =	vld [tilespmem:s12+$0x400]  }
0x231: {  	v20 =	vld [tilespmem:s12+$0x4400]  }
0x232: {  	v21 =	vld [tilespmem:s12+$0x410]  }
0x233: {  	v22 =	vld [tilespmem:s12+$0x4410]  }
0x234: {  	v23 =	vld [tilespmem:s12+$0x420]  }
0x235: {  	v24 =	vld [tilespmem:s12+$0x4420]  }
0x236: {  	v25 =	vld [tilespmem:s12+$0x430]  }
0x237: {  	v26 =	vld [tilespmem:s12+$0x4430]  }
0x238: {  	v27 =	vld [tilespmem:s12+$0x440]  }
0x239: {  	v28 =	vld [tilespmem:s12+$0x4440]  }
0x23a: {  	v29 =	vld [tilespmem:s12+$0x450]  }
0x23b: {  	v30 =	vld [tilespmem:s12+$0x4450]  }
0x23c: {  	v31 =	vld [tilespmem:s12+$0x460]  }
0x23d: {  	v32 =	vld [tilespmem:s12+$0x4460]  }
0x23e: {  	v33 =	vld [tilespmem:s12+$0x470]  }
0x23f: {  	v34 =	vld [tilespmem:s12+$0x4470]  }
0x240: {  	v35 =	vld [tilespmem:s12+$0x800]  }
0x241: {  	v36 =	vld [tilespmem:s12+$0x4800]  }
0x242: {  	v37 =	vld [tilespmem:s12+$0x810]  }
0x243: {  	v38 =	vld [tilespmem:s12+$0x4810]  }
0x244: {  	v39 =	vld [tilespmem:s12+$0x820]  }
0x245: {  	v40 =	vld [tilespmem:s12+$0x4820]  }
0x246: {  	v41 =	vld [tilespmem:s12+$0x830]  }
0x247: {  	v42 =	vld [tilespmem:s12+$0x4830]  }
0x248: {  	v43 =	vld [tilespmem:s12+$0x840]  }
0x249: {  	v44 =	vld [tilespmem:s12+$0x4840]  }
0x24a: {  	v45 =	vld [tilespmem:s12+$0x850]  }
0x24b: {  	v46 =	vld [tilespmem:s12+$0x4850]  }
0x24c: {  	v47 =	vld [tilespmem:s12+$0x860]  }
0x24d: {  	v48 =	vld [tilespmem:s12+$0x4860]  }
0x24e: {  	v49 =	vld [tilespmem:s12+$0x870]  }
0x24f: {  	v50 =	vld [tilespmem:s12+$0x4870]  }
0x250: {  	v51 =	vld [tilespmem:s12+$0xC00]  }
0x251: {  	v52 =	vld [tilespmem:s12+$0x4C00]  }
0x252: {  	v53 =	vld [tilespmem:s12+$0xC10]  }
0x253: {  	v54 =	vld [tilespmem:s12+$0x4C10]  }
0x254: {  	v55 =	vld [tilespmem:s12+$0xC20]  }
0x255: {  	v56 =	vld [tilespmem:s12+$0x4C20]  }
0x256: {  	v57 =	vld [tilespmem:s12+$0xC30]  }
0x257: {  	v58 =	vld [tilespmem:s12+$0x4C30]  }
0x258: {  	v59 =	vld [tilespmem:s12+$0xC40]  }
0x259: {  	v60 =	vld [tilespmem:s12+$0x4C40]  }
0x25a: {  	v61 =	vld [tilespmem:s12+$0xC50]  }
0x25b: {  	v62 =	vld [tilespmem:s12+$0x4C50]  }
0x25c: {  	v63 =	vld [tilespmem:s12+$0xC60]  }
0x25d: {  	v3 =	vadd.f32 v4, v3;
	v4 =	vld [tilespmem:s12+$0x4C60]  }
0x25e: {  	v5 =	vadd.f32 v6, v5;
	v6 =	vld [tilespmem:s12+$0xC70]  }
0x25f: {  	v14 =	vadd.f32 v14, v13;
	v13 =	vld [tilespmem:s12+$0x5020];
	[tilespmem:s12+$0x0] =	vst v3;
	v3 =	vadd.f32 v8, v7  }
0x260: {  	v18 =	vadd.f32 v18, v17;
	v17 =	vld [tilespmem:s12+$0x5040];
	[tilespmem:s12+$0x10] =	vst v5  }
0x261: {  	v22 =	vadd.f32 v22, v21;
	v21 =	vld [tilespmem:s12+$0x5060];
	[tilespmem:s12+$0x20] =	vst v3;
	v3 =	vadd.f32 v12, v11  }
0x262: {  	v7 =	vld [tilespmem:s12+$0x4C70];
	[tilespmem:s12+$0x50] =	vst v14  }
0x263: {  	v8 =	vld [tilespmem:s12+$0x1000];
	[tilespmem:s12+$0x40] =	vst v3;
	v3 =	vadd.f32 v16, v15  }
0x264: {  	v5 =	vadd.f32 v10, v9;
	v9 =	vld [tilespmem:s12+$0x5000];
	[tilespmem:s12+$0x70] =	vst v18  }
0x265: {  	v10 =	vld [tilespmem:s12+$0x1010];
	[tilespmem:s12+$0x60] =	vst v3;
	v3 =	vadd.f32 v20, v19  }
0x266: {  	v26 =	vadd.f32 v26, v25;
	v14 =	vld [tilespmem:s12+$0x1030];
	[tilespmem:s12+$0x410] =	vst v22  }
0x267: {  	v18 =	vld [tilespmem:s12+$0x1050];
	[tilespmem:s12+$0x400] =	vst v3;
	v3 =	vadd.f32 v24, v23  }
0x268: {  	v30 =	vadd.f32 v30, v29;
	[tilespmem:s12+$0x430] =	vst v26;
	v22 =	vld [tilespmem:s12+$0x1070]  }
0x269: {  	v19 =	vld [tilespmem:s12+$0x5050];
	[tilespmem:s12+$0x420] =	vst v3;
	v3 =	vadd.f32 v28, v27  }
0x26a: {  	v34 =	vadd.f32 v34, v33;
	[tilespmem:s12+$0x450] =	vst v30;
	v11 =	vld [tilespmem:s12+$0x5010]  }
0x26b: {  	v12 =	vld [tilespmem:s12+$0x1020];
	[tilespmem:s12+$0x440] =	vst v3;
	v3 =	vadd.f32 v32, v31  }
0x26c: {  	[tilespmem:s12+$0x470] =	vst v34;
	v15 =	vld [tilespmem:s12+$0x5030]  }
0x26d: {  	v16 =	vld [tilespmem:s12+$0x1040];
	[tilespmem:s12+$0x460] =	vst v3;
	v3 =	vadd.f32 v36, v35  }
0x26e: {  	[tilespmem:s12+$0x30] =	vst v5;
	v20 =	vld [tilespmem:s12+$0x1060];
	v19 =	vadd.f32 v19, v18  }
0x26f: {  	v24 =	vld [tilespmem:s12+$0x1400];
	[tilespmem:s12+$0x800] =	vst v3;
	v3 =	vadd.f32 v40, v39  }
0x270: {  	[tilespmem:s12+$0x1050] =	vst v19;
	v36 =	vadd.f32 v38, v37;
	v37 =	vld [tilespmem:s12+$0x5070]  }
0x271: {  	v38 =	vadd.f32 v42, v41;
	v41 =	vld [tilespmem:s12+$0x1410];
	[tilespmem:s12+$0x820] =	vst v3;
	v3 =	vadd.f32 v44, v43  }
0x272: {  	v42 =	vld [tilespmem:s12+$0x5410];
	[tilespmem:s12+$0x810] =	vst v36  }
0x273: {  	v35 =	vld [tilespmem:s12+$0x1810];
	[tilespmem:s12+$0x840] =	vst v3;
	v3 =	vadd.f32 v48, v47  }
0x274: {  	v39 =	vld [tilespmem:s12+$0x5400];
	[tilespmem:s12+$0x830] =	vst v38;
	v40 =	vadd.f32 v46, v45  }
0x275: {  	v45 =	vld [tilespmem:s12+$0x5420];
	[tilespmem:s12+$0x860] =	vst v3;
	v3 =	vadd.f32 v52, v51  }
0x276: {  	v46 =	vadd.f32 v54, v53;
	v53 =	vld [tilespmem:s12+$0x1450];
	[tilespmem:s12+$0x850] =	vst v40  }
0x277: {  	v54 =	vld [tilespmem:s12+$0x5450];
	[tilespmem:s12+$0xC00] =	vst v3;
	v3 =	vadd.f32 v56, v55  }
0x278: {  	v36 =	vld [tilespmem:s12+$0x5810];
	v43 =	vadd.f32 v50, v49;
	[tilespmem:s12+$0xC10] =	vst v46  }
0x279: {  	v38 =	vld [tilespmem:s12+$0x1820];
	[tilespmem:s12+$0xC20] =	vst v3;
	v3 =	vadd.f32 v60, v59  }
0x27a: {  	v44 =	vld [tilespmem:s12+$0x1420];
	v49 =	vadd.f32 v58, v57;
	[tilespmem:s12+$0x870] =	vst v43  }
0x27b: {  	v50 =	vld [tilespmem:s12+$0x1440];
	[tilespmem:s12+$0xC40] =	vst v3;
	v3 =	vadd.f32 v4, v63  }
0x27c: {  	v57 =	vld [tilespmem:s12+$0x5460];
	v58 =	vadd.f32 v11, v10;
	[tilespmem:s12+$0xC30] =	vst v49  }
0x27d: {  	v46 =	vld [tilespmem:s12+$0x5850];
	[tilespmem:s12+$0xC60] =	vst v3;
	v3 =	vadd.f32 v9, v8  }
0x27e: {  	v37 =	vadd.f32 v37, v22;
	v40 =	vadd.f32 v42, v41;
	v41 =	vld [tilespmem:s12+$0x1830];
	[tilespmem:s12+$0x1010] =	vst v58  }
0x27f: {  	v42 =	vld [tilespmem:s12+$0x5830];
	[tilespmem:s12+$0x1000] =	vst v3;
	v3 =	vadd.f32 v13, v12  }
0x280: {  	v47 =	vld [tilespmem:s12+$0x1430];
	[tilespmem:s12+$0x1070] =	vst v37  }
0x281: {  	v48 =	vld [tilespmem:s12+$0x5430];
	[tilespmem:s12+$0x1020] =	vst v3;
	v3 =	vadd.f32 v17, v16  }
0x282: {  	v49 =	vld [tilespmem:s12+$0x5860];
	[tilespmem:s12+$0x1410] =	vst v40;
	v52 =	vadd.f32 v62, v61  }
0x283: {  	v51 =	vld [tilespmem:s12+$0x5440];
	[tilespmem:s12+$0x1040] =	vst v3;
	v3 =	vadd.f32 v21, v20  }
0x284: {  	v61 =	vadd.f32 v15, v14;
	v62 =	vld [tilespmem:s12+$0x1800];
	[tilespmem:s12+$0xC50] =	vst v52  }
0x285: {  	v56 =	vld [tilespmem:s12+$0x1460];
	[tilespmem:s12+$0x1060] =	vst v3;
	v3 =	vadd.f32 v39, v24  }
0x286: {  	v55 =	vadd.f32 v7, v6;
	[tilespmem:s12+$0x1030] =	vst v61;
	v52 =	vld [tilespmem:s12+$0x5870]  }
0x287: {  	v43 =	vadd.f32 v48, v47;
	v47 =	vld [tilespmem:s12+$0x1860];
	[tilespmem:s12+$0x1400] =	vst v3;
	v3 =	vadd.f32 v45, v44  }
0x288: {  	[tilespmem:s12+$0xC70] =	vst v55;
	v63 =	vld [tilespmem:s12+$0x5800]  }
0x289: {  	v59 =	vld [tilespmem:s12+$0x1470];
	[tilespmem:s12+$0x1420] =	vst v3;
	v3 =	vadd.f32 v51, v50  }
0x28a: {  	[tilespmem:s12+$0x1430] =	vst v43;
	v4 =	vadd.f32 v54, v53;
	v39 =	vld [tilespmem:s12+$0x5820]  }
0x28b: {  	v60 =	vld [tilespmem:s12+$0x5470];
	[tilespmem:s12+$0x1440] =	vst v3;
	v3 =	vadd.f32 v57, v56  }
0x28c: {  	v54 =	vadd.f32 v42, v41;
	[tilespmem:s12+$0x1450] =	vst v4;
	v45 =	vld [tilespmem:s12+$0x1850]  }
0x28d: {  	v53 =	vld [tilespmem:s12+$0x5840];
	[tilespmem:s12+$0x1460] =	vst v3;
	v3 =	vadd.f32 v63, v62  }
0x28e: {  	[tilespmem:s12+$0x1830] =	vst v54;
	v55 =	vadd.f32 v49, v47;
	v50 =	vld [tilespmem:s12+$0x1870]  }
0x28f: {  	v44 =	vld [tilespmem:s12+$0x1840];
	[tilespmem:s12+$0x1800] =	vst v3;
	v3 =	vadd.f32 v39, v38  }
0x290: {  	v48 =	vadd.f32 v60, v59;
	[tilespmem:s12+$0x1860] =	vst v55  }
0x291: {  	[tilespmem:s12+$0x1820] =	vst v3;
	v3 =	vadd.f32 v46, v45  }
0x292: {  	s16 =	sand.u32 $0x7, s0;
	[tilespmem:s12+$0x1470] =	vst v48;
	v51 =	vadd.f32 v36, v35  }
0x293: {  	s13 =	sshll.u32 s16, $0x7;
	[tilespmem:s12+$0x1850] =	vst v3;
	v3 =	vadd.f32 v52, v50  }
0x294: {  	s13 =	sadd.s32 s13, s11;
	[tilespmem:s12+$0x1810] =	vst v51;
	v56 =	vadd.f32 v53, v44  }
0x295: {  	s16 =	sor.u32 $0x1C00, s13;
	[tilespmem:s12+$0x1870] =	vst v3  }
0x296: {  	[tilespmem:s12+$0x1840] =	vst v56;
	v3 =	vld [tilespmem:s16+$0x0]  }
0x297: {  	v4 =	vld [tilespmem:s16+$0x4000];
	_ =	sdelay $0x4  }
0x298: {  	v3 =	vadd.f32 v4, v3;
	_ =	sdelay $0x1  }
0x299: {  	[tilespmem:s16+$0x0] =	vst v3;
	s16 =	sor.u32 $0x1C10, s13  }
0x29a: {  	v3 =	vld [tilespmem:s16+$0x0]  }
0x29b: {  	v57 =	vld [tilespmem:s16+$0x4000];
	_ =	sdelay $0x4  }
0x29c: {  	v3 =	vadd.f32 v57, v3;
	_ =	sdelay $0x1  }
0x29d: {  	[tilespmem:s16+$0x0] =	vst v3;
	s16 =	sor.u32 $0x1C20, s13  }
0x29e: {  	v3 =	vld [tilespmem:s16+$0x0]  }
0x29f: {  	v58 =	vld [tilespmem:s16+$0x4000];
	_ =	sdelay $0x4  }
0x2a0: {  	v3 =	vadd.f32 v58, v3;
	_ =	sdelay $0x1  }
0x2a1: {  	[tilespmem:s16+$0x0] =	vst v3;
	s16 =	sor.u32 $0x1C30, s13  }
0x2a2: {  	v3 =	vld [tilespmem:s16+$0x0]  }
0x2a3: {  	v59 =	vld [tilespmem:s16+$0x4000];
	_ =	sdelay $0x4  }
0x2a4: {  	v3 =	vadd.f32 v59, v3;
	_ =	sdelay $0x1  }
0x2a5: {  	[tilespmem:s16+$0x0] =	vst v3;
	s16 =	sor.u32 $0x1C40, s13  }
0x2a6: {  	v3 =	vld [tilespmem:s16+$0x0]  }
0x2a7: {  	v60 =	vld [tilespmem:s16+$0x4000];
	_ =	sdelay $0x4  }
0x2a8: {  	v3 =	vadd.f32 v60, v3;
	_ =	sdelay $0x1  }
0x2a9: {  	[tilespmem:s16+$0x0] =	vst v3;
	s16 =	sor.u32 $0x1C50, s13  }
0x2aa: {  	v3 =	vld [tilespmem:s16+$0x0]  }
0x2ab: {  	v61 =	vld [tilespmem:s16+$0x4000];
	_ =	sdelay $0x4  }
0x2ac: {  	v3 =	vadd.f32 v61, v3;
	_ =	sdelay $0x1  }
0x2ad: {  	[tilespmem:s16+$0x0] =	vst v3;
	s16 =	sor.u32 $0x1C60, s13  }
0x2ae: {  	v3 =	vld [tilespmem:s16+$0x0]  }
0x2af: {  	v62 =	vld [tilespmem:s16+$0x4000];
	_ =	sdelay $0x4  }
0x2b0: {  	v3 =	vadd.f32 v62, v3;
	_ =	sdelay $0x1  }
0x2b1: {  	[tilespmem:s16+$0x0] =	vst v3;
	s16 =	sor.u32 $0x1C70, s13  }
0x2b2: {  	v3 =	vld [tilespmem:s16+$0x0]  }
0x2b3: {  	v63 =	vld [tilespmem:s16+$0x4000];
	_ =	sdelay $0x1  }
0x2b4: {  	p0 =	sne.s32 s14, $0x780  }
.Ltmp2:
0x2b5: {  	_ = 	snop;
	(pc) =	sbr.rel @p0 .LBB2_6-.Ltmp2, $4  }
0x2b6: {  	_ = 	snop  }
0x2b7: {  	v3 =	vadd.f32 v63, v3  }
0x2b8: {  	s0 =	sadd.s32 $0x1, s0  }
0x2b9: {  	s10 =	sadd.s32 $0x400, s10;
	s14 =	sadd.s32 $0x80, s14;
	s11 =	sadd.s32 $0x400, s11;
	[tilespmem:s16+$0x0] =	vst v3  }
0x2ba: {  	s0 =	simm.s32 $0x0;
	s10 =	rddreg [dreg:$0x6]  }
0x2bb: {  	[hbm4b:s10+s0] =	stream.linear.scatter [tilespmem:s0], [sflag:$0x3], $0x4000, $0x38;
	[tilespmem:$0x10100] =	vst v63  }
0x2bc: {  	_ =	swait.ge [sflag:s15], $0x4000  }
0x2bd: {  	[sflag:s15] =	ssyncset.done $0x0  }
0x2be: {  	[sflag:s15] =	ssyncadd.s32 $0xFFFFC000  }
0x2bf: {  	_ =	swait.ge [sflag:s30], $0x4000  }
0x2c0: {  	[sflag:s30] =	ssyncset.done $0x0  }
0x2c1: {  	[sflag:s30] =	ssyncadd.s32 $0xFFFFC000  }
0x2c2: {  	_ =	swait.ge [sflag:s30], $0x4000  }
0x2c3: {  	s11 =	simm.s32 $0x0;
	[sflag:s30] =	ssyncset.done $0x0  }
0x2c4: {  	s14 =	simm.s32 $0x0;
	s10 =	simm.s32 $0xFFFFC000;
	[sflag:s30] =	ssyncadd.s32 $0xFFFFC000  }
.LBB2_8:
0x2c5: {  	s12 =	sadd.s32 $0x4000, s10  }
0x2c6: {  	s13 =	sand.u32 $0x380, s14;
	s12 =	sand.u32 $0x2000, s12  }
0x2c7: {  	s12 =	sor.u32 s13, s12  }
0x2c8: {  	v3 =	vld [tilespmem:s12+$0x8000]  }
0x2c9: {  	v4 =	vld [tilespmem:s12+$0xC000]  }
0x2ca: {  	v5 =	vld [tilespmem:s12+$0x8010]  }
0x2cb: {  	v6 =	vld [tilespmem:s12+$0xC010]  }
0x2cc: {  	v7 =	vld [tilespmem:s12+$0x8020]  }
0x2cd: {  	v8 =	vld [tilespmem:s12+$0xC020]  }
0x2ce: {  	v9 =	vld [tilespmem:s12+$0x8030]  }
0x2cf: {  	v10 =	vld [tilespmem:s12+$0xC030]  }
0x2d0: {  	v11 =	vld [tilespmem:s12+$0x8040]  }
0x2d1: {  	v12 =	vld [tilespmem:s12+$0xC040]  }
0x2d2: {  	v13 =	vld [tilespmem:s12+$0x8050]  }
0x2d3: {  	v14 =	vld [tilespmem:s12+$0xC050]  }
0x2d4: {  	v15 =	vld [tilespmem:s12+$0x8060]  }
0x2d5: {  	v16 =	vld [tilespmem:s12+$0xC060]  }
0x2d6: {  	v17 =	vld [tilespmem:s12+$0x8070]  }
0x2d7: {  	v18 =	vld [tilespmem:s12+$0xC070]  }
0x2d8: {  	v19 =	vld [tilespmem:s12+$0x8400]  }
0x2d9: {  	v20 =	vld [tilespmem:s12+$0xC400]  }
0x2da: {  	v21 =	vld [tilespmem:s12+$0x8410]  }
0x2db: {  	v22 =	vld [tilespmem:s12+$0xC410]  }
0x2dc: {  	v23 =	vld [tilespmem:s12+$0x8420]  }
0x2dd: {  	v24 =	vld [tilespmem:s12+$0xC420]  }
0x2de: {  	v25 =	vld [tilespmem:s12+$0x8430]  }
0x2df: {  	v26 =	vld [tilespmem:s12+$0xC430]  }
0x2e0: {  	v27 =	vld [tilespmem:s12+$0x8440]  }
0x2e1: {  	v28 =	vld [tilespmem:s12+$0xC440]  }
0x2e2: {  	v29 =	vld [tilespmem:s12+$0x8450]  }
0x2e3: {  	v30 =	vld [tilespmem:s12+$0xC450]  }
0x2e4: {  	v31 =	vld [tilespmem:s12+$0x8460]  }
0x2e5: {  	v32 =	vld [tilespmem:s12+$0xC460]  }
0x2e6: {  	v33 =	vld [tilespmem:s12+$0x8470]  }
0x2e7: {  	v34 =	vld [tilespmem:s12+$0xC470]  }
0x2e8: {  	v35 =	vld [tilespmem:s12+$0x8800]  }
0x2e9: {  	v36 =	vld [tilespmem:s12+$0xC800]  }
0x2ea: {  	v37 =	vld [tilespmem:s12+$0x8810]  }
0x2eb: {  	v38 =	vld [tilespmem:s12+$0xC810]  }
0x2ec: {  	v39 =	vld [tilespmem:s12+$0x8820]  }
0x2ed: {  	v40 =	vld [tilespmem:s12+$0xC820]  }
0x2ee: {  	v41 =	vld [tilespmem:s12+$0x8830]  }
0x2ef: {  	v42 =	vld [tilespmem:s12+$0xC830]  }
0x2f0: {  	v43 =	vld [tilespmem:s12+$0x8840]  }
0x2f1: {  	v44 =	vld [tilespmem:s12+$0xC840]  }
0x2f2: {  	v45 =	vld [tilespmem:s12+$0x8850]  }
0x2f3: {  	v46 =	vld [tilespmem:s12+$0xC850]  }
0x2f4: {  	v47 =	vld [tilespmem:s12+$0x8860]  }
0x2f5: {  	v48 =	vld [tilespmem:s12+$0xC860]  }
0x2f6: {  	v49 =	vld [tilespmem:s12+$0x8870]  }
0x2f7: {  	v50 =	vld [tilespmem:s12+$0xC870]  }
0x2f8: {  	v51 =	vld [tilespmem:s12+$0x8C00]  }
0x2f9: {  	v52 =	vld [tilespmem:s12+$0xCC00]  }
0x2fa: {  	v53 =	vld [tilespmem:s12+$0x8C10]  }
0x2fb: {  	v54 =	vld [tilespmem:s12+$0xCC10]  }
0x2fc: {  	v55 =	vld [tilespmem:s12+$0x8C20]  }
0x2fd: {  	v56 =	vld [tilespmem:s12+$0xCC20]  }
0x2fe: {  	v57 =	vld [tilespmem:s12+$0x8C30]  }
0x2ff: {  	v58 =	vld [tilespmem:s12+$0xCC30]  }
0x300: {  	v59 =	vld [tilespmem:s12+$0x8C40]  }
0x301: {  	v60 =	vld [tilespmem:s12+$0xCC40]  }
0x302: {  	v61 =	vld [tilespmem:s12+$0x8C50]  }
0x303: {  	v62 =	vld [tilespmem:s12+$0xCC50]  }
0x304: {  	v63 =	vld [tilespmem:s12+$0x8C60]  }
0x305: {  	v3 =	vadd.f32 v4, v3;
	v4 =	vld [tilespmem:s12+$0xCC60]  }
0x306: {  	v5 =	vadd.f32 v6, v5;
	v6 =	vld [tilespmem:s12+$0x8C70]  }
0x307: {  	v14 =	vadd.f32 v14, v13;
	v13 =	vld [tilespmem:s12+$0xD020];
	[tilespmem:s12+$0x8000] =	vst v3;
	v3 =	vadd.f32 v8, v7  }
0x308: {  	v18 =	vadd.f32 v18, v17;
	v17 =	vld [tilespmem:s12+$0xD040];
	[tilespmem:s12+$0x8010] =	vst v5  }
0x309: {  	v22 =	vadd.f32 v22, v21;
	v21 =	vld [tilespmem:s12+$0xD060];
	[tilespmem:s12+$0x8020] =	vst v3;
	v3 =	vadd.f32 v12, v11  }
0x30a: {  	v7 =	vld [tilespmem:s12+$0xCC70];
	[tilespmem:s12+$0x8050] =	vst v14  }
0x30b: {  	v8 =	vld [tilespmem:s12+$0x9000];
	[tilespmem:s12+$0x8040] =	vst v3;
	v3 =	vadd.f32 v16, v15  }
0x30c: {  	v5 =	vadd.f32 v10, v9;
	v9 =	vld [tilespmem:s12+$0xD000];
	[tilespmem:s12+$0x8070] =	vst v18  }
0x30d: {  	v10 =	vld [tilespmem:s12+$0x9010];
	[tilespmem:s12+$0x8060] =	vst v3;
	v3 =	vadd.f32 v20, v19  }
0x30e: {  	v26 =	vadd.f32 v26, v25;
	v14 =	vld [tilespmem:s12+$0x9030];
	[tilespmem:s12+$0x8410] =	vst v22  }
0x30f: {  	v18 =	vld [tilespmem:s12+$0x9050];
	[tilespmem:s12+$0x8400] =	vst v3;
	v3 =	vadd.f32 v24, v23  }
0x310: {  	v30 =	vadd.f32 v30, v29;
	[tilespmem:s12+$0x8430] =	vst v26;
	v22 =	vld [tilespmem:s12+$0x9070]  }
0x311: {  	v19 =	vld [tilespmem:s12+$0xD050];
	[tilespmem:s12+$0x8420] =	vst v3;
	v3 =	vadd.f32 v28, v27  }
0x312: {  	v34 =	vadd.f32 v34, v33;
	[tilespmem:s12+$0x8450] =	vst v30;
	v11 =	vld [tilespmem:s12+$0xD010]  }
0x313: {  	v12 =	vld [tilespmem:s12+$0x9020];
	[tilespmem:s12+$0x8440] =	vst v3;
	v3 =	vadd.f32 v32, v31  }
0x314: {  	[tilespmem:s12+$0x8470] =	vst v34;
	v15 =	vld [tilespmem:s12+$0xD030]  }
0x315: {  	v16 =	vld [tilespmem:s12+$0x9040];
	[tilespmem:s12+$0x8460] =	vst v3;
	v3 =	vadd.f32 v36, v35  }
0x316: {  	[tilespmem:s12+$0x8030] =	vst v5;
	v20 =	vld [tilespmem:s12+$0x9060];
	v19 =	vadd.f32 v19, v18  }
0x317: {  	v24 =	vld [tilespmem:s12+$0x9400];
	[tilespmem:s12+$0x8800] =	vst v3;
	v3 =	vadd.f32 v40, v39  }
0x318: {  	[tilespmem:s12+$0x9050] =	vst v19;
	v36 =	vadd.f32 v38, v37;
	v37 =	vld [tilespmem:s12+$0xD070]  }
0x319: {  	v38 =	vadd.f32 v42, v41;
	v41 =	vld [tilespmem:s12+$0x9410];
	[tilespmem:s12+$0x8820] =	vst v3;
	v3 =	vadd.f32 v44, v43  }
0x31a: {  	v42 =	vld [tilespmem:s12+$0xD410];
	[tilespmem:s12+$0x8810] =	vst v36  }
0x31b: {  	v35 =	vld [tilespmem:s12+$0x9810];
	[tilespmem:s12+$0x8840] =	vst v3;
	v3 =	vadd.f32 v48, v47  }
0x31c: {  	v39 =	vld [tilespmem:s12+$0xD400];
	[tilespmem:s12+$0x8830] =	vst v38;
	v40 =	vadd.f32 v46, v45  }
0x31d: {  	v45 =	vld [tilespmem:s12+$0xD420];
	[tilespmem:s12+$0x8860] =	vst v3;
	v3 =	vadd.f32 v52, v51  }
0x31e: {  	v46 =	vadd.f32 v54, v53;
	v53 =	vld [tilespmem:s12+$0x9450];
	[tilespmem:s12+$0x8850] =	vst v40  }
0x31f: {  	v54 =	vld [tilespmem:s12+$0xD450];
	[tilespmem:s12+$0x8C00] =	vst v3;
	v3 =	vadd.f32 v56, v55  }
0x320: {  	v36 =	vld [tilespmem:s12+$0xD810];
	v43 =	vadd.f32 v50, v49;
	[tilespmem:s12+$0x8C10] =	vst v46  }
0x321: {  	v38 =	vld [tilespmem:s12+$0x9820];
	[tilespmem:s12+$0x8C20] =	vst v3;
	v3 =	vadd.f32 v60, v59  }
0x322: {  	v44 =	vld [tilespmem:s12+$0x9420];
	v49 =	vadd.f32 v58, v57;
	[tilespmem:s12+$0x8870] =	vst v43  }
0x323: {  	v50 =	vld [tilespmem:s12+$0x9440];
	[tilespmem:s12+$0x8C40] =	vst v3;
	v3 =	vadd.f32 v4, v63  }
0x324: {  	v57 =	vld [tilespmem:s12+$0xD460];
	v58 =	vadd.f32 v11, v10;
	[tilespmem:s12+$0x8C30] =	vst v49  }
0x325: {  	v46 =	vld [tilespmem:s12+$0xD850];
	[tilespmem:s12+$0x8C60] =	vst v3;
	v3 =	vadd.f32 v9, v8  }
0x326: {  	v37 =	vadd.f32 v37, v22;
	v40 =	vadd.f32 v42, v41;
	v41 =	vld [tilespmem:s12+$0x9830];
	[tilespmem:s12+$0x9010] =	vst v58  }
0x327: {  	v42 =	vld [tilespmem:s12+$0xD830];
	[tilespmem:s12+$0x9000] =	vst v3;
	v3 =	vadd.f32 v13, v12  }
0x328: {  	v47 =	vld [tilespmem:s12+$0x9430];
	[tilespmem:s12+$0x9070] =	vst v37  }
0x329: {  	v48 =	vld [tilespmem:s12+$0xD430];
	[tilespmem:s12+$0x9020] =	vst v3;
	v3 =	vadd.f32 v17, v16  }
0x32a: {  	v49 =	vld [tilespmem:s12+$0xD860];
	[tilespmem:s12+$0x9410] =	vst v40;
	v52 =	vadd.f32 v62, v61  }
0x32b: {  	v51 =	vld [tilespmem:s12+$0xD440];
	[tilespmem:s12+$0x9040] =	vst v3;
	v3 =	vadd.f32 v21, v20  }
0x32c: {  	v61 =	vadd.f32 v15, v14;
	v62 =	vld [tilespmem:s12+$0x9800];
	[tilespmem:s12+$0x8C50] =	vst v52  }
0x32d: {  	v56 =	vld [tilespmem:s12+$0x9460];
	[tilespmem:s12+$0x9060] =	vst v3;
	v3 =	vadd.f32 v39, v24  }
0x32e: {  	v55 =	vadd.f32 v7, v6;
	[tilespmem:s12+$0x9030] =	vst v61;
	v52 =	vld [tilespmem:s12+$0xD870]  }
0x32f: {  	v43 =	vadd.f32 v48, v47;
	v47 =	vld [tilespmem:s12+$0x9860];
	[tilespmem:s12+$0x9400] =	vst v3;
	v3 =	vadd.f32 v45, v44  }
0x330: {  	[tilespmem:s12+$0x8C70] =	vst v55;
	v63 =	vld [tilespmem:s12+$0xD800]  }
0x331: {  	v59 =	vld [tilespmem:s12+$0x9470];
	[tilespmem:s12+$0x9420] =	vst v3;
	v3 =	vadd.f32 v51, v50  }
0x332: {  	[tilespmem:s12+$0x9430] =	vst v43;
	v4 =	vadd.f32 v54, v53;
	v39 =	vld [tilespmem:s12+$0xD820]  }
0x333: {  	v60 =	vld [tilespmem:s12+$0xD470];
	[tilespmem:s12+$0x9440] =	vst v3;
	v3 =	vadd.f32 v57, v56  }
0x334: {  	v54 =	vadd.f32 v42, v41;
	[tilespmem:s12+$0x9450] =	vst v4;
	v45 =	vld [tilespmem:s12+$0x9850]  }
0x335: {  	v53 =	vld [tilespmem:s12+$0xD840];
	[tilespmem:s12+$0x9460] =	vst v3;
	v3 =	vadd.f32 v63, v62  }
0x336: {  	[tilespmem:s12+$0x9830] =	vst v54;
	v55 =	vadd.f32 v49, v47;
	v50 =	vld [tilespmem:s12+$0x9870]  }
0x337: {  	v44 =	vld [tilespmem:s12+$0x9840];
	[tilespmem:s12+$0x9800] =	vst v3;
	v3 =	vadd.f32 v39, v38  }
0x338: {  	v48 =	vadd.f32 v60, v59;
	[tilespmem:s12+$0x9860] =	vst v55  }
0x339: {  	[tilespmem:s12+$0x9820] =	vst v3;
	v3 =	vadd.f32 v46, v45  }
0x33a: {  	s16 =	sand.u32 $0x7, s0;
	[tilespmem:s12+$0x9470] =	vst v48;
	v51 =	vadd.f32 v36, v35  }
0x33b: {  	s13 =	sshll.u32 s16, $0x7;
	[tilespmem:s12+$0x9850] =	vst v3;
	v3 =	vadd.f32 v52, v50  }
0x33c: {  	s13 =	sadd.s32 s13, s11;
	[tilespmem:s12+$0x9810] =	vst v51;
	v56 =	vadd.f32 v53, v44  }
0x33d: {  	s16 =	sor.u32 $0x1C00, s13;
	[tilespmem:s12+$0x9870] =	vst v3  }
0x33e: {  	[tilespmem:s12+$0x9840] =	vst v56;
	v3 =	vld [tilespmem:s16+$0x8000]  }
0x33f: {  	v4 =	vld [tilespmem:s16+$0xC000];
	_ =	sdelay $0x4  }
0x340: {  	v3 =	vadd.f32 v4, v3;
	_ =	sdelay $0x1  }
0x341: {  	[tilespmem:s16+$0x8000] =	vst v3;
	s16 =	sor.u32 $0x1C10, s13  }
0x342: {  	v3 =	vld [tilespmem:s16+$0x8000]  }
0x343: {  	v57 =	vld [tilespmem:s16+$0xC000];
	_ =	sdelay $0x4  }
0x344: {  	v3 =	vadd.f32 v57, v3;
	_ =	sdelay $0x1  }
0x345: {  	[tilespmem:s16+$0x8000] =	vst v3;
	s16 =	sor.u32 $0x1C20, s13  }
0x346: {  	v3 =	vld [tilespmem:s16+$0x8000]  }
0x347: {  	v58 =	vld [tilespmem:s16+$0xC000];
	_ =	sdelay $0x4  }
0x348: {  	v3 =	vadd.f32 v58, v3;
	_ =	sdelay $0x1  }
0x349: {  	[tilespmem:s16+$0x8000] =	vst v3;
	s16 =	sor.u32 $0x1C30, s13  }
0x34a: {  	v3 =	vld [tilespmem:s16+$0x8000]  }
0x34b: {  	v59 =	vld [tilespmem:s16+$0xC000];
	_ =	sdelay $0x4  }
0x34c: {  	v3 =	vadd.f32 v59, v3;
	_ =	sdelay $0x1  }
0x34d: {  	[tilespmem:s16+$0x8000] =	vst v3;
	s16 =	sor.u32 $0x1C40, s13  }
0x34e: {  	v3 =	vld [tilespmem:s16+$0x8000]  }
0x34f: {  	v60 =	vld [tilespmem:s16+$0xC000];
	_ =	sdelay $0x4  }
0x350: {  	v3 =	vadd.f32 v60, v3;
	_ =	sdelay $0x1  }
0x351: {  	[tilespmem:s16+$0x8000] =	vst v3;
	s16 =	sor.u32 $0x1C50, s13  }
0x352: {  	v3 =	vld [tilespmem:s16+$0x8000]  }
0x353: {  	v61 =	vld [tilespmem:s16+$0xC000];
	_ =	sdelay $0x4  }
0x354: {  	v3 =	vadd.f32 v61, v3;
	_ =	sdelay $0x1  }
0x355: {  	[tilespmem:s16+$0x8000] =	vst v3;
	s16 =	sor.u32 $0x1C60, s13  }
0x356: {  	v3 =	vld [tilespmem:s16+$0x8000]  }
0x357: {  	v62 =	vld [tilespmem:s16+$0xC000];
	_ =	sdelay $0x4  }
0x358: {  	v3 =	vadd.f32 v62, v3;
	_ =	sdelay $0x1  }
0x359: {  	[tilespmem:s16+$0x8000] =	vst v3;
	s16 =	sor.u32 $0x1C70, s13  }
0x35a: {  	v3 =	vld [tilespmem:s16+$0x8000]  }
0x35b: {  	v63 =	vld [tilespmem:s16+$0xC000];
	_ =	sdelay $0x1  }
0x35c: {  	p0 =	sne.s32 s14, $0x780  }
.Ltmp3:
0x35d: {  	_ = 	snop;
	(pc) =	sbr.rel @p0 .LBB2_8-.Ltmp3, $4  }
0x35e: {  	_ = 	snop  }
0x35f: {  	v3 =	vadd.f32 v63, v3  }
0x360: {  	s0 =	sadd.s32 $0x1, s0  }
0x361: {  	s10 =	sadd.s32 $0x400, s10;
	s14 =	sadd.s32 $0x80, s14;
	s11 =	sadd.s32 $0x400, s11;
	[tilespmem:s16+$0x8000] =	vst v3  }
0x362: {  	s0 =	rddreg [dreg:$0x7]  }
0x363: {  	[hbm4b:s0+s2] =	stream.linear.scatter [tilespmem:s1], [sflag:$0x3], $0x4000, $0x38;
	[tilespmem:$0x10100] =	vst v63  }
0x364: {  	_ =	swait.ge [sflag:s15], $0x4000  }
0x365: {  	s31 =	sadd.s32 $0x1, s31;
	s16 =	rddreg [dreg:$0x8]  }
0x366: {  	p0 =	sne.s32 s31, s16  }
.Ltmp4:
0x367: {  	_ = 	snop;
	(pc) =	sbr.rel @p0 .LBB2_1-.Ltmp4, $3  }
0x368: {  	_ =	sdelay $0x1  }
0x369: {  	[sflag:s15] =	ssyncset.done $0x0  }
0x36a: {  	[sflag:s15] =	ssyncadd.s32 $0xFFFFC000  }
0x36b: {  	_ =	sfence.sel $0x180000  }
0x36c: {  	[bflag:$0x0] =	sbarrier.arrive $0xFFFF  }
0x36d: {  	_ =	strace $0x9000004A  }
0x36e: {  	s0 =	stileid.u32;
	[bflag:$0x2] =	sbarrier.arrive $0xFFFF  }
0x36f: {  	p0 =	sne.s32 s0, $0x0;
	s0 =	rddreg [dreg:$0x2]  }
0x370: {  	s0 =	sadd.s32 @!p0 $0x100000, s0  }
0x371: {  	[sflag:s0] =	ssyncadd.tile.s32 @!p0 $0x1;
	_ =	shalt  }
.Lfunc_end2:
_tile_overlayer_lowered:
.L_overlay_start_2:
0x372: {  	(tag) =	ssettag $0x2  }
0x373: {  	s0 =	rddreg [dreg:$0x0];
	s2 =	stileid.u32  }
0x374: {  	s1 =	rddreg [dreg:$0x1];
	p0 =	sne.s32 s2, $0x0  }
0x375: {  	s3 =	rddreg [dreg:$0x2];
	[bflag:$0x3] =	sbarrier.arrive $0xFFFF;
	s2 =	simm.s32 @!p0 $0x1C03  }
0x376: {  	[timem:s3], [sflag:s2] =	dma.local @!p0 [hbm:s0], s1  }
0x377: {  	s0 =	simm.s32 @!p0 $0x3  }
0x378: {  	_ =	swait.ge @!p0 [sflag:s0], s1  }
0x379: {  	s1 =	ssub.s32 @!p0 $0x0, s1;
	[sflag:s0] =	ssyncset.done @!p0 $0x0  }
0x37a: {  	[sflag:s0] =	ssyncadd.s32 @!p0 s1  }
0x37b: {  	[bflag:$0x3] =	sbarrier.arrive $0xFFFF  }
0x37c: {  	_ =	shalt  }

</sc_bundles>
